<compile_context>
chip_gen: v7x
topology: tpu7x:2x2x1
jax: 0.10.2.dev20260603
libtpu: 0.0.44.dev20260713+nightly
codegen_flags: <defaults>
</compile_context>

<pallas_src>
import functools

import jax
import jax.numpy as jnp
from jax import lax
from jax.experimental import pallas as pl
from jax.experimental.pallas import tpu as pltpu
from jax.experimental.pallas import tpu_sc as plsc

E = 8
D = 1024
F = 768
THRESH = 0.7
T = 2048
TILE = 128
NT = 40
CAP = NT * TILE
CAPX = CAP + TILE + 64
DUMP = CAP + TILE
ZROW = CAP
NW = 32
CPW = T // NW
CCH = 16



def _router_body(x_ref, gw_ref, comb_ref):
    x = x_ref[...]
    gw = gw_ref[...]
    logits = lax.dot_general(x, gw, (((1,), (1,)), ((), ())),
                             preferred_element_type=jnp.float32)
    m = jnp.max(logits, axis=-1, keepdims=True)
    ex = jnp.exp(logits - m)
    probs = ex / jnp.sum(ex, axis=-1, keepdims=True)
    lane = lax.broadcasted_iota(jnp.int32, probs.shape, 1)
    v1 = jnp.max(probs, axis=-1, keepdims=True)
    i1 = jnp.min(jnp.where(probs == v1, lane, E), axis=-1, keepdims=True)
    probs2 = jnp.where(lane == i1, -1.0, probs)
    v2 = jnp.max(probs2, axis=-1, keepdims=True)
    i2 = jnp.min(jnp.where(probs2 == v2, lane, E), axis=-1, keepdims=True)
    denom = jnp.maximum(v1 + v2, 1e-12)
    keep2 = (v1 / denom) < THRESH
    rw_sum = jnp.where(keep2, jnp.maximum(v1 + v2, 1e-12),
                       jnp.maximum(v1, 1e-12))
    w1 = v1 / rw_sum
    w2 = jnp.where(keep2, v2 / rw_sum, 0.0)
    comb = jnp.where(lane == i1, w1, 0.0) + jnp.where(lane == i2, w2, 0.0)
    comb_ref[...] = comb


def _router(x, gate_weight):
    tb = 256
    return pl.pallas_call(
        _router_body,
        grid=(T // tb,),
        in_specs=[
            pl.BlockSpec((tb, D), lambda i: (i, 0)),
            pl.BlockSpec((E, D), lambda i: (0, 0)),
        ],
        out_specs=pl.BlockSpec((tb, E), lambda i: (i, 0)),
        out_shape=jax.ShapeDtypeStruct((T, E), jnp.float32),
    )(x, gate_weight)



def _route_plan(comb):
    i32 = jnp.int32
    act = comb > 0.0
    ai = act.astype(i32)
    counts = jnp.sum(ai, axis=0)
    pos_in_e = jnp.cumsum(ai, axis=0) - ai
    padded = ((counts + TILE - 1) // TILE) * TILE
    start = jnp.cumsum(padded) - padded
    pos = start[None, :] + pos_in_e
    used_tiles = jnp.sum(padded) // TILE

    tile_id = jnp.arange(NT + 1, dtype=i32)
    end_t = (start + padded) // TILE
    texp = jnp.sum((tile_id[:, None] >= end_t[None, :]).astype(i32), axis=1)
    texp = jnp.minimum(texp, E - 1)
    valid = (tile_id < used_tiles).astype(i32)

    num_act = jnp.sum(ai, axis=1)
    p1 = jnp.min(jnp.where(act, pos, 2 * CAP), axis=1).astype(i32)
    pmax = jnp.max(jnp.where(act, pos, -1), axis=1).astype(i32)
    p2 = jnp.where(num_act == 2, pmax, ZROW)

    wa = jnp.sum(jnp.where(act & (pos == p1[:, None]), comb, 0.0), axis=1)
    wb = jnp.sum(jnp.where(act & (pos == pmax[:, None]), comb, 0.0), axis=1)
    pb = jnp.where(num_act == 2, pmax, DUMP)
    return p1, pb, wa, wb, texp, valid, p2



def _ffn_body(te_ref, va_ref, xs_ref, gu_ref, dp_ref, ws_ref, y_ref):
    j = pl.program_id(0)

    @pl.when(va_ref[j] > 0)
    def _():
        x = xs_ref[...].astype(jnp.bfloat16)
        gu_w = gu_ref[0].astype(jnp.bfloat16)
        gu = lax.dot_general(x, gu_w, (((1,), (1,)), ((), ())),
                             preferred_element_type=jnp.float32)
        g = gu[:, :F]
        u = gu[:, F:]
        h = g * jax.nn.sigmoid(g) * u
        dw = dp_ref[0].astype(jnp.bfloat16)
        y = lax.dot_general(h.astype(jnp.bfloat16), dw, (((1,), (1,)), ((), ())),
                            preferred_element_type=jnp.float32)
        y_ref[...] = y * ws_ref[...]

    @pl.when(j == NT)
    def _():
        y_ref[...] = jnp.zeros((TILE, D), jnp.float32)


def _ffn(xs, gate_up_proj, down_proj, ws2, tile_expert, valid):
    grid_spec = pltpu.PrefetchScalarGridSpec(
        num_scalar_prefetch=2,
        grid=(NT + 1,),
        in_specs=[
            pl.BlockSpec((TILE, D), lambda j, te, va: (jnp.minimum(j, NT - 1), 0)),
            pl.BlockSpec((1, 2 * F, D), lambda j, te, va: (te[j], 0, 0)),
            pl.BlockSpec((1, D, F), lambda j, te, va: (te[j], 0, 0)),
            pl.BlockSpec((TILE, 1), lambda j, te, va: (jnp.minimum(j, NT - 1), 0)),
        ],
        out_specs=pl.BlockSpec((TILE, D), lambda j, te, va: (j, 0)),
    )
    return pl.pallas_call(
        _ffn_body,
        grid_spec=grid_spec,
        out_shape=jax.ShapeDtypeStruct((CAP + TILE, D), jnp.float32),
    )(tile_expert, valid, xs, gate_up_proj, down_proj, ws2)



def _sc_mesh():
    return plsc.VectorSubcoreMesh(core_axis_name="c", subcore_axis_name="s")


def _dispatch(x, p1, pb, wa, wb):
    @functools.partial(
        pl.kernel,
        mesh=_sc_mesh(),
        out_type=(
            jax.ShapeDtypeStruct((CAPX, D), jnp.float32),
            jax.ShapeDtypeStruct((CAPX,), jnp.float32),
        ),
        scratch_types=[
            pltpu.VMEM((CPW,), jnp.int32),
            pltpu.VMEM((CPW,), jnp.int32),
            pltpu.VMEM((CPW,), jnp.float32),
            pltpu.VMEM((CPW,), jnp.float32),
            pltpu.VMEM((CPW, D), jnp.float32),
            pltpu.SemaphoreType.DMA,
            pltpu.SemaphoreType.DMA,
            pltpu.SemaphoreType.DMA,
            pltpu.SemaphoreType.DMA,
            pltpu.SemaphoreType.DMA,
            pltpu.SemaphoreType.DMA,
            pltpu.SemaphoreType.DMA,
            pltpu.SemaphoreType.DMA,
            pltpu.SemaphoreType.DMA,
        ],
    )
    def k(x_hbm, p1_hbm, pb_hbm, wa_hbm, wb_hbm, xs_hbm, ws_hbm,
          i1_v, i2_v, va_v, vb_v, xbuf, s1, s2, s3, s4, l0, l1, l2, l3, l4):
        wid = lax.axis_index("s") * 2 + lax.axis_index("c")
        base = wid * CPW
        sl = pl.ds(base, CPW)
        h0 = pltpu.async_copy(x_hbm.at[sl], xbuf, l0)
        h1 = pltpu.async_copy(p1_hbm.at[sl], i1_v, l1)
        h2 = pltpu.async_copy(pb_hbm.at[sl], i2_v, l2)
        h3 = pltpu.async_copy(wa_hbm.at[sl], va_v, l3)
        h4 = pltpu.async_copy(wb_hbm.at[sl], vb_v, l4)
        h1.wait()
        h2.wait()
        h3.wait()
        h4.wait()
        c3 = pltpu.async_copy(va_v, ws_hbm.at[i1_v], s3)
        c4 = pltpu.async_copy(vb_v, ws_hbm.at[i2_v], s4)
        h0.wait()
        c1 = pltpu.async_copy(xbuf, xs_hbm.at[i1_v], s1)
        c2 = pltpu.async_copy(xbuf, xs_hbm.at[i2_v], s2)
        c1.wait()
        c2.wait()
        c3.wait()
        c4.wait()

    return k(x, p1, pb, wa, wb)


def _combine(y, p1, p2):
    nch = CPW // CCH

    @functools.partial(
        pl.kernel,
        mesh=_sc_mesh(),
        out_type=jax.ShapeDtypeStruct((T, D), jnp.float32),
        scratch_types=[
            pltpu.VMEM((CPW,), jnp.int32),
            pltpu.VMEM((CPW,), jnp.int32),
            pltpu.VMEM((CCH, D), jnp.float32),
            pltpu.VMEM((CCH, D), jnp.float32),
            pltpu.VMEM((CCH, D), jnp.float32),
            pltpu.VMEM((CCH, D), jnp.float32),
            pltpu.SemaphoreType.DMA,
            pltpu.SemaphoreType.DMA,
            pltpu.SemaphoreType.DMA,
            pltpu.SemaphoreType.DMA,
            pltpu.SemaphoreType.DMA,
            pltpu.SemaphoreType.DMA,
        ],
    )
    def k(y_hbm, p1_hbm, p2_hbm, out_hbm, i1_v, i2_v,
          a0, a1, c0, c1, sa0, sa1, sb0, sb1, sw0, sw1):
        wid = lax.axis_index("s") * 2 + lax.axis_index("c")
        base = wid * CPW
        hi1 = pltpu.async_copy(p1_hbm.at[pl.ds(base, CPW)], i1_v, sw0)
        hi2 = pltpu.async_copy(p2_hbm.at[pl.ds(base, CPW)], i2_v, sw1)
        hi1.wait()
        hi2.wait()

        ab = [a0, a1]
        cb = [c0, c1]
        sas = [sa0, sa1]
        sbs = [sb0, sb1]
        sws = [sw0, sw1]
        g1 = [None, None]
        g2 = [None, None]
        w = [None, None]

        def src1(c):
            return y_hbm.at[i1_v.at[pl.ds(c * CCH, CCH)]]

        def src2(c):
            return y_hbm.at[i2_v.at[pl.ds(c * CCH, CCH)]]

        def odst(c):
            return out_hbm.at[pl.ds(base + c * CCH, CCH)]

        g1[0] = pltpu.async_copy(src1(0), ab[0], sas[0])
        g2[0] = pltpu.async_copy(src2(0), cb[0], sbs[0])
        for c in range(nch):
            p = c & 1
            q = 1 - p
            g1[p].wait()
            g2[p].wait()
            if c + 1 < nch:
                if w[q] is not None:
                    w[q].wait()
                g1[q] = pltpu.async_copy(src1(c + 1), ab[q], sas[q])
                g2[q] = pltpu.async_copy(src2(c + 1), cb[q], sbs[q])

            def add_row(r, _):
                for cc in range(D // 16):
                    sl = pl.ds(cc * 16, 16)
                    ab[p][r, sl] = ab[p][r, sl] + cb[p][r, sl]
                return 0

            lax.fori_loop(0, CCH, add_row, 0)
            w[p] = pltpu.async_copy(ab[p], odst(c), sws[p])
        w[(nch - 1) & 1].wait()
        w[(nch - 2) & 1].wait()

    return k(y, p1, p2)


def kernel(hidden_states, gate_weight, gate_up_proj, down_proj):
    b, s, d = hidden_states.shape
    x = hidden_states.reshape(-1, d)
    comb = _router(x, gate_weight)
    p1, pb, wa, wb, texp, valid, p2 = _route_plan(comb)
    xs, ws = _dispatch(x, p1, pb, wa, wb)
    ws2 = ws[:CAP + TILE].reshape(CAP + TILE, 1)
    y = _ffn(xs, gate_up_proj, down_proj, ws2, texp, valid)
    out = _combine(y, p1, p2)
    return out.reshape(b, s, d)

# --- scband reference (transcript-rebuilt; emitter-appended) ---
"""Pipeline reference for scband-top-pskipped-qwen3-moe-sparse-moe-block-72756745994645 (READ-ONLY COPY).

The authoritative reference and input builder live on the scoring server;
editing this copy changes nothing except your own understanding.
"""

import jax, jax.numpy as jnp
import numpy as np

NUM_EXPERTS = 8
TOP_K = 2
D_MODEL = 1024
D_FF = 768
THRESHOLD = 0.7
NORM_TOPK_PROB = True
BATCH = 1
SEQ = 2048


def setup_inputs(seed: int = 0) -> dict:
    key = jax.random.key(seed)
    k1, k2, k3, k4 = jax.random.split(key, 4)
    hidden_states = jax.random.normal(k1, (BATCH, SEQ, D_MODEL), dtype=jnp.float32)
    gate_weight = jax.random.normal(k2, (NUM_EXPERTS, D_MODEL), dtype=jnp.float32) * 0.02
    gate_up_proj = jax.random.normal(k3, (NUM_EXPERTS, 2 * D_FF, D_MODEL), dtype=jnp.float32) * 0.02
    down_proj = jax.random.normal(k4, (NUM_EXPERTS, D_MODEL, D_FF), dtype=jnp.float32) * 0.02
    return {"hidden_states": hidden_states, "gate_weight": gate_weight,
            "gate_up_proj": gate_up_proj, "down_proj": down_proj}


def reference(hidden_states, gate_weight, gate_up_proj, down_proj):
    b, s, d = hidden_states.shape
    x = hidden_states.reshape(-1, d)
    # router
    router_logits = x @ gate_weight.T
    router_probs = jax.nn.softmax(router_logits.astype(jnp.float32), axis=-1).astype(router_logits.dtype)
    top_val, top_idx = jax.lax.top_k(router_probs, TOP_K)
    # top-p style prefix keep over renormalized top-k probs
    denom = jnp.maximum(jnp.sum(top_val, axis=-1, keepdims=True), 1e-12)
    p = top_val / denom
    csum = jnp.cumsum(p, axis=-1)
    num_keep = jnp.sum((csum < THRESHOLD).astype(jnp.int32), axis=-1) + 1
    num_keep = jnp.minimum(num_keep, TOP_K)
    pos = jnp.arange(TOP_K)[None, :]
    active = pos < num_keep[:, None]
    routing_weights = top_val * active.astype(top_val.dtype)
    if NORM_TOPK_PROB:
        routing_weights = routing_weights / jnp.maximum(
            jnp.sum(routing_weights, axis=-1, keepdims=True), 1e-12)
    # per-token per-expert combine weights (math-equivalent to the torch
    # expert loop with index_add_: inactive slots contribute weight 0)
    onehot = jax.nn.one_hot(top_idx, NUM_EXPERTS, dtype=routing_weights.dtype)
    onehot = onehot * active[..., None].astype(routing_weights.dtype)
    combine = jnp.sum(routing_weights[..., None] * onehot, axis=1)  # [T, E]
    # expert MLPs (SwiGLU): gate_up then down, per expert
    gu = jnp.einsum('td,efd->etf', x, gate_up_proj)  # [E, T, 2*D_FF]
    g, u = jnp.split(gu, 2, axis=-1)
    h = jax.nn.silu(g) * u
    out_e = jnp.einsum('etf,edf->etd', h, down_proj)  # [E, T, D]
    final = jnp.einsum('etd,te->td', out_e, combine)
    return final.reshape(b, s, d)

if __name__ == "__main__":
    import jax
    _d = setup_inputs()
    print(jax.jit(kernel)(*tuple(_d.values())))

</pallas_src>

<mosaic_0001>
#map = affine_map<(d0, d1) -> (0, 0)>
#map1 = affine_map<(d0, d1) -> (0)>
module attributes {stable_mosaic.version = 14 : i64} {
  func.func @k(%arg0: i32, %arg1: i32, %arg2: memref<5248x1024xf32, #tpu.memory_space<hbm>>, %arg3: memref<2048xi32, #tpu.memory_space<hbm>>, %arg4: memref<2048xi32, #tpu.memory_space<hbm>>, %arg5: memref<2048x1024xf32, #tpu.memory_space<hbm>>, %arg6: memref<64xi32, #tpu.memory_space<vmem>>, %arg7: memref<64xi32, #tpu.memory_space<vmem>>, %arg8: memref<16x1024xf32, #tpu.memory_space<vmem>>, %arg9: memref<16x1024xf32, #tpu.memory_space<vmem>>, %arg10: memref<16x1024xf32, #tpu.memory_space<vmem>>, %arg11: memref<16x1024xf32, #tpu.memory_space<vmem>>, %arg12: memref<!tpu.dma_semaphore, #tpu.memory_space<semaphore_mem>>, %arg13: memref<!tpu.dma_semaphore, #tpu.memory_space<semaphore_mem>>, %arg14: memref<!tpu.dma_semaphore, #tpu.memory_space<semaphore_mem>>, %arg15: memref<!tpu.dma_semaphore, #tpu.memory_space<semaphore_mem>>, %arg16: memref<!tpu.dma_semaphore, #tpu.memory_space<semaphore_mem>>, %arg17: memref<!tpu.dma_semaphore, #tpu.memory_space<semaphore_mem>>) attributes {dimension_semantics = [#tpu.dimension_semantics<core_parallel>, #tpu.dimension_semantics<subcore_parallel>], iteration_bounds = array<i64: 2, 16>, scalar_prefetch = 0 : i64, scratch_operands = 12 : i64, tpu.core_type = #tpu.core_type<sc_vector_subcore>, window_params = [{transform_indices = #map}, {transform_indices = #map1}, {transform_indices = #map1}, {transform_indices = #map}]} {
    %mul3A = arith.constant 2 : i32
    %mul3A_0 = arith.muli %arg1, %mul3A : i32
    %add3A = arith.addi %mul3A_0, %arg0 : i32
    %mul3A_1 = arith.constant 64 : i32
    %mul3A_2 = arith.muli %add3A, %mul3A_1 : i32
    %dma_start3A = tpu.memref_slice %arg3[%mul3A_2] : memref<2048xi32, #tpu.memory_space<hbm>> -> memref<64xi32, #tpu.memory_space<hbm>>
    %dma_start3A_3 = tpu.memref_slice %arg3[%mul3A_2] : memref<2048xi32, #tpu.memory_space<hbm>> -> memref<64xi32, #tpu.memory_space<hbm>>
    tpu.enqueue_dma source(%dma_start3A_3 : memref<64xi32, #tpu.memory_space<hbm>>) target(%arg6 : memref<64xi32, #tpu.memory_space<vmem>>) target_semaphore(%arg16 : memref<!tpu.dma_semaphore, #tpu.memory_space<semaphore_mem>>)
    %dma_start3A_4 = tpu.memref_slice %arg4[%mul3A_2] : memref<2048xi32, #tpu.memory_space<hbm>> -> memref<64xi32, #tpu.memory_space<hbm>>
    %dma_start3A_5 = tpu.memref_slice %arg4[%mul3A_2] : memref<2048xi32, #tpu.memory_space<hbm>> -> memref<64xi32, #tpu.memory_space<hbm>>
    tpu.enqueue_dma source(%dma_start3A_5 : memref<64xi32, #tpu.memory_space<hbm>>) target(%arg7 : memref<64xi32, #tpu.memory_space<vmem>>) target_semaphore(%arg17 : memref<!tpu.dma_semaphore, #tpu.memory_space<semaphore_mem>>)
    %dma_wait3A = tpu.memref_slice %arg3[%mul3A_2] : memref<2048xi32, #tpu.memory_space<hbm>> -> memref<64xi32, #tpu.memory_space<hbm>>
    %dma_wait3A_6 = tpu.memref_slice %arg3[%mul3A_2] : memref<2048xi32, #tpu.memory_space<hbm>> -> memref<64xi32, #tpu.memory_space<hbm>>
    tpu.wait_dma2 semaphore(%arg16 : memref<!tpu.dma_semaphore, #tpu.memory_space<semaphore_mem>>) src(%dma_wait3A_6 : memref<64xi32, #tpu.memory_space<hbm>>) dst(%arg6 : memref<64xi32, #tpu.memory_space<vmem>>)
    %dma_wait3A_7 = tpu.memref_slice %arg4[%mul3A_2] : memref<2048xi32, #tpu.memory_space<hbm>> -> memref<64xi32, #tpu.memory_space<hbm>>
    %dma_wait3A_8 = tpu.memref_slice %arg4[%mul3A_2] : memref<2048xi32, #tpu.memory_space<hbm>> -> memref<64xi32, #tpu.memory_space<hbm>>
    tpu.wait_dma2 semaphore(%arg17 : memref<!tpu.dma_semaphore, #tpu.memory_space<semaphore_mem>>) src(%dma_wait3A_8 : memref<64xi32, #tpu.memory_space<hbm>>) dst(%arg7 : memref<64xi32, #tpu.memory_space<vmem>>)
    %dma_start3A_9 = arith.constant 0 : i32
    %dma_start3A_10 = tpu.memref_slice %arg6[%dma_start3A_9] : memref<64xi32, #tpu.memory_space<vmem>> -> memref<16xi32, #tpu.memory_space<vmem>>
    %dma_start3A_11 = arith.constant 0 : i32
    %dma_start3A_12 = arith.constant 0 : i32
    %dma_start3A_13 = tpu.memref_slice %arg2[%dma_start3A_11, %dma_start3A_12] : memref<5248x1024xf32, #tpu.memory_space<hbm>> -> memref<5248x1024xf32, #tpu.memory_space<hbm>>
    tpu.enqueue_indirect_dma source(%dma_start3A_13 : memref<5248x1024xf32, #tpu.memory_space<hbm>>) target(%arg8 : memref<16x1024xf32, #tpu.memory_space<vmem>>) offsets(%dma_start3A_10 : memref<16xi32, #tpu.memory_space<vmem>>) semaphore(%arg12 : memref<!tpu.dma_semaphore, #tpu.memory_space<semaphore_mem>>)
    %dma_start3A_14 = arith.constant 0 : i32
    %dma_start3A_15 = tpu.memref_slice %arg7[%dma_start3A_14] : memref<64xi32, #tpu.memory_space<vmem>> -> memref<16xi32, #tpu.memory_space<vmem>>
    %dma_start3A_16 = arith.constant 0 : i32
    %dma_start3A_17 = arith.constant 0 : i32
    %dma_start3A_18 = tpu.memref_slice %arg2[%dma_start3A_16, %dma_start3A_17] : memref<5248x1024xf32, #tpu.memory_space<hbm>> -> memref<5248x1024xf32, #tpu.memory_space<hbm>>
    tpu.enqueue_indirect_dma source(%dma_start3A_18 : memref<5248x1024xf32, #tpu.memory_space<hbm>>) target(%arg10 : memref<16x1024xf32, #tpu.memory_space<vmem>>) offsets(%dma_start3A_15 : memref<16xi32, #tpu.memory_space<vmem>>) semaphore(%arg14 : memref<!tpu.dma_semaphore, #tpu.memory_space<semaphore_mem>>)
    %dma_wait3A_19 = arith.constant 0 : i32
    %dma_wait3A_20 = tpu.memref_slice %arg6[%dma_wait3A_19] : memref<64xi32, #tpu.memory_space<vmem>> -> memref<16xi32, #tpu.memory_space<vmem>>
    %dma_wait3A_21 = arith.constant 0 : i32
    %dma_wait3A_22 = arith.constant 0 : i32
    %dma_wait3A_23 = tpu.memref_slice %arg2[%dma_wait3A_21, %dma_wait3A_22] : memref<5248x1024xf32, #tpu.memory_space<hbm>> -> memref<5248x1024xf32, #tpu.memory_space<hbm>>
    tpu.wait_indirect_dma semaphore(%arg12 : memref<!tpu.dma_semaphore, #tpu.memory_space<semaphore_mem>>) src(%dma_wait3A_23 : memref<5248x1024xf32, #tpu.memory_space<hbm>>) dst(%arg8 : memref<16x1024xf32, #tpu.memory_space<vmem>>)
    %dma_wait3A_24 = arith.constant 0 : i32
    %dma_wait3A_25 = tpu.memref_slice %arg7[%dma_wait3A_24] : memref<64xi32, #tpu.memory_space<vmem>> -> memref<16xi32, #tpu.memory_space<vmem>>
    %dma_wait3A_26 = arith.constant 0 : i32
    %dma_wait3A_27 = arith.constant 0 : i32
    %dma_wait3A_28 = tpu.memref_slice %arg2[%dma_wait3A_26, %dma_wait3A_27] : memref<5248x1024xf32, #tpu.memory_space<hbm>> -> memref<5248x1024xf32, #tpu.memory_space<hbm>>
    tpu.wait_indirect_dma semaphore(%arg14 : memref<!tpu.dma_semaphore, #tpu.memory_space<semaphore_mem>>) src(%dma_wait3A_28 : memref<5248x1024xf32, #tpu.memory_space<hbm>>) dst(%arg10 : memref<16x1024xf32, #tpu.memory_space<vmem>>)
    %dma_start3A_29 = arith.constant 16 : i32
    %dma_start3A_30 = tpu.memref_slice %arg6[%dma_start3A_29] : memref<64xi32, #tpu.memory_space<vmem>> -> memref<16xi32, #tpu.memory_space<vmem>>
    %dma_start3A_31 = arith.constant 0 : i32
    %dma_start3A_32 = arith.constant 0 : i32
    %dma_start3A_33 = tpu.memref_slice %arg2[%dma_start3A_31, %dma_start3A_32] : memref<5248x1024xf32, #tpu.memory_space<hbm>> -> memref<5248x1024xf32, #tpu.memory_space<hbm>>
    tpu.enqueue_indirect_dma source(%dma_start3A_33 : memref<5248x1024xf32, #tpu.memory_space<hbm>>) target(%arg9 : memref<16x1024xf32, #tpu.memory_space<vmem>>) offsets(%dma_start3A_30 : memref<16xi32, #tpu.memory_space<vmem>>) semaphore(%arg13 : memref<!tpu.dma_semaphore, #tpu.memory_space<semaphore_mem>>)
    %dma_start3A_34 = arith.constant 16 : i32
    %dma_start3A_35 = tpu.memref_slice %arg7[%dma_start3A_34] : memref<64xi32, #tpu.memory_space<vmem>> -> memref<16xi32, #tpu.memory_space<vmem>>
    %dma_start3A_36 = arith.constant 0 : i32
    %dma_start3A_37 = arith.constant 0 : i32
    %dma_start3A_38 = tpu.memref_slice %arg2[%dma_start3A_36, %dma_start3A_37] : memref<5248x1024xf32, #tpu.memory_space<hbm>> -> memref<5248x1024xf32, #tpu.memory_space<hbm>>
    tpu.enqueue_indirect_dma source(%dma_start3A_38 : memref<5248x1024xf32, #tpu.memory_space<hbm>>) target(%arg11 : memref<16x1024xf32, #tpu.memory_space<vmem>>) offsets(%dma_start3A_35 : memref<16xi32, #tpu.memory_space<vmem>>) semaphore(%arg15 : memref<!tpu.dma_semaphore, #tpu.memory_space<semaphore_mem>>)
    %scan3A = arith.constant 0 : i32
    %scan3A_39 = arith.constant 0 : i32
    %scan3A_40 = arith.constant 16 : i32
    %scan3A_41 = arith.addi %scan3A_39, %scan3A_40 : i32
    %scan3A_42 = arith.constant 1 : i32
    %scan3A_43 = scf.for %scan3A_156 = %scan3A_39 to %scan3A_41 step %scan3A_42 iter_args(%scan3A_157 = %scan3A) -> (i32)  : i32 {
      %get3A = arith.index_cast %scan3A_156 : i32 to index
      %get3A_158 = arith.constant 0 : index
      %get3A_159 = tpu.vector_load %arg8[%get3A, %get3A_158] {strides = array<i32>} : memref<16x1024xf32, #tpu.memory_space<vmem>>, vector<1x16xf32>,
      %get3A_160 = vector.shape_cast %get3A_159 : vector<1x16xf32> to vector<16xf32>
      %get3A_161 = arith.index_cast %scan3A_156 : i32 to index
      %get3A_162 = arith.constant 0 : index
      %get3A_163 = tpu.vector_load %arg10[%get3A_161, %get3A_162] {strides = array<i32>} : memref<16x1024xf32, #tpu.memory_space<vmem>>, vector<1x16xf32>,
      %get3A_164 = vector.shape_cast %get3A_163 : vector<1x16xf32> to vector<16xf32>
      %add3A_165 = arith.addf %get3A_160, %get3A_164 : vector<16xf32>
      %swap3A = arith.index_cast %scan3A_156 : i32 to index
      %swap3A_166 = arith.constant 0 : index
      %swap3A_167 = tpu.vector_load %arg8[%swap3A, %swap3A_166] {strides = array<i32>} : memref<16x1024xf32, #tpu.memory_space<vmem>>, vector<1x16xf32>,
      %swap3A_168 = vector.shape_cast %swap3A_167 : vector<1x16xf32> to vector<16xf32>
      %swap3A_169 = vector.shape_cast %add3A_165 : vector<16xf32> to vector<1x16xf32>
      tpu.vector_store %arg8[%swap3A, %swap3A_166], %swap3A_169 {strides = array<i32>} : memref<16x1024xf32, #tpu.memory_space<vmem>>, vector<1x16xf32>,
      %get3A_170 = arith.index_cast %scan3A_156 : i32 to index
      %get3A_171 = arith.constant 16 : index
      %get3A_172 = tpu.vector_load %arg8[%get3A_170, %get3A_171] {strides = array<i32>} : memref<16x1024xf32, #tpu.memory_space<vmem>>, vector<1x16xf32>,
      %get3A_173 = vector.shape_cast %get3A_172 : vector<1x16xf32> to vector<16xf32>
      %get3A_174 = arith.index_cast %scan3A_156 : i32 to index
      %get3A_175 = arith.constant 16 : index
      %get3A_176 = tpu.vector_load %arg10[%get3A_174, %get3A_175] {strides = array<i32>} : memref<16x1024xf32, #tpu.memory_space<vmem>>, vector<1x16xf32>,
      %get3A_177 = vector.shape_cast %get3A_176 : vector<1x16xf32> to vector<16xf32>
      %add3A_178 = arith.addf %get3A_173, %get3A_177 : vector<16xf32>
      %swap3A_179 = arith.index_cast %scan3A_156 : i32 to index
      %swap3A_180 = arith.constant 16 : index
      %swap3A_181 = tpu.vector_load %arg8[%swap3A_179, %swap3A_180] {strides = array<i32>} : memref<16x1024xf32, #tpu.memory_space<vmem>>, vector<1x16xf32>,
      %swap3A_182 = vector.shape_cast %swap3A_181 : vector<1x16xf32> to vector<16xf32>
      %swap3A_183 = vector.shape_cast %add3A_178 : vector<16xf32> to vector<1x16xf32>
      tpu.vector_store %arg8[%swap3A_179, %swap3A_180], %swap3A_183 {strides = array<i32>} : memref<16x1024xf32, #tpu.memory_space<vmem>>, vector<1x16xf32>,
      %get3A_184 = arith.index_cast %scan3A_156 : i32 to index
      %get3A_185 = arith.constant 32 : index
      %get3A_186 = tpu.vector_load %arg8[%get3A_184, %get3A_185] {strides = array<i32>} : memref<16x1024xf32, #tpu.memory_space<vmem>>, vector<1x16xf32>,
      %get3A_187 = vector.shape_cast %get3A_186 : vector<1x16xf32> to vector<16xf32>
      %get3A_188 = arith.index_cast %scan3A_156 : i32 to index
      %get3A_189 = arith.constant 32 : index
      %get3A_190 = tpu.vector_load %arg10[%get3A_188, %get3A_189] {strides = array<i32>} : memref<16x1024xf32, #tpu.memory_space<vmem>>, vector<1x16xf32>,
      %get3A_191 = vector.shape_cast %get3A_190 : vector<1x16xf32> to vector<16xf32>
      %add3A_192 = arith.addf %get3A_187, %get3A_191 : vector<16xf32>
      %swap3A_193 = arith.index_cast %scan3A_156 : i32 to index
      %swap3A_194 = arith.constant 32 : index
      %swap3A_195 = tpu.vector_load %arg8[%swap3A_193, %swap3A_194] {strides = array<i32>} : memref<16x1024xf32, #tpu.memory_space<vmem>>, vector<1x16xf32>,
      %swap3A_196 = vector.shape_cast %swap3A_195 : vector<1x16xf32> to vector<16xf32>
      %swap3A_197 = vector.shape_cast %add3A_192 : vector<16xf32> to vector<1x16xf32>
      tpu.vector_store %arg8[%swap3A_193, %swap3A_194], %swap3A_197 {strides = array<i32>} : memref<16x1024xf32, #tpu.memory_space<vmem>>, vector<1x16xf32>,
      %get3A_198 = arith.index_cast %scan3A_156 : i32 to index
      %get3A_199 = arith.constant 48 : index
      %get3A_200 = tpu.vector_load %arg8[%get3A_198, %get3A_199] {strides = array<i32>} : memref<16x1024xf32, #tpu.memory_space<vmem>>, vector<1x16xf32>,
      %get3A_201 = vector.shape_cast %get3A_200 : vector<1x16xf32> to vector<16xf32>
      %get3A_202 = arith.index_cast %scan3A_156 : i32 to index
      %get3A_203 = arith.constant 48 : index
      %get3A_204 = tpu.vector_load %arg10[%get3A_202, %get3A_203] {strides = array<i32>} : memref<16x1024xf32, #tpu.memory_space<vmem>>, vector<1x16xf32>,
      %get3A_205 = vector.shape_cast %get3A_204 : vector<1x16xf32> to vector<16xf32>
      %add3A_206 = arith.addf %get3A_201, %get3A_205 : vector<16xf32>
      %swap3A_207 = arith.index_cast %scan3A_156 : i32 to index
      %swap3A_208 = arith.constant 48 : index
      %swap3A_209 = tpu.vector_load %arg8[%swap3A_207, %swap3A_208] {strides = array<i32>} : memref<16x1024xf32, #tpu.memory_space<vmem>>, vector<1x16xf32>,
      %swap3A_210 = vector.shape_cast %swap3A_209 : vector<1x16xf32> to vector<16xf32>
      %swap3A_211 = vector.shape_cast %add3A_206 : vector<16xf32> to vector<1x16xf32>
      tpu.vector_store %arg8[%swap3A_207, %swap3A_208], %swap3A_211 {strides = array<i32>} : memref<16x1024xf32, #tpu.memory_space<vmem>>, vector<1x16xf32>,
      %get3A_212 = arith.index_cast %scan3A_156 : i32 to index
      %get3A_213 = arith.constant 64 : index
      %get3A_214 = tpu.vector_load %arg8[%get3A_212, %get3A_213] {strides = array<i32>} : memref<16x1024xf32, #tpu.memory_space<vmem>>, vector<1x16xf32>,
      %get3A_215 = vector.shape_cast %get3A_214 : vector<1x16xf32> to vector<16xf32>
      %get3A_216 = arith.index_cast %scan3A_156 : i32 to index
      %get3A_217 = arith.constant 64 : index
      %get3A_218 = tpu.vector_load %arg10[%get3A_216, %get3A_217] {strides = array<i32>} : memref<16x1024xf32, #tpu.memory_space<vmem>>, vector<1x16xf32>,
      %get3A_219 = vector.shape_cast %get3A_218 : vector<1x16xf32> to vector<16xf32>
      %add3A_220 = arith.addf %get3A_215, %get3A_219 : vector<16xf32>
      %swap3A_221 = arith.index_cast %scan3A_156 : i32 to index
      %swap3A_222 = arith.constant 64 : index
      %swap3A_223 = tpu.vector_load %arg8[%swap3A_221, %swap3A_222] {strides = array<i32>} : memref<16x1024xf32, #tpu.memory_space<vmem>>, vector<1x16xf32>,
      %swap3A_224 = vector.shape_cast %swap3A_223 : vector<1x16xf32> to vector<16xf32>
      %swap3A_225 = vector.shape_cast %add3A_220 : vector<16xf32> to vector<1x16xf32>
      tpu.vector_store %arg8[%swap3A_221, %swap3A_222], %swap3A_225 {strides = array<i32>} : memref<16x1024xf32, #tpu.memory_space<vmem>>, vector<1x16xf32>,
      %get3A_226 = arith.index_cast %scan3A_156 : i32 to index
      %get3A_227 = arith.constant 80 : index
      %get3A_228 = tpu.vector_load %arg8[%get3A_226, %get3A_227] {strides = array<i32>} : memref<16x1024xf32, #tpu.memory_space<vmem>>, vector<1x16xf32>,
      %get3A_229 = vector.shape_cast %get3A_228 : vector<1x16xf32> to vector<16xf32>
      %get3A_230 = arith.index_cast %scan3A_156 : i32 to index
      %get3A_231 = arith.constant 80 : index
      %get3A_232 = tpu.vector_load %arg10[%get3A_230, %get3A_231] {strides = array<i32>} : memref<16x1024xf32, #tpu.memory_space<vmem>>, vector<1x16xf32>,
      %get3A_233 = vector.shape_cast %get3A_232 : vector<1x16xf32> to vector<16xf32>
      %add3A_234 = arith.addf %get3A_229, %get3A_233 : vector<16xf32>
      %swap3A_235 = arith.index_cast %scan3A_156 : i32 to index
      %swap3A_236 = arith.constant 80 : index
      %swap3A_237 = tpu.vector_load %arg8[%swap3A_235, %swap3A_236] {strides = array<i32>} : memref<16x1024xf32, #tpu.memory_space<vmem>>, vector<1x16xf32>,
      %swap3A_238 = vector.shape_cast %swap3A_237 : vector<1x16xf32> to vector<16xf32>
      %swap3A_239 = vector.shape_cast %add3A_234 : vector<16xf32> to vector<1x16xf32>
      tpu.vector_store %arg8[%swap3A_235, %swap3A_236], %swap3A_239 {strides = array<i32>} : memref<16x1024xf32, #tpu.memory_space<vmem>>, vector<1x16xf32>,
      %get3A_240 = arith.index_cast %scan3A_156 : i32 to index
      %get3A_241 = arith.constant 96 : index
      %get3A_242 = tpu.vector_load %arg8[%get3A_240, %get3A_241] {strides = array<i32>} : memref<16x1024xf32, #tpu.memory_space<vmem>>, vector<1x16xf32>,
      %get3A_243 = vector.shape_cast %get3A_242 : vector<1x16xf32> to vector<16xf32>
      %get3A_244 = arith.index_cast %scan3A_156 : i32 to index
      %get3A_245 = arith.constant 96 : index
      %get3A_246 = tpu.vector_load %arg10[%get3A_244, %get3A_245] {strides = array<i32>} : memref<16x1024xf32, #tpu.memory_space<vmem>>, vector<1x16xf32>,
      %get3A_247 = vector.shape_cast %get3A_246 : vector<1x16xf32> to vector<16xf32>
      %add3A_248 = arith.addf %get3A_243, %get3A_247 : vector<16xf32>
      %swap3A_249 = arith.index_cast %scan3A_156 : i32 to index
      %swap3A_250 = arith.constant 96 : index
      %swap3A_251 = tpu.vector_load %arg8[%swap3A_249, %swap3A_250] {strides = array<i32>} : memref<16x1024xf32, #tpu.memory_space<vmem>>, vector<1x16xf32>,
      %swap3A_252 = vector.shape_cast %swap3A_251 : vector<1x16xf32> to vector<16xf32>
      %swap3A_253 = vector.shape_cast %add3A_248 : vector<16xf32> to vector<1x16xf32>
      tpu.vector_store %arg8[%swap3A_249, %swap3A_250], %swap3A_253 {strides = array<i32>} : memref<16x1024xf32, #tpu.memory_space<vmem>>, vector<1x16xf32>,
      %get3A_254 = arith.index_cast %scan3A_156 : i32 to index
      %get3A_255 = arith.constant 112 : index
      %get3A_256 = tpu.vector_load %arg8[%get3A_254, %get3A_255] {strides = array<i32>} : memref<16x1024xf32, #tpu.memory_space<vmem>>, vector<1x16xf32>,
      %get3A_257 = vector.shape_cast %get3A_256 : vector<1x16xf32> to vector<16xf32>
      %get3A_258 = arith.index_cast %scan3A_156 : i32 to index
      %get3A_259 = arith.constant 112 : index
      %get3A_260 = tpu.vector_load %arg10[%get3A_258, %get3A_259] {strides = array<i32>} : memref<16x1024xf32, #tpu.memory_space<vmem>>, vector<1x16xf32>,
      %get3A_261 = vector.shape_cast %get3A_260 : vector<1x16xf32> to vector<16xf32>
      %add3A_262 = arith.addf %get3A_257, %get3A_261 : vector<16xf32>
      %swap3A_263 = arith.index_cast %scan3A_156 : i32 to index
      %swap3A_264 = arith.constant 112 : index
      %swap3A_265 = tpu.vector_load %arg8[%swap3A_263, %swap3A_264] {strides = array<i32>} : memref<16x1024xf32, #tpu.memory_space<vmem>>, vector<1x16xf32>,
      %swap3A_266 = vector.shape_cast %swap3A_265 : vector<1x16xf32> to vector<16xf32>
      %swap3A_267 = vector.shape_cast %add3A_262 : vector<16xf32> to vector<1x16xf32>
      tpu.vector_store %arg8[%swap3A_263, %swap3A_264], %swap3A_267 {strides = array<i32>} : memref<16x1024xf32, #tpu.memory_space<vmem>>, vector<1x16xf32>,
      %get3A_268 = arith.index_cast %scan3A_156 : i32 to index
      %get3A_269 = arith.constant 128 : index
      %get3A_270 = tpu.vector_load %arg8[%get3A_268, %get3A_269] {strides = array<i32>} : memref<16x1024xf32, #tpu.memory_space<vmem>>, vector<1x16xf32>,
      %get3A_271 = vector.shape_cast %get3A_270 : vector<1x16xf32> to vector<16xf32>
      %get3A_272 = arith.index_cast %scan3A_156 : i32 to index
      %get3A_273 = arith.constant 128 : index
      %get3A_274 = tpu.vector_load %arg10[%get3A_272, %get3A_273] {strides = array<i32>} : memref<16x1024xf32, #tpu.memory_space<vmem>>, vector<1x16xf32>,
      %get3A_275 = vector.shape_cast %get3A_274 : vector<1x16xf32> to vector<16xf32>
      %add3A_276 = arith.addf %get3A_271, %get3A_275 : vector<16xf32>
      %swap3A_277 = arith.index_cast %scan3A_156 : i32 to index
      %swap3A_278 = arith.constant 128 : index
      %swap3A_279 = tpu.vector_load %arg8[%swap3A_277, %swap3A_278] {strides = array<i32>} : memref<16x1024xf32, #tpu.memory_space<vmem>>, vector<1x16xf32>,
      %swap3A_280 = vector.shape_cast %swap3A_279 : vector<1x16xf32> to vector<16xf32>
      %swap3A_281 = vector.shape_cast %add3A_276 : vector<16xf32> to vector<1x16xf32>
      tpu.vector_store %arg8[%swap3A_277, %swap3A_278], %swap3A_281 {strides = array<i32>} : memref<16x1024xf32, #tpu.memory_space<vmem>>, vector<1x16xf32>,
      %get3A_282 = arith.index_cast %scan3A_156 : i32 to index
      %get3A_283 = arith.constant 144 : index
      %get3A_284 = tpu.vector_load %arg8[%get3A_282, %get3A_283] {strides = array<i32>} : memref<16x1024xf32, #tpu.memory_space<vmem>>, vector<1x16xf32>,
      %get3A_285 = vector.shape_cast %get3A_284 : vector<1x16xf32> to vector<16xf32>
      %get3A_286 = arith.index_cast %scan3A_156 : i32 to index
      %get3A_287 = arith.constant 144 : index
      %get3A_288 = tpu.vector_load %arg10[%get3A_286, %get3A_287] {strides = array<i32>} : memref<16x1024xf32, #tpu.memory_space<vmem>>, vector<1x16xf32>,
      %get3A_289 = vector.shape_cast %get3A_288 : vector<1x16xf32> to vector<16xf32>
      %add3A_290 = arith.addf %get3A_285, %get3A_289 : vector<16xf32>
      %swap3A_291 = arith.index_cast %scan3A_156 : i32 to index
      %swap3A_292 = arith.constant 144 : index
      %swap3A_293 = tpu.vector_load %arg8[%swap3A_291, %swap3A_292] {strides = array<i32>} : memref<16x1024xf32, #tpu.memory_space<vmem>>, vector<1x16xf32>,
      %swap3A_294 = vector.shape_cast %swap3A_293 : vector<1x16xf32> to vector<16xf32>
      %swap3A_295 = vector.shape_cast %add3A_290 : vector<16xf32> to vector<1x16xf32>
      tpu.vector_store %arg8[%swap3A_291, %swap3A_292], %swap3A_295 {strides = array<i32>} : memref<16x1024xf32, #tpu.memory_space<vmem>>, vector<1x16xf32>,
      %get3A_296 = arith.index_cast %scan3A_156 : i32 to index
      %get3A_297 = arith.constant 160 : index
      %get3A_298 = tpu.vector_load %arg8[%get3A_296, %get3A_297] {strides = array<i32>} : memref<16x1024xf32, #tpu.memory_space<vmem>>, vector<1x16xf32>,
      %get3A_299 = vector.shape_cast %get3A_298 : vector<1x16xf32> to vector<16xf32>
      %get3A_300 = arith.index_cast %scan3A_156 : i32 to index
      %get3A_301 = arith.constant 160 : index
      %get3A_302 = tpu.vector_load %arg10[%get3A_300, %get3A_301] {strides = array<i32>} : memref<16x1024xf32, #tpu.memory_space<vmem>>, vector<1x16xf32>,
      %get3A_303 = vector.shape_cast %get3A_302 : vector<1x16xf32> to vector<16xf32>
      %add3A_304 = arith.addf %get3A_299, %get3A_303 : vector<16xf32>
      %swap3A_305 = arith.index_cast %scan3A_156 : i32 to index
      %swap3A_306 = arith.constant 160 : index
      %swap3A_307 = tpu.vector_load %arg8[%swap3A_305, %swap3A_306] {strides = array<i32>} : memref<16x1024xf32, #tpu.memory_space<vmem>>, vector<1x16xf32>,
      %swap3A_308 = vector.shape_cast %swap3A_307 : vector<1x16xf32> to vector<16xf32>
      %swap3A_309 = vector.shape_cast %add3A_304 : vector<16xf32> to vector<1x16xf32>
      tpu.vector_store %arg8[%swap3A_305, %swap3A_306], %swap3A_309 {strides = array<i32>} : memref<16x1024xf32, #tpu.memory_space<vmem>>, vector<1x16xf32>,
      %get3A_310 = arith.index_cast %scan3A_156 : i32 to index
      %get3A_311 = arith.constant 176 : index
      %get3A_312 = tpu.vector_load %arg8[%get3A_310, %get3A_311] {strides = array<i32>} : memref<16x1024xf32, #tpu.memory_space<vmem>>, vector<1x16xf32>,
      %get3A_313 = vector.shape_cast %get3A_312 : vector<1x16xf32> to vector<16xf32>
      %get3A_314 = arith.index_cast %scan3A_156 : i32 to index
      %get3A_315 = arith.constant 176 : index
      %get3A_316 = tpu.vector_load %arg10[%get3A_314, %get3A_315] {strides = array<i32>} : memref<16x1024xf32, #tpu.memory_space<vmem>>, vector<1x16xf32>,
      %get3A_317 = vector.shape_cast %get3A_316 : vector<1x16xf32> to vector<16xf32>
      %add3A_318 = arith.addf %get3A_313, %get3A_317 : vector<16xf32>
      %swap3A_319 = arith.index_cast %scan3A_156 : i32 to index
      %swap3A_320 = arith.constant 176 : index
      %swap3A_321 = tpu.vector_load %arg8[%swap3A_319, %swap3A_320] {strides = array<i32>} : memref<16x1024xf32, #tpu.memory_space<vmem>>, vector<1x16xf32>,
      %swap3A_322 = vector.shape_cast %swap3A_321 : vector<1x16xf32> to vector<16xf32>
      %swap3A_323 = vector.shape_cast %add3A_318 : vector<16xf32> to vector<1x16xf32>
      tpu.vector_store %arg8[%swap3A_319, %swap3A_320], %swap3A_323 {strides = array<i32>} : memref<16x1024xf32, #tpu.memory_space<vmem>>, vector<1x16xf32>,
      %get3A_324 = arith.index_cast %scan3A_156 : i32 to index
      %get3A_325 = arith.constant 192 : index
      %get3A_326 = tpu.vector_load %arg8[%get3A_324, %get3A_325] {strides = array<i32>} : memref<16x1024xf32, #tpu.memory_space<vmem>>, vector<1x16xf32>,
      %get3A_327 = vector.shape_cast %get3A_326 : vector<1x16xf32> to vector<16xf32>
      %get3A_328 = arith.index_cast %scan3A_156 : i32 to index
      %get3A_329 = arith.constant 192 : index
      %get3A_330 = tpu.vector_load %arg10[%get3A_328, %get3A_329] {strides = array<i32>} : memref<16x1024xf32, #tpu.memory_space<vmem>>, vector<1x16xf32>,
      %get3A_331 = vector.shape_cast %get3A_330 : vector<1x16xf32> to vector<16xf32>
      %add3A_332 = arith.addf %get3A_327, %get3A_331 : vector<16xf32>
      %swap3A_333 = arith.index_cast %scan3A_156 : i32 to index
      %swap3A_334 = arith.constant 192 : index
      %swap3A_335 = tpu.vector_load %arg8[%swap3A_333, %swap3A_334] {strides = array<i32>} : memref<16x1024xf32, #tpu.memory_space<vmem>>, vector<1x16xf32>,
      %swap3A_336 = vector.shape_cast %swap3A_335 : vector<1x16xf32> to vector<16xf32>
      %swap3A_337 = vector.shape_cast %add3A_332 : vector<16xf32> to vector<1x16xf32>
      tpu.vector_store %arg8[%swap3A_333, %swap3A_334], %swap3A_337 {strides = array<i32>} : memref<16x1024xf32, #tpu.memory_space<vmem>>, vector<1x16xf32>,
      %get3A_338 = arith.index_cast %scan3A_156 : i32 to index
      %get3A_339 = arith.constant 208 : index
      %get3A_340 = tpu.vector_load %arg8[%get3A_338, %get3A_339] {strides = array<i32>} : memref<16x1024xf32, #tpu.memory_space<vmem>>, vector<1x16xf32>,
      %get3A_341 = vector.shape_cast %get3A_340 : vector<1x16xf32> to vector<16xf32>
      %get3A_342 = arith.index_cast %scan3A_156 : i32 to index
      %get3A_343 = arith.constant 208 : index
      %get3A_344 = tpu.vector_load %arg10[%get3A_342, %get3A_343] {strides = array<i32>} : memref<16x1024xf32, #tpu.memory_space<vmem>>, vector<1x16xf32>,
      %get3A_345 = vector.shape_cast %get3A_344 : vector<1x16xf32> to vector<16xf32>
      %add3A_346 = arith.addf %get3A_341, %get3A_345 : vector<16xf32>
      %swap3A_347 = arith.index_cast %scan3A_156 : i32 to index
      %swap3A_348 = arith.constant 208 : index
      %swap3A_349 = tpu.vector_load %arg8[%swap3A_347, %swap3A_348] {strides = array<i32>} : memref<16x1024xf32, #tpu.memory_space<vmem>>, vector<1x16xf32>,
      %swap3A_350 = vector.shape_cast %swap3A_349 : vector<1x16xf32> to vector<16xf32>
      %swap3A_351 = vector.shape_cast %add3A_346 : vector<16xf32> to vector<1x16xf32>
      tpu.vector_store %arg8[%swap3A_347, %swap3A_348], %swap3A_351 {strides = array<i32>} : memref<16x1024xf32, #tpu.memory_space<vmem>>, vector<1x16xf32>,
      %get3A_352 = arith.index_cast %scan3A_156 : i32 to index
      %get3A_353 = arith.constant 224 : index
      %get3A_354 = tpu.vector_load %arg8[%get3A_352, %get3A_353] {strides = array<i32>} : memref<16x1024xf32, #tpu.memory_space<vmem>>, vector<1x16xf32>,
      %get3A_355 = vector.shape_cast %get3A_354 : vector<1x16xf32> to vector<16xf32>
      %get3A_356 = arith.index_cast %scan3A_156 : i32 to index
      %get3A_357 = arith.constant 224 : index
      %get3A_358 = tpu.vector_load %arg10[%get3A_356, %get3A_357] {strides = array<i32>} : memref<16x1024xf32, #tpu.memory_space<vmem>>, vector<1x16xf32>,
      %get3A_359 = vector.shape_cast %get3A_358 : vector<1x16xf32> to vector<16xf32>
      %add3A_360 = arith.addf %get3A_355, %get3A_359 : vector<16xf32>
      %swap3A_361 = arith.index_cast %scan3A_156 : i32 to index
      %swap3A_362 = arith.constant 224 : index
      %swap3A_363 = tpu.vector_load %arg8[%swap3A_361, %swap3A_362] {strides = array<i32>} : memref<16x1024xf32, #tpu.memory_space<vmem>>, vector<1x16xf32>,
      %swap3A_364 = vector.shape_cast %swap3A_363 : vector<1x16xf32> to vector<16xf32>
      %swap3A_365 = vector.shape_cast %add3A_360 : vector<16xf32> to vector<1x16xf32>
      tpu.vector_store %arg8[%swap3A_361, %swap3A_362], %swap3A_365 {strides = array<i32>} : memref<16x1024xf32, #tpu.memory_space<vmem>>, vector<1x16xf32>,
      %get3A_366 = arith.index_cast %scan3A_156 : i32 to index
      %get3A_367 = arith.constant 240 : index
      %get3A_368 = tpu.vector_load %arg8[%get3A_366, %get3A_367] {strides = array<i32>} : memref<16x1024xf32, #tpu.memory_space<vmem>>, vector<1x16xf32>,
      %get3A_369 = vector.shape_cast %get3A_368 : vector<1x16xf32> to vector<16xf32>
      %get3A_370 = arith.index_cast %scan3A_156 : i32 to index
      %get3A_371 = arith.constant 240 : index
      %get3A_372 = tpu.vector_load %arg10[%get3A_370, %get3A_371] {strides = array<i32>} : memref<16x1024xf32, #tpu.memory_space<vmem>>, vector<1x16xf32>,
      %get3A_373 = vector.shape_cast %get3A_372 : vector<1x16xf32> to vector<16xf32>
      %add3A_374 = arith.addf %get3A_369, %get3A_373 : vector<16xf32>
      %swap3A_375 = arith.index_cast %scan3A_156 : i32 to index
      %swap3A_376 = arith.constant 240 : index
      %swap3A_377 = tpu.vector_load %arg8[%swap3A_375, %swap3A_376] {strides = array<i32>} : memref<16x1024xf32, #tpu.memory_space<vmem>>, vector<1x16xf32>,
      %swap3A_378 = vector.shape_cast %swap3A_377 : vector<1x16xf32> to vector<16xf32>
      %swap3A_379 = vector.shape_cast %add3A_374 : vector<16xf32> to vector<1x16xf32>
      tpu.vector_store %arg8[%swap3A_375, %swap3A_376], %swap3A_379 {strides = array<i32>} : memref<16x1024xf32, #tpu.memory_space<vmem>>, vector<1x16xf32>,
      %get3A_380 = arith.index_cast %scan3A_156 : i32 to index
      %get3A_381 = arith.constant 256 : index
      %get3A_382 = tpu.vector_load %arg8[%get3A_380, %get3A_381] {strides = array<i32>} : memref<16x1024xf32, #tpu.memory_space<vmem>>, vector<1x16xf32>,
      %get3A_383 = vector.shape_cast %get3A_382 : vector<1x16xf32> to vector<16xf32>
      %get3A_384 = arith.index_cast %scan3A_156 : i32 to index
      %get3A_385 = arith.constant 256 : index
      %get3A_386 = tpu.vector_load %arg10[%get3A_384, %get3A_385] {strides = array<i32>} : memref<16x1024xf32, #tpu.memory_space<vmem>>, vector<1x16xf32>,
      %get3A_387 = vector.shape_cast %get3A_386 : vector<1x16xf32> to vector<16xf32>
      %add3A_388 = arith.addf %get3A_383, %get3A_387 : vector<16xf32>
      %swap3A_389 = arith.index_cast %scan3A_156 : i32 to index
      %swap3A_390 = arith.constant 256 : index
      %swap3A_391 = tpu.vector_load %arg8[%swap3A_389, %swap3A_390] {strides = array<i32>} : memref<16x1024xf32, #tpu.memory_space<vmem>>, vector<1x16xf32>,
      %swap3A_392 = vector.shape_cast %swap3A_391 : vector<1x16xf32> to vector<16xf32>
      %swap3A_393 = vector.shape_cast %add3A_388 : vector<16xf32> to vector<1x16xf32>
      tpu.vector_store %arg8[%swap3A_389, %swap3A_390], %swap3A_393 {strides = array<i32>} : memref<16x1024xf32, #tpu.memory_space<vmem>>, vector<1x16xf32>,
      %get3A_394 = arith.index_cast %scan3A_156 : i32 to index
      %get3A_395 = arith.constant 272 : index
      %get3A_396 = tpu.vector_load %arg8[%get3A_394, %get3A_395] {strides = array<i32>} : memref<16x1024xf32, #tpu.memory_space<vmem>>, vector<1x16xf32>,
      %get3A_397 = vector.shape_cast %get3A_396 : vector<1x16xf32> to vector<16xf32>
      %get3A_398 = arith.index_cast %scan3A_156 : i32 to index
      %get3A_399 = arith.constant 272 : index
      %get3A_400 = tpu.vector_load %arg10[%get3A_398, %get3A_399] {strides = array<i32>} : memref<16x1024xf32, #tpu.memory_space<vmem>>, vector<1x16xf32>,
      %get3A_401 = vector.shape_cast %get3A_400 : vector<1x16xf32> to vector<16xf32>
      %add3A_402 = arith.addf %get3A_397, %get3A_401 : vector<16xf32>
      %swap3A_403 = arith.index_cast %scan3A_156 : i32 to index
      %swap3A_404 = arith.constant 272 : index
      %swap3A_405 = tpu.vector_load %arg8[%swap3A_403, %swap3A_404] {strides = array<i32>} : memref<16x1024xf32, #tpu.memory_space<vmem>>, vector<1x16xf32>,
      %swap3A_406 = vector.shape_cast %swap3A_405 : vector<1x16xf32> to vector<16xf32>
      %swap3A_407 = vector.shape_cast %add3A_402 : vector<16xf32> to vector<1x16xf32>
      tpu.vector_store %arg8[%swap3A_403, %swap3A_404], %swap3A_407 {strides = array<i32>} : memref<16x1024xf32, #tpu.memory_space<vmem>>, vector<1x16xf32>,
      %get3A_408 = arith.index_cast %scan3A_156 : i32 to index
      %get3A_409 = arith.constant 288 : index
      %get3A_410 = tpu.vector_load %arg8[%get3A_408, %get3A_409] {strides = array<i32>} : memref<16x1024xf32, #tpu.memory_space<vmem>>, vector<1x16xf32>,
      %get3A_411 = vector.shape_cast %get3A_410 : vector<1x16xf32> to vector<16xf32>
      %get3A_412 = arith.index_cast %scan3A_156 : i32 to index
      %get3A_413 = arith.constant 288 : index
      %get3A_414 = tpu.vector_load %arg10[%get3A_412, %get3A_413] {strides = array<i32>} : memref<16x1024xf32, #tpu.memory_space<vmem>>, vector<1x16xf32>,
      %get3A_415 = vector.shape_cast %get3A_414 : vector<1x16xf32> to vector<16xf32>
      %add3A_416 = arith.addf %get3A_411, %get3A_415 : vector<16xf32>
      %swap3A_417 = arith.index_cast %scan3A_156 : i32 to index
      %swap3A_418 = arith.constant 288 : index
      %swap3A_419 = tpu.vector_load %arg8[%swap3A_417, %swap3A_418] {strides = array<i32>} : memref<16x1024xf32, #tpu.memory_space<vmem>>, vector<1x16xf32>,
      %swap3A_420 = vector.shape_cast %swap3A_419 : vector<1x16xf32> to vector<16xf32>
      %swap3A_421 = vector.shape_cast %add3A_416 : vector<16xf32> to vector<1x16xf32>
      tpu.vector_store %arg8[%swap3A_417, %swap3A_418], %swap3A_421 {strides = array<i32>} : memref<16x1024xf32, #tpu.memory_space<vmem>>, vector<1x16xf32>,
      %get3A_422 = arith.index_cast %scan3A_156 : i32 to index
      %get3A_423 = arith.constant 304 : index
      %get3A_424 = tpu.vector_load %arg8[%get3A_422, %get3A_423] {strides = array<i32>} : memref<16x1024xf32, #tpu.memory_space<vmem>>, vector<1x16xf32>,
      %get3A_425 = vector.shape_cast %get3A_424 : vector<1x16xf32> to vector<16xf32>
      %get3A_426 = arith.index_cast %scan3A_156 : i32 to index
      %get3A_427 = arith.constant 304 : index
      %get3A_428 = tpu.vector_load %arg10[%get3A_426, %get3A_427] {strides = array<i32>} : memref<16x1024xf32, #tpu.memory_space<vmem>>, vector<1x16xf32>,
      %get3A_429 = vector.shape_cast %get3A_428 : vector<1x16xf32> to vector<16xf32>
      %add3A_430 = arith.addf %get3A_425, %get3A_429 : vector<16xf32>
      %swap3A_431 = arith.index_cast %scan3A_156 : i32 to index
      %swap3A_432 = arith.constant 304 : index
      %swap3A_433 = tpu.vector_load %arg8[%swap3A_431, %swap3A_432] {strides = array<i32>} : memref<16x1024xf32, #tpu.memory_space<vmem>>, vector<1x16xf32>,
      %swap3A_434 = vector.shape_cast %swap3A_433 : vector<1x16xf32> to vector<16xf32>
      %swap3A_435 = vector.shape_cast %add3A_430 : vector<16xf32> to vector<1x16xf32>
      tpu.vector_store %arg8[%swap3A_431, %swap3A_432], %swap3A_435 {strides = array<i32>} : memref<16x1024xf32, #tpu.memory_space<vmem>>, vector<1x16xf32>,
      %get3A_436 = arith.index_cast %scan3A_156 : i32 to index
      %get3A_437 = arith.constant 320 : index
      %get3A_438 = tpu.vector_load %arg8[%get3A_436, %get3A_437] {strides = array<i32>} : memref<16x1024xf32, #tpu.memory_space<vmem>>, vector<1x16xf32>,
      %get3A_439 = vector.shape_cast %get3A_438 : vector<1x16xf32> to vector<16xf32>
      %get3A_440 = arith.index_cast %scan3A_156 : i32 to index
      %get3A_441 = arith.constant 320 : index
      %get3A_442 = tpu.vector_load %arg10[%get3A_440, %get3A_441] {strides = array<i32>} : memref<16x1024xf32, #tpu.memory_space<vmem>>, vector<1x16xf32>,
      %get3A_443 = vector.shape_cast %get3A_442 : vector<1x16xf32> to vector<16xf32>
      %add3A_444 = arith.addf %get3A_439, %get3A_443 : vector<16xf32>
      %swap3A_445 = arith.index_cast %scan3A_156 : i32 to index
      %swap3A_446 = arith.constant 320 : index
      %swap3A_447 = tpu.vector_load %arg8[%swap3A_445, %swap3A_446] {strides = array<i32>} : memref<16x1024xf32, #tpu.memory_space<vmem>>, vector<1x16xf32>,
      %swap3A_448 = vector.shape_cast %swap3A_447 : vector<1x16xf32> to vector<16xf32>
      %swap3A_449 = vector.shape_cast %add3A_444 : vector<16xf32> to vector<1x16xf32>
      tpu.vector_store %arg8[%swap3A_445, %swap3A_446], %swap3A_449 {strides = array<i32>} : memref<16x1024xf32, #tpu.memory_space<vmem>>, vector<1x16xf32>,
      %get3A_450 = arith.index_cast %scan3A_156 : i32 to index
      %get3A_451 = arith.constant 336 : index
      %get3A_452 = tpu.vector_load %arg8[%get3A_450, %get3A_451] {strides = array<i32>} : memref<16x1024xf32, #tpu.memory_space<vmem>>, vector<1x16xf32>,
      %get3A_453 = vector.shape_cast %get3A_452 : vector<1x16xf32> to vector<16xf32>
      %get3A_454 = arith.index_cast %scan3A_156 : i32 to index
      %get3A_455 = arith.constant 336 : index
      %get3A_456 = tpu.vector_load %arg10[%get3A_454, %get3A_455] {strides = array<i32>} : memref<16x1024xf32, #tpu.memory_space<vmem>>, vector<1x16xf32>,
      %get3A_457 = vector.shape_cast %get3A_456 : vector<1x16xf32> to vector<16xf32>
      %add3A_458 = arith.addf %get3A_453, %get3A_457 : vector<16xf32>
      %swap3A_459 = arith.index_cast %scan3A_156 : i32 to index
      %swap3A_460 = arith.constant 336 : index
      %swap3A_461 = tpu.vector_load %arg8[%swap3A_459, %swap3A_460] {strides = array<i32>} : memref<16x1024xf32, #tpu.memory_space<vmem>>, vector<1x16xf32>,
      %swap3A_462 = vector.shape_cast %swap3A_461 : vector<1x16xf32> to vector<16xf32>
      %swap3A_463 = vector.shape_cast %add3A_458 : vector<16xf32> to vector<1x16xf32>
      tpu.vector_store %arg8[%swap3A_459, %swap3A_460], %swap3A_463 {strides = array<i32>} : memref<16x1024xf32, #tpu.memory_space<vmem>>, vector<1x16xf32>,
      %get3A_464 = arith.index_cast %scan3A_156 : i32 to index
      %get3A_465 = arith.constant 352 : index
      %get3A_466 = tpu.vector_load %arg8[%get3A_464, %get3A_465] {strides = array<i32>} : memref<16x1024xf32, #tpu.memory_space<vmem>>, vector<1x16xf32>,
      %get3A_467 = vector.shape_cast %get3A_466 : vector<1x16xf32> to vector<16xf32>
      %get3A_468 = arith.index_cast %scan3A_156 : i32 to index
      %get3A_469 = arith.constant 352 : index
      %get3A_470 = tpu.vector_load %arg10[%get3A_468, %get3A_469] {strides = array<i32>} : memref<16x1024xf32, #tpu.memory_space<vmem>>, vector<1x16xf32>,
      %get3A_471 = vector.shape_cast %get3A_470 : vector<1x16xf32> to vector<16xf32>
      %add3A_472 = arith.addf %get3A_467, %get3A_471 : vector<16xf32>
      %swap3A_473 = arith.index_cast %scan3A_156 : i32 to index
      %swap3A_474 = arith.constant 352 : index
      %swap3A_475 = tpu.vector_load %arg8[%swap3A_473, %swap3A_474] {strides = array<i32>} : memref<16x1024xf32, #tpu.memory_space<vmem>>, vector<1x16xf32>,
      %swap3A_476 = vector.shape_cast %swap3A_475 : vector<1x16xf32> to vector<16xf32>
      %swap3A_477 = vector.shape_cast %add3A_472 : vector<16xf32> to vector<1x16xf32>
      tpu.vector_store %arg8[%swap3A_473, %swap3A_474], %swap3A_477 {strides = array<i32>} : memref<16x1024xf32, #tpu.memory_space<vmem>>, vector<1x16xf32>,
      %get3A_478 = arith.index_cast %scan3A_156 : i32 to index
      %get3A_479 = arith.constant 368 : index
      %get3A_480 = tpu.vector_load %arg8[%get3A_478, %get3A_479] {strides = array<i32>} : memref<16x1024xf32, #tpu.memory_space<vmem>>, vector<1x16xf32>,
      %get3A_481 = vector.shape_cast %get3A_480 : vector<1x16xf32> to vector<16xf32>
      %get3A_482 = arith.index_cast %scan3A_156 : i32 to index
      %get3A_483 = arith.constant 368 : index
      %get3A_484 = tpu.vector_load %arg10[%get3A_482, %get3A_483] {strides = array<i32>} : memref<16x1024xf32, #tpu.memory_space<vmem>>, vector<1x16xf32>,
      %get3A_485 = vector.shape_cast %get3A_484 : vector<1x16xf32> to vector<16xf32>
      %add3A_486 = arith.addf %get3A_481, %get3A_485 : vector<16xf32>
      %swap3A_487 = arith.index_cast %scan3A_156 : i32 to index
      %swap3A_488 = arith.constant 368 : index
      %swap3A_489 = tpu.vector_load %arg8[%swap3A_487, %swap3A_488] {strides = array<i32>} : memref<16x1024xf32, #tpu.memory_space<vmem>>, vector<1x16xf32>,
      %swap3A_490 = vector.shape_cast %swap3A_489 : vector<1x16xf32> to vector<16xf32>
      %swap3A_491 = vector.shape_cast %add3A_486 : vector<16xf32> to vector<1x16xf32>
      tpu.vector_store %arg8[%swap3A_487, %swap3A_488], %swap3A_491 {strides = array<i32>} : memref<16x1024xf32, #tpu.memory_space<vmem>>, vector<1x16xf32>,
      %get3A_492 = arith.index_cast %scan3A_156 : i32 to index
      %get3A_493 = arith.constant 384 : index
      %get3A_494 = tpu.vector_load %arg8[%get3A_492, %get3A_493] {strides = array<i32>} : memref<16x1024xf32, #tpu.memory_space<vmem>>, vector<1x16xf32>,
      %get3A_495 = vector.shape_cast %get3A_494 : vector<1x16xf32> to vector<16xf32>
      %get3A_496 = arith.index_cast %scan3A_156 : i32 to index
      %get3A_497 = arith.constant 384 : index
      %get3A_498 = tpu.vector_load %arg10[%get3A_496, %get3A_497] {strides = array<i32>} : memref<16x1024xf32, #tpu.memory_space<vmem>>, vector<1x16xf32>,
      %get3A_499 = vector.shape_cast %get3A_498 : vector<1x16xf32> to vector<16xf32>
      %add3A_500 = arith.addf %get3A_495, %get3A_499 : vector<16xf32>
      %swap3A_501 = arith.index_cast %scan3A_156 : i32 to index
      %swap3A_502 = arith.constant 384 : index
      %swap3A_503 = tpu.vector_load %arg8[%swap3A_501, %swap3A_502] {strides = array<i32>} : memref<16x1024xf32, #tpu.memory_space<vmem>>, vector<1x16xf32>,
      %swap3A_504 = vector.shape_cast %swap3A_503 : vector<1x16xf32> to vector<16xf32>
      %swap3A_505 = vector.shape_cast %add3A_500 : vector<16xf32> to vector<1x16xf32>
      tpu.vector_store %arg8[%swap3A_501, %swap3A_502], %swap3A_505 {strides = array<i32>} : memref<16x1024xf32, #tpu.memory_space<vmem>>, vector<1x16xf32>,
      %get3A_506 = arith.index_cast %scan3A_156 : i32 to index
      %get3A_507 = arith.constant 400 : index
      %get3A_508 = tpu.vector_load %arg8[%get3A_506, %get3A_507] {strides = array<i32>} : memref<16x1024xf32, #tpu.memory_space<vmem>>, vector<1x16xf32>,
      %get3A_509 = vector.shape_cast %get3A_508 : vector<1x16xf32> to vector<16xf32>
      %get3A_510 = arith.index_cast %scan3A_156 : i32 to index
      %get3A_511 = arith.constant 400 : index
      %get3A_512 = tpu.vector_load %arg10[%get3A_510, %get3A_511] {strides = array<i32>} : memref<16x1024xf32, #tpu.memory_space<vmem>>, vector<1x16xf32>,
      %get3A_513 = vector.shape_cast %get3A_512 : vector<1x16xf32> to vector<16xf32>
      %add3A_514 = arith.addf %get3A_509, %get3A_513 : vector<16xf32>
      %swap3A_515 = arith.index_cast %scan3A_156 : i32 to index
      %swap3A_516 = arith.constant 400 : index
      %swap3A_517 = tpu.vector_load %arg8[%swap3A_515, %swap3A_516] {strides = array<i32>} : memref<16x1024xf32, #tpu.memory_space<vmem>>, vector<1x16xf32>,
      %swap3A_518 = vector.shape_cast %swap3A_517 : vector<1x16xf32> to vector<16xf32>
      %swap3A_519 = vector.shape_cast %add3A_514 : vector<16xf32> to vector<1x16xf32>
      tpu.vector_store %arg8[%swap3A_515, %swap3A_516], %swap3A_519 {strides = array<i32>} : memref<16x1024xf32, #tpu.memory_space<vmem>>, vector<1x16xf32>,
      %get3A_520 = arith.index_cast %scan3A_156 : i32 to index
      %get3A_521 = arith.constant 416 : index
      %get3A_522 = tpu.vector_load %arg8[%get3A_520, %get3A_521] {strides = array<i32>} : memref<16x1024xf32, #tpu.memory_space<vmem>>, vector<1x16xf32>,
      %get3A_523 = vector.shape_cast %get3A_522 : vector<1x16xf32> to vector<16xf32>
      %get3A_524 = arith.index_cast %scan3A_156 : i32 to index
      %get3A_525 = arith.constant 416 : index
      %get3A_526 = tpu.vector_load %arg10[%get3A_524, %get3A_525] {strides = array<i32>} : memref<16x1024xf32, #tpu.memory_space<vmem>>, vector<1x16xf32>,
      %get3A_527 = vector.shape_cast %get3A_526 : vector<1x16xf32> to vector<16xf32>
      %add3A_528 = arith.addf %get3A_523, %get3A_527 : vector<16xf32>
      %swap3A_529 = arith.index_cast %scan3A_156 : i32 to index
      %swap3A_530 = arith.constant 416 : index
      %swap3A_531 = tpu.vector_load %arg8[%swap3A_529, %swap3A_530] {strides = array<i32>} : memref<16x1024xf32, #tpu.memory_space<vmem>>, vector<1x16xf32>,
      %swap3A_532 = vector.shape_cast %swap3A_531 : vector<1x16xf32> to vector<16xf32>
      %swap3A_533 = vector.shape_cast %add3A_528 : vector<16xf32> to vector<1x16xf32>
      tpu.vector_store %arg8[%swap3A_529, %swap3A_530], %swap3A_533 {strides = array<i32>} : memref<16x1024xf32, #tpu.memory_space<vmem>>, vector<1x16xf32>,
      %get3A_534 = arith.index_cast %scan3A_156 : i32 to index
      %get3A_535 = arith.constant 432 : index
      %get3A_536 = tpu.vector_load %arg8[%get3A_534, %get3A_535] {strides = array<i32>} : memref<16x1024xf32, #tpu.memory_space<vmem>>, vector<1x16xf32>,
      %get3A_537 = vector.shape_cast %get3A_536 : vector<1x16xf32> to vector<16xf32>
      %get3A_538 = arith.index_cast %scan3A_156 : i32 to index
      %get3A_539 = arith.constant 432 : index
      %get3A_540 = tpu.vector_load %arg10[%get3A_538, %get3A_539] {strides = array<i32>} : memref<16x1024xf32, #tpu.memory_space<vmem>>, vector<1x16xf32>,
      %get3A_541 = vector.shape_cast %get3A_540 : vector<1x16xf32> to vector<16xf32>
      %add3A_542 = arith.addf %get3A_537, %get3A_541 : vector<16xf32>
      %swap3A_543 = arith.index_cast %scan3A_156 : i32 to index
      %swap3A_544 = arith.constant 432 : index
      %swap3A_545 = tpu.vector_load %arg8[%swap3A_543, %swap3A_544] {strides = array<i32>} : memref<16x1024xf32, #tpu.memory_space<vmem>>, vector<1x16xf32>,
      %swap3A_546 = vector.shape_cast %swap3A_545 : vector<1x16xf32> to vector<16xf32>
      %swap3A_547 = vector.shape_cast %add3A_542 : vector<16xf32> to vector<1x16xf32>
      tpu.vector_store %arg8[%swap3A_543, %swap3A_544], %swap3A_547 {strides = array<i32>} : memref<16x1024xf32, #tpu.memory_space<vmem>>, vector<1x16xf32>,
      %get3A_548 = arith.index_cast %scan3A_156 : i32 to index
      %get3A_549 = arith.constant 448 : index
      %get3A_550 = tpu.vector_load %arg8[%get3A_548, %get3A_549] {strides = array<i32>} : memref<16x1024xf32, #tpu.memory_space<vmem>>, vector<1x16xf32>,
      %get3A_551 = vector.shape_cast %get3A_550 : vector<1x16xf32> to vector<16xf32>
      %get3A_552 = arith.index_cast %scan3A_156 : i32 to index
      %get3A_553 = arith.constant 448 : index
      %get3A_554 = tpu.vector_load %arg10[%get3A_552, %get3A_553] {strides = array<i32>} : memref<16x1024xf32, #tpu.memory_space<vmem>>, vector<1x16xf32>,
      %get3A_555 = vector.shape_cast %get3A_554 : vector<1x16xf32> to vector<16xf32>
      %add3A_556 = arith.addf %get3A_551, %get3A_555 : vector<16xf32>
      %swap3A_557 = arith.index_cast %scan3A_156 : i32 to index
      %swap3A_558 = arith.constant 448 : index
      %swap3A_559 = tpu.vector_load %arg8[%swap3A_557, %swap3A_558] {strides = array<i32>} : memref<16x1024xf32, #tpu.memory_space<vmem>>, vector<1x16xf32>,
      %swap3A_560 = vector.shape_cast %swap3A_559 : vector<1x16xf32> to vector<16xf32>
      %swap3A_561 = vector.shape_cast %add3A_556 : vector<16xf32> to vector<1x16xf32>
      tpu.vector_store %arg8[%swap3A_557, %swap3A_558], %swap3A_561 {strides = array<i32>} : memref<16x1024xf32, #tpu.memory_space<vmem>>, vector<1x16xf32>,
      %get3A_562 = arith.index_cast %scan3A_156 : i32 to index
      %get3A_563 = arith.constant 464 : index
      %get3A_564 = tpu.vector_load %arg8[%get3A_562, %get3A_563] {strides = array<i32>} : memref<16x1024xf32, #tpu.memory_space<vmem>>, vector<1x16xf32>,
      %get3A_565 = vector.shape_cast %get3A_564 : vector<1x16xf32> to vector<16xf32>
      %get3A_566 = arith.index_cast %scan3A_156 : i32 to index
      %get3A_567 = arith.constant 464 : index
      %get3A_568 = tpu.vector_load %arg10[%get3A_566, %get3A_567] {strides = array<i32>} : memref<16x1024xf32, #tpu.memory_space<vmem>>, vector<1x16xf32>,
      %get3A_569 = vector.shape_cast %get3A_568 : vector<1x16xf32> to vector<16xf32>
      %add3A_570 = arith.addf %get3A_565, %get3A_569 : vector<16xf32>
      %swap3A_571 = arith.index_cast %scan3A_156 : i32 to index
      %swap3A_572 = arith.constant 464 : index
      %swap3A_573 = tpu.vector_load %arg8[%swap3A_571, %swap3A_572] {strides = array<i32>} : memref<16x1024xf32, #tpu.memory_space<vmem>>, vector<1x16xf32>,
      %swap3A_574 = vector.shape_cast %swap3A_573 : vector<1x16xf32> to vector<16xf32>
      %swap3A_575 = vector.shape_cast %add3A_570 : vector<16xf32> to vector<1x16xf32>
      tpu.vector_store %arg8[%swap3A_571, %swap3A_572], %swap3A_575 {strides = array<i32>} : memref<16x1024xf32, #tpu.memory_space<vmem>>, vector<1x16xf32>,
      %get3A_576 = arith.index_cast %scan3A_156 : i32 to index
      %get3A_577 = arith.constant 480 : index
      %get3A_578 = tpu.vector_load %arg8[%get3A_576, %get3A_577] {strides = array<i32>} : memref<16x1024xf32, #tpu.memory_space<vmem>>, vector<1x16xf32>,
      %get3A_579 = vector.shape_cast %get3A_578 : vector<1x16xf32> to vector<16xf32>
      %get3A_580 = arith.index_cast %scan3A_156 : i32 to index
      %get3A_581 = arith.constant 480 : index
      %get3A_582 = tpu.vector_load %arg10[%get3A_580, %get3A_581] {strides = array<i32>} : memref<16x1024xf32, #tpu.memory_space<vmem>>, vector<1x16xf32>,
      %get3A_583 = vector.shape_cast %get3A_582 : vector<1x16xf32> to vector<16xf32>
      %add3A_584 = arith.addf %get3A_579, %get3A_583 : vector<16xf32>
      %swap3A_585 = arith.index_cast %scan3A_156 : i32 to index
      %swap3A_586 = arith.constant 480 : index
      %swap3A_587 = tpu.vector_load %arg8[%swap3A_585, %swap3A_586] {strides = array<i32>} : memref<16x1024xf32, #tpu.memory_space<vmem>>, vector<1x16xf32>,
      %swap3A_588 = vector.shape_cast %swap3A_587 : vector<1x16xf32> to vector<16xf32>
      %swap3A_589 = vector.shape_cast %add3A_584 : vector<16xf32> to vector<1x16xf32>
      tpu.vector_store %arg8[%swap3A_585, %swap3A_586], %swap3A_589 {strides = array<i32>} : memref<16x1024xf32, #tpu.memory_space<vmem>>, vector<1x16xf32>,
      %get3A_590 = arith.index_cast %scan3A_156 : i32 to index
      %get3A_591 = arith.constant 496 : index
      %get3A_592 = tpu.vector_load %arg8[%get3A_590, %get3A_591] {strides = array<i32>} : memref<16x1024xf32, #tpu.memory_space<vmem>>, vector<1x16xf32>,
      %get3A_593 = vector.shape_cast %get3A_592 : vector<1x16xf32> to vector<16xf32>
      %get3A_594 = arith.index_cast %scan3A_156 : i32 to index
      %get3A_595 = arith.constant 496 : index
      %get3A_596 = tpu.vector_load %arg10[%get3A_594, %get3A_595] {strides = array<i32>} : memref<16x1024xf32, #tpu.memory_space<vmem>>, vector<1x16xf32>,
      %get3A_597 = vector.shape_cast %get3A_596 : vector<1x16xf32> to vector<16xf32>
      %add3A_598 = arith.addf %get3A_593, %get3A_597 : vector<16xf32>
      %swap3A_599 = arith.index_cast %scan3A_156 : i32 to index
      %swap3A_600 = arith.constant 496 : index
      %swap3A_601 = tpu.vector_load %arg8[%swap3A_599, %swap3A_600] {strides = array<i32>} : memref<16x1024xf32, #tpu.memory_space<vmem>>, vector<1x16xf32>,
      %swap3A_602 = vector.shape_cast %swap3A_601 : vector<1x16xf32> to vector<16xf32>
      %swap3A_603 = vector.shape_cast %add3A_598 : vector<16xf32> to vector<1x16xf32>
      tpu.vector_store %arg8[%swap3A_599, %swap3A_600], %swap3A_603 {strides = array<i32>} : memref<16x1024xf32, #tpu.memory_space<vmem>>, vector<1x16xf32>,
      %get3A_604 = arith.index_cast %scan3A_156 : i32 to index
      %get3A_605 = arith.constant 512 : index
      %get3A_606 = tpu.vector_load %arg8[%get3A_604, %get3A_605] {strides = array<i32>} : memref<16x1024xf32, #tpu.memory_space<vmem>>, vector<1x16xf32>,
      %get3A_607 = vector.shape_cast %get3A_606 : vector<1x16xf32> to vector<16xf32>
      %get3A_608 = arith.index_cast %scan3A_156 : i32 to index
      %get3A_609 = arith.constant 512 : index
      %get3A_610 = tpu.vector_load %arg10[%get3A_608, %get3A_609] {strides = array<i32>} : memref<16x1024xf32, #tpu.memory_space<vmem>>, vector<1x16xf32>,
      %get3A_611 = vector.shape_cast %get3A_610 : vector<1x16xf32> to vector<16xf32>
      %add3A_612 = arith.addf %get3A_607, %get3A_611 : vector<16xf32>
      %swap3A_613 = arith.index_cast %scan3A_156 : i32 to index
      %swap3A_614 = arith.constant 512 : index
      %swap3A_615 = tpu.vector_load %arg8[%swap3A_613, %swap3A_614] {strides = array<i32>} : memref<16x1024xf32, #tpu.memory_space<vmem>>, vector<1x16xf32>,
      %swap3A_616 = vector.shape_cast %swap3A_615 : vector<1x16xf32> to vector<16xf32>
      %swap3A_617 = vector.shape_cast %add3A_612 : vector<16xf32> to vector<1x16xf32>
      tpu.vector_store %arg8[%swap3A_613, %swap3A_614], %swap3A_617 {strides = array<i32>} : memref<16x1024xf32, #tpu.memory_space<vmem>>, vector<1x16xf32>,
      %get3A_618 = arith.index_cast %scan3A_156 : i32 to index
      %get3A_619 = arith.constant 528 : index
      %get3A_620 = tpu.vector_load %arg8[%get3A_618, %get3A_619] {strides = array<i32>} : memref<16x1024xf32, #tpu.memory_space<vmem>>, vector<1x16xf32>,
      %get3A_621 = vector.shape_cast %get3A_620 : vector<1x16xf32> to vector<16xf32>
      %get3A_622 = arith.index_cast %scan3A_156 : i32 to index
      %get3A_623 = arith.constant 528 : index
      %get3A_624 = tpu.vector_load %arg10[%get3A_622, %get3A_623] {strides = array<i32>} : memref<16x1024xf32, #tpu.memory_space<vmem>>, vector<1x16xf32>,
      %get3A_625 = vector.shape_cast %get3A_624 : vector<1x16xf32> to vector<16xf32>
      %add3A_626 = arith.addf %get3A_621, %get3A_625 : vector<16xf32>
      %swap3A_627 = arith.index_cast %scan3A_156 : i32 to index
      %swap3A_628 = arith.constant 528 : index
      %swap3A_629 = tpu.vector_load %arg8[%swap3A_627, %swap3A_628] {strides = array<i32>} : memref<16x1024xf32, #tpu.memory_space<vmem>>, vector<1x16xf32>,
      %swap3A_630 = vector.shape_cast %swap3A_629 : vector<1x16xf32> to vector<16xf32>
      %swap3A_631 = vector.shape_cast %add3A_626 : vector<16xf32> to vector<1x16xf32>
      tpu.vector_store %arg8[%swap3A_627, %swap3A_628], %swap3A_631 {strides = array<i32>} : memref<16x1024xf32, #tpu.memory_space<vmem>>, vector<1x16xf32>,
      %get3A_632 = arith.index_cast %scan3A_156 : i32 to index
      %get3A_633 = arith.constant 544 : index
      %get3A_634 = tpu.vector_load %arg8[%get3A_632, %get3A_633] {strides = array<i32>} : memref<16x1024xf32, #tpu.memory_space<vmem>>, vector<1x16xf32>,
      %get3A_635 = vector.shape_cast %get3A_634 : vector<1x16xf32> to vector<16xf32>
      %get3A_636 = arith.index_cast %scan3A_156 : i32 to index
      %get3A_637 = arith.constant 544 : index
      %get3A_638 = tpu.vector_load %arg10[%get3A_636, %get3A_637] {strides = array<i32>} : memref<16x1024xf32, #tpu.memory_space<vmem>>, vector<1x16xf32>,
      %get3A_639 = vector.shape_cast %get3A_638 : vector<1x16xf32> to vector<16xf32>
      %add3A_640 = arith.addf %get3A_635, %get3A_639 : vector<16xf32>
      %swap3A_641 = arith.index_cast %scan3A_156 : i32 to index
      %swap3A_642 = arith.constant 544 : index
      %swap3A_643 = tpu.vector_load %arg8[%swap3A_641, %swap3A_642] {strides = array<i32>} : memref<16x1024xf32, #tpu.memory_space<vmem>>, vector<1x16xf32>,
      %swap3A_644 = vector.shape_cast %swap3A_643 : vector<1x16xf32> to vector<16xf32>
      %swap3A_645 = vector.shape_cast %add3A_640 : vector<16xf32> to vector<1x16xf32>
      tpu.vector_store %arg8[%swap3A_641, %swap3A_642], %swap3A_645 {strides = array<i32>} : memref<16x1024xf32, #tpu.memory_space<vmem>>, vector<1x16xf32>,
      %get3A_646 = arith.index_cast %scan3A_156 : i32 to index
      %get3A_647 = arith.constant 560 : index
      %get3A_648 = tpu.vector_load %arg8[%get3A_646, %get3A_647] {strides = array<i32>} : memref<16x1024xf32, #tpu.memory_space<vmem>>, vector<1x16xf32>,
      %get3A_649 = vector.shape_cast %get3A_648 : vector<1x16xf32> to vector<16xf32>
      %get3A_650 = arith.index_cast %scan3A_156 : i32 to index
      %get3A_651 = arith.constant 560 : index
      %get3A_652 = tpu.vector_load %arg10[%get3A_650, %get3A_651] {strides = array<i32>} : memref<16x1024xf32, #tpu.memory_space<vmem>>, vector<1x16xf32>,
      %get3A_653 = vector.shape_cast %get3A_652 : vector<1x16xf32> to vector<16xf32>
      %add3A_654 = arith.addf %get3A_649, %get3A_653 : vector<16xf32>
      %swap3A_655 = arith.index_cast %scan3A_156 : i32 to index
      %swap3A_656 = arith.constant 560 : index
      %swap3A_657 = tpu.vector_load %arg8[%swap3A_655, %swap3A_656] {strides = array<i32>} : memref<16x1024xf32, #tpu.memory_space<vmem>>, vector<1x16xf32>,
      %swap3A_658 = vector.shape_cast %swap3A_657 : vector<1x16xf32> to vector<16xf32>
      %swap3A_659 = vector.shape_cast %add3A_654 : vector<16xf32> to vector<1x16xf32>
      tpu.vector_store %arg8[%swap3A_655, %swap3A_656], %swap3A_659 {strides = array<i32>} : memref<16x1024xf32, #tpu.memory_space<vmem>>, vector<1x16xf32>,
      %get3A_660 = arith.index_cast %scan3A_156 : i32 to index
      %get3A_661 = arith.constant 576 : index
      %get3A_662 = tpu.vector_load %arg8[%get3A_660, %get3A_661] {strides = array<i32>} : memref<16x1024xf32, #tpu.memory_space<vmem>>, vector<1x16xf32>,
      %get3A_663 = vector.shape_cast %get3A_662 : vector<1x16xf32> to vector<16xf32>
      %get3A_664 = arith.index_cast %scan3A_156 : i32 to index
      %get3A_665 = arith.constant 576 : index
      %get3A_666 = tpu.vector_load %arg10[%get3A_664, %get3A_665] {strides = array<i32>} : memref<16x1024xf32, #tpu.memory_space<vmem>>, vector<1x16xf32>,
      %get3A_667 = vector.shape_cast %get3A_666 : vector<1x16xf32> to vector<16xf32>
      %add3A_668 = arith.addf %get3A_663, %get3A_667 : vector<16xf32>
      %swap3A_669 = arith.index_cast %scan3A_156 : i32 to index
      %swap3A_670 = arith.constant 576 : index
      %swap3A_671 = tpu.vector_load %arg8[%swap3A_669, %swap3A_670] {strides = array<i32>} : memref<16x1024xf32, #tpu.memory_space<vmem>>, vector<1x16xf32>,
      %swap3A_672 = vector.shape_cast %swap3A_671 : vector<1x16xf32> to vector<16xf32>
      %swap3A_673 = vector.shape_cast %add3A_668 : vector<16xf32> to vector<1x16xf32>
      tpu.vector_store %arg8[%swap3A_669, %swap3A_670], %swap3A_673 {strides = array<i32>} : memref<16x1024xf32, #tpu.memory_space<vmem>>, vector<1x16xf32>,
      %get3A_674 = arith.index_cast %scan3A_156 : i32 to index
      %get3A_675 = arith.constant 592 : index
      %get3A_676 = tpu.vector_load %arg8[%get3A_674, %get3A_675] {strides = array<i32>} : memref<16x1024xf32, #tpu.memory_space<vmem>>, vector<1x16xf32>,
      %get3A_677 = vector.shape_cast %get3A_676 : vector<1x16xf32> to vector<16xf32>
      %get3A_678 = arith.index_cast %scan3A_156 : i32 to index
      %get3A_679 = arith.constant 592 : index
      %get3A_680 = tpu.vector_load %arg10[%get3A_678, %get3A_679] {strides = array<i32>} : memref<16x1024xf32, #tpu.memory_space<vmem>>, vector<1x16xf32>,
      %get3A_681 = vector.shape_cast %get3A_680 : vector<1x16xf32> to vector<16xf32>
      %add3A_682 = arith.addf %get3A_677, %get3A_681 : vector<16xf32>
      %swap3A_683 = arith.index_cast %scan3A_156 : i32 to index
      %swap3A_684 = arith.constant 592 : index
      %swap3A_685 = tpu.vector_load %arg8[%swap3A_683, %swap3A_684] {strides = array<i32>} : memref<16x1024xf32, #tpu.memory_space<vmem>>, vector<1x16xf32>,
      %swap3A_686 = vector.shape_cast %swap3A_685 : vector<1x16xf32> to vector<16xf32>
      %swap3A_687 = vector.shape_cast %add3A_682 : vector<16xf32> to vector<1x16xf32>
      tpu.vector_store %arg8[%swap3A_683, %swap3A_684], %swap3A_687 {strides = array<i32>} : memref<16x1024xf32, #tpu.memory_space<vmem>>, vector<1x16xf32>,
      %get3A_688 = arith.index_cast %scan3A_156 : i32 to index
      %get3A_689 = arith.constant 608 : index
      %get3A_690 = tpu.vector_load %arg8[%get3A_688, %get3A_689] {strides = array<i32>} : memref<16x1024xf32, #tpu.memory_space<vmem>>, vector<1x16xf32>,
      %get3A_691 = vector.shape_cast %get3A_690 : vector<1x16xf32> to vector<16xf32>
      %get3A_692 = arith.index_cast %scan3A_156 : i32 to index
      %get3A_693 = arith.constant 608 : index
      %get3A_694 = tpu.vector_load %arg10[%get3A_692, %get3A_693] {strides = array<i32>} : memref<16x1024xf32, #tpu.memory_space<vmem>>, vector<1x16xf32>,
      %get3A_695 = vector.shape_cast %get3A_694 : vector<1x16xf32> to vector<16xf32>
      %add3A_696 = arith.addf %get3A_691, %get3A_695 : vector<16xf32>
      %swap3A_697 = arith.index_cast %scan3A_156 : i32 to index
      %swap3A_698 = arith.constant 608 : index
      %swap3A_699 = tpu.vector_load %arg8[%swap3A_697, %swap3A_698] {strides = array<i32>} : memref<16x1024xf32, #tpu.memory_space<vmem>>, vector<1x16xf32>,
      %swap3A_700 = vector.shape_cast %swap3A_699 : vector<1x16xf32> to vector<16xf32>
      %swap3A_701 = vector.shape_cast %add3A_696 : vector<16xf32> to vector<1x16xf32>
      tpu.vector_store %arg8[%swap3A_697, %swap3A_698], %swap3A_701 {strides = array<i32>} : memref<16x1024xf32, #tpu.memory_space<vmem>>, vector<1x16xf32>,
      %get3A_702 = arith.index_cast %scan3A_156 : i32 to index
      %get3A_703 = arith.constant 624 : index
      %get3A_704 = tpu.vector_load %arg8[%get3A_702, %get3A_703] {strides = array<i32>} : memref<16x1024xf32, #tpu.memory_space<vmem>>, vector<1x16xf32>,
      %get3A_705 = vector.shape_cast %get3A_704 : vector<1x16xf32> to vector<16xf32>
      %get3A_706 = arith.index_cast %scan3A_156 : i32 to index
      %get3A_707 = arith.constant 624 : index
      %get3A_708 = tpu.vector_load %arg10[%get3A_706, %get3A_707] {strides = array<i32>} : memref<16x1024xf32, #tpu.memory_space<vmem>>, vector<1x16xf32>,
      %get3A_709 = vector.shape_cast %get3A_708 : vector<1x16xf32> to vector<16xf32>
      %add3A_710 = arith.addf %get3A_705, %get3A_709 : vector<16xf32>
      %swap3A_711 = arith.index_cast %scan3A_156 : i32 to index
      %swap3A_712 = arith.constant 624 : index
      %swap3A_713 = tpu.vector_load %arg8[%swap3A_711, %swap3A_712] {strides = array<i32>} : memref<16x1024xf32, #tpu.memory_space<vmem>>, vector<1x16xf32>,
      %swap3A_714 = vector.shape_cast %swap3A_713 : vector<1x16xf32> to vector<16xf32>
      %swap3A_715 = vector.shape_cast %add3A_710 : vector<16xf32> to vector<1x16xf32>
      tpu.vector_store %arg8[%swap3A_711, %swap3A_712], %swap3A_715 {strides = array<i32>} : memref<16x1024xf32, #tpu.memory_space<vmem>>, vector<1x16xf32>,
      %get3A_716 = arith.index_cast %scan3A_156 : i32 to index
      %get3A_717 = arith.constant 640 : index
      %get3A_718 = tpu.vector_load %arg8[%get3A_716, %get3A_717] {strides = array<i32>} : memref<16x1024xf32, #tpu.memory_space<vmem>>, vector<1x16xf32>,
      %get3A_719 = vector.shape_cast %get3A_718 : vector<1x16xf32> to vector<16xf32>
      %get3A_720 = arith.index_cast %scan3A_156 : i32 to index
      %get3A_721 = arith.constant 640 : index
      %get3A_722 = tpu.vector_load %arg10[%get3A_720, %get3A_721] {strides = array<i32>} : memref<16x1024xf32, #tpu.memory_space<vmem>>, vector<1x16xf32>,
      %get3A_723 = vector.shape_cast %get3A_722 : vector<1x16xf32> to vector<16xf32>
      %add3A_724 = arith.addf %get3A_719, %get3A_723 : vector<16xf32>
      %swap3A_725 = arith.index_cast %scan3A_156 : i32 to index
      %swap3A_726 = arith.constant 640 : index
      %swap3A_727 = tpu.vector_load %arg8[%swap3A_725, %swap3A_726] {strides = array<i32>} : memref<16x1024xf32, #tpu.memory_space<vmem>>, vector<1x16xf32>,
      %swap3A_728 = vector.shape_cast %swap3A_727 : vector<1x16xf32> to vector<16xf32>
      %swap3A_729 = vector.shape_cast %add3A_724 : vector<16xf32> to vector<1x16xf32>
      tpu.vector_store %arg8[%swap3A_725, %swap3A_726], %swap3A_729 {strides = array<i32>} : memref<16x1024xf32, #tpu.memory_space<vmem>>, vector<1x16xf32>,
      %get3A_730 = arith.index_cast %scan3A_156 : i32 to index
      %get3A_731 = arith.constant 656 : index
      %get3A_732 = tpu.vector_load %arg8[%get3A_730, %get3A_731] {strides = array<i32>} : memref<16x1024xf32, #tpu.memory_space<vmem>>, vector<1x16xf32>,
      %get3A_733 = vector.shape_cast %get3A_732 : vector<1x16xf32> to vector<16xf32>
      %get3A_734 = arith.index_cast %scan3A_156 : i32 to index
      %get3A_735 = arith.constant 656 : index
      %get3A_736 = tpu.vector_load %arg10[%get3A_734, %get3A_735] {strides = array<i32>} : memref<16x1024xf32, #tpu.memory_space<vmem>>, vector<1x16xf32>,
      %get3A_737 = vector.shape_cast %get3A_736 : vector<1x16xf32> to vector<16xf32>
      %add3A_738 = arith.addf %get3A_733, %get3A_737 : vector<16xf32>
      %swap3A_739 = arith.index_cast %scan3A_156 : i32 to index
      %swap3A_740 = arith.constant 656 : index
      %swap3A_741 = tpu.vector_load %arg8[%swap3A_739, %swap3A_740] {strides = array<i32>} : memref<16x1024xf32, #tpu.memory_space<vmem>>, vector<1x16xf32>,
      %swap3A_742 = vector.shape_cast %swap3A_741 : vector<1x16xf32> to vector<16xf32>
      %swap3A_743 = vector.shape_cast %add3A_738 : vector<16xf32> to vector<1x16xf32>
      tpu.vector_store %arg8[%swap3A_739, %swap3A_740], %swap3A_743 {strides = array<i32>} : memref<16x1024xf32, #tpu.memory_space<vmem>>, vector<1x16xf32>,
      %get3A_744 = arith.index_cast %scan3A_156 : i32 to index
      %get3A_745 = arith.constant 672 : index
      %get3A_746 = tpu.vector_load %arg8[%get3A_744, %get3A_745] {strides = array<i32>} : memref<16x1024xf32, #tpu.memory_space<vmem>>, vector<1x16xf32>,
      %get3A_747 = vector.shape_cast %get3A_746 : vector<1x16xf32> to vector<16xf32>
      %get3A_748 = arith.index_cast %scan3A_156 : i32 to index
      %get3A_749 = arith.constant 672 : index
      %get3A_750 = tpu.vector_load %arg10[%get3A_748, %get3A_749] {strides = array<i32>} : memref<16x1024xf32, #tpu.memory_space<vmem>>, vector<1x16xf32>,
      %get3A_751 = vector.shape_cast %get3A_750 : vector<1x16xf32> to vector<16xf32>
      %add3A_752 = arith.addf %get3A_747, %get3A_751 : vector<16xf32>
      %swap3A_753 = arith.index_cast %scan3A_156 : i32 to index
      %swap3A_754 = arith.constant 672 : index
      %swap3A_755 = tpu.vector_load %arg8[%swap3A_753, %swap3A_754] {strides = array<i32>} : memref<16x1024xf32, #tpu.memory_space<vmem>>, vector<1x16xf32>,
      %swap3A_756 = vector.shape_cast %swap3A_755 : vector<1x16xf32> to vector<16xf32>
      %swap3A_757 = vector.shape_cast %add3A_752 : vector<16xf32> to vector<1x16xf32>
      tpu.vector_store %arg8[%swap3A_753, %swap3A_754], %swap3A_757 {strides = array<i32>} : memref<16x1024xf32, #tpu.memory_space<vmem>>, vector<1x16xf32>,
      %get3A_758 = arith.index_cast %scan3A_156 : i32 to index
      %get3A_759 = arith.constant 688 : index
      %get3A_760 = tpu.vector_load %arg8[%get3A_758, %get3A_759] {strides = array<i32>} : memref<16x1024xf32, #tpu.memory_space<vmem>>, vector<1x16xf32>,
      %get3A_761 = vector.shape_cast %get3A_760 : vector<1x16xf32> to vector<16xf32>
      %get3A_762 = arith.index_cast %scan3A_156 : i32 to index
      %get3A_763 = arith.constant 688 : index
      %get3A_764 = tpu.vector_load %arg10[%get3A_762, %get3A_763] {strides = array<i32>} : memref<16x1024xf32, #tpu.memory_space<vmem>>, vector<1x16xf32>,
      %get3A_765 = vector.shape_cast %get3A_764 : vector<1x16xf32> to vector<16xf32>
      %add3A_766 = arith.addf %get3A_761, %get3A_765 : vector<16xf32>
      %swap3A_767 = arith.index_cast %scan3A_156 : i32 to index
      %swap3A_768 = arith.constant 688 : index
      %swap3A_769 = tpu.vector_load %arg8[%swap3A_767, %swap3A_768] {strides = array<i32>} : memref<16x1024xf32, #tpu.memory_space<vmem>>, vector<1x16xf32>,
      %swap3A_770 = vector.shape_cast %swap3A_769 : vector<1x16xf32> to vector<16xf32>
      %swap3A_771 = vector.shape_cast %add3A_766 : vector<16xf32> to vector<1x16xf32>
      tpu.vector_store %arg8[%swap3A_767, %swap3A_768], %swap3A_771 {strides = array<i32>} : memref<16x1024xf32, #tpu.memory_space<vmem>>, vector<1x16xf32>,
      %get3A_772 = arith.index_cast %scan3A_156 : i32 to index
      %get3A_773 = arith.constant 704 : index
      %get3A_774 = tpu.vector_load %arg8[%get3A_772, %get3A_773] {strides = array<i32>} : memref<16x1024xf32, #tpu.memory_space<vmem>>, vector<1x16xf32>,
      %get3A_775 = vector.shape_cast %get3A_774 : vector<1x16xf32> to vector<16xf32>
      %get3A_776 = arith.index_cast %scan3A_156 : i32 to index
      %get3A_777 = arith.constant 704 : index
      %get3A_778 = tpu.vector_load %arg10[%get3A_776, %get3A_777] {strides = array<i32>} : memref<16x1024xf32, #tpu.memory_space<vmem>>, vector<1x16xf32>,
      %get3A_779 = vector.shape_cast %get3A_778 : vector<1x16xf32> to vector<16xf32>
      %add3A_780 = arith.addf %get3A_775, %get3A_779 : vector<16xf32>
      %swap3A_781 = arith.index_cast %scan3A_156 : i32 to index
      %swap3A_782 = arith.constant 704 : index
      %swap3A_783 = tpu.vector_load %arg8[%swap3A_781, %swap3A_782] {strides = array<i32>} : memref<16x1024xf32, #tpu.memory_space<vmem>>, vector<1x16xf32>,
      %swap3A_784 = vector.shape_cast %swap3A_783 : vector<1x16xf32> to vector<16xf32>
      %swap3A_785 = vector.shape_cast %add3A_780 : vector<16xf32> to vector<1x16xf32>
      tpu.vector_store %arg8[%swap3A_781, %swap3A_782], %swap3A_785 {strides = array<i32>} : memref<16x1024xf32, #tpu.memory_space<vmem>>, vector<1x16xf32>,
      %get3A_786 = arith.index_cast %scan3A_156 : i32 to index
      %get3A_787 = arith.constant 720 : index
      %get3A_788 = tpu.vector_load %arg8[%get3A_786, %get3A_787] {strides = array<i32>} : memref<16x1024xf32, #tpu.memory_space<vmem>>, vector<1x16xf32>,
      %get3A_789 = vector.shape_cast %get3A_788 : vector<1x16xf32> to vector<16xf32>
      %get3A_790 = arith.index_cast %scan3A_156 : i32 to index
      %get3A_791 = arith.constant 720 : index
      %get3A_792 = tpu.vector_load %arg10[%get3A_790, %get3A_791] {strides = array<i32>} : memref<16x1024xf32, #tpu.memory_space<vmem>>, vector<1x16xf32>,
      %get3A_793 = vector.shape_cast %get3A_792 : vector<1x16xf32> to vector<16xf32>
      %add3A_794 = arith.addf %get3A_789, %get3A_793 : vector<16xf32>
      %swap3A_795 = arith.index_cast %scan3A_156 : i32 to index
      %swap3A_796 = arith.constant 720 : index
      %swap3A_797 = tpu.vector_load %arg8[%swap3A_795, %swap3A_796] {strides = array<i32>} : memref<16x1024xf32, #tpu.memory_space<vmem>>, vector<1x16xf32>,
      %swap3A_798 = vector.shape_cast %swap3A_797 : vector<1x16xf32> to vector<16xf32>
      %swap3A_799 = vector.shape_cast %add3A_794 : vector<16xf32> to vector<1x16xf32>
      tpu.vector_store %arg8[%swap3A_795, %swap3A_796], %swap3A_799 {strides = array<i32>} : memref<16x1024xf32, #tpu.memory_space<vmem>>, vector<1x16xf32>,
      %get3A_800 = arith.index_cast %scan3A_156 : i32 to index
      %get3A_801 = arith.constant 736 : index
      %get3A_802 = tpu.vector_load %arg8[%get3A_800, %get3A_801] {strides = array<i32>} : memref<16x1024xf32, #tpu.memory_space<vmem>>, vector<1x16xf32>,
      %get3A_803 = vector.shape_cast %get3A_802 : vector<1x16xf32> to vector<16xf32>
      %get3A_804 = arith.index_cast %scan3A_156 : i32 to index
      %get3A_805 = arith.constant 736 : index
      %get3A_806 = tpu.vector_load %arg10[%get3A_804, %get3A_805] {strides = array<i32>} : memref<16x1024xf32, #tpu.memory_space<vmem>>, vector<1x16xf32>,
      %get3A_807 = vector.shape_cast %get3A_806 : vector<1x16xf32> to vector<16xf32>
      %add3A_808 = arith.addf %get3A_803, %get3A_807 : vector<16xf32>
      %swap3A_809 = arith.index_cast %scan3A_156 : i32 to index
      %swap3A_810 = arith.constant 736 : index
      %swap3A_811 = tpu.vector_load %arg8[%swap3A_809, %swap3A_810] {strides = array<i32>} : memref<16x1024xf32, #tpu.memory_space<vmem>>, vector<1x16xf32>,
      %swap3A_812 = vector.shape_cast %swap3A_811 : vector<1x16xf32> to vector<16xf32>
      %swap3A_813 = vector.shape_cast %add3A_808 : vector<16xf32> to vector<1x16xf32>
      tpu.vector_store %arg8[%swap3A_809, %swap3A_810], %swap3A_813 {strides = array<i32>} : memref<16x1024xf32, #tpu.memory_space<vmem>>, vector<1x16xf32>,
      %get3A_814 = arith.index_cast %scan3A_156 : i32 to index
      %get3A_815 = arith.constant 752 : index
      %get3A_816 = tpu.vector_load %arg8[%get3A_814, %get3A_815] {strides = array<i32>} : memref<16x1024xf32, #tpu.memory_space<vmem>>, vector<1x16xf32>,
      %get3A_817 = vector.shape_cast %get3A_816 : vector<1x16xf32> to vector<16xf32>
      %get3A_818 = arith.index_cast %scan3A_156 : i32 to index
      %get3A_819 = arith.constant 752 : index
      %get3A_820 = tpu.vector_load %arg10[%get3A_818, %get3A_819] {strides = array<i32>} : memref<16x1024xf32, #tpu.memory_space<vmem>>, vector<1x16xf32>,
      %get3A_821 = vector.shape_cast %get3A_820 : vector<1x16xf32> to vector<16xf32>
      %add3A_822 = arith.addf %get3A_817, %get3A_821 : vector<16xf32>
      %swap3A_823 = arith.index_cast %scan3A_156 : i32 to index
      %swap3A_824 = arith.constant 752 : index
      %swap3A_825 = tpu.vector_load %arg8[%swap3A_823, %swap3A_824] {strides = array<i32>} : memref<16x1024xf32, #tpu.memory_space<vmem>>, vector<1x16xf32>,
      %swap3A_826 = vector.shape_cast %swap3A_825 : vector<1x16xf32> to vector<16xf32>
      %swap3A_827 = vector.shape_cast %add3A_822 : vector<16xf32> to vector<1x16xf32>
      tpu.vector_store %arg8[%swap3A_823, %swap3A_824], %swap3A_827 {strides = array<i32>} : memref<16x1024xf32, #tpu.memory_space<vmem>>, vector<1x16xf32>,
      %get3A_828 = arith.index_cast %scan3A_156 : i32 to index
      %get3A_829 = arith.constant 768 : index
      %get3A_830 = tpu.vector_load %arg8[%get3A_828, %get3A_829] {strides = array<i32>} : memref<16x1024xf32, #tpu.memory_space<vmem>>, vector<1x16xf32>,
      %get3A_831 = vector.shape_cast %get3A_830 : vector<1x16xf32> to vector<16xf32>
      %get3A_832 = arith.index_cast %scan3A_156 : i32 to index
      %get3A_833 = arith.constant 768 : index
      %get3A_834 = tpu.vector_load %arg10[%get3A_832, %get3A_833] {strides = array<i32>} : memref<16x1024xf32, #tpu.memory_space<vmem>>, vector<1x16xf32>,
      %get3A_835 = vector.shape_cast %get3A_834 : vector<1x16xf32> to vector<16xf32>
      %add3A_836 = arith.addf %get3A_831, %get3A_835 : vector<16xf32>
      %swap3A_837 = arith.index_cast %scan3A_156 : i32 to index
      %swap3A_838 = arith.constant 768 : index
      %swap3A_839 = tpu.vector_load %arg8[%swap3A_837, %swap3A_838] {strides = array<i32>} : memref<16x1024xf32, #tpu.memory_space<vmem>>, vector<1x16xf32>,
      %swap3A_840 = vector.shape_cast %swap3A_839 : vector<1x16xf32> to vector<16xf32>
      %swap3A_841 = vector.shape_cast %add3A_836 : vector<16xf32> to vector<1x16xf32>
      tpu.vector_store %arg8[%swap3A_837, %swap3A_838], %swap3A_841 {strides = array<i32>} : memref<16x1024xf32, #tpu.memory_space<vmem>>, vector<1x16xf32>,
      %get3A_842 = arith.index_cast %scan3A_156 : i32 to index
      %get3A_843 = arith.constant 784 : index
      %get3A_844 = tpu.vector_load %arg8[%get3A_842, %get3A_843] {strides = array<i32>} : memref<16x1024xf32, #tpu.memory_space<vmem>>, vector<1x16xf32>,
      %get3A_845 = vector.shape_cast %get3A_844 : vector<1x16xf32> to vector<16xf32>
      %get3A_846 = arith.index_cast %scan3A_156 : i32 to index
      %get3A_847 = arith.constant 784 : index
      %get3A_848 = tpu.vector_load %arg10[%get3A_846, %get3A_847] {strides = array<i32>} : memref<16x1024xf32, #tpu.memory_space<vmem>>, vector<1x16xf32>,
      %get3A_849 = vector.shape_cast %get3A_848 : vector<1x16xf32> to vector<16xf32>
      %add3A_850 = arith.addf %get3A_845, %get3A_849 : vector<16xf32>
      %swap3A_851 = arith.index_cast %scan3A_156 : i32 to index
      %swap3A_852 = arith.constant 784 : index
      %swap3A_853 = tpu.vector_load %arg8[%swap3A_851, %swap3A_852] {strides = array<i32>} : memref<16x1024xf32, #tpu.memory_space<vmem>>, vector<1x16xf32>,
      %swap3A_854 = vector.shape_cast %swap3A_853 : vector<1x16xf32> to vector<16xf32>
      %swap3A_855 = vector.shape_cast %add3A_850 : vector<16xf32> to vector<1x16xf32>
      tpu.vector_store %arg8[%swap3A_851, %swap3A_852], %swap3A_855 {strides = array<i32>} : memref<16x1024xf32, #tpu.memory_space<vmem>>, vector<1x16xf32>,
      %get3A_856 = arith.index_cast %scan3A_156 : i32 to index
      %get3A_857 = arith.constant 800 : index
      %get3A_858 = tpu.vector_load %arg8[%get3A_856, %get3A_857] {strides = array<i32>} : memref<16x1024xf32, #tpu.memory_space<vmem>>, vector<1x16xf32>,
      %get3A_859 = vector.shape_cast %get3A_858 : vector<1x16xf32> to vector<16xf32>
      %get3A_860 = arith.index_cast %scan3A_156 : i32 to index
      %get3A_861 = arith.constant 800 : index
      %get3A_862 = tpu.vector_load %arg10[%get3A_860, %get3A_861] {strides = array<i32>} : memref<16x1024xf32, #tpu.memory_space<vmem>>, vector<1x16xf32>,
      %get3A_863 = vector.shape_cast %get3A_862 : vector<1x16xf32> to vector<16xf32>
      %add3A_864 = arith.addf %get3A_859, %get3A_863 : vector<16xf32>
      %swap3A_865 = arith.index_cast %scan3A_156 : i32 to index
      %swap3A_866 = arith.constant 800 : index
      %swap3A_867 = tpu.vector_load %arg8[%swap3A_865, %swap3A_866] {strides = array<i32>} : memref<16x1024xf32, #tpu.memory_space<vmem>>, vector<1x16xf32>,
      %swap3A_868 = vector.shape_cast %swap3A_867 : vector<1x16xf32> to vector<16xf32>
      %swap3A_869 = vector.shape_cast %add3A_864 : vector<16xf32> to vector<1x16xf32>
      tpu.vector_store %arg8[%swap3A_865, %swap3A_866], %swap3A_869 {strides = array<i32>} : memref<16x1024xf32, #tpu.memory_space<vmem>>, vector<1x16xf32>,
      %get3A_870 = arith.index_cast %scan3A_156 : i32 to index
      %get3A_871 = arith.constant 816 : index
      %get3A_872 = tpu.vector_load %arg8[%get3A_870, %get3A_871] {strides = array<i32>} : memref<16x1024xf32, #tpu.memory_space<vmem>>, vector<1x16xf32>,
      %get3A_873 = vector.shape_cast %get3A_872 : vector<1x16xf32> to vector<16xf32>
      %get3A_874 = arith.index_cast %scan3A_156 : i32 to index
      %get3A_875 = arith.constant 816 : index
      %get3A_876 = tpu.vector_load %arg10[%get3A_874, %get3A_875] {strides = array<i32>} : memref<16x1024xf32, #tpu.memory_space<vmem>>, vector<1x16xf32>,
      %get3A_877 = vector.shape_cast %get3A_876 : vector<1x16xf32> to vector<16xf32>
      %add3A_878 = arith.addf %get3A_873, %get3A_877 : vector<16xf32>
      %swap3A_879 = arith.index_cast %scan3A_156 : i32 to index
      %swap3A_880 = arith.constant 816 : index
      %swap3A_881 = tpu.vector_load %arg8[%swap3A_879, %swap3A_880] {strides = array<i32>} : memref<16x1024xf32, #tpu.memory_space<vmem>>, vector<1x16xf32>,
      %swap3A_882 = vector.shape_cast %swap3A_881 : vector<1x16xf32> to vector<16xf32>
      %swap3A_883 = vector.shape_cast %add3A_878 : vector<16xf32> to vector<1x16xf32>
      tpu.vector_store %arg8[%swap3A_879, %swap3A_880], %swap3A_883 {strides = array<i32>} : memref<16x1024xf32, #tpu.memory_space<vmem>>, vector<1x16xf32>,
      %get3A_884 = arith.index_cast %scan3A_156 : i32 to index
      %get3A_885 = arith.constant 832 : index
      %get3A_886 = tpu.vector_load %arg8[%get3A_884, %get3A_885] {strides = array<i32>} : memref<16x1024xf32, #tpu.memory_space<vmem>>, vector<1x16xf32>,
      %get3A_887 = vector.shape_cast %get3A_886 : vector<1x16xf32> to vector<16xf32>
      %get3A_888 = arith.index_cast %scan3A_156 : i32 to index
      %get3A_889 = arith.constant 832 : index
      %get3A_890 = tpu.vector_load %arg10[%get3A_888, %get3A_889] {strides = array<i32>} : memref<16x1024xf32, #tpu.memory_space<vmem>>, vector<1x16xf32>,
      %get3A_891 = vector.shape_cast %get3A_890 : vector<1x16xf32> to vector<16xf32>
      %add3A_892 = arith.addf %get3A_887, %get3A_891 : vector<16xf32>
      %swap3A_893 = arith.index_cast %scan3A_156 : i32 to index
      %swap3A_894 = arith.constant 832 : index
      %swap3A_895 = tpu.vector_load %arg8[%swap3A_893, %swap3A_894] {strides = array<i32>} : memref<16x1024xf32, #tpu.memory_space<vmem>>, vector<1x16xf32>,
      %swap3A_896 = vector.shape_cast %swap3A_895 : vector<1x16xf32> to vector<16xf32>
      %swap3A_897 = vector.shape_cast %add3A_892 : vector<16xf32> to vector<1x16xf32>
      tpu.vector_store %arg8[%swap3A_893, %swap3A_894], %swap3A_897 {strides = array<i32>} : memref<16x1024xf32, #tpu.memory_space<vmem>>, vector<1x16xf32>,
      %get3A_898 = arith.index_cast %scan3A_156 : i32 to index
      %get3A_899 = arith.constant 848 : index
      %get3A_900 = tpu.vector_load %arg8[%get3A_898, %get3A_899] {strides = array<i32>} : memref<16x1024xf32, #tpu.memory_space<vmem>>, vector<1x16xf32>,
      %get3A_901 = vector.shape_cast %get3A_900 : vector<1x16xf32> to vector<16xf32>
      %get3A_902 = arith.index_cast %scan3A_156 : i32 to index
      %get3A_903 = arith.constant 848 : index
      %get3A_904 = tpu.vector_load %arg10[%get3A_902, %get3A_903] {strides = array<i32>} : memref<16x1024xf32, #tpu.memory_space<vmem>>, vector<1x16xf32>,
      %get3A_905 = vector.shape_cast %get3A_904 : vector<1x16xf32> to vector<16xf32>
      %add3A_906 = arith.addf %get3A_901, %get3A_905 : vector<16xf32>
      %swap3A_907 = arith.index_cast %scan3A_156 : i32 to index
      %swap3A_908 = arith.constant 848 : index
      %swap3A_909 = tpu.vector_load %arg8[%swap3A_907, %swap3A_908] {strides = array<i32>} : memref<16x1024xf32, #tpu.memory_space<vmem>>, vector<1x16xf32>,
      %swap3A_910 = vector.shape_cast %swap3A_909 : vector<1x16xf32> to vector<16xf32>
      %swap3A_911 = vector.shape_cast %add3A_906 : vector<16xf32> to vector<1x16xf32>
      tpu.vector_store %arg8[%swap3A_907, %swap3A_908], %swap3A_911 {strides = array<i32>} : memref<16x1024xf32, #tpu.memory_space<vmem>>, vector<1x16xf32>,
      %get3A_912 = arith.index_cast %scan3A_156 : i32 to index
      %get3A_913 = arith.constant 864 : index
      %get3A_914 = tpu.vector_load %arg8[%get3A_912, %get3A_913] {strides = array<i32>} : memref<16x1024xf32, #tpu.memory_space<vmem>>, vector<1x16xf32>,
      %get3A_915 = vector.shape_cast %get3A_914 : vector<1x16xf32> to vector<16xf32>
      %get3A_916 = arith.index_cast %scan3A_156 : i32 to index
      %get3A_917 = arith.constant 864 : index
      %get3A_918 = tpu.vector_load %arg10[%get3A_916, %get3A_917] {strides = array<i32>} : memref<16x1024xf32, #tpu.memory_space<vmem>>, vector<1x16xf32>,
      %get3A_919 = vector.shape_cast %get3A_918 : vector<1x16xf32> to vector<16xf32>
      %add3A_920 = arith.addf %get3A_915, %get3A_919 : vector<16xf32>
      %swap3A_921 = arith.index_cast %scan3A_156 : i32 to index
      %swap3A_922 = arith.constant 864 : index
      %swap3A_923 = tpu.vector_load %arg8[%swap3A_921, %swap3A_922] {strides = array<i32>} : memref<16x1024xf32, #tpu.memory_space<vmem>>, vector<1x16xf32>,
      %swap3A_924 = vector.shape_cast %swap3A_923 : vector<1x16xf32> to vector<16xf32>
      %swap3A_925 = vector.shape_cast %add3A_920 : vector<16xf32> to vector<1x16xf32>
      tpu.vector_store %arg8[%swap3A_921, %swap3A_922], %swap3A_925 {strides = array<i32>} : memref<16x1024xf32, #tpu.memory_space<vmem>>, vector<1x16xf32>,
      %get3A_926 = arith.index_cast %scan3A_156 : i32 to index
      %get3A_927 = arith.constant 880 : index
      %get3A_928 = tpu.vector_load %arg8[%get3A_926, %get3A_927] {strides = array<i32>} : memref<16x1024xf32, #tpu.memory_space<vmem>>, vector<1x16xf32>,
      %get3A_929 = vector.shape_cast %get3A_928 : vector<1x16xf32> to vector<16xf32>
      %get3A_930 = arith.index_cast %scan3A_156 : i32 to index
      %get3A_931 = arith.constant 880 : index
      %get3A_932 = tpu.vector_load %arg10[%get3A_930, %get3A_931] {strides = array<i32>} : memref<16x1024xf32, #tpu.memory_space<vmem>>, vector<1x16xf32>,
      %get3A_933 = vector.shape_cast %get3A_932 : vector<1x16xf32> to vector<16xf32>
      %add3A_934 = arith.addf %get3A_929, %get3A_933 : vector<16xf32>
      %swap3A_935 = arith.index_cast %scan3A_156 : i32 to index
      %swap3A_936 = arith.constant 880 : index
      %swap3A_937 = tpu.vector_load %arg8[%swap3A_935, %swap3A_936] {strides = array<i32>} : memref<16x1024xf32, #tpu.memory_space<vmem>>, vector<1x16xf32>,
      %swap3A_938 = vector.shape_cast %swap3A_937 : vector<1x16xf32> to vector<16xf32>
      %swap3A_939 = vector.shape_cast %add3A_934 : vector<16xf32> to vector<1x16xf32>
      tpu.vector_store %arg8[%swap3A_935, %swap3A_936], %swap3A_939 {strides = array<i32>} : memref<16x1024xf32, #tpu.memory_space<vmem>>, vector<1x16xf32>,
      %get3A_940 = arith.index_cast %scan3A_156 : i32 to index
      %get3A_941 = arith.constant 896 : index
      %get3A_942 = tpu.vector_load %arg8[%get3A_940, %get3A_941] {strides = array<i32>} : memref<16x1024xf32, #tpu.memory_space<vmem>>, vector<1x16xf32>,
      %get3A_943 = vector.shape_cast %get3A_942 : vector<1x16xf32> to vector<16xf32>
      %get3A_944 = arith.index_cast %scan3A_156 : i32 to index
      %get3A_945 = arith.constant 896 : index
      %get3A_946 = tpu.vector_load %arg10[%get3A_944, %get3A_945] {strides = array<i32>} : memref<16x1024xf32, #tpu.memory_space<vmem>>, vector<1x16xf32>,
      %get3A_947 = vector.shape_cast %get3A_946 : vector<1x16xf32> to vector<16xf32>
      %add3A_948 = arith.addf %get3A_943, %get3A_947 : vector<16xf32>
      %swap3A_949 = arith.index_cast %scan3A_156 : i32 to index
      %swap3A_950 = arith.constant 896 : index
      %swap3A_951 = tpu.vector_load %arg8[%swap3A_949, %swap3A_950] {strides = array<i32>} : memref<16x1024xf32, #tpu.memory_space<vmem>>, vector<1x16xf32>,
      %swap3A_952 = vector.shape_cast %swap3A_951 : vector<1x16xf32> to vector<16xf32>
      %swap3A_953 = vector.shape_cast %add3A_948 : vector<16xf32> to vector<1x16xf32>
      tpu.vector_store %arg8[%swap3A_949, %swap3A_950], %swap3A_953 {strides = array<i32>} : memref<16x1024xf32, #tpu.memory_space<vmem>>, vector<1x16xf32>,
      %get3A_954 = arith.index_cast %scan3A_156 : i32 to index
      %get3A_955 = arith.constant 912 : index
      %get3A_956 = tpu.vector_load %arg8[%get3A_954, %get3A_955] {strides = array<i32>} : memref<16x1024xf32, #tpu.memory_space<vmem>>, vector<1x16xf32>,
      %get3A_957 = vector.shape_cast %get3A_956 : vector<1x16xf32> to vector<16xf32>
      %get3A_958 = arith.index_cast %scan3A_156 : i32 to index
      %get3A_959 = arith.constant 912 : index
      %get3A_960 = tpu.vector_load %arg10[%get3A_958, %get3A_959] {strides = array<i32>} : memref<16x1024xf32, #tpu.memory_space<vmem>>, vector<1x16xf32>,
      %get3A_961 = vector.shape_cast %get3A_960 : vector<1x16xf32> to vector<16xf32>
      %add3A_962 = arith.addf %get3A_957, %get3A_961 : vector<16xf32>
      %swap3A_963 = arith.index_cast %scan3A_156 : i32 to index
      %swap3A_964 = arith.constant 912 : index
      %swap3A_965 = tpu.vector_load %arg8[%swap3A_963, %swap3A_964] {strides = array<i32>} : memref<16x1024xf32, #tpu.memory_space<vmem>>, vector<1x16xf32>,
      %swap3A_966 = vector.shape_cast %swap3A_965 : vector<1x16xf32> to vector<16xf32>
      %swap3A_967 = vector.shape_cast %add3A_962 : vector<16xf32> to vector<1x16xf32>
      tpu.vector_store %arg8[%swap3A_963, %swap3A_964], %swap3A_967 {strides = array<i32>} : memref<16x1024xf32, #tpu.memory_space<vmem>>, vector<1x16xf32>,
      %get3A_968 = arith.index_cast %scan3A_156 : i32 to index
      %get3A_969 = arith.constant 928 : index
      %get3A_970 = tpu.vector_load %arg8[%get3A_968, %get3A_969] {strides = array<i32>} : memref<16x1024xf32, #tpu.memory_space<vmem>>, vector<1x16xf32>,
      %get3A_971 = vector.shape_cast %get3A_970 : vector<1x16xf32> to vector<16xf32>
      %get3A_972 = arith.index_cast %scan3A_156 : i32 to index
      %get3A_973 = arith.constant 928 : index
      %get3A_974 = tpu.vector_load %arg10[%get3A_972, %get3A_973] {strides = array<i32>} : memref<16x1024xf32, #tpu.memory_space<vmem>>, vector<1x16xf32>,
      %get3A_975 = vector.shape_cast %get3A_974 : vector<1x16xf32> to vector<16xf32>
      %add3A_976 = arith.addf %get3A_971, %get3A_975 : vector<16xf32>
      %swap3A_977 = arith.index_cast %scan3A_156 : i32 to index
      %swap3A_978 = arith.constant 928 : index
      %swap3A_979 = tpu.vector_load %arg8[%swap3A_977, %swap3A_978] {strides = array<i32>} : memref<16x1024xf32, #tpu.memory_space<vmem>>, vector<1x16xf32>,
      %swap3A_980 = vector.shape_cast %swap3A_979 : vector<1x16xf32> to vector<16xf32>
      %swap3A_981 = vector.shape_cast %add3A_976 : vector<16xf32> to vector<1x16xf32>
      tpu.vector_store %arg8[%swap3A_977, %swap3A_978], %swap3A_981 {strides = array<i32>} : memref<16x1024xf32, #tpu.memory_space<vmem>>, vector<1x16xf32>,
      %get3A_982 = arith.index_cast %scan3A_156 : i32 to index
      %get3A_983 = arith.constant 944 : index
      %get3A_984 = tpu.vector_load %arg8[%get3A_982, %get3A_983] {strides = array<i32>} : memref<16x1024xf32, #tpu.memory_space<vmem>>, vector<1x16xf32>,
      %get3A_985 = vector.shape_cast %get3A_984 : vector<1x16xf32> to vector<16xf32>
      %get3A_986 = arith.index_cast %scan3A_156 : i32 to index
      %get3A_987 = arith.constant 944 : index
      %get3A_988 = tpu.vector_load %arg10[%get3A_986, %get3A_987] {strides = array<i32>} : memref<16x1024xf32, #tpu.memory_space<vmem>>, vector<1x16xf32>,
      %get3A_989 = vector.shape_cast %get3A_988 : vector<1x16xf32> to vector<16xf32>
      %add3A_990 = arith.addf %get3A_985, %get3A_989 : vector<16xf32>
      %swap3A_991 = arith.index_cast %scan3A_156 : i32 to index
      %swap3A_992 = arith.constant 944 : index
      %swap3A_993 = tpu.vector_load %arg8[%swap3A_991, %swap3A_992] {strides = array<i32>} : memref<16x1024xf32, #tpu.memory_space<vmem>>, vector<1x16xf32>,
      %swap3A_994 = vector.shape_cast %swap3A_993 : vector<1x16xf32> to vector<16xf32>
      %swap3A_995 = vector.shape_cast %add3A_990 : vector<16xf32> to vector<1x16xf32>
      tpu.vector_store %arg8[%swap3A_991, %swap3A_992], %swap3A_995 {strides = array<i32>} : memref<16x1024xf32, #tpu.memory_space<vmem>>, vector<1x16xf32>,
      %get3A_996 = arith.index_cast %scan3A_156 : i32 to index
      %get3A_997 = arith.constant 960 : index
      %get3A_998 = tpu.vector_load %arg8[%get3A_996, %get3A_997] {strides = array<i32>} : memref<16x1024xf32, #tpu.memory_space<vmem>>, vector<1x16xf32>,
      %get3A_999 = vector.shape_cast %get3A_998 : vector<1x16xf32> to vector<16xf32>
      %get3A_1000 = arith.index_cast %scan3A_156 : i32 to index
      %get3A_1001 = arith.constant 960 : index
      %get3A_1002 = tpu.vector_load %arg10[%get3A_1000, %get3A_1001] {strides = array<i32>} : memref<16x1024xf32, #tpu.memory_space<vmem>>, vector<1x16xf32>,
      %get3A_1003 = vector.shape_cast %get3A_1002 : vector<1x16xf32> to vector<16xf32>
      %add3A_1004 = arith.addf %get3A_999, %get3A_1003 : vector<16xf32>
      %swap3A_1005 = arith.index_cast %scan3A_156 : i32 to index
      %swap3A_1006 = arith.constant 960 : index
      %swap3A_1007 = tpu.vector_load %arg8[%swap3A_1005, %swap3A_1006] {strides = array<i32>} : memref<16x1024xf32, #tpu.memory_space<vmem>>, vector<1x16xf32>,
      %swap3A_1008 = vector.shape_cast %swap3A_1007 : vector<1x16xf32> to vector<16xf32>
      %swap3A_1009 = vector.shape_cast %add3A_1004 : vector<16xf32> to vector<1x16xf32>
      tpu.vector_store %arg8[%swap3A_1005, %swap3A_1006], %swap3A_1009 {strides = array<i32>} : memref<16x1024xf32, #tpu.memory_space<vmem>>, vector<1x16xf32>,
      %get3A_1010 = arith.index_cast %scan3A_156 : i32 to index
      %get3A_1011 = arith.constant 976 : index
      %get3A_1012 = tpu.vector_load %arg8[%get3A_1010, %get3A_1011] {strides = array<i32>} : memref<16x1024xf32, #tpu.memory_space<vmem>>, vector<1x16xf32>,
      %get3A_1013 = vector.shape_cast %get3A_1012 : vector<1x16xf32> to vector<16xf32>
      %get3A_1014 = arith.index_cast %scan3A_156 : i32 to index
      %get3A_1015 = arith.constant 976 : index
      %get3A_1016 = tpu.vector_load %arg10[%get3A_1014, %get3A_1015] {strides = array<i32>} : memref<16x1024xf32, #tpu.memory_space<vmem>>, vector<1x16xf32>,
      %get3A_1017 = vector.shape_cast %get3A_1016 : vector<1x16xf32> to vector<16xf32>
      %add3A_1018 = arith.addf %get3A_1013, %get3A_1017 : vector<16xf32>
      %swap3A_1019 = arith.index_cast %scan3A_156 : i32 to index
      %swap3A_1020 = arith.constant 976 : index
      %swap3A_1021 = tpu.vector_load %arg8[%swap3A_1019, %swap3A_1020] {strides = array<i32>} : memref<16x1024xf32, #tpu.memory_space<vmem>>, vector<1x16xf32>,
      %swap3A_1022 = vector.shape_cast %swap3A_1021 : vector<1x16xf32> to vector<16xf32>
      %swap3A_1023 = vector.shape_cast %add3A_1018 : vector<16xf32> to vector<1x16xf32>
      tpu.vector_store %arg8[%swap3A_1019, %swap3A_1020], %swap3A_1023 {strides = array<i32>} : memref<16x1024xf32, #tpu.memory_space<vmem>>, vector<1x16xf32>,
      %get3A_1024 = arith.index_cast %scan3A_156 : i32 to index
      %get3A_1025 = arith.constant 992 : index
      %get3A_1026 = tpu.vector_load %arg8[%get3A_1024, %get3A_1025] {strides = array<i32>} : memref<16x1024xf32, #tpu.memory_space<vmem>>, vector<1x16xf32>,
      %get3A_1027 = vector.shape_cast %get3A_1026 : vector<1x16xf32> to vector<16xf32>
      %get3A_1028 = arith.index_cast %scan3A_156 : i32 to index
      %get3A_1029 = arith.constant 992 : index
      %get3A_1030 = tpu.vector_load %arg10[%get3A_1028, %get3A_1029] {strides = array<i32>} : memref<16x1024xf32, #tpu.memory_space<vmem>>, vector<1x16xf32>,
      %get3A_1031 = vector.shape_cast %get3A_1030 : vector<1x16xf32> to vector<16xf32>
      %add3A_1032 = arith.addf %get3A_1027, %get3A_1031 : vector<16xf32>
      %swap3A_1033 = arith.index_cast %scan3A_156 : i32 to index
      %swap3A_1034 = arith.constant 992 : index
      %swap3A_1035 = tpu.vector_load %arg8[%swap3A_1033, %swap3A_1034] {strides = array<i32>} : memref<16x1024xf32, #tpu.memory_space<vmem>>, vector<1x16xf32>,
      %swap3A_1036 = vector.shape_cast %swap3A_1035 : vector<1x16xf32> to vector<16xf32>
      %swap3A_1037 = vector.shape_cast %add3A_1032 : vector<16xf32> to vector<1x16xf32>
      tpu.vector_store %arg8[%swap3A_1033, %swap3A_1034], %swap3A_1037 {strides = array<i32>} : memref<16x1024xf32, #tpu.memory_space<vmem>>, vector<1x16xf32>,
      %get3A_1038 = arith.index_cast %scan3A_156 : i32 to index
      %get3A_1039 = arith.constant 1008 : index
      %get3A_1040 = tpu.vector_load %arg8[%get3A_1038, %get3A_1039] {strides = array<i32>} : memref<16x1024xf32, #tpu.memory_space<vmem>>, vector<1x16xf32>,
      %get3A_1041 = vector.shape_cast %get3A_1040 : vector<1x16xf32> to vector<16xf32>
      %get3A_1042 = arith.index_cast %scan3A_156 : i32 to index
      %get3A_1043 = arith.constant 1008 : index
      %get3A_1044 = tpu.vector_load %arg10[%get3A_1042, %get3A_1043] {strides = array<i32>} : memref<16x1024xf32, #tpu.memory_space<vmem>>, vector<1x16xf32>,
      %get3A_1045 = vector.shape_cast %get3A_1044 : vector<1x16xf32> to vector<16xf32>
      %add3A_1046 = arith.addf %get3A_1041, %get3A_1045 : vector<16xf32>
      %swap3A_1047 = arith.index_cast %scan3A_156 : i32 to index
      %swap3A_1048 = arith.constant 1008 : index
      %swap3A_1049 = tpu.vector_load %arg8[%swap3A_1047, %swap3A_1048] {strides = array<i32>} : memref<16x1024xf32, #tpu.memory_space<vmem>>, vector<1x16xf32>,
      %swap3A_1050 = vector.shape_cast %swap3A_1049 : vector<1x16xf32> to vector<16xf32>
      %swap3A_1051 = vector.shape_cast %add3A_1046 : vector<16xf32> to vector<1x16xf32>
      tpu.vector_store %arg8[%swap3A_1047, %swap3A_1048], %swap3A_1051 {strides = array<i32>} : memref<16x1024xf32, #tpu.memory_space<vmem>>, vector<1x16xf32>,
      %scan3A_1052 = arith.constant 0 : i32
      scf.yield %scan3A_1052 : i32
    }
    %scan3A_44 = arith.constant 16 : i32
    %add3A_45 = arith.constant 0 : i32
    %add3A_46 = arith.addi %mul3A_2, %add3A_45 : i32
    %dma_start3A_47 = arith.constant 0 : i32
    %dma_start3A_48 = tpu.memref_slice %arg5[%add3A_46, %dma_start3A_47] : memref<2048x1024xf32, #tpu.memory_space<hbm>> -> memref<16x1024xf32, #tpu.memory_space<hbm>>
    %dma_start3A_49 = arith.constant 0 : i32
    %dma_start3A_50 = tpu.memref_slice %arg5[%add3A_46, %dma_start3A_49] : memref<2048x1024xf32, #tpu.memory_space<hbm>> -> memref<16x1024xf32, #tpu.memory_space<hbm>>
    tpu.enqueue_dma source(%arg8 : memref<16x1024xf32, #tpu.memory_space<vmem>>) target(%dma_start3A_50 : memref<16x1024xf32, #tpu.memory_space<hbm>>) target_semaphore(%arg16 : memref<!tpu.dma_semaphore, #tpu.memory_space<semaphore_mem>>)
    %dma_wait3A_51 = arith.constant 16 : i32
    %dma_wait3A_52 = tpu.memref_slice %arg6[%dma_wait3A_51] : memref<64xi32, #tpu.memory_space<vmem>> -> memref<16xi32, #tpu.memory_space<vmem>>
    %dma_wait3A_53 = arith.constant 0 : i32
    %dma_wait3A_54 = arith.constant 0 : i32
    %dma_wait3A_55 = tpu.memref_slice %arg2[%dma_wait3A_53, %dma_wait3A_54] : memref<5248x1024xf32, #tpu.memory_space<hbm>> -> memref<5248x1024xf32, #tpu.memory_space<hbm>>
    tpu.wait_indirect_dma semaphore(%arg13 : memref<!tpu.dma_semaphore, #tpu.memory_space<semaphore_mem>>) src(%dma_wait3A_55 : memref<5248x1024xf32, #tpu.memory_space<hbm>>) dst(%arg9 : memref<16x1024xf32, #tpu.memory_space<vmem>>)
    %dma_wait3A_56 = arith.constant 16 : i32
    %dma_wait3A_57 = tpu.memref_slice %arg7[%dma_wait3A_56] : memref<64xi32, #tpu.memory_space<vmem>> -> memref<16xi32, #tpu.memory_space<vmem>>
    %dma_wait3A_58 = arith.constant 0 : i32
    %dma_wait3A_59 = arith.constant 0 : i32
    %dma_wait3A_60 = tpu.memref_slice %arg2[%dma_wait3A_58, %dma_wait3A_59] : memref<5248x1024xf32, #tpu.memory_space<hbm>> -> memref<5248x1024xf32, #tpu.memory_space<hbm>>
    tpu.wait_indirect_dma semaphore(%arg15 : memref<!tpu.dma_semaphore, #tpu.memory_space<semaphore_mem>>) src(%dma_wait3A_60 : memref<5248x1024xf32, #tpu.memory_space<hbm>>) dst(%arg11 : memref<16x1024xf32, #tpu.memory_space<vmem>>)
    %dma_wait3A_61 = arith.constant 0 : i32
    %dma_wait3A_62 = tpu.memref_slice %arg5[%add3A_46, %dma_wait3A_61] : memref<2048x1024xf32, #tpu.memory_space<hbm>> -> memref<16x1024xf32, #tpu.memory_space<hbm>>
    %dma_wait3A_63 = arith.constant 0 : i32
    %dma_wait3A_64 = tpu.memref_slice %arg5[%add3A_46, %dma_wait3A_63] : memref<2048x1024xf32, #tpu.memory_space<hbm>> -> memref<16x1024xf32, #tpu.memory_space<hbm>>
    tpu.wait_dma2 semaphore(%arg16 : memref<!tpu.dma_semaphore, #tpu.memory_space<semaphore_mem>>) src(%arg8 : memref<16x1024xf32, #tpu.memory_space<vmem>>) dst(%dma_wait3A_64 : memref<16x1024xf32, #tpu.memory_space<hbm>>)
    %dma_start3A_65 = arith.constant 32 : i32
    %dma_start3A_66 = tpu.memref_slice %arg6[%dma_start3A_65] : memref<64xi32, #tpu.memory_space<vmem>> -> memref<16xi32, #tpu.memory_space<vmem>>
    %dma_start3A_67 = arith.constant 0 : i32
    %dma_start3A_68 = arith.constant 0 : i32
    %dma_start3A_69 = tpu.memref_slice %arg2[%dma_start3A_67, %dma_start3A_68] : memref<5248x1024xf32, #tpu.memory_space<hbm>> -> memref<5248x1024xf32, #tpu.memory_space<hbm>>
    tpu.enqueue_indirect_dma source(%dma_start3A_69 : memref<5248x1024xf32, #tpu.memory_space<hbm>>) target(%arg8 : memref<16x1024xf32, #tpu.memory_space<vmem>>) offsets(%dma_start3A_66 : memref<16xi32, #tpu.memory_space<vmem>>) semaphore(%arg12 : memref<!tpu.dma_semaphore, #tpu.memory_space<semaphore_mem>>)
    %dma_start3A_70 = arith.constant 32 : i32
    %dma_start3A_71 = tpu.memref_slice %arg7[%dma_start3A_70] : memref<64xi32, #tpu.memory_space<vmem>> -> memref<16xi32, #tpu.memory_space<vmem>>
    %dma_start3A_72 = arith.constant 0 : i32
    %dma_start3A_73 = arith.constant 0 : i32
    %dma_start3A_74 = tpu.memref_slice %arg2[%dma_start3A_72, %dma_start3A_73] : memref<5248x1024xf32, #tpu.memory_space<hbm>> -> memref<5248x1024xf32, #tpu.memory_space<hbm>>
    tpu.enqueue_indirect_dma source(%dma_start3A_74 : memref<5248x1024xf32, #tpu.memory_space<hbm>>) target(%arg10 : memref<16x1024xf32, #tpu.memory_space<vmem>>) offsets(%dma_start3A_71 : memref<16xi32, #tpu.memory_space<vmem>>) semaphore(%arg14 : memref<!tpu.dma_semaphore, #tpu.memory_space<semaphore_mem>>)
    %scan3A_75 = arith.constant 0 : i32
    %scan3A_76 = arith.constant 0 : i32
    %scan3A_77 = arith.constant 16 : i32
    %scan3A_78 = arith.addi %scan3A_76, %scan3A_77 : i32
    %scan3A_79 = arith.constant 1 : i32
    %scan3A_80 = scf.for %scan3A_156 = %scan3A_76 to %scan3A_78 step %scan3A_79 iter_args(%scan3A_157 = %scan3A_75) -> (i32)  : i32 {
      %get3A = arith.index_cast %scan3A_156 : i32 to index
      %get3A_158 = arith.constant 0 : index
      %get3A_159 = tpu.vector_load %arg9[%get3A, %get3A_158] {strides = array<i32>} : memref<16x1024xf32, #tpu.memory_space<vmem>>, vector<1x16xf32>,
      %get3A_160 = vector.shape_cast %get3A_159 : vector<1x16xf32> to vector<16xf32>
      %get3A_161 = arith.index_cast %scan3A_156 : i32 to index
      %get3A_162 = arith.constant 0 : index
      %get3A_163 = tpu.vector_load %arg11[%get3A_161, %get3A_162] {strides = array<i32>} : memref<16x1024xf32, #tpu.memory_space<vmem>>, vector<1x16xf32>,
      %get3A_164 = vector.shape_cast %get3A_163 : vector<1x16xf32> to vector<16xf32>
      %add3A_165 = arith.addf %get3A_160, %get3A_164 : vector<16xf32>
      %swap3A = arith.index_cast %scan3A_156 : i32 to index
      %swap3A_166 = arith.constant 0 : index
      %swap3A_167 = tpu.vector_load %arg9[%swap3A, %swap3A_166] {strides = array<i32>} : memref<16x1024xf32, #tpu.memory_space<vmem>>, vector<1x16xf32>,
      %swap3A_168 = vector.shape_cast %swap3A_167 : vector<1x16xf32> to vector<16xf32>
      %swap3A_169 = vector.shape_cast %add3A_165 : vector<16xf32> to vector<1x16xf32>
      tpu.vector_store %arg9[%swap3A, %swap3A_166], %swap3A_169 {strides = array<i32>} : memref<16x1024xf32, #tpu.memory_space<vmem>>, vector<1x16xf32>,
      %get3A_170 = arith.index_cast %scan3A_156 : i32 to index
      %get3A_171 = arith.constant 16 : index
      %get3A_172 = tpu.vector_load %arg9[%get3A_170, %get3A_171] {strides = array<i32>} : memref<16x1024xf32, #tpu.memory_space<vmem>>, vector<1x16xf32>,
      %get3A_173 = vector.shape_cast %get3A_172 : vector<1x16xf32> to vector<16xf32>
      %get3A_174 = arith.index_cast %scan3A_156 : i32 to index
      %get3A_175 = arith.constant 16 : index
      %get3A_176 = tpu.vector_load %arg11[%get3A_174, %get3A_175] {strides = array<i32>} : memref<16x1024xf32, #tpu.memory_space<vmem>>, vector<1x16xf32>,
      %get3A_177 = vector.shape_cast %get3A_176 : vector<1x16xf32> to vector<16xf32>
      %add3A_178 = arith.addf %get3A_173, %get3A_177 : vector<16xf32>
      %swap3A_179 = arith.index_cast %scan3A_156 : i32 to index
      %swap3A_180 = arith.constant 16 : index
      %swap3A_181 = tpu.vector_load %arg9[%swap3A_179, %swap3A_180] {strides = array<i32>} : memref<16x1024xf32, #tpu.memory_space<vmem>>, vector<1x16xf32>,
      %swap3A_182 = vector.shape_cast %swap3A_181 : vector<1x16xf32> to vector<16xf32>
      %swap3A_183 = vector.shape_cast %add3A_178 : vector<16xf32> to vector<1x16xf32>
      tpu.vector_store %arg9[%swap3A_179, %swap3A_180], %swap3A_183 {strides = array<i32>} : memref<16x1024xf32, #tpu.memory_space<vmem>>, vector<1x16xf32>,
      %get3A_184 = arith.index_cast %scan3A_156 : i32 to index
      %get3A_185 = arith.constant 32 : index
      %get3A_186 = tpu.vector_load %arg9[%get3A_184, %get3A_185] {strides = array<i32>} : memref<16x1024xf32, #tpu.memory_space<vmem>>, vector<1x16xf32>,
      %get3A_187 = vector.shape_cast %get3A_186 : vector<1x16xf32> to vector<16xf32>
      %get3A_188 = arith.index_cast %scan3A_156 : i32 to index
      %get3A_189 = arith.constant 32 : index
      %get3A_190 = tpu.vector_load %arg11[%get3A_188, %get3A_189] {strides = array<i32>} : memref<16x1024xf32, #tpu.memory_space<vmem>>, vector<1x16xf32>,
      %get3A_191 = vector.shape_cast %get3A_190 : vector<1x16xf32> to vector<16xf32>
      %add3A_192 = arith.addf %get3A_187, %get3A_191 : vector<16xf32>
      %swap3A_193 = arith.index_cast %scan3A_156 : i32 to index
      %swap3A_194 = arith.constant 32 : index
      %swap3A_195 = tpu.vector_load %arg9[%swap3A_193, %swap3A_194] {strides = array<i32>} : memref<16x1024xf32, #tpu.memory_space<vmem>>, vector<1x16xf32>,
      %swap3A_196 = vector.shape_cast %swap3A_195 : vector<1x16xf32> to vector<16xf32>
      %swap3A_197 = vector.shape_cast %add3A_192 : vector<16xf32> to vector<1x16xf32>
      tpu.vector_store %arg9[%swap3A_193, %swap3A_194], %swap3A_197 {strides = array<i32>} : memref<16x1024xf32, #tpu.memory_space<vmem>>, vector<1x16xf32>,
      %get3A_198 = arith.index_cast %scan3A_156 : i32 to index
      %get3A_199 = arith.constant 48 : index
      %get3A_200 = tpu.vector_load %arg9[%get3A_198, %get3A_199] {strides = array<i32>} : memref<16x1024xf32, #tpu.memory_space<vmem>>, vector<1x16xf32>,
      %get3A_201 = vector.shape_cast %get3A_200 : vector<1x16xf32> to vector<16xf32>
      %get3A_202 = arith.index_cast %scan3A_156 : i32 to index
      %get3A_203 = arith.constant 48 : index
      %get3A_204 = tpu.vector_load %arg11[%get3A_202, %get3A_203] {strides = array<i32>} : memref<16x1024xf32, #tpu.memory_space<vmem>>, vector<1x16xf32>,
      %get3A_205 = vector.shape_cast %get3A_204 : vector<1x16xf32> to vector<16xf32>
      %add3A_206 = arith.addf %get3A_201, %get3A_205 : vector<16xf32>
      %swap3A_207 = arith.index_cast %scan3A_156 : i32 to index
      %swap3A_208 = arith.constant 48 : index
      %swap3A_209 = tpu.vector_load %arg9[%swap3A_207, %swap3A_208] {strides = array<i32>} : memref<16x1024xf32, #tpu.memory_space<vmem>>, vector<1x16xf32>,
      %swap3A_210 = vector.shape_cast %swap3A_209 : vector<1x16xf32> to vector<16xf32>
      %swap3A_211 = vector.shape_cast %add3A_206 : vector<16xf32> to vector<1x16xf32>
      tpu.vector_store %arg9[%swap3A_207, %swap3A_208], %swap3A_211 {strides = array<i32>} : memref<16x1024xf32, #tpu.memory_space<vmem>>, vector<1x16xf32>,
      %get3A_212 = arith.index_cast %scan3A_156 : i32 to index
      %get3A_213 = arith.constant 64 : index
      %get3A_214 = tpu.vector_load %arg9[%get3A_212, %get3A_213] {strides = array<i32>} : memref<16x1024xf32, #tpu.memory_space<vmem>>, vector<1x16xf32>,
      %get3A_215 = vector.shape_cast %get3A_214 : vector<1x16xf32> to vector<16xf32>
      %get3A_216 = arith.index_cast %scan3A_156 : i32 to index
      %get3A_217 = arith.constant 64 : index
      %get3A_218 = tpu.vector_load %arg11[%get3A_216, %get3A_217] {strides = array<i32>} : memref<16x1024xf32, #tpu.memory_space<vmem>>, vector<1x16xf32>,
      %get3A_219 = vector.shape_cast %get3A_218 : vector<1x16xf32> to vector<16xf32>
      %add3A_220 = arith.addf %get3A_215, %get3A_219 : vector<16xf32>
      %swap3A_221 = arith.index_cast %scan3A_156 : i32 to index
      %swap3A_222 = arith.constant 64 : index
      %swap3A_223 = tpu.vector_load %arg9[%swap3A_221, %swap3A_222] {strides = array<i32>} : memref<16x1024xf32, #tpu.memory_space<vmem>>, vector<1x16xf32>,
      %swap3A_224 = vector.shape_cast %swap3A_223 : vector<1x16xf32> to vector<16xf32>
      %swap3A_225 = vector.shape_cast %add3A_220 : vector<16xf32> to vector<1x16xf32>
      tpu.vector_store %arg9[%swap3A_221, %swap3A_222], %swap3A_225 {strides = array<i32>} : memref<16x1024xf32, #tpu.memory_space<vmem>>, vector<1x16xf32>,
      %get3A_226 = arith.index_cast %scan3A_156 : i32 to index
      %get3A_227 = arith.constant 80 : index
      %get3A_228 = tpu.vector_load %arg9[%get3A_226, %get3A_227] {strides = array<i32>} : memref<16x1024xf32, #tpu.memory_space<vmem>>, vector<1x16xf32>,
      %get3A_229 = vector.shape_cast %get3A_228 : vector<1x16xf32> to vector<16xf32>
      %get3A_230 = arith.index_cast %scan3A_156 : i32 to index
      %get3A_231 = arith.constant 80 : index
      %get3A_232 = tpu.vector_load %arg11[%get3A_230, %get3A_231] {strides = array<i32>} : memref<16x1024xf32, #tpu.memory_space<vmem>>, vector<1x16xf32>,
      %get3A_233 = vector.shape_cast %get3A_232 : vector<1x16xf32> to vector<16xf32>
      %add3A_234 = arith.addf %get3A_229, %get3A_233 : vector<16xf32>
      %swap3A_235 = arith.index_cast %scan3A_156 : i32 to index
      %swap3A_236 = arith.constant 80 : index
      %swap3A_237 = tpu.vector_load %arg9[%swap3A_235, %swap3A_236] {strides = array<i32>} : memref<16x1024xf32, #tpu.memory_space<vmem>>, vector<1x16xf32>,
      %swap3A_238 = vector.shape_cast %swap3A_237 : vector<1x16xf32> to vector<16xf32>
      %swap3A_239 = vector.shape_cast %add3A_234 : vector<16xf32> to vector<1x16xf32>
      tpu.vector_store %arg9[%swap3A_235, %swap3A_236], %swap3A_239 {strides = array<i32>} : memref<16x1024xf32, #tpu.memory_space<vmem>>, vector<1x16xf32>,
      %get3A_240 = arith.index_cast %scan3A_156 : i32 to index
      %get3A_241 = arith.constant 96 : index
      %get3A_242 = tpu.vector_load %arg9[%get3A_240, %get3A_241] {strides = array<i32>} : memref<16x1024xf32, #tpu.memory_space<vmem>>, vector<1x16xf32>,
      %get3A_243 = vector.shape_cast %get3A_242 : vector<1x16xf32> to vector<16xf32>
      %get3A_244 = arith.index_cast %scan3A_156 : i32 to index
      %get3A_245 = arith.constant 96 : index
      %get3A_246 = tpu.vector_load %arg11[%get3A_244, %get3A_245] {strides = array<i32>} : memref<16x1024xf32, #tpu.memory_space<vmem>>, vector<1x16xf32>,
      %get3A_247 = vector.shape_cast %get3A_246 : vector<1x16xf32> to vector<16xf32>
      %add3A_248 = arith.addf %get3A_243, %get3A_247 : vector<16xf32>
      %swap3A_249 = arith.index_cast %scan3A_156 : i32 to index
      %swap3A_250 = arith.constant 96 : index
      %swap3A_251 = tpu.vector_load %arg9[%swap3A_249, %swap3A_250] {strides = array<i32>} : memref<16x1024xf32, #tpu.memory_space<vmem>>, vector<1x16xf32>,
      %swap3A_252 = vector.shape_cast %swap3A_251 : vector<1x16xf32> to vector<16xf32>
      %swap3A_253 = vector.shape_cast %add3A_248 : vector<16xf32> to vector<1x16xf32>
      tpu.vector_store %arg9[%swap3A_249, %swap3A_250], %swap3A_253 {strides = array<i32>} : memref<16x1024xf32, #tpu.memory_space<vmem>>, vector<1x16xf32>,
      %get3A_254 = arith.index_cast %scan3A_156 : i32 to index
      %get3A_255 = arith.constant 112 : index
      %get3A_256 = tpu.vector_load %arg9[%get3A_254, %get3A_255] {strides = array<i32>} : memref<16x1024xf32, #tpu.memory_space<vmem>>, vector<1x16xf32>,
      %get3A_257 = vector.shape_cast %get3A_256 : vector<1x16xf32> to vector<16xf32>
      %get3A_258 = arith.index_cast %scan3A_156 : i32 to index
      %get3A_259 = arith.constant 112 : index
      %get3A_260 = tpu.vector_load %arg11[%get3A_258, %get3A_259] {strides = array<i32>} : memref<16x1024xf32, #tpu.memory_space<vmem>>, vector<1x16xf32>,
      %get3A_261 = vector.shape_cast %get3A_260 : vector<1x16xf32> to vector<16xf32>
      %add3A_262 = arith.addf %get3A_257, %get3A_261 : vector<16xf32>
      %swap3A_263 = arith.index_cast %scan3A_156 : i32 to index
      %swap3A_264 = arith.constant 112 : index
      %swap3A_265 = tpu.vector_load %arg9[%swap3A_263, %swap3A_264] {strides = array<i32>} : memref<16x1024xf32, #tpu.memory_space<vmem>>, vector<1x16xf32>,
      %swap3A_266 = vector.shape_cast %swap3A_265 : vector<1x16xf32> to vector<16xf32>
      %swap3A_267 = vector.shape_cast %add3A_262 : vector<16xf32> to vector<1x16xf32>
      tpu.vector_store %arg9[%swap3A_263, %swap3A_264], %swap3A_267 {strides = array<i32>} : memref<16x1024xf32, #tpu.memory_space<vmem>>, vector<1x16xf32>,
      %get3A_268 = arith.index_cast %scan3A_156 : i32 to index
      %get3A_269 = arith.constant 128 : index
      %get3A_270 = tpu.vector_load %arg9[%get3A_268, %get3A_269] {strides = array<i32>} : memref<16x1024xf32, #tpu.memory_space<vmem>>, vector<1x16xf32>,
      %get3A_271 = vector.shape_cast %get3A_270 : vector<1x16xf32> to vector<16xf32>
      %get3A_272 = arith.index_cast %scan3A_156 : i32 to index
      %get3A_273 = arith.constant 128 : index
      %get3A_274 = tpu.vector_load %arg11[%get3A_272, %get3A_273] {strides = array<i32>} : memref<16x1024xf32, #tpu.memory_space<vmem>>, vector<1x16xf32>,
      %get3A_275 = vector.shape_cast %get3A_274 : vector<1x16xf32> to vector<16xf32>
      %add3A_276 = arith.addf %get3A_271, %get3A_275 : vector<16xf32>
      %swap3A_277 = arith.index_cast %scan3A_156 : i32 to index
      %swap3A_278 = arith.constant 128 : index
      %swap3A_279 = tpu.vector_load %arg9[%swap3A_277, %swap3A_278] {strides = array<i32>} : memref<16x1024xf32, #tpu.memory_space<vmem>>, vector<1x16xf32>,
      %swap3A_280 = vector.shape_cast %swap3A_279 : vector<1x16xf32> to vector<16xf32>
      %swap3A_281 = vector.shape_cast %add3A_276 : vector<16xf32> to vector<1x16xf32>
      tpu.vector_store %arg9[%swap3A_277, %swap3A_278], %swap3A_281 {strides = array<i32>} : memref<16x1024xf32, #tpu.memory_space<vmem>>, vector<1x16xf32>,
      %get3A_282 = arith.index_cast %scan3A_156 : i32 to index
      %get3A_283 = arith.constant 144 : index
      %get3A_284 = tpu.vector_load %arg9[%get3A_282, %get3A_283] {strides = array<i32>} : memref<16x1024xf32, #tpu.memory_space<vmem>>, vector<1x16xf32>,
      %get3A_285 = vector.shape_cast %get3A_284 : vector<1x16xf32> to vector<16xf32>
      %get3A_286 = arith.index_cast %scan3A_156 : i32 to index
      %get3A_287 = arith.constant 144 : index
      %get3A_288 = tpu.vector_load %arg11[%get3A_286, %get3A_287] {strides = array<i32>} : memref<16x1024xf32, #tpu.memory_space<vmem>>, vector<1x16xf32>,
      %get3A_289 = vector.shape_cast %get3A_288 : vector<1x16xf32> to vector<16xf32>
      %add3A_290 = arith.addf %get3A_285, %get3A_289 : vector<16xf32>
      %swap3A_291 = arith.index_cast %scan3A_156 : i32 to index
      %swap3A_292 = arith.constant 144 : index
      %swap3A_293 = tpu.vector_load %arg9[%swap3A_291, %swap3A_292] {strides = array<i32>} : memref<16x1024xf32, #tpu.memory_space<vmem>>, vector<1x16xf32>,
      %swap3A_294 = vector.shape_cast %swap3A_293 : vector<1x16xf32> to vector<16xf32>
      %swap3A_295 = vector.shape_cast %add3A_290 : vector<16xf32> to vector<1x16xf32>
      tpu.vector_store %arg9[%swap3A_291, %swap3A_292], %swap3A_295 {strides = array<i32>} : memref<16x1024xf32, #tpu.memory_space<vmem>>, vector<1x16xf32>,
      %get3A_296 = arith.index_cast %scan3A_156 : i32 to index
      %get3A_297 = arith.constant 160 : index
      %get3A_298 = tpu.vector_load %arg9[%get3A_296, %get3A_297] {strides = array<i32>} : memref<16x1024xf32, #tpu.memory_space<vmem>>, vector<1x16xf32>,
      %get3A_299 = vector.shape_cast %get3A_298 : vector<1x16xf32> to vector<16xf32>
      %get3A_300 = arith.index_cast %scan3A_156 : i32 to index
      %get3A_301 = arith.constant 160 : index
      %get3A_302 = tpu.vector_load %arg11[%get3A_300, %get3A_301] {strides = array<i32>} : memref<16x1024xf32, #tpu.memory_space<vmem>>, vector<1x16xf32>,
      %get3A_303 = vector.shape_cast %get3A_302 : vector<1x16xf32> to vector<16xf32>
      %add3A_304 = arith.addf %get3A_299, %get3A_303 : vector<16xf32>
      %swap3A_305 = arith.index_cast %scan3A_156 : i32 to index
      %swap3A_306 = arith.constant 160 : index
      %swap3A_307 = tpu.vector_load %arg9[%swap3A_305, %swap3A_306] {strides = array<i32>} : memref<16x1024xf32, #tpu.memory_space<vmem>>, vector<1x16xf32>,
      %swap3A_308 = vector.shape_cast %swap3A_307 : vector<1x16xf32> to vector<16xf32>
      %swap3A_309 = vector.shape_cast %add3A_304 : vector<16xf32> to vector<1x16xf32>
      tpu.vector_store %arg9[%swap3A_305, %swap3A_306], %swap3A_309 {strides = array<i32>} : memref<16x1024xf32, #tpu.memory_space<vmem>>, vector<1x16xf32>,
      %get3A_310 = arith.index_cast %scan3A_156 : i32 to index
      %get3A_311 = arith.constant 176 : index
      %get3A_312 = tpu.vector_load %arg9[%get3A_310, %get3A_311] {strides = array<i32>} : memref<16x1024xf32, #tpu.memory_space<vmem>>, vector<1x16xf32>,
      %get3A_313 = vector.shape_cast %get3A_312 : vector<1x16xf32> to vector<16xf32>
      %get3A_314 = arith.index_cast %scan3A_156 : i32 to index
      %get3A_315 = arith.constant 176 : index
      %get3A_316 = tpu.vector_load %arg11[%get3A_314, %get3A_315] {strides = array<i32>} : memref<16x1024xf32, #tpu.memory_space<vmem>>, vector<1x16xf32>,
      %get3A_317 = vector.shape_cast %get3A_316 : vector<1x16xf32> to vector<16xf32>
      %add3A_318 = arith.addf %get3A_313, %get3A_317 : vector<16xf32>
      %swap3A_319 = arith.index_cast %scan3A_156 : i32 to index
      %swap3A_320 = arith.constant 176 : index
      %swap3A_321 = tpu.vector_load %arg9[%swap3A_319, %swap3A_320] {strides = array<i32>} : memref<16x1024xf32, #tpu.memory_space<vmem>>, vector<1x16xf32>,
      %swap3A_322 = vector.shape_cast %swap3A_321 : vector<1x16xf32> to vector<16xf32>
      %swap3A_323 = vector.shape_cast %add3A_318 : vector<16xf32> to vector<1x16xf32>
      tpu.vector_store %arg9[%swap3A_319, %swap3A_320], %swap3A_323 {strides = array<i32>} : memref<16x1024xf32, #tpu.memory_space<vmem>>, vector<1x16xf32>,
      %get3A_324 = arith.index_cast %scan3A_156 : i32 to index
      %get3A_325 = arith.constant 192 : index
      %get3A_326 = tpu.vector_load %arg9[%get3A_324, %get3A_325] {strides = array<i32>} : memref<16x1024xf32, #tpu.memory_space<vmem>>, vector<1x16xf32>,
      %get3A_327 = vector.shape_cast %get3A_326 : vector<1x16xf32> to vector<16xf32>
      %get3A_328 = arith.index_cast %scan3A_156 : i32 to index
      %get3A_329 = arith.constant 192 : index
      %get3A_330 = tpu.vector_load %arg11[%get3A_328, %get3A_329] {strides = array<i32>} : memref<16x1024xf32, #tpu.memory_space<vmem>>, vector<1x16xf32>,
      %get3A_331 = vector.shape_cast %get3A_330 : vector<1x16xf32> to vector<16xf32>
      %add3A_332 = arith.addf %get3A_327, %get3A_331 : vector<16xf32>
      %swap3A_333 = arith.index_cast %scan3A_156 : i32 to index
      %swap3A_334 = arith.constant 192 : index
      %swap3A_335 = tpu.vector_load %arg9[%swap3A_333, %swap3A_334] {strides = array<i32>} : memref<16x1024xf32, #tpu.memory_space<vmem>>, vector<1x16xf32>,
      %swap3A_336 = vector.shape_cast %swap3A_335 : vector<1x16xf32> to vector<16xf32>
      %swap3A_337 = vector.shape_cast %add3A_332 : vector<16xf32> to vector<1x16xf32>
      tpu.vector_store %arg9[%swap3A_333, %swap3A_334], %swap3A_337 {strides = array<i32>} : memref<16x1024xf32, #tpu.memory_space<vmem>>, vector<1x16xf32>,
      %get3A_338 = arith.index_cast %scan3A_156 : i32 to index
      %get3A_339 = arith.constant 208 : index
      %get3A_340 = tpu.vector_load %arg9[%get3A_338, %get3A_339] {strides = array<i32>} : memref<16x1024xf32, #tpu.memory_space<vmem>>, vector<1x16xf32>,
      %get3A_341 = vector.shape_cast %get3A_340 : vector<1x16xf32> to vector<16xf32>
      %get3A_342 = arith.index_cast %scan3A_156 : i32 to index
      %get3A_343 = arith.constant 208 : index
      %get3A_344 = tpu.vector_load %arg11[%get3A_342, %get3A_343] {strides = array<i32>} : memref<16x1024xf32, #tpu.memory_space<vmem>>, vector<1x16xf32>,
      %get3A_345 = vector.shape_cast %get3A_344 : vector<1x16xf32> to vector<16xf32>
      %add3A_346 = arith.addf %get3A_341, %get3A_345 : vector<16xf32>
      %swap3A_347 = arith.index_cast %scan3A_156 : i32 to index
      %swap3A_348 = arith.constant 208 : index
      %swap3A_349 = tpu.vector_load %arg9[%swap3A_347, %swap3A_348] {strides = array<i32>} : memref<16x1024xf32, #tpu.memory_space<vmem>>, vector<1x16xf32>,
      %swap3A_350 = vector.shape_cast %swap3A_349 : vector<1x16xf32> to vector<16xf32>
      %swap3A_351 = vector.shape_cast %add3A_346 : vector<16xf32> to vector<1x16xf32>
      tpu.vector_store %arg9[%swap3A_347, %swap3A_348], %swap3A_351 {strides = array<i32>} : memref<16x1024xf32, #tpu.memory_space<vmem>>, vector<1x16xf32>,
      %get3A_352 = arith.index_cast %scan3A_156 : i32 to index
      %get3A_353 = arith.constant 224 : index
      %get3A_354 = tpu.vector_load %arg9[%get3A_352, %get3A_353] {strides = array<i32>} : memref<16x1024xf32, #tpu.memory_space<vmem>>, vector<1x16xf32>,
      %get3A_355 = vector.shape_cast %get3A_354 : vector<1x16xf32> to vector<16xf32>
      %get3A_356 = arith.index_cast %scan3A_156 : i32 to index
      %get3A_357 = arith.constant 224 : index
      %get3A_358 = tpu.vector_load %arg11[%get3A_356, %get3A_357] {strides = array<i32>} : memref<16x1024xf32, #tpu.memory_space<vmem>>, vector<1x16xf32>,
      %get3A_359 = vector.shape_cast %get3A_358 : vector<1x16xf32> to vector<16xf32>
      %add3A_360 = arith.addf %get3A_355, %get3A_359 : vector<16xf32>
      %swap3A_361 = arith.index_cast %scan3A_156 : i32 to index
      %swap3A_362 = arith.constant 224 : index
      %swap3A_363 = tpu.vector_load %arg9[%swap3A_361, %swap3A_362] {strides = array<i32>} : memref<16x1024xf32, #tpu.memory_space<vmem>>, vector<1x16xf32>,
      %swap3A_364 = vector.shape_cast %swap3A_363 : vector<1x16xf32> to vector<16xf32>
      %swap3A_365 = vector.shape_cast %add3A_360 : vector<16xf32> to vector<1x16xf32>
      tpu.vector_store %arg9[%swap3A_361, %swap3A_362], %swap3A_365 {strides = array<i32>} : memref<16x1024xf32, #tpu.memory_space<vmem>>, vector<1x16xf32>,
      %get3A_366 = arith.index_cast %scan3A_156 : i32 to index
      %get3A_367 = arith.constant 240 : index
      %get3A_368 = tpu.vector_load %arg9[%get3A_366, %get3A_367] {strides = array<i32>} : memref<16x1024xf32, #tpu.memory_space<vmem>>, vector<1x16xf32>,
      %get3A_369 = vector.shape_cast %get3A_368 : vector<1x16xf32> to vector<16xf32>
      %get3A_370 = arith.index_cast %scan3A_156 : i32 to index
      %get3A_371 = arith.constant 240 : index
      %get3A_372 = tpu.vector_load %arg11[%get3A_370, %get3A_371] {strides = array<i32>} : memref<16x1024xf32, #tpu.memory_space<vmem>>, vector<1x16xf32>,
      %get3A_373 = vector.shape_cast %get3A_372 : vector<1x16xf32> to vector<16xf32>
      %add3A_374 = arith.addf %get3A_369, %get3A_373 : vector<16xf32>
      %swap3A_375 = arith.index_cast %scan3A_156 : i32 to index
      %swap3A_376 = arith.constant 240 : index
      %swap3A_377 = tpu.vector_load %arg9[%swap3A_375, %swap3A_376] {strides = array<i32>} : memref<16x1024xf32, #tpu.memory_space<vmem>>, vector<1x16xf32>,
      %swap3A_378 = vector.shape_cast %swap3A_377 : vector<1x16xf32> to vector<16xf32>
      %swap3A_379 = vector.shape_cast %add3A_374 : vector<16xf32> to vector<1x16xf32>
      tpu.vector_store %arg9[%swap3A_375, %swap3A_376], %swap3A_379 {strides = array<i32>} : memref<16x1024xf32, #tpu.memory_space<vmem>>, vector<1x16xf32>,
      %get3A_380 = arith.index_cast %scan3A_156 : i32 to index
      %get3A_381 = arith.constant 256 : index
      %get3A_382 = tpu.vector_load %arg9[%get3A_380, %get3A_381] {strides = array<i32>} : memref<16x1024xf32, #tpu.memory_space<vmem>>, vector<1x16xf32>,
      %get3A_383 = vector.shape_cast %get3A_382 : vector<1x16xf32> to vector<16xf32>
      %get3A_384 = arith.index_cast %scan3A_156 : i32 to index
      %get3A_385 = arith.constant 256 : index
      %get3A_386 = tpu.vector_load %arg11[%get3A_384, %get3A_385] {strides = array<i32>} : memref<16x1024xf32, #tpu.memory_space<vmem>>, vector<1x16xf32>,
      %get3A_387 = vector.shape_cast %get3A_386 : vector<1x16xf32> to vector<16xf32>
      %add3A_388 = arith.addf %get3A_383, %get3A_387 : vector<16xf32>
      %swap3A_389 = arith.index_cast %scan3A_156 : i32 to index
      %swap3A_390 = arith.constant 256 : index
      %swap3A_391 = tpu.vector_load %arg9[%swap3A_389, %swap3A_390] {strides = array<i32>} : memref<16x1024xf32, #tpu.memory_space<vmem>>, vector<1x16xf32>,
      %swap3A_392 = vector.shape_cast %swap3A_391 : vector<1x16xf32> to vector<16xf32>
      %swap3A_393 = vector.shape_cast %add3A_388 : vector<16xf32> to vector<1x16xf32>
      tpu.vector_store %arg9[%swap3A_389, %swap3A_390], %swap3A_393 {strides = array<i32>} : memref<16x1024xf32, #tpu.memory_space<vmem>>, vector<1x16xf32>,
      %get3A_394 = arith.index_cast %scan3A_156 : i32 to index
      %get3A_395 = arith.constant 272 : index
      %get3A_396 = tpu.vector_load %arg9[%get3A_394, %get3A_395] {strides = array<i32>} : memref<16x1024xf32, #tpu.memory_space<vmem>>, vector<1x16xf32>,
      %get3A_397 = vector.shape_cast %get3A_396 : vector<1x16xf32> to vector<16xf32>
      %get3A_398 = arith.index_cast %scan3A_156 : i32 to index
      %get3A_399 = arith.constant 272 : index
      %get3A_400 = tpu.vector_load %arg11[%get3A_398, %get3A_399] {strides = array<i32>} : memref<16x1024xf32, #tpu.memory_space<vmem>>, vector<1x16xf32>,
      %get3A_401 = vector.shape_cast %get3A_400 : vector<1x16xf32> to vector<16xf32>
      %add3A_402 = arith.addf %get3A_397, %get3A_401 : vector<16xf32>
      %swap3A_403 = arith.index_cast %scan3A_156 : i32 to index
      %swap3A_404 = arith.constant 272 : index
      %swap3A_405 = tpu.vector_load %arg9[%swap3A_403, %swap3A_404] {strides = array<i32>} : memref<16x1024xf32, #tpu.memory_space<vmem>>, vector<1x16xf32>,
      %swap3A_406 = vector.shape_cast %swap3A_405 : vector<1x16xf32> to vector<16xf32>
      %swap3A_407 = vector.shape_cast %add3A_402 : vector<16xf32> to vector<1x16xf32>
      tpu.vector_store %arg9[%swap3A_403, %swap3A_404], %swap3A_407 {strides = array<i32>} : memref<16x1024xf32, #tpu.memory_space<vmem>>, vector<1x16xf32>,
      %get3A_408 = arith.index_cast %scan3A_156 : i32 to index
      %get3A_409 = arith.constant 288 : index
      %get3A_410 = tpu.vector_load %arg9[%get3A_408, %get3A_409] {strides = array<i32>} : memref<16x1024xf32, #tpu.memory_space<vmem>>, vector<1x16xf32>,
      %get3A_411 = vector.shape_cast %get3A_410 : vector<1x16xf32> to vector<16xf32>
      %get3A_412 = arith.index_cast %scan3A_156 : i32 to index
      %get3A_413 = arith.constant 288 : index
      %get3A_414 = tpu.vector_load %arg11[%get3A_412, %get3A_413] {strides = array<i32>} : memref<16x1024xf32, #tpu.memory_space<vmem>>, vector<1x16xf32>,
      %get3A_415 = vector.shape_cast %get3A_414 : vector<1x16xf32> to vector<16xf32>
      %add3A_416 = arith.addf %get3A_411, %get3A_415 : vector<16xf32>
      %swap3A_417 = arith.index_cast %scan3A_156 : i32 to index
      %swap3A_418 = arith.constant 288 : index
      %swap3A_419 = tpu.vector_load %arg9[%swap3A_417, %swap3A_418] {strides = array<i32>} : memref<16x1024xf32, #tpu.memory_space<vmem>>, vector<1x16xf32>,
      %swap3A_420 = vector.shape_cast %swap3A_419 : vector<1x16xf32> to vector<16xf32>
      %swap3A_421 = vector.shape_cast %add3A_416 : vector<16xf32> to vector<1x16xf32>
      tpu.vector_store %arg9[%swap3A_417, %swap3A_418], %swap3A_421 {strides = array<i32>} : memref<16x1024xf32, #tpu.memory_space<vmem>>, vector<1x16xf32>,
      %get3A_422 = arith.index_cast %scan3A_156 : i32 to index
      %get3A_423 = arith.constant 304 : index
      %get3A_424 = tpu.vector_load %arg9[%get3A_422, %get3A_423] {strides = array<i32>} : memref<16x1024xf32, #tpu.memory_space<vmem>>, vector<1x16xf32>,
      %get3A_425 = vector.shape_cast %get3A_424 : vector<1x16xf32> to vector<16xf32>
      %get3A_426 = arith.index_cast %scan3A_156 : i32 to index
      %get3A_427 = arith.constant 304 : index
      %get3A_428 = tpu.vector_load %arg11[%get3A_426, %get3A_427] {strides = array<i32>} : memref<16x1024xf32, #tpu.memory_space<vmem>>, vector<1x16xf32>,
      %get3A_429 = vector.shape_cast %get3A_428 : vector<1x16xf32> to vector<16xf32>
      %add3A_430 = arith.addf %get3A_425, %get3A_429 : vector<16xf32>
      %swap3A_431 = arith.index_cast %scan3A_156 : i32 to index
      %swap3A_432 = arith.constant 304 : index
      %swap3A_433 = tpu.vector_load %arg9[%swap3A_431, %swap3A_432] {strides = array<i32>} : memref<16x1024xf32, #tpu.memory_space<vmem>>, vector<1x16xf32>,
      %swap3A_434 = vector.shape_cast %swap3A_433 : vector<1x16xf32> to vector<16xf32>
      %swap3A_435 = vector.shape_cast %add3A_430 : vector<16xf32> to vector<1x16xf32>
      tpu.vector_store %arg9[%swap3A_431, %swap3A_432], %swap3A_435 {strides = array<i32>} : memref<16x1024xf32, #tpu.memory_space<vmem>>, vector<1x16xf32>,
      %get3A_436 = arith.index_cast %scan3A_156 : i32 to index
      %get3A_437 = arith.constant 320 : index
      %get3A_438 = tpu.vector_load %arg9[%get3A_436, %get3A_437] {strides = array<i32>} : memref<16x1024xf32, #tpu.memory_space<vmem>>, vector<1x16xf32>,
      %get3A_439 = vector.shape_cast %get3A_438 : vector<1x16xf32> to vector<16xf32>
      %get3A_440 = arith.index_cast %scan3A_156 : i32 to index
      %get3A_441 = arith.constant 320 : index
      %get3A_442 = tpu.vector_load %arg11[%get3A_440, %get3A_441] {strides = array<i32>} : memref<16x1024xf32, #tpu.memory_space<vmem>>, vector<1x16xf32>,
      %get3A_443 = vector.shape_cast %get3A_442 : vector<1x16xf32> to vector<16xf32>
      %add3A_444 = arith.addf %get3A_439, %get3A_443 : vector<16xf32>
      %swap3A_445 = arith.index_cast %scan3A_156 : i32 to index
      %swap3A_446 = arith.constant 320 : index
      %swap3A_447 = tpu.vector_load %arg9[%swap3A_445, %swap3A_446] {strides = array<i32>} : memref<16x1024xf32, #tpu.memory_space<vmem>>, vector<1x16xf32>,
      %swap3A_448 = vector.shape_cast %swap3A_447 : vector<1x16xf32> to vector<16xf32>
      %swap3A_449 = vector.shape_cast %add3A_444 : vector<16xf32> to vector<1x16xf32>
      tpu.vector_store %arg9[%swap3A_445, %swap3A_446], %swap3A_449 {strides = array<i32>} : memref<16x1024xf32, #tpu.memory_space<vmem>>, vector<1x16xf32>,
      %get3A_450 = arith.index_cast %scan3A_156 : i32 to index
      %get3A_451 = arith.constant 336 : index
      %get3A_452 = tpu.vector_load %arg9[%get3A_450, %get3A_451] {strides = array<i32>} : memref<16x1024xf32, #tpu.memory_space<vmem>>, vector<1x16xf32>,
      %get3A_453 = vector.shape_cast %get3A_452 : vector<1x16xf32> to vector<16xf32>
      %get3A_454 = arith.index_cast %scan3A_156 : i32 to index
      %get3A_455 = arith.constant 336 : index
      %get3A_456 = tpu.vector_load %arg11[%get3A_454, %get3A_455] {strides = array<i32>} : memref<16x1024xf32, #tpu.memory_space<vmem>>, vector<1x16xf32>,
      %get3A_457 = vector.shape_cast %get3A_456 : vector<1x16xf32> to vector<16xf32>
      %add3A_458 = arith.addf %get3A_453, %get3A_457 : vector<16xf32>
      %swap3A_459 = arith.index_cast %scan3A_156 : i32 to index
      %swap3A_460 = arith.constant 336 : index
      %swap3A_461 = tpu.vector_load %arg9[%swap3A_459, %swap3A_460] {strides = array<i32>} : memref<16x1024xf32, #tpu.memory_space<vmem>>, vector<1x16xf32>,
      %swap3A_462 = vector.shape_cast %swap3A_461 : vector<1x16xf32> to vector<16xf32>
      %swap3A_463 = vector.shape_cast %add3A_458 : vector<16xf32> to vector<1x16xf32>
      tpu.vector_store %arg9[%swap3A_459, %swap3A_460], %swap3A_463 {strides = array<i32>} : memref<16x1024xf32, #tpu.memory_space<vmem>>, vector<1x16xf32>,
      %get3A_464 = arith.index_cast %scan3A_156 : i32 to index
      %get3A_465 = arith.constant 352 : index
      %get3A_466 = tpu.vector_load %arg9[%get3A_464, %get3A_465] {strides = array<i32>} : memref<16x1024xf32, #tpu.memory_space<vmem>>, vector<1x16xf32>,
      %get3A_467 = vector.shape_cast %get3A_466 : vector<1x16xf32> to vector<16xf32>
      %get3A_468 = arith.index_cast %scan3A_156 : i32 to index
      %get3A_469 = arith.constant 352 : index
      %get3A_470 = tpu.vector_load %arg11[%get3A_468, %get3A_469] {strides = array<i32>} : memref<16x1024xf32, #tpu.memory_space<vmem>>, vector<1x16xf32>,
      %get3A_471 = vector.shape_cast %get3A_470 : vector<1x16xf32> to vector<16xf32>
      %add3A_472 = arith.addf %get3A_467, %get3A_471 : vector<16xf32>
      %swap3A_473 = arith.index_cast %scan3A_156 : i32 to index
      %swap3A_474 = arith.constant 352 : index
      %swap3A_475 = tpu.vector_load %arg9[%swap3A_473, %swap3A_474] {strides = array<i32>} : memref<16x1024xf32, #tpu.memory_space<vmem>>, vector<1x16xf32>,
      %swap3A_476 = vector.shape_cast %swap3A_475 : vector<1x16xf32> to vector<16xf32>
      %swap3A_477 = vector.shape_cast %add3A_472 : vector<16xf32> to vector<1x16xf32>
      tpu.vector_store %arg9[%swap3A_473, %swap3A_474], %swap3A_477 {strides = array<i32>} : memref<16x1024xf32, #tpu.memory_space<vmem>>, vector<1x16xf32>,
      %get3A_478 = arith.index_cast %scan3A_156 : i32 to index
      %get3A_479 = arith.constant 368 : index
      %get3A_480 = tpu.vector_load %arg9[%get3A_478, %get3A_479] {strides = array<i32>} : memref<16x1024xf32, #tpu.memory_space<vmem>>, vector<1x16xf32>,
      %get3A_481 = vector.shape_cast %get3A_480 : vector<1x16xf32> to vector<16xf32>
      %get3A_482 = arith.index_cast %scan3A_156 : i32 to index
      %get3A_483 = arith.constant 368 : index
      %get3A_484 = tpu.vector_load %arg11[%get3A_482, %get3A_483] {strides = array<i32>} : memref<16x1024xf32, #tpu.memory_space<vmem>>, vector<1x16xf32>,
      %get3A_485 = vector.shape_cast %get3A_484 : vector<1x16xf32> to vector<16xf32>
      %add3A_486 = arith.addf %get3A_481, %get3A_485 : vector<16xf32>
      %swap3A_487 = arith.index_cast %scan3A_156 : i32 to index
      %swap3A_488 = arith.constant 368 : index
      %swap3A_489 = tpu.vector_load %arg9[%swap3A_487, %swap3A_488] {strides = array<i32>} : memref<16x1024xf32, #tpu.memory_space<vmem>>, vector<1x16xf32>,
      %swap3A_490 = vector.shape_cast %swap3A_489 : vector<1x16xf32> to vector<16xf32>
      %swap3A_491 = vector.shape_cast %add3A_486 : vector<16xf32> to vector<1x16xf32>
      tpu.vector_store %arg9[%swap3A_487, %swap3A_488], %swap3A_491 {strides = array<i32>} : memref<16x1024xf32, #tpu.memory_space<vmem>>, vector<1x16xf32>,
      %get3A_492 = arith.index_cast %scan3A_156 : i32 to index
      %get3A_493 = arith.constant 384 : index
      %get3A_494 = tpu.vector_load %arg9[%get3A_492, %get3A_493] {strides = array<i32>} : memref<16x1024xf32, #tpu.memory_space<vmem>>, vector<1x16xf32>,
      %get3A_495 = vector.shape_cast %get3A_494 : vector<1x16xf32> to vector<16xf32>
      %get3A_496 = arith.index_cast %scan3A_156 : i32 to index
      %get3A_497 = arith.constant 384 : index
      %get3A_498 = tpu.vector_load %arg11[%get3A_496, %get3A_497] {strides = array<i32>} : memref<16x1024xf32, #tpu.memory_space<vmem>>, vector<1x16xf32>,
      %get3A_499 = vector.shape_cast %get3A_498 : vector<1x16xf32> to vector<16xf32>
      %add3A_500 = arith.addf %get3A_495, %get3A_499 : vector<16xf32>
      %swap3A_501 = arith.index_cast %scan3A_156 : i32 to index
      %swap3A_502 = arith.constant 384 : index
      %swap3A_503 = tpu.vector_load %arg9[%swap3A_501, %swap3A_502] {strides = array<i32>} : memref<16x1024xf32, #tpu.memory_space<vmem>>, vector<1x16xf32>,
      %swap3A_504 = vector.shape_cast %swap3A_503 : vector<1x16xf32> to vector<16xf32>
      %swap3A_505 = vector.shape_cast %add3A_500 : vector<16xf32> to vector<1x16xf32>
      tpu.vector_store %arg9[%swap3A_501, %swap3A_502], %swap3A_505 {strides = array<i32>} : memref<16x1024xf32, #tpu.memory_space<vmem>>, vector<1x16xf32>,
      %get3A_506 = arith.index_cast %scan3A_156 : i32 to index
      %get3A_507 = arith.constant 400 : index
      %get3A_508 = tpu.vector_load %arg9[%get3A_506, %get3A_507] {strides = array<i32>} : memref<16x1024xf32, #tpu.memory_space<vmem>>, vector<1x16xf32>,
      %get3A_509 = vector.shape_cast %get3A_508 : vector<1x16xf32> to vector<16xf32>
      %get3A_510 = arith.index_cast %scan3A_156 : i32 to index
      %get3A_511 = arith.constant 400 : index
      %get3A_512 = tpu.vector_load %arg11[%get3A_510, %get3A_511] {strides = array<i32>} : memref<16x1024xf32, #tpu.memory_space<vmem>>, vector<1x16xf32>,
      %get3A_513 = vector.shape_cast %get3A_512 : vector<1x16xf32> to vector<16xf32>
      %add3A_514 = arith.addf %get3A_509, %get3A_513 : vector<16xf32>
      %swap3A_515 = arith.index_cast %scan3A_156 : i32 to index
      %swap3A_516 = arith.constant 400 : index
      %swap3A_517 = tpu.vector_load %arg9[%swap3A_515, %swap3A_516] {strides = array<i32>} : memref<16x1024xf32, #tpu.memory_space<vmem>>, vector<1x16xf32>,
      %swap3A_518 = vector.shape_cast %swap3A_517 : vector<1x16xf32> to vector<16xf32>
      %swap3A_519 = vector.shape_cast %add3A_514 : vector<16xf32> to vector<1x16xf32>
      tpu.vector_store %arg9[%swap3A_515, %swap3A_516], %swap3A_519 {strides = array<i32>} : memref<16x1024xf32, #tpu.memory_space<vmem>>, vector<1x16xf32>,
      %get3A_520 = arith.index_cast %scan3A_156 : i32 to index
      %get3A_521 = arith.constant 416 : index
      %get3A_522 = tpu.vector_load %arg9[%get3A_520, %get3A_521] {strides = array<i32>} : memref<16x1024xf32, #tpu.memory_space<vmem>>, vector<1x16xf32>,
      %get3A_523 = vector.shape_cast %get3A_522 : vector<1x16xf32> to vector<16xf32>
      %get3A_524 = arith.index_cast %scan3A_156 : i32 to index
      %get3A_525 = arith.constant 416 : index
      %get3A_526 = tpu.vector_load %arg11[%get3A_524, %get3A_525] {strides = array<i32>} : memref<16x1024xf32, #tpu.memory_space<vmem>>, vector<1x16xf32>,
      %get3A_527 = vector.shape_cast %get3A_526 : vector<1x16xf32> to vector<16xf32>
      %add3A_528 = arith.addf %get3A_523, %get3A_527 : vector<16xf32>
      %swap3A_529 = arith.index_cast %scan3A_156 : i32 to index
      %swap3A_530 = arith.constant 416 : index
      %swap3A_531 = tpu.vector_load %arg9[%swap3A_529, %swap3A_530] {strides = array<i32>} : memref<16x1024xf32, #tpu.memory_space<vmem>>, vector<1x16xf32>,
      %swap3A_532 = vector.shape_cast %swap3A_531 : vector<1x16xf32> to vector<16xf32>
      %swap3A_533 = vector.shape_cast %add3A_528 : vector<16xf32> to vector<1x16xf32>
      tpu.vector_store %arg9[%swap3A_529, %swap3A_530], %swap3A_533 {strides = array<i32>} : memref<16x1024xf32, #tpu.memory_space<vmem>>, vector<1x16xf32>,
      %get3A_534 = arith.index_cast %scan3A_156 : i32 to index
      %get3A_535 = arith.constant 432 : index
      %get3A_536 = tpu.vector_load %arg9[%get3A_534, %get3A_535] {strides = array<i32>} : memref<16x1024xf32, #tpu.memory_space<vmem>>, vector<1x16xf32>,
      %get3A_537 = vector.shape_cast %get3A_536 : vector<1x16xf32> to vector<16xf32>
      %get3A_538 = arith.index_cast %scan3A_156 : i32 to index
      %get3A_539 = arith.constant 432 : index
      %get3A_540 = tpu.vector_load %arg11[%get3A_538, %get3A_539] {strides = array<i32>} : memref<16x1024xf32, #tpu.memory_space<vmem>>, vector<1x16xf32>,
      %get3A_541 = vector.shape_cast %get3A_540 : vector<1x16xf32> to vector<16xf32>
      %add3A_542 = arith.addf %get3A_537, %get3A_541 : vector<16xf32>
      %swap3A_543 = arith.index_cast %scan3A_156 : i32 to index
      %swap3A_544 = arith.constant 432 : index
      %swap3A_545 = tpu.vector_load %arg9[%swap3A_543, %swap3A_544] {strides = array<i32>} : memref<16x1024xf32, #tpu.memory_space<vmem>>, vector<1x16xf32>,
      %swap3A_546 = vector.shape_cast %swap3A_545 : vector<1x16xf32> to vector<16xf32>
      %swap3A_547 = vector.shape_cast %add3A_542 : vector<16xf32> to vector<1x16xf32>
      tpu.vector_store %arg9[%swap3A_543, %swap3A_544], %swap3A_547 {strides = array<i32>} : memref<16x1024xf32, #tpu.memory_space<vmem>>, vector<1x16xf32>,
      %get3A_548 = arith.index_cast %scan3A_156 : i32 to index
      %get3A_549 = arith.constant 448 : index
      %get3A_550 = tpu.vector_load %arg9[%get3A_548, %get3A_549] {strides = array<i32>} : memref<16x1024xf32, #tpu.memory_space<vmem>>, vector<1x16xf32>,
      %get3A_551 = vector.shape_cast %get3A_550 : vector<1x16xf32> to vector<16xf32>
      %get3A_552 = arith.index_cast %scan3A_156 : i32 to index
      %get3A_553 = arith.constant 448 : index
      %get3A_554 = tpu.vector_load %arg11[%get3A_552, %get3A_553] {strides = array<i32>} : memref<16x1024xf32, #tpu.memory_space<vmem>>, vector<1x16xf32>,
      %get3A_555 = vector.shape_cast %get3A_554 : vector<1x16xf32> to vector<16xf32>
      %add3A_556 = arith.addf %get3A_551, %get3A_555 : vector<16xf32>
      %swap3A_557 = arith.index_cast %scan3A_156 : i32 to index
      %swap3A_558 = arith.constant 448 : index
      %swap3A_559 = tpu.vector_load %arg9[%swap3A_557, %swap3A_558] {strides = array<i32>} : memref<16x1024xf32, #tpu.memory_space<vmem>>, vector<1x16xf32>,
      %swap3A_560 = vector.shape_cast %swap3A_559 : vector<1x16xf32> to vector<16xf32>
      %swap3A_561 = vector.shape_cast %add3A_556 : vector<16xf32> to vector<1x16xf32>
      tpu.vector_store %arg9[%swap3A_557, %swap3A_558], %swap3A_561 {strides = array<i32>} : memref<16x1024xf32, #tpu.memory_space<vmem>>, vector<1x16xf32>,
      %get3A_562 = arith.index_cast %scan3A_156 : i32 to index
      %get3A_563 = arith.constant 464 : index
      %get3A_564 = tpu.vector_load %arg9[%get3A_562, %get3A_563] {strides = array<i32>} : memref<16x1024xf32, #tpu.memory_space<vmem>>, vector<1x16xf32>,
      %get3A_565 = vector.shape_cast %get3A_564 : vector<1x16xf32> to vector<16xf32>
      %get3A_566 = arith.index_cast %scan3A_156 : i32 to index
      %get3A_567 = arith.constant 464 : index
      %get3A_568 = tpu.vector_load %arg11[%get3A_566, %get3A_567] {strides = array<i32>} : memref<16x1024xf32, #tpu.memory_space<vmem>>, vector<1x16xf32>,
      %get3A_569 = vector.shape_cast %get3A_568 : vector<1x16xf32> to vector<16xf32>
      %add3A_570 = arith.addf %get3A_565, %get3A_569 : vector<16xf32>
      %swap3A_571 = arith.index_cast %scan3A_156 : i32 to index
      %swap3A_572 = arith.constant 464 : index
      %swap3A_573 = tpu.vector_load %arg9[%swap3A_571, %swap3A_572] {strides = array<i32>} : memref<16x1024xf32, #tpu.memory_space<vmem>>, vector<1x16xf32>,
      %swap3A_574 = vector.shape_cast %swap3A_573 : vector<1x16xf32> to vector<16xf32>
      %swap3A_575 = vector.shape_cast %add3A_570 : vector<16xf32> to vector<1x16xf32>
      tpu.vector_store %arg9[%swap3A_571, %swap3A_572], %swap3A_575 {strides = array<i32>} : memref<16x1024xf32, #tpu.memory_space<vmem>>, vector<1x16xf32>,
      %get3A_576 = arith.index_cast %scan3A_156 : i32 to index
      %get3A_577 = arith.constant 480 : index
      %get3A_578 = tpu.vector_load %arg9[%get3A_576, %get3A_577] {strides = array<i32>} : memref<16x1024xf32, #tpu.memory_space<vmem>>, vector<1x16xf32>,
      %get3A_579 = vector.shape_cast %get3A_578 : vector<1x16xf32> to vector<16xf32>
      %get3A_580 = arith.index_cast %scan3A_156 : i32 to index
      %get3A_581 = arith.constant 480 : index
      %get3A_582 = tpu.vector_load %arg11[%get3A_580, %get3A_581] {strides = array<i32>} : memref<16x1024xf32, #tpu.memory_space<vmem>>, vector<1x16xf32>,
      %get3A_583 = vector.shape_cast %get3A_582 : vector<1x16xf32> to vector<16xf32>
      %add3A_584 = arith.addf %get3A_579, %get3A_583 : vector<16xf32>
      %swap3A_585 = arith.index_cast %scan3A_156 : i32 to index
      %swap3A_586 = arith.constant 480 : index
      %swap3A_587 = tpu.vector_load %arg9[%swap3A_585, %swap3A_586] {strides = array<i32>} : memref<16x1024xf32, #tpu.memory_space<vmem>>, vector<1x16xf32>,
      %swap3A_588 = vector.shape_cast %swap3A_587 : vector<1x16xf32> to vector<16xf32>
      %swap3A_589 = vector.shape_cast %add3A_584 : vector<16xf32> to vector<1x16xf32>
      tpu.vector_store %arg9[%swap3A_585, %swap3A_586], %swap3A_589 {strides = array<i32>} : memref<16x1024xf32, #tpu.memory_space<vmem>>, vector<1x16xf32>,
      %get3A_590 = arith.index_cast %scan3A_156 : i32 to index
      %get3A_591 = arith.constant 496 : index
      %get3A_592 = tpu.vector_load %arg9[%get3A_590, %get3A_591] {strides = array<i32>} : memref<16x1024xf32, #tpu.memory_space<vmem>>, vector<1x16xf32>,
      %get3A_593 = vector.shape_cast %get3A_592 : vector<1x16xf32> to vector<16xf32>
      %get3A_594 = arith.index_cast %scan3A_156 : i32 to index
      %get3A_595 = arith.constant 496 : index
      %get3A_596 = tpu.vector_load %arg11[%get3A_594, %get3A_595] {strides = array<i32>} : memref<16x1024xf32, #tpu.memory_space<vmem>>, vector<1x16xf32>,
      %get3A_597 = vector.shape_cast %get3A_596 : vector<1x16xf32> to vector<16xf32>
      %add3A_598 = arith.addf %get3A_593, %get3A_597 : vector<16xf32>
      %swap3A_599 = arith.index_cast %scan3A_156 : i32 to index
      %swap3A_600 = arith.constant 496 : index
      %swap3A_601 = tpu.vector_load %arg9[%swap3A_599, %swap3A_600] {strides = array<i32>} : memref<16x1024xf32, #tpu.memory_space<vmem>>, vector<1x16xf32>,
      %swap3A_602 = vector.shape_cast %swap3A_601 : vector<1x16xf32> to vector<16xf32>
      %swap3A_603 = vector.shape_cast %add3A_598 : vector<16xf32> to vector<1x16xf32>
      tpu.vector_store %arg9[%swap3A_599, %swap3A_600], %swap3A_603 {strides = array<i32>} : memref<16x1024xf32, #tpu.memory_space<vmem>>, vector<1x16xf32>,
      %get3A_604 = arith.index_cast %scan3A_156 : i32 to index
      %get3A_605 = arith.constant 512 : index
      %get3A_606 = tpu.vector_load %arg9[%get3A_604, %get3A_605] {strides = array<i32>} : memref<16x1024xf32, #tpu.memory_space<vmem>>, vector<1x16xf32>,
      %get3A_607 = vector.shape_cast %get3A_606 : vector<1x16xf32> to vector<16xf32>
      %get3A_608 = arith.index_cast %scan3A_156 : i32 to index
      %get3A_609 = arith.constant 512 : index
      %get3A_610 = tpu.vector_load %arg11[%get3A_608, %get3A_609] {strides = array<i32>} : memref<16x1024xf32, #tpu.memory_space<vmem>>, vector<1x16xf32>,
      %get3A_611 = vector.shape_cast %get3A_610 : vector<1x16xf32> to vector<16xf32>
      %add3A_612 = arith.addf %get3A_607, %get3A_611 : vector<16xf32>
      %swap3A_613 = arith.index_cast %scan3A_156 : i32 to index
      %swap3A_614 = arith.constant 512 : index
      %swap3A_615 = tpu.vector_load %arg9[%swap3A_613, %swap3A_614] {strides = array<i32>} : memref<16x1024xf32, #tpu.memory_space<vmem>>, vector<1x16xf32>,
      %swap3A_616 = vector.shape_cast %swap3A_615 : vector<1x16xf32> to vector<16xf32>
      %swap3A_617 = vector.shape_cast %add3A_612 : vector<16xf32> to vector<1x16xf32>
      tpu.vector_store %arg9[%swap3A_613, %swap3A_614], %swap3A_617 {strides = array<i32>} : memref<16x1024xf32, #tpu.memory_space<vmem>>, vector<1x16xf32>,
      %get3A_618 = arith.index_cast %scan3A_156 : i32 to index
      %get3A_619 = arith.constant 528 : index
      %get3A_620 = tpu.vector_load %arg9[%get3A_618, %get3A_619] {strides = array<i32>} : memref<16x1024xf32, #tpu.memory_space<vmem>>, vector<1x16xf32>,
      %get3A_621 = vector.shape_cast %get3A_620 : vector<1x16xf32> to vector<16xf32>
      %get3A_622 = arith.index_cast %scan3A_156 : i32 to index
      %get3A_623 = arith.constant 528 : index
      %get3A_624 = tpu.vector_load %arg11[%get3A_622, %get3A_623] {strides = array<i32>} : memref<16x1024xf32, #tpu.memory_space<vmem>>, vector<1x16xf32>,
      %get3A_625 = vector.shape_cast %get3A_624 : vector<1x16xf32> to vector<16xf32>
      %add3A_626 = arith.addf %get3A_621, %get3A_625 : vector<16xf32>
      %swap3A_627 = arith.index_cast %scan3A_156 : i32 to index
      %swap3A_628 = arith.constant 528 : index
      %swap3A_629 = tpu.vector_load %arg9[%swap3A_627, %swap3A_628] {strides = array<i32>} : memref<16x1024xf32, #tpu.memory_space<vmem>>, vector<1x16xf32>,
      %swap3A_630 = vector.shape_cast %swap3A_629 : vector<1x16xf32> to vector<16xf32>
      %swap3A_631 = vector.shape_cast %add3A_626 : vector<16xf32> to vector<1x16xf32>
      tpu.vector_store %arg9[%swap3A_627, %swap3A_628], %swap3A_631 {strides = array<i32>} : memref<16x1024xf32, #tpu.memory_space<vmem>>, vector<1x16xf32>,
      %get3A_632 = arith.index_cast %scan3A_156 : i32 to index
      %get3A_633 = arith.constant 544 : index
      %get3A_634 = tpu.vector_load %arg9[%get3A_632, %get3A_633] {strides = array<i32>} : memref<16x1024xf32, #tpu.memory_space<vmem>>, vector<1x16xf32>,
      %get3A_635 = vector.shape_cast %get3A_634 : vector<1x16xf32> to vector<16xf32>
      %get3A_636 = arith.index_cast %scan3A_156 : i32 to index
      %get3A_637 = arith.constant 544 : index
      %get3A_638 = tpu.vector_load %arg11[%get3A_636, %get3A_637] {strides = array<i32>} : memref<16x1024xf32, #tpu.memory_space<vmem>>, vector<1x16xf32>,
      %get3A_639 = vector.shape_cast %get3A_638 : vector<1x16xf32> to vector<16xf32>
      %add3A_640 = arith.addf %get3A_635, %get3A_639 : vector<16xf32>
      %swap3A_641 = arith.index_cast %scan3A_156 : i32 to index
      %swap3A_642 = arith.constant 544 : index
      %swap3A_643 = tpu.vector_load %arg9[%swap3A_641, %swap3A_642] {strides = array<i32>} : memref<16x1024xf32, #tpu.memory_space<vmem>>, vector<1x16xf32>,
      %swap3A_644 = vector.shape_cast %swap3A_643 : vector<1x16xf32> to vector<16xf32>
      %swap3A_645 = vector.shape_cast %add3A_640 : vector<16xf32> to vector<1x16xf32>
      tpu.vector_store %arg9[%swap3A_641, %swap3A_642], %swap3A_645 {strides = array<i32>} : memref<16x1024xf32, #tpu.memory_space<vmem>>, vector<1x16xf32>,
      %get3A_646 = arith.index_cast %scan3A_156 : i32 to index
      %get3A_647 = arith.constant 560 : index
      %get3A_648 = tpu.vector_load %arg9[%get3A_646, %get3A_647] {strides = array<i32>} : memref<16x1024xf32, #tpu.memory_space<vmem>>, vector<1x16xf32>,
      %get3A_649 = vector.shape_cast %get3A_648 : vector<1x16xf32> to vector<16xf32>
      %get3A_650 = arith.index_cast %scan3A_156 : i32 to index
      %get3A_651 = arith.constant 560 : index
      %get3A_652 = tpu.vector_load %arg11[%get3A_650, %get3A_651] {strides = array<i32>} : memref<16x1024xf32, #tpu.memory_space<vmem>>, vector<1x16xf32>,
      %get3A_653 = vector.shape_cast %get3A_652 : vector<1x16xf32> to vector<16xf32>
      %add3A_654 = arith.addf %get3A_649, %get3A_653 : vector<16xf32>
      %swap3A_655 = arith.index_cast %scan3A_156 : i32 to index
      %swap3A_656 = arith.constant 560 : index
      %swap3A_657 = tpu.vector_load %arg9[%swap3A_655, %swap3A_656] {strides = array<i32>} : memref<16x1024xf32, #tpu.memory_space<vmem>>, vector<1x16xf32>,
      %swap3A_658 = vector.shape_cast %swap3A_657 : vector<1x16xf32> to vector<16xf32>
      %swap3A_659 = vector.shape_cast %add3A_654 : vector<16xf32> to vector<1x16xf32>
      tpu.vector_store %arg9[%swap3A_655, %swap3A_656], %swap3A_659 {strides = array<i32>} : memref<16x1024xf32, #tpu.memory_space<vmem>>, vector<1x16xf32>,
      %get3A_660 = arith.index_cast %scan3A_156 : i32 to index
      %get3A_661 = arith.constant 576 : index
      %get3A_662 = tpu.vector_load %arg9[%get3A_660, %get3A_661] {strides = array<i32>} : memref<16x1024xf32, #tpu.memory_space<vmem>>, vector<1x16xf32>,
      %get3A_663 = vector.shape_cast %get3A_662 : vector<1x16xf32> to vector<16xf32>
      %get3A_664 = arith.index_cast %scan3A_156 : i32 to index
      %get3A_665 = arith.constant 576 : index
      %get3A_666 = tpu.vector_load %arg11[%get3A_664, %get3A_665] {strides = array<i32>} : memref<16x1024xf32, #tpu.memory_space<vmem>>, vector<1x16xf32>,
      %get3A_667 = vector.shape_cast %get3A_666 : vector<1x16xf32> to vector<16xf32>
      %add3A_668 = arith.addf %get3A_663, %get3A_667 : vector<16xf32>
      %swap3A_669 = arith.index_cast %scan3A_156 : i32 to index
      %swap3A_670 = arith.constant 576 : index
      %swap3A_671 = tpu.vector_load %arg9[%swap3A_669, %swap3A_670] {strides = array<i32>} : memref<16x1024xf32, #tpu.memory_space<vmem>>, vector<1x16xf32>,
      %swap3A_672 = vector.shape_cast %swap3A_671 : vector<1x16xf32> to vector<16xf32>
      %swap3A_673 = vector.shape_cast %add3A_668 : vector<16xf32> to vector<1x16xf32>
      tpu.vector_store %arg9[%swap3A_669, %swap3A_670], %swap3A_673 {strides = array<i32>} : memref<16x1024xf32, #tpu.memory_space<vmem>>, vector<1x16xf32>,
      %get3A_674 = arith.index_cast %scan3A_156 : i32 to index
      %get3A_675 = arith.constant 592 : index
      %get3A_676 = tpu.vector_load %arg9[%get3A_674, %get3A_675] {strides = array<i32>} : memref<16x1024xf32, #tpu.memory_space<vmem>>, vector<1x16xf32>,
      %get3A_677 = vector.shape_cast %get3A_676 : vector<1x16xf32> to vector<16xf32>
      %get3A_678 = arith.index_cast %scan3A_156 : i32 to index
      %get3A_679 = arith.constant 592 : index
      %get3A_680 = tpu.vector_load %arg11[%get3A_678, %get3A_679] {strides = array<i32>} : memref<16x1024xf32, #tpu.memory_space<vmem>>, vector<1x16xf32>,
      %get3A_681 = vector.shape_cast %get3A_680 : vector<1x16xf32> to vector<16xf32>
      %add3A_682 = arith.addf %get3A_677, %get3A_681 : vector<16xf32>
      %swap3A_683 = arith.index_cast %scan3A_156 : i32 to index
      %swap3A_684 = arith.constant 592 : index
      %swap3A_685 = tpu.vector_load %arg9[%swap3A_683, %swap3A_684] {strides = array<i32>} : memref<16x1024xf32, #tpu.memory_space<vmem>>, vector<1x16xf32>,
      %swap3A_686 = vector.shape_cast %swap3A_685 : vector<1x16xf32> to vector<16xf32>
      %swap3A_687 = vector.shape_cast %add3A_682 : vector<16xf32> to vector<1x16xf32>
      tpu.vector_store %arg9[%swap3A_683, %swap3A_684], %swap3A_687 {strides = array<i32>} : memref<16x1024xf32, #tpu.memory_space<vmem>>, vector<1x16xf32>,
      %get3A_688 = arith.index_cast %scan3A_156 : i32 to index
      %get3A_689 = arith.constant 608 : index
      %get3A_690 = tpu.vector_load %arg9[%get3A_688, %get3A_689] {strides = array<i32>} : memref<16x1024xf32, #tpu.memory_space<vmem>>, vector<1x16xf32>,
      %get3A_691 = vector.shape_cast %get3A_690 : vector<1x16xf32> to vector<16xf32>
      %get3A_692 = arith.index_cast %scan3A_156 : i32 to index
      %get3A_693 = arith.constant 608 : index
      %get3A_694 = tpu.vector_load %arg11[%get3A_692, %get3A_693] {strides = array<i32>} : memref<16x1024xf32, #tpu.memory_space<vmem>>, vector<1x16xf32>,
      %get3A_695 = vector.shape_cast %get3A_694 : vector<1x16xf32> to vector<16xf32>
      %add3A_696 = arith.addf %get3A_691, %get3A_695 : vector<16xf32>
      %swap3A_697 = arith.index_cast %scan3A_156 : i32 to index
      %swap3A_698 = arith.constant 608 : index
      %swap3A_699 = tpu.vector_load %arg9[%swap3A_697, %swap3A_698] {strides = array<i32>} : memref<16x1024xf32, #tpu.memory_space<vmem>>, vector<1x16xf32>,
      %swap3A_700 = vector.shape_cast %swap3A_699 : vector<1x16xf32> to vector<16xf32>
      %swap3A_701 = vector.shape_cast %add3A_696 : vector<16xf32> to vector<1x16xf32>
      tpu.vector_store %arg9[%swap3A_697, %swap3A_698], %swap3A_701 {strides = array<i32>} : memref<16x1024xf32, #tpu.memory_space<vmem>>, vector<1x16xf32>,
      %get3A_702 = arith.index_cast %scan3A_156 : i32 to index
      %get3A_703 = arith.constant 624 : index
      %get3A_704 = tpu.vector_load %arg9[%get3A_702, %get3A_703] {strides = array<i32>} : memref<16x1024xf32, #tpu.memory_space<vmem>>, vector<1x16xf32>,
      %get3A_705 = vector.shape_cast %get3A_704 : vector<1x16xf32> to vector<16xf32>
      %get3A_706 = arith.index_cast %scan3A_156 : i32 to index
      %get3A_707 = arith.constant 624 : index
      %get3A_708 = tpu.vector_load %arg11[%get3A_706, %get3A_707] {strides = array<i32>} : memref<16x1024xf32, #tpu.memory_space<vmem>>, vector<1x16xf32>,
      %get3A_709 = vector.shape_cast %get3A_708 : vector<1x16xf32> to vector<16xf32>
      %add3A_710 = arith.addf %get3A_705, %get3A_709 : vector<16xf32>
      %swap3A_711 = arith.index_cast %scan3A_156 : i32 to index
      %swap3A_712 = arith.constant 624 : index
      %swap3A_713 = tpu.vector_load %arg9[%swap3A_711, %swap3A_712] {strides = array<i32>} : memref<16x1024xf32, #tpu.memory_space<vmem>>, vector<1x16xf32>,
      %swap3A_714 = vector.shape_cast %swap3A_713 : vector<1x16xf32> to vector<16xf32>
      %swap3A_715 = vector.shape_cast %add3A_710 : vector<16xf32> to vector<1x16xf32>
      tpu.vector_store %arg9[%swap3A_711, %swap3A_712], %swap3A_715 {strides = array<i32>} : memref<16x1024xf32, #tpu.memory_space<vmem>>, vector<1x16xf32>,
      %get3A_716 = arith.index_cast %scan3A_156 : i32 to index
      %get3A_717 = arith.constant 640 : index
      %get3A_718 = tpu.vector_load %arg9[%get3A_716, %get3A_717] {strides = array<i32>} : memref<16x1024xf32, #tpu.memory_space<vmem>>, vector<1x16xf32>,
      %get3A_719 = vector.shape_cast %get3A_718 : vector<1x16xf32> to vector<16xf32>
      %get3A_720 = arith.index_cast %scan3A_156 : i32 to index
      %get3A_721 = arith.constant 640 : index
      %get3A_722 = tpu.vector_load %arg11[%get3A_720, %get3A_721] {strides = array<i32>} : memref<16x1024xf32, #tpu.memory_space<vmem>>, vector<1x16xf32>,
      %get3A_723 = vector.shape_cast %get3A_722 : vector<1x16xf32> to vector<16xf32>
      %add3A_724 = arith.addf %get3A_719, %get3A_723 : vector<16xf32>
      %swap3A_725 = arith.index_cast %scan3A_156 : i32 to index
      %swap3A_726 = arith.constant 640 : index
      %swap3A_727 = tpu.vector_load %arg9[%swap3A_725, %swap3A_726] {strides = array<i32>} : memref<16x1024xf32, #tpu.memory_space<vmem>>, vector<1x16xf32>,
      %swap3A_728 = vector.shape_cast %swap3A_727 : vector<1x16xf32> to vector<16xf32>
      %swap3A_729 = vector.shape_cast %add3A_724 : vector<16xf32> to vector<1x16xf32>
      tpu.vector_store %arg9[%swap3A_725, %swap3A_726], %swap3A_729 {strides = array<i32>} : memref<16x1024xf32, #tpu.memory_space<vmem>>, vector<1x16xf32>,
      %get3A_730 = arith.index_cast %scan3A_156 : i32 to index
      %get3A_731 = arith.constant 656 : index
      %get3A_732 = tpu.vector_load %arg9[%get3A_730, %get3A_731] {strides = array<i32>} : memref<16x1024xf32, #tpu.memory_space<vmem>>, vector<1x16xf32>,
      %get3A_733 = vector.shape_cast %get3A_732 : vector<1x16xf32> to vector<16xf32>
      %get3A_734 = arith.index_cast %scan3A_156 : i32 to index
      %get3A_735 = arith.constant 656 : index
      %get3A_736 = tpu.vector_load %arg11[%get3A_734, %get3A_735] {strides = array<i32>} : memref<16x1024xf32, #tpu.memory_space<vmem>>, vector<1x16xf32>,
      %get3A_737 = vector.shape_cast %get3A_736 : vector<1x16xf32> to vector<16xf32>
      %add3A_738 = arith.addf %get3A_733, %get3A_737 : vector<16xf32>
      %swap3A_739 = arith.index_cast %scan3A_156 : i32 to index
      %swap3A_740 = arith.constant 656 : index
      %swap3A_741 = tpu.vector_load %arg9[%swap3A_739, %swap3A_740] {strides = array<i32>} : memref<16x1024xf32, #tpu.memory_space<vmem>>, vector<1x16xf32>,
      %swap3A_742 = vector.shape_cast %swap3A_741 : vector<1x16xf32> to vector<16xf32>
      %swap3A_743 = vector.shape_cast %add3A_738 : vector<16xf32> to vector<1x16xf32>
      tpu.vector_store %arg9[%swap3A_739, %swap3A_740], %swap3A_743 {strides = array<i32>} : memref<16x1024xf32, #tpu.memory_space<vmem>>, vector<1x16xf32>,
      %get3A_744 = arith.index_cast %scan3A_156 : i32 to index
      %get3A_745 = arith.constant 672 : index
      %get3A_746 = tpu.vector_load %arg9[%get3A_744, %get3A_745] {strides = array<i32>} : memref<16x1024xf32, #tpu.memory_space<vmem>>, vector<1x16xf32>,
      %get3A_747 = vector.shape_cast %get3A_746 : vector<1x16xf32> to vector<16xf32>
      %get3A_748 = arith.index_cast %scan3A_156 : i32 to index
      %get3A_749 = arith.constant 672 : index
      %get3A_750 = tpu.vector_load %arg11[%get3A_748, %get3A_749] {strides = array<i32>} : memref<16x1024xf32, #tpu.memory_space<vmem>>, vector<1x16xf32>,
      %get3A_751 = vector.shape_cast %get3A_750 : vector<1x16xf32> to vector<16xf32>
      %add3A_752 = arith.addf %get3A_747, %get3A_751 : vector<16xf32>
      %swap3A_753 = arith.index_cast %scan3A_156 : i32 to index
      %swap3A_754 = arith.constant 672 : index
      %swap3A_755 = tpu.vector_load %arg9[%swap3A_753, %swap3A_754] {strides = array<i32>} : memref<16x1024xf32, #tpu.memory_space<vmem>>, vector<1x16xf32>,
      %swap3A_756 = vector.shape_cast %swap3A_755 : vector<1x16xf32> to vector<16xf32>
      %swap3A_757 = vector.shape_cast %add3A_752 : vector<16xf32> to vector<1x16xf32>
      tpu.vector_store %arg9[%swap3A_753, %swap3A_754], %swap3A_757 {strides = array<i32>} : memref<16x1024xf32, #tpu.memory_space<vmem>>, vector<1x16xf32>,
      %get3A_758 = arith.index_cast %scan3A_156 : i32 to index
      %get3A_759 = arith.constant 688 : index
      %get3A_760 = tpu.vector_load %arg9[%get3A_758, %get3A_759] {strides = array<i32>} : memref<16x1024xf32, #tpu.memory_space<vmem>>, vector<1x16xf32>,
      %get3A_761 = vector.shape_cast %get3A_760 : vector<1x16xf32> to vector<16xf32>
      %get3A_762 = arith.index_cast %scan3A_156 : i32 to index
      %get3A_763 = arith.constant 688 : index
      %get3A_764 = tpu.vector_load %arg11[%get3A_762, %get3A_763] {strides = array<i32>} : memref<16x1024xf32, #tpu.memory_space<vmem>>, vector<1x16xf32>,
      %get3A_765 = vector.shape_cast %get3A_764 : vector<1x16xf32> to vector<16xf32>
      %add3A_766 = arith.addf %get3A_761, %get3A_765 : vector<16xf32>
      %swap3A_767 = arith.index_cast %scan3A_156 : i32 to index
      %swap3A_768 = arith.constant 688 : index
      %swap3A_769 = tpu.vector_load %arg9[%swap3A_767, %swap3A_768] {strides = array<i32>} : memref<16x1024xf32, #tpu.memory_space<vmem>>, vector<1x16xf32>,
      %swap3A_770 = vector.shape_cast %swap3A_769 : vector<1x16xf32> to vector<16xf32>
      %swap3A_771 = vector.shape_cast %add3A_766 : vector<16xf32> to vector<1x16xf32>
      tpu.vector_store %arg9[%swap3A_767, %swap3A_768], %swap3A_771 {strides = array<i32>} : memref<16x1024xf32, #tpu.memory_space<vmem>>, vector<1x16xf32>,
      %get3A_772 = arith.index_cast %scan3A_156 : i32 to index
      %get3A_773 = arith.constant 704 : index
      %get3A_774 = tpu.vector_load %arg9[%get3A_772, %get3A_773] {strides = array<i32>} : memref<16x1024xf32, #tpu.memory_space<vmem>>, vector<1x16xf32>,
      %get3A_775 = vector.shape_cast %get3A_774 : vector<1x16xf32> to vector<16xf32>
      %get3A_776 = arith.index_cast %scan3A_156 : i32 to index
      %get3A_777 = arith.constant 704 : index
      %get3A_778 = tpu.vector_load %arg11[%get3A_776, %get3A_777] {strides = array<i32>} : memref<16x1024xf32, #tpu.memory_space<vmem>>, vector<1x16xf32>,
      %get3A_779 = vector.shape_cast %get3A_778 : vector<1x16xf32> to vector<16xf32>
      %add3A_780 = arith.addf %get3A_775, %get3A_779 : vector<16xf32>
      %swap3A_781 = arith.index_cast %scan3A_156 : i32 to index
      %swap3A_782 = arith.constant 704 : index
      %swap3A_783 = tpu.vector_load %arg9[%swap3A_781, %swap3A_782] {strides = array<i32>} : memref<16x1024xf32, #tpu.memory_space<vmem>>, vector<1x16xf32>,
      %swap3A_784 = vector.shape_cast %swap3A_783 : vector<1x16xf32> to vector<16xf32>
      %swap3A_785 = vector.shape_cast %add3A_780 : vector<16xf32> to vector<1x16xf32>
      tpu.vector_store %arg9[%swap3A_781, %swap3A_782], %swap3A_785 {strides = array<i32>} : memref<16x1024xf32, #tpu.memory_space<vmem>>, vector<1x16xf32>,
      %get3A_786 = arith.index_cast %scan3A_156 : i32 to index
      %get3A_787 = arith.constant 720 : index
      %get3A_788 = tpu.vector_load %arg9[%get3A_786, %get3A_787] {strides = array<i32>} : memref<16x1024xf32, #tpu.memory_space<vmem>>, vector<1x16xf32>,
      %get3A_789 = vector.shape_cast %get3A_788 : vector<1x16xf32> to vector<16xf32>
      %get3A_790 = arith.index_cast %scan3A_156 : i32 to index
      %get3A_791 = arith.constant 720 : index
      %get3A_792 = tpu.vector_load %arg11[%get3A_790, %get3A_791] {strides = array<i32>} : memref<16x1024xf32, #tpu.memory_space<vmem>>, vector<1x16xf32>,
      %get3A_793 = vector.shape_cast %get3A_792 : vector<1x16xf32> to vector<16xf32>
      %add3A_794 = arith.addf %get3A_789, %get3A_793 : vector<16xf32>
      %swap3A_795 = arith.index_cast %scan3A_156 : i32 to index
      %swap3A_796 = arith.constant 720 : index
      %swap3A_797 = tpu.vector_load %arg9[%swap3A_795, %swap3A_796] {strides = array<i32>} : memref<16x1024xf32, #tpu.memory_space<vmem>>, vector<1x16xf32>,
      %swap3A_798 = vector.shape_cast %swap3A_797 : vector<1x16xf32> to vector<16xf32>
      %swap3A_799 = vector.shape_cast %add3A_794 : vector<16xf32> to vector<1x16xf32>
      tpu.vector_store %arg9[%swap3A_795, %swap3A_796], %swap3A_799 {strides = array<i32>} : memref<16x1024xf32, #tpu.memory_space<vmem>>, vector<1x16xf32>,
      %get3A_800 = arith.index_cast %scan3A_156 : i32 to index
      %get3A_801 = arith.constant 736 : index
      %get3A_802 = tpu.vector_load %arg9[%get3A_800, %get3A_801] {strides = array<i32>} : memref<16x1024xf32, #tpu.memory_space<vmem>>, vector<1x16xf32>,
      %get3A_803 = vector.shape_cast %get3A_802 : vector<1x16xf32> to vector<16xf32>
      %get3A_804 = arith.index_cast %scan3A_156 : i32 to index
      %get3A_805 = arith.constant 736 : index
      %get3A_806 = tpu.vector_load %arg11[%get3A_804, %get3A_805] {strides = array<i32>} : memref<16x1024xf32, #tpu.memory_space<vmem>>, vector<1x16xf32>,
      %get3A_807 = vector.shape_cast %get3A_806 : vector<1x16xf32> to vector<16xf32>
      %add3A_808 = arith.addf %get3A_803, %get3A_807 : vector<16xf32>
      %swap3A_809 = arith.index_cast %scan3A_156 : i32 to index
      %swap3A_810 = arith.constant 736 : index
      %swap3A_811 = tpu.vector_load %arg9[%swap3A_809, %swap3A_810] {strides = array<i32>} : memref<16x1024xf32, #tpu.memory_space<vmem>>, vector<1x16xf32>,
      %swap3A_812 = vector.shape_cast %swap3A_811 : vector<1x16xf32> to vector<16xf32>
      %swap3A_813 = vector.shape_cast %add3A_808 : vector<16xf32> to vector<1x16xf32>
      tpu.vector_store %arg9[%swap3A_809, %swap3A_810], %swap3A_813 {strides = array<i32>} : memref<16x1024xf32, #tpu.memory_space<vmem>>, vector<1x16xf32>,
      %get3A_814 = arith.index_cast %scan3A_156 : i32 to index
      %get3A_815 = arith.constant 752 : index
      %get3A_816 = tpu.vector_load %arg9[%get3A_814, %get3A_815] {strides = array<i32>} : memref<16x1024xf32, #tpu.memory_space<vmem>>, vector<1x16xf32>,
      %get3A_817 = vector.shape_cast %get3A_816 : vector<1x16xf32> to vector<16xf32>
      %get3A_818 = arith.index_cast %scan3A_156 : i32 to index
      %get3A_819 = arith.constant 752 : index
      %get3A_820 = tpu.vector_load %arg11[%get3A_818, %get3A_819] {strides = array<i32>} : memref<16x1024xf32, #tpu.memory_space<vmem>>, vector<1x16xf32>,
      %get3A_821 = vector.shape_cast %get3A_820 : vector<1x16xf32> to vector<16xf32>
      %add3A_822 = arith.addf %get3A_817, %get3A_821 : vector<16xf32>
      %swap3A_823 = arith.index_cast %scan3A_156 : i32 to index
      %swap3A_824 = arith.constant 752 : index
      %swap3A_825 = tpu.vector_load %arg9[%swap3A_823, %swap3A_824] {strides = array<i32>} : memref<16x1024xf32, #tpu.memory_space<vmem>>, vector<1x16xf32>,
      %swap3A_826 = vector.shape_cast %swap3A_825 : vector<1x16xf32> to vector<16xf32>
      %swap3A_827 = vector.shape_cast %add3A_822 : vector<16xf32> to vector<1x16xf32>
      tpu.vector_store %arg9[%swap3A_823, %swap3A_824], %swap3A_827 {strides = array<i32>} : memref<16x1024xf32, #tpu.memory_space<vmem>>, vector<1x16xf32>,
      %get3A_828 = arith.index_cast %scan3A_156 : i32 to index
      %get3A_829 = arith.constant 768 : index
      %get3A_830 = tpu.vector_load %arg9[%get3A_828, %get3A_829] {strides = array<i32>} : memref<16x1024xf32, #tpu.memory_space<vmem>>, vector<1x16xf32>,
      %get3A_831 = vector.shape_cast %get3A_830 : vector<1x16xf32> to vector<16xf32>
      %get3A_832 = arith.index_cast %scan3A_156 : i32 to index
      %get3A_833 = arith.constant 768 : index
      %get3A_834 = tpu.vector_load %arg11[%get3A_832, %get3A_833] {strides = array<i32>} : memref<16x1024xf32, #tpu.memory_space<vmem>>, vector<1x16xf32>,
      %get3A_835 = vector.shape_cast %get3A_834 : vector<1x16xf32> to vector<16xf32>
      %add3A_836 = arith.addf %get3A_831, %get3A_835 : vector<16xf32>
      %swap3A_837 = arith.index_cast %scan3A_156 : i32 to index
      %swap3A_838 = arith.constant 768 : index
      %swap3A_839 = tpu.vector_load %arg9[%swap3A_837, %swap3A_838] {strides = array<i32>} : memref<16x1024xf32, #tpu.memory_space<vmem>>, vector<1x16xf32>,
      %swap3A_840 = vector.shape_cast %swap3A_839 : vector<1x16xf32> to vector<16xf32>
      %swap3A_841 = vector.shape_cast %add3A_836 : vector<16xf32> to vector<1x16xf32>
      tpu.vector_store %arg9[%swap3A_837, %swap3A_838], %swap3A_841 {strides = array<i32>} : memref<16x1024xf32, #tpu.memory_space<vmem>>, vector<1x16xf32>,
      %get3A_842 = arith.index_cast %scan3A_156 : i32 to index
      %get3A_843 = arith.constant 784 : index
      %get3A_844 = tpu.vector_load %arg9[%get3A_842, %get3A_843] {strides = array<i32>} : memref<16x1024xf32, #tpu.memory_space<vmem>>, vector<1x16xf32>,
      %get3A_845 = vector.shape_cast %get3A_844 : vector<1x16xf32> to vector<16xf32>
      %get3A_846 = arith.index_cast %scan3A_156 : i32 to index
      %get3A_847 = arith.constant 784 : index
      %get3A_848 = tpu.vector_load %arg11[%get3A_846, %get3A_847] {strides = array<i32>} : memref<16x1024xf32, #tpu.memory_space<vmem>>, vector<1x16xf32>,
      %get3A_849 = vector.shape_cast %get3A_848 : vector<1x16xf32> to vector<16xf32>
      %add3A_850 = arith.addf %get3A_845, %get3A_849 : vector<16xf32>
      %swap3A_851 = arith.index_cast %scan3A_156 : i32 to index
      %swap3A_852 = arith.constant 784 : index
      %swap3A_853 = tpu.vector_load %arg9[%swap3A_851, %swap3A_852] {strides = array<i32>} : memref<16x1024xf32, #tpu.memory_space<vmem>>, vector<1x16xf32>,
      %swap3A_854 = vector.shape_cast %swap3A_853 : vector<1x16xf32> to vector<16xf32>
      %swap3A_855 = vector.shape_cast %add3A_850 : vector<16xf32> to vector<1x16xf32>
      tpu.vector_store %arg9[%swap3A_851, %swap3A_852], %swap3A_855 {strides = array<i32>} : memref<16x1024xf32, #tpu.memory_space<vmem>>, vector<1x16xf32>,
      %get3A_856 = arith.index_cast %scan3A_156 : i32 to index
      %get3A_857 = arith.constant 800 : index
      %get3A_858 = tpu.vector_load %arg9[%get3A_856, %get3A_857] {strides = array<i32>} : memref<16x1024xf32, #tpu.memory_space<vmem>>, vector<1x16xf32>,
      %get3A_859 = vector.shape_cast %get3A_858 : vector<1x16xf32> to vector<16xf32>
      %get3A_860 = arith.index_cast %scan3A_156 : i32 to index
      %get3A_861 = arith.constant 800 : index
      %get3A_862 = tpu.vector_load %arg11[%get3A_860, %get3A_861] {strides = array<i32>} : memref<16x1024xf32, #tpu.memory_space<vmem>>, vector<1x16xf32>,
      %get3A_863 = vector.shape_cast %get3A_862 : vector<1x16xf32> to vector<16xf32>
      %add3A_864 = arith.addf %get3A_859, %get3A_863 : vector<16xf32>
      %swap3A_865 = arith.index_cast %scan3A_156 : i32 to index
      %swap3A_866 = arith.constant 800 : index
      %swap3A_867 = tpu.vector_load %arg9[%swap3A_865, %swap3A_866] {strides = array<i32>} : memref<16x1024xf32, #tpu.memory_space<vmem>>, vector<1x16xf32>,
      %swap3A_868 = vector.shape_cast %swap3A_867 : vector<1x16xf32> to vector<16xf32>
      %swap3A_869 = vector.shape_cast %add3A_864 : vector<16xf32> to vector<1x16xf32>
      tpu.vector_store %arg9[%swap3A_865, %swap3A_866], %swap3A_869 {strides = array<i32>} : memref<16x1024xf32, #tpu.memory_space<vmem>>, vector<1x16xf32>,
      %get3A_870 = arith.index_cast %scan3A_156 : i32 to index
      %get3A_871 = arith.constant 816 : index
      %get3A_872 = tpu.vector_load %arg9[%get3A_870, %get3A_871] {strides = array<i32>} : memref<16x1024xf32, #tpu.memory_space<vmem>>, vector<1x16xf32>,
      %get3A_873 = vector.shape_cast %get3A_872 : vector<1x16xf32> to vector<16xf32>
      %get3A_874 = arith.index_cast %scan3A_156 : i32 to index
      %get3A_875 = arith.constant 816 : index
      %get3A_876 = tpu.vector_load %arg11[%get3A_874, %get3A_875] {strides = array<i32>} : memref<16x1024xf32, #tpu.memory_space<vmem>>, vector<1x16xf32>,
      %get3A_877 = vector.shape_cast %get3A_876 : vector<1x16xf32> to vector<16xf32>
      %add3A_878 = arith.addf %get3A_873, %get3A_877 : vector<16xf32>
      %swap3A_879 = arith.index_cast %scan3A_156 : i32 to index
      %swap3A_880 = arith.constant 816 : index
      %swap3A_881 = tpu.vector_load %arg9[%swap3A_879, %swap3A_880] {strides = array<i32>} : memref<16x1024xf32, #tpu.memory_space<vmem>>, vector<1x16xf32>,
      %swap3A_882 = vector.shape_cast %swap3A_881 : vector<1x16xf32> to vector<16xf32>
      %swap3A_883 = vector.shape_cast %add3A_878 : vector<16xf32> to vector<1x16xf32>
      tpu.vector_store %arg9[%swap3A_879, %swap3A_880], %swap3A_883 {strides = array<i32>} : memref<16x1024xf32, #tpu.memory_space<vmem>>, vector<1x16xf32>,
      %get3A_884 = arith.index_cast %scan3A_156 : i32 to index
      %get3A_885 = arith.constant 832 : index
      %get3A_886 = tpu.vector_load %arg9[%get3A_884, %get3A_885] {strides = array<i32>} : memref<16x1024xf32, #tpu.memory_space<vmem>>, vector<1x16xf32>,
      %get3A_887 = vector.shape_cast %get3A_886 : vector<1x16xf32> to vector<16xf32>
      %get3A_888 = arith.index_cast %scan3A_156 : i32 to index
      %get3A_889 = arith.constant 832 : index
      %get3A_890 = tpu.vector_load %arg11[%get3A_888, %get3A_889] {strides = array<i32>} : memref<16x1024xf32, #tpu.memory_space<vmem>>, vector<1x16xf32>,
      %get3A_891 = vector.shape_cast %get3A_890 : vector<1x16xf32> to vector<16xf32>
      %add3A_892 = arith.addf %get3A_887, %get3A_891 : vector<16xf32>
      %swap3A_893 = arith.index_cast %scan3A_156 : i32 to index
      %swap3A_894 = arith.constant 832 : index
      %swap3A_895 = tpu.vector_load %arg9[%swap3A_893, %swap3A_894] {strides = array<i32>} : memref<16x1024xf32, #tpu.memory_space<vmem>>, vector<1x16xf32>,
      %swap3A_896 = vector.shape_cast %swap3A_895 : vector<1x16xf32> to vector<16xf32>
      %swap3A_897 = vector.shape_cast %add3A_892 : vector<16xf32> to vector<1x16xf32>
      tpu.vector_store %arg9[%swap3A_893, %swap3A_894], %swap3A_897 {strides = array<i32>} : memref<16x1024xf32, #tpu.memory_space<vmem>>, vector<1x16xf32>,
      %get3A_898 = arith.index_cast %scan3A_156 : i32 to index
      %get3A_899 = arith.constant 848 : index
      %get3A_900 = tpu.vector_load %arg9[%get3A_898, %get3A_899] {strides = array<i32>} : memref<16x1024xf32, #tpu.memory_space<vmem>>, vector<1x16xf32>,
      %get3A_901 = vector.shape_cast %get3A_900 : vector<1x16xf32> to vector<16xf32>
      %get3A_902 = arith.index_cast %scan3A_156 : i32 to index
      %get3A_903 = arith.constant 848 : index
      %get3A_904 = tpu.vector_load %arg11[%get3A_902, %get3A_903] {strides = array<i32>} : memref<16x1024xf32, #tpu.memory_space<vmem>>, vector<1x16xf32>,
      %get3A_905 = vector.shape_cast %get3A_904 : vector<1x16xf32> to vector<16xf32>
      %add3A_906 = arith.addf %get3A_901, %get3A_905 : vector<16xf32>
      %swap3A_907 = arith.index_cast %scan3A_156 : i32 to index
      %swap3A_908 = arith.constant 848 : index
      %swap3A_909 = tpu.vector_load %arg9[%swap3A_907, %swap3A_908] {strides = array<i32>} : memref<16x1024xf32, #tpu.memory_space<vmem>>, vector<1x16xf32>,
      %swap3A_910 = vector.shape_cast %swap3A_909 : vector<1x16xf32> to vector<16xf32>
      %swap3A_911 = vector.shape_cast %add3A_906 : vector<16xf32> to vector<1x16xf32>
      tpu.vector_store %arg9[%swap3A_907, %swap3A_908], %swap3A_911 {strides = array<i32>} : memref<16x1024xf32, #tpu.memory_space<vmem>>, vector<1x16xf32>,
      %get3A_912 = arith.index_cast %scan3A_156 : i32 to index
      %get3A_913 = arith.constant 864 : index
      %get3A_914 = tpu.vector_load %arg9[%get3A_912, %get3A_913] {strides = array<i32>} : memref<16x1024xf32, #tpu.memory_space<vmem>>, vector<1x16xf32>,
      %get3A_915 = vector.shape_cast %get3A_914 : vector<1x16xf32> to vector<16xf32>
      %get3A_916 = arith.index_cast %scan3A_156 : i32 to index
      %get3A_917 = arith.constant 864 : index
      %get3A_918 = tpu.vector_load %arg11[%get3A_916, %get3A_917] {strides = array<i32>} : memref<16x1024xf32, #tpu.memory_space<vmem>>, vector<1x16xf32>,
      %get3A_919 = vector.shape_cast %get3A_918 : vector<1x16xf32> to vector<16xf32>
      %add3A_920 = arith.addf %get3A_915, %get3A_919 : vector<16xf32>
      %swap3A_921 = arith.index_cast %scan3A_156 : i32 to index
      %swap3A_922 = arith.constant 864 : index
      %swap3A_923 = tpu.vector_load %arg9[%swap3A_921, %swap3A_922] {strides = array<i32>} : memref<16x1024xf32, #tpu.memory_space<vmem>>, vector<1x16xf32>,
      %swap3A_924 = vector.shape_cast %swap3A_923 : vector<1x16xf32> to vector<16xf32>
      %swap3A_925 = vector.shape_cast %add3A_920 : vector<16xf32> to vector<1x16xf32>
      tpu.vector_store %arg9[%swap3A_921, %swap3A_922], %swap3A_925 {strides = array<i32>} : memref<16x1024xf32, #tpu.memory_space<vmem>>, vector<1x16xf32>,
      %get3A_926 = arith.index_cast %scan3A_156 : i32 to index
      %get3A_927 = arith.constant 880 : index
      %get3A_928 = tpu.vector_load %arg9[%get3A_926, %get3A_927] {strides = array<i32>} : memref<16x1024xf32, #tpu.memory_space<vmem>>, vector<1x16xf32>,
      %get3A_929 = vector.shape_cast %get3A_928 : vector<1x16xf32> to vector<16xf32>
      %get3A_930 = arith.index_cast %scan3A_156 : i32 to index
      %get3A_931 = arith.constant 880 : index
      %get3A_932 = tpu.vector_load %arg11[%get3A_930, %get3A_931] {strides = array<i32>} : memref<16x1024xf32, #tpu.memory_space<vmem>>, vector<1x16xf32>,
      %get3A_933 = vector.shape_cast %get3A_932 : vector<1x16xf32> to vector<16xf32>
      %add3A_934 = arith.addf %get3A_929, %get3A_933 : vector<16xf32>
      %swap3A_935 = arith.index_cast %scan3A_156 : i32 to index
      %swap3A_936 = arith.constant 880 : index
      %swap3A_937 = tpu.vector_load %arg9[%swap3A_935, %swap3A_936] {strides = array<i32>} : memref<16x1024xf32, #tpu.memory_space<vmem>>, vector<1x16xf32>,
      %swap3A_938 = vector.shape_cast %swap3A_937 : vector<1x16xf32> to vector<16xf32>
      %swap3A_939 = vector.shape_cast %add3A_934 : vector<16xf32> to vector<1x16xf32>
      tpu.vector_store %arg9[%swap3A_935, %swap3A_936], %swap3A_939 {strides = array<i32>} : memref<16x1024xf32, #tpu.memory_space<vmem>>, vector<1x16xf32>,
      %get3A_940 = arith.index_cast %scan3A_156 : i32 to index
      %get3A_941 = arith.constant 896 : index
      %get3A_942 = tpu.vector_load %arg9[%get3A_940, %get3A_941] {strides = array<i32>} : memref<16x1024xf32, #tpu.memory_space<vmem>>, vector<1x16xf32>,
      %get3A_943 = vector.shape_cast %get3A_942 : vector<1x16xf32> to vector<16xf32>
      %get3A_944 = arith.index_cast %scan3A_156 : i32 to index
      %get3A_945 = arith.constant 896 : index
      %get3A_946 = tpu.vector_load %arg11[%get3A_944, %get3A_945] {strides = array<i32>} : memref<16x1024xf32, #tpu.memory_space<vmem>>, vector<1x16xf32>,
      %get3A_947 = vector.shape_cast %get3A_946 : vector<1x16xf32> to vector<16xf32>
      %add3A_948 = arith.addf %get3A_943, %get3A_947 : vector<16xf32>
      %swap3A_949 = arith.index_cast %scan3A_156 : i32 to index
      %swap3A_950 = arith.constant 896 : index
      %swap3A_951 = tpu.vector_load %arg9[%swap3A_949, %swap3A_950] {strides = array<i32>} : memref<16x1024xf32, #tpu.memory_space<vmem>>, vector<1x16xf32>,
      %swap3A_952 = vector.shape_cast %swap3A_951 : vector<1x16xf32> to vector<16xf32>
      %swap3A_953 = vector.shape_cast %add3A_948 : vector<16xf32> to vector<1x16xf32>
      tpu.vector_store %arg9[%swap3A_949, %swap3A_950], %swap3A_953 {strides = array<i32>} : memref<16x1024xf32, #tpu.memory_space<vmem>>, vector<1x16xf32>,
      %get3A_954 = arith.index_cast %scan3A_156 : i32 to index
      %get3A_955 = arith.constant 912 : index
      %get3A_956 = tpu.vector_load %arg9[%get3A_954, %get3A_955] {strides = array<i32>} : memref<16x1024xf32, #tpu.memory_space<vmem>>, vector<1x16xf32>,
      %get3A_957 = vector.shape_cast %get3A_956 : vector<1x16xf32> to vector<16xf32>
      %get3A_958 = arith.index_cast %scan3A_156 : i32 to index
      %get3A_959 = arith.constant 912 : index
      %get3A_960 = tpu.vector_load %arg11[%get3A_958, %get3A_959] {strides = array<i32>} : memref<16x1024xf32, #tpu.memory_space<vmem>>, vector<1x16xf32>,
      %get3A_961 = vector.shape_cast %get3A_960 : vector<1x16xf32> to vector<16xf32>
      %add3A_962 = arith.addf %get3A_957, %get3A_961 : vector<16xf32>
      %swap3A_963 = arith.index_cast %scan3A_156 : i32 to index
      %swap3A_964 = arith.constant 912 : index
      %swap3A_965 = tpu.vector_load %arg9[%swap3A_963, %swap3A_964] {strides = array<i32>} : memref<16x1024xf32, #tpu.memory_space<vmem>>, vector<1x16xf32>,
      %swap3A_966 = vector.shape_cast %swap3A_965 : vector<1x16xf32> to vector<16xf32>
      %swap3A_967 = vector.shape_cast %add3A_962 : vector<16xf32> to vector<1x16xf32>
      tpu.vector_store %arg9[%swap3A_963, %swap3A_964], %swap3A_967 {strides = array<i32>} : memref<16x1024xf32, #tpu.memory_space<vmem>>, vector<1x16xf32>,
      %get3A_968 = arith.index_cast %scan3A_156 : i32 to index
      %get3A_969 = arith.constant 928 : index
      %get3A_970 = tpu.vector_load %arg9[%get3A_968, %get3A_969] {strides = array<i32>} : memref<16x1024xf32, #tpu.memory_space<vmem>>, vector<1x16xf32>,
      %get3A_971 = vector.shape_cast %get3A_970 : vector<1x16xf32> to vector<16xf32>
      %get3A_972 = arith.index_cast %scan3A_156 : i32 to index
      %get3A_973 = arith.constant 928 : index
      %get3A_974 = tpu.vector_load %arg11[%get3A_972, %get3A_973] {strides = array<i32>} : memref<16x1024xf32, #tpu.memory_space<vmem>>, vector<1x16xf32>,
      %get3A_975 = vector.shape_cast %get3A_974 : vector<1x16xf32> to vector<16xf32>
      %add3A_976 = arith.addf %get3A_971, %get3A_975 : vector<16xf32>
      %swap3A_977 = arith.index_cast %scan3A_156 : i32 to index
      %swap3A_978 = arith.constant 928 : index
      %swap3A_979 = tpu.vector_load %arg9[%swap3A_977, %swap3A_978] {strides = array<i32>} : memref<16x1024xf32, #tpu.memory_space<vmem>>, vector<1x16xf32>,
      %swap3A_980 = vector.shape_cast %swap3A_979 : vector<1x16xf32> to vector<16xf32>
      %swap3A_981 = vector.shape_cast %add3A_976 : vector<16xf32> to vector<1x16xf32>
      tpu.vector_store %arg9[%swap3A_977, %swap3A_978], %swap3A_981 {strides = array<i32>} : memref<16x1024xf32, #tpu.memory_space<vmem>>, vector<1x16xf32>,
      %get3A_982 = arith.index_cast %scan3A_156 : i32 to index
      %get3A_983 = arith.constant 944 : index
      %get3A_984 = tpu.vector_load %arg9[%get3A_982, %get3A_983] {strides = array<i32>} : memref<16x1024xf32, #tpu.memory_space<vmem>>, vector<1x16xf32>,
      %get3A_985 = vector.shape_cast %get3A_984 : vector<1x16xf32> to vector<16xf32>
      %get3A_986 = arith.index_cast %scan3A_156 : i32 to index
      %get3A_987 = arith.constant 944 : index
      %get3A_988 = tpu.vector_load %arg11[%get3A_986, %get3A_987] {strides = array<i32>} : memref<16x1024xf32, #tpu.memory_space<vmem>>, vector<1x16xf32>,
      %get3A_989 = vector.shape_cast %get3A_988 : vector<1x16xf32> to vector<16xf32>
      %add3A_990 = arith.addf %get3A_985, %get3A_989 : vector<16xf32>
      %swap3A_991 = arith.index_cast %scan3A_156 : i32 to index
      %swap3A_992 = arith.constant 944 : index
      %swap3A_993 = tpu.vector_load %arg9[%swap3A_991, %swap3A_992] {strides = array<i32>} : memref<16x1024xf32, #tpu.memory_space<vmem>>, vector<1x16xf32>,
      %swap3A_994 = vector.shape_cast %swap3A_993 : vector<1x16xf32> to vector<16xf32>
      %swap3A_995 = vector.shape_cast %add3A_990 : vector<16xf32> to vector<1x16xf32>
      tpu.vector_store %arg9[%swap3A_991, %swap3A_992], %swap3A_995 {strides = array<i32>} : memref<16x1024xf32, #tpu.memory_space<vmem>>, vector<1x16xf32>,
      %get3A_996 = arith.index_cast %scan3A_156 : i32 to index
      %get3A_997 = arith.constant 960 : index
      %get3A_998 = tpu.vector_load %arg9[%get3A_996, %get3A_997] {strides = array<i32>} : memref<16x1024xf32, #tpu.memory_space<vmem>>, vector<1x16xf32>,
      %get3A_999 = vector.shape_cast %get3A_998 : vector<1x16xf32> to vector<16xf32>
      %get3A_1000 = arith.index_cast %scan3A_156 : i32 to index
      %get3A_1001 = arith.constant 960 : index
      %get3A_1002 = tpu.vector_load %arg11[%get3A_1000, %get3A_1001] {strides = array<i32>} : memref<16x1024xf32, #tpu.memory_space<vmem>>, vector<1x16xf32>,
      %get3A_1003 = vector.shape_cast %get3A_1002 : vector<1x16xf32> to vector<16xf32>
      %add3A_1004 = arith.addf %get3A_999, %get3A_1003 : vector<16xf32>
      %swap3A_1005 = arith.index_cast %scan3A_156 : i32 to index
      %swap3A_1006 = arith.constant 960 : index
      %swap3A_1007 = tpu.vector_load %arg9[%swap3A_1005, %swap3A_1006] {strides = array<i32>} : memref<16x1024xf32, #tpu.memory_space<vmem>>, vector<1x16xf32>,
      %swap3A_1008 = vector.shape_cast %swap3A_1007 : vector<1x16xf32> to vector<16xf32>
      %swap3A_1009 = vector.shape_cast %add3A_1004 : vector<16xf32> to vector<1x16xf32>
      tpu.vector_store %arg9[%swap3A_1005, %swap3A_1006], %swap3A_1009 {strides = array<i32>} : memref<16x1024xf32, #tpu.memory_space<vmem>>, vector<1x16xf32>,
      %get3A_1010 = arith.index_cast %scan3A_156 : i32 to index
      %get3A_1011 = arith.constant 976 : index
      %get3A_1012 = tpu.vector_load %arg9[%get3A_1010, %get3A_1011] {strides = array<i32>} : memref<16x1024xf32, #tpu.memory_space<vmem>>, vector<1x16xf32>,
      %get3A_1013 = vector.shape_cast %get3A_1012 : vector<1x16xf32> to vector<16xf32>
      %get3A_1014 = arith.index_cast %scan3A_156 : i32 to index
      %get3A_1015 = arith.constant 976 : index
      %get3A_1016 = tpu.vector_load %arg11[%get3A_1014, %get3A_1015] {strides = array<i32>} : memref<16x1024xf32, #tpu.memory_space<vmem>>, vector<1x16xf32>,
      %get3A_1017 = vector.shape_cast %get3A_1016 : vector<1x16xf32> to vector<16xf32>
      %add3A_1018 = arith.addf %get3A_1013, %get3A_1017 : vector<16xf32>
      %swap3A_1019 = arith.index_cast %scan3A_156 : i32 to index
      %swap3A_1020 = arith.constant 976 : index
      %swap3A_1021 = tpu.vector_load %arg9[%swap3A_1019, %swap3A_1020] {strides = array<i32>} : memref<16x1024xf32, #tpu.memory_space<vmem>>, vector<1x16xf32>,
      %swap3A_1022 = vector.shape_cast %swap3A_1021 : vector<1x16xf32> to vector<16xf32>
      %swap3A_1023 = vector.shape_cast %add3A_1018 : vector<16xf32> to vector<1x16xf32>
      tpu.vector_store %arg9[%swap3A_1019, %swap3A_1020], %swap3A_1023 {strides = array<i32>} : memref<16x1024xf32, #tpu.memory_space<vmem>>, vector<1x16xf32>,
      %get3A_1024 = arith.index_cast %scan3A_156 : i32 to index
      %get3A_1025 = arith.constant 992 : index
      %get3A_1026 = tpu.vector_load %arg9[%get3A_1024, %get3A_1025] {strides = array<i32>} : memref<16x1024xf32, #tpu.memory_space<vmem>>, vector<1x16xf32>,
      %get3A_1027 = vector.shape_cast %get3A_1026 : vector<1x16xf32> to vector<16xf32>
      %get3A_1028 = arith.index_cast %scan3A_156 : i32 to index
      %get3A_1029 = arith.constant 992 : index
      %get3A_1030 = tpu.vector_load %arg11[%get3A_1028, %get3A_1029] {strides = array<i32>} : memref<16x1024xf32, #tpu.memory_space<vmem>>, vector<1x16xf32>,
      %get3A_1031 = vector.shape_cast %get3A_1030 : vector<1x16xf32> to vector<16xf32>
      %add3A_1032 = arith.addf %get3A_1027, %get3A_1031 : vector<16xf32>
      %swap3A_1033 = arith.index_cast %scan3A_156 : i32 to index
      %swap3A_1034 = arith.constant 992 : index
      %swap3A_1035 = tpu.vector_load %arg9[%swap3A_1033, %swap3A_1034] {strides = array<i32>} : memref<16x1024xf32, #tpu.memory_space<vmem>>, vector<1x16xf32>,
      %swap3A_1036 = vector.shape_cast %swap3A_1035 : vector<1x16xf32> to vector<16xf32>
      %swap3A_1037 = vector.shape_cast %add3A_1032 : vector<16xf32> to vector<1x16xf32>
      tpu.vector_store %arg9[%swap3A_1033, %swap3A_1034], %swap3A_1037 {strides = array<i32>} : memref<16x1024xf32, #tpu.memory_space<vmem>>, vector<1x16xf32>,
      %get3A_1038 = arith.index_cast %scan3A_156 : i32 to index
      %get3A_1039 = arith.constant 1008 : index
      %get3A_1040 = tpu.vector_load %arg9[%get3A_1038, %get3A_1039] {strides = array<i32>} : memref<16x1024xf32, #tpu.memory_space<vmem>>, vector<1x16xf32>,
      %get3A_1041 = vector.shape_cast %get3A_1040 : vector<1x16xf32> to vector<16xf32>
      %get3A_1042 = arith.index_cast %scan3A_156 : i32 to index
      %get3A_1043 = arith.constant 1008 : index
      %get3A_1044 = tpu.vector_load %arg11[%get3A_1042, %get3A_1043] {strides = array<i32>} : memref<16x1024xf32, #tpu.memory_space<vmem>>, vector<1x16xf32>,
      %get3A_1045 = vector.shape_cast %get3A_1044 : vector<1x16xf32> to vector<16xf32>
      %add3A_1046 = arith.addf %get3A_1041, %get3A_1045 : vector<16xf32>
      %swap3A_1047 = arith.index_cast %scan3A_156 : i32 to index
      %swap3A_1048 = arith.constant 1008 : index
      %swap3A_1049 = tpu.vector_load %arg9[%swap3A_1047, %swap3A_1048] {strides = array<i32>} : memref<16x1024xf32, #tpu.memory_space<vmem>>, vector<1x16xf32>,
      %swap3A_1050 = vector.shape_cast %swap3A_1049 : vector<1x16xf32> to vector<16xf32>
      %swap3A_1051 = vector.shape_cast %add3A_1046 : vector<16xf32> to vector<1x16xf32>
      tpu.vector_store %arg9[%swap3A_1047, %swap3A_1048], %swap3A_1051 {strides = array<i32>} : memref<16x1024xf32, #tpu.memory_space<vmem>>, vector<1x16xf32>,
      %scan3A_1052 = arith.constant 0 : i32
      scf.yield %scan3A_1052 : i32
    }
    %scan3A_81 = arith.constant 16 : i32
    %add3A_82 = arith.constant 16 : i32
    %add3A_83 = arith.addi %mul3A_2, %add3A_82 : i32
    %dma_start3A_84 = arith.constant 0 : i32
    %dma_start3A_85 = tpu.memref_slice %arg5[%add3A_83, %dma_start3A_84] : memref<2048x1024xf32, #tpu.memory_space<hbm>> -> memref<16x1024xf32, #tpu.memory_space<hbm>>
    %dma_start3A_86 = arith.constant 0 : i32
    %dma_start3A_87 = tpu.memref_slice %arg5[%add3A_83, %dma_start3A_86] : memref<2048x1024xf32, #tpu.memory_space<hbm>> -> memref<16x1024xf32, #tpu.memory_space<hbm>>
    tpu.enqueue_dma source(%arg9 : memref<16x1024xf32, #tpu.memory_space<vmem>>) target(%dma_start3A_87 : memref<16x1024xf32, #tpu.memory_space<hbm>>) target_semaphore(%arg17 : memref<!tpu.dma_semaphore, #tpu.memory_space<semaphore_mem>>)
    %dma_wait3A_88 = arith.constant 32 : i32
    %dma_wait3A_89 = tpu.memref_slice %arg6[%dma_wait3A_88] : memref<64xi32, #tpu.memory_space<vmem>> -> memref<16xi32, #tpu.memory_space<vmem>>
    %dma_wait3A_90 = arith.constant 0 : i32
    %dma_wait3A_91 = arith.constant 0 : i32
    %dma_wait3A_92 = tpu.memref_slice %arg2[%dma_wait3A_90, %dma_wait3A_91] : memref<5248x1024xf32, #tpu.memory_space<hbm>> -> memref<5248x1024xf32, #tpu.memory_space<hbm>>
    tpu.wait_indirect_dma semaphore(%arg12 : memref<!tpu.dma_semaphore, #tpu.memory_space<semaphore_mem>>) src(%dma_wait3A_92 : memref<5248x1024xf32, #tpu.memory_space<hbm>>) dst(%arg8 : memref<16x1024xf32, #tpu.memory_space<vmem>>)
    %dma_wait3A_93 = arith.constant 32 : i32
    %dma_wait3A_94 = tpu.memref_slice %arg7[%dma_wait3A_93] : memref<64xi32, #tpu.memory_space<vmem>> -> memref<16xi32, #tpu.memory_space<vmem>>
    %dma_wait3A_95 = arith.constant 0 : i32
    %dma_wait3A_96 = arith.constant 0 : i32
    %dma_wait3A_97 = tpu.memref_slice %arg2[%dma_wait3A_95, %dma_wait3A_96] : memref<5248x1024xf32, #tpu.memory_space<hbm>> -> memref<5248x1024xf32, #tpu.memory_space<hbm>>
    tpu.wait_indirect_dma semaphore(%arg14 : memref<!tpu.dma_semaphore, #tpu.memory_space<semaphore_mem>>) src(%dma_wait3A_97 : memref<5248x1024xf32, #tpu.memory_space<hbm>>) dst(%arg10 : memref<16x1024xf32, #tpu.memory_space<vmem>>)
    %dma_wait3A_98 = arith.constant 0 : i32
    %dma_wait3A_99 = tpu.memref_slice %arg5[%add3A_83, %dma_wait3A_98] : memref<2048x1024xf32, #tpu.memory_space<hbm>> -> memref<16x1024xf32, #tpu.memory_space<hbm>>
    %dma_wait3A_100 = arith.constant 0 : i32
    %dma_wait3A_101 = tpu.memref_slice %arg5[%add3A_83, %dma_wait3A_100] : memref<2048x1024xf32, #tpu.memory_space<hbm>> -> memref<16x1024xf32, #tpu.memory_space<hbm>>
    tpu.wait_dma2 semaphore(%arg17 : memref<!tpu.dma_semaphore, #tpu.memory_space<semaphore_mem>>) src(%arg9 : memref<16x1024xf32, #tpu.memory_space<vmem>>) dst(%dma_wait3A_101 : memref<16x1024xf32, #tpu.memory_space<hbm>>)
    %dma_start3A_102 = arith.constant 48 : i32
    %dma_start3A_103 = tpu.memref_slice %arg6[%dma_start3A_102] : memref<64xi32, #tpu.memory_space<vmem>> -> memref<16xi32, #tpu.memory_space<vmem>>
    %dma_start3A_104 = arith.constant 0 : i32
    %dma_start3A_105 = arith.constant 0 : i32
    %dma_start3A_106 = tpu.memref_slice %arg2[%dma_start3A_104, %dma_start3A_105] : memref<5248x1024xf32, #tpu.memory_space<hbm>> -> memref<5248x1024xf32, #tpu.memory_space<hbm>>
    tpu.enqueue_indirect_dma source(%dma_start3A_106 : memref<5248x1024xf32, #tpu.memory_space<hbm>>) target(%arg9 : memref<16x1024xf32, #tpu.memory_space<vmem>>) offsets(%dma_start3A_103 : memref<16xi32, #tpu.memory_space<vmem>>) semaphore(%arg13 : memref<!tpu.dma_semaphore, #tpu.memory_space<semaphore_mem>>)
    %dma_start3A_107 = arith.constant 48 : i32
    %dma_start3A_108 = tpu.memref_slice %arg7[%dma_start3A_107] : memref<64xi32, #tpu.memory_space<vmem>> -> memref<16xi32, #tpu.memory_space<vmem>>
    %dma_start3A_109 = arith.constant 0 : i32
    %dma_start3A_110 = arith.constant 0 : i32
    %dma_start3A_111 = tpu.memref_slice %arg2[%dma_start3A_109, %dma_start3A_110] : memref<5248x1024xf32, #tpu.memory_space<hbm>> -> memref<5248x1024xf32, #tpu.memory_space<hbm>>
    tpu.enqueue_indirect_dma source(%dma_start3A_111 : memref<5248x1024xf32, #tpu.memory_space<hbm>>) target(%arg11 : memref<16x1024xf32, #tpu.memory_space<vmem>>) offsets(%dma_start3A_108 : memref<16xi32, #tpu.memory_space<vmem>>) semaphore(%arg15 : memref<!tpu.dma_semaphore, #tpu.memory_space<semaphore_mem>>)
    %scan3A_112 = arith.constant 0 : i32
    %scan3A_113 = arith.constant 0 : i32
    %scan3A_114 = arith.constant 16 : i32
    %scan3A_115 = arith.addi %scan3A_113, %scan3A_114 : i32
    %scan3A_116 = arith.constant 1 : i32
    %scan3A_117 = scf.for %scan3A_156 = %scan3A_113 to %scan3A_115 step %scan3A_116 iter_args(%scan3A_157 = %scan3A_112) -> (i32)  : i32 {
      %get3A = arith.index_cast %scan3A_156 : i32 to index
      %get3A_158 = arith.constant 0 : index
      %get3A_159 = tpu.vector_load %arg8[%get3A, %get3A_158] {strides = array<i32>} : memref<16x1024xf32, #tpu.memory_space<vmem>>, vector<1x16xf32>,
      %get3A_160 = vector.shape_cast %get3A_159 : vector<1x16xf32> to vector<16xf32>
      %get3A_161 = arith.index_cast %scan3A_156 : i32 to index
      %get3A_162 = arith.constant 0 : index
      %get3A_163 = tpu.vector_load %arg10[%get3A_161, %get3A_162] {strides = array<i32>} : memref<16x1024xf32, #tpu.memory_space<vmem>>, vector<1x16xf32>,
      %get3A_164 = vector.shape_cast %get3A_163 : vector<1x16xf32> to vector<16xf32>
      %add3A_165 = arith.addf %get3A_160, %get3A_164 : vector<16xf32>
      %swap3A = arith.index_cast %scan3A_156 : i32 to index
      %swap3A_166 = arith.constant 0 : index
      %swap3A_167 = tpu.vector_load %arg8[%swap3A, %swap3A_166] {strides = array<i32>} : memref<16x1024xf32, #tpu.memory_space<vmem>>, vector<1x16xf32>,
      %swap3A_168 = vector.shape_cast %swap3A_167 : vector<1x16xf32> to vector<16xf32>
      %swap3A_169 = vector.shape_cast %add3A_165 : vector<16xf32> to vector<1x16xf32>
      tpu.vector_store %arg8[%swap3A, %swap3A_166], %swap3A_169 {strides = array<i32>} : memref<16x1024xf32, #tpu.memory_space<vmem>>, vector<1x16xf32>,
      %get3A_170 = arith.index_cast %scan3A_156 : i32 to index
      %get3A_171 = arith.constant 16 : index
      %get3A_172 = tpu.vector_load %arg8[%get3A_170, %get3A_171] {strides = array<i32>} : memref<16x1024xf32, #tpu.memory_space<vmem>>, vector<1x16xf32>,
      %get3A_173 = vector.shape_cast %get3A_172 : vector<1x16xf32> to vector<16xf32>
      %get3A_174 = arith.index_cast %scan3A_156 : i32 to index
      %get3A_175 = arith.constant 16 : index
      %get3A_176 = tpu.vector_load %arg10[%get3A_174, %get3A_175] {strides = array<i32>} : memref<16x1024xf32, #tpu.memory_space<vmem>>, vector<1x16xf32>,
      %get3A_177 = vector.shape_cast %get3A_176 : vector<1x16xf32> to vector<16xf32>
      %add3A_178 = arith.addf %get3A_173, %get3A_177 : vector<16xf32>
      %swap3A_179 = arith.index_cast %scan3A_156 : i32 to index
      %swap3A_180 = arith.constant 16 : index
      %swap3A_181 = tpu.vector_load %arg8[%swap3A_179, %swap3A_180] {strides = array<i32>} : memref<16x1024xf32, #tpu.memory_space<vmem>>, vector<1x16xf32>,
      %swap3A_182 = vector.shape_cast %swap3A_181 : vector<1x16xf32> to vector<16xf32>
      %swap3A_183 = vector.shape_cast %add3A_178 : vector<16xf32> to vector<1x16xf32>
      tpu.vector_store %arg8[%swap3A_179, %swap3A_180], %swap3A_183 {strides = array<i32>} : memref<16x1024xf32, #tpu.memory_space<vmem>>, vector<1x16xf32>,
      %get3A_184 = arith.index_cast %scan3A_156 : i32 to index
      %get3A_185 = arith.constant 32 : index
      %get3A_186 = tpu.vector_load %arg8[%get3A_184, %get3A_185] {strides = array<i32>} : memref<16x1024xf32, #tpu.memory_space<vmem>>, vector<1x16xf32>,
      %get3A_187 = vector.shape_cast %get3A_186 : vector<1x16xf32> to vector<16xf32>
      %get3A_188 = arith.index_cast %scan3A_156 : i32 to index
      %get3A_189 = arith.constant 32 : index
      %get3A_190 = tpu.vector_load %arg10[%get3A_188, %get3A_189] {strides = array<i32>} : memref<16x1024xf32, #tpu.memory_space<vmem>>, vector<1x16xf32>,
      %get3A_191 = vector.shape_cast %get3A_190 : vector<1x16xf32> to vector<16xf32>
      %add3A_192 = arith.addf %get3A_187, %get3A_191 : vector<16xf32>
      %swap3A_193 = arith.index_cast %scan3A_156 : i32 to index
      %swap3A_194 = arith.constant 32 : index
      %swap3A_195 = tpu.vector_load %arg8[%swap3A_193, %swap3A_194] {strides = array<i32>} : memref<16x1024xf32, #tpu.memory_space<vmem>>, vector<1x16xf32>,
      %swap3A_196 = vector.shape_cast %swap3A_195 : vector<1x16xf32> to vector<16xf32>
      %swap3A_197 = vector.shape_cast %add3A_192 : vector<16xf32> to vector<1x16xf32>
      tpu.vector_store %arg8[%swap3A_193, %swap3A_194], %swap3A_197 {strides = array<i32>} : memref<16x1024xf32, #tpu.memory_space<vmem>>, vector<1x16xf32>,
      %get3A_198 = arith.index_cast %scan3A_156 : i32 to index
      %get3A_199 = arith.constant 48 : index
      %get3A_200 = tpu.vector_load %arg8[%get3A_198, %get3A_199] {strides = array<i32>} : memref<16x1024xf32, #tpu.memory_space<vmem>>, vector<1x16xf32>,
      %get3A_201 = vector.shape_cast %get3A_200 : vector<1x16xf32> to vector<16xf32>
      %get3A_202 = arith.index_cast %scan3A_156 : i32 to index
      %get3A_203 = arith.constant 48 : index
      %get3A_204 = tpu.vector_load %arg10[%get3A_202, %get3A_203] {strides = array<i32>} : memref<16x1024xf32, #tpu.memory_space<vmem>>, vector<1x16xf32>,
      %get3A_205 = vector.shape_cast %get3A_204 : vector<1x16xf32> to vector<16xf32>
      %add3A_206 = arith.addf %get3A_201, %get3A_205 : vector<16xf32>
      %swap3A_207 = arith.index_cast %scan3A_156 : i32 to index
      %swap3A_208 = arith.constant 48 : index
      %swap3A_209 = tpu.vector_load %arg8[%swap3A_207, %swap3A_208] {strides = array<i32>} : memref<16x1024xf32, #tpu.memory_space<vmem>>, vector<1x16xf32>,
      %swap3A_210 = vector.shape_cast %swap3A_209 : vector<1x16xf32> to vector<16xf32>
      %swap3A_211 = vector.shape_cast %add3A_206 : vector<16xf32> to vector<1x16xf32>
      tpu.vector_store %arg8[%swap3A_207, %swap3A_208], %swap3A_211 {strides = array<i32>} : memref<16x1024xf32, #tpu.memory_space<vmem>>, vector<1x16xf32>,
      %get3A_212 = arith.index_cast %scan3A_156 : i32 to index
      %get3A_213 = arith.constant 64 : index
      %get3A_214 = tpu.vector_load %arg8[%get3A_212, %get3A_213] {strides = array<i32>} : memref<16x1024xf32, #tpu.memory_space<vmem>>, vector<1x16xf32>,
      %get3A_215 = vector.shape_cast %get3A_214 : vector<1x16xf32> to vector<16xf32>
      %get3A_216 = arith.index_cast %scan3A_156 : i32 to index
      %get3A_217 = arith.constant 64 : index
      %get3A_218 = tpu.vector_load %arg10[%get3A_216, %get3A_217] {strides = array<i32>} : memref<16x1024xf32, #tpu.memory_space<vmem>>, vector<1x16xf32>,
      %get3A_219 = vector.shape_cast %get3A_218 : vector<1x16xf32> to vector<16xf32>
      %add3A_220 = arith.addf %get3A_215, %get3A_219 : vector<16xf32>
      %swap3A_221 = arith.index_cast %scan3A_156 : i32 to index
      %swap3A_222 = arith.constant 64 : index
      %swap3A_223 = tpu.vector_load %arg8[%swap3A_221, %swap3A_222] {strides = array<i32>} : memref<16x1024xf32, #tpu.memory_space<vmem>>, vector<1x16xf32>,
      %swap3A_224 = vector.shape_cast %swap3A_223 : vector<1x16xf32> to vector<16xf32>
      %swap3A_225 = vector.shape_cast %add3A_220 : vector<16xf32> to vector<1x16xf32>
      tpu.vector_store %arg8[%swap3A_221, %swap3A_222], %swap3A_225 {strides = array<i32>} : memref<16x1024xf32, #tpu.memory_space<vmem>>, vector<1x16xf32>,
      %get3A_226 = arith.index_cast %scan3A_156 : i32 to index
      %get3A_227 = arith.constant 80 : index
      %get3A_228 = tpu.vector_load %arg8[%get3A_226, %get3A_227] {strides = array<i32>} : memref<16x1024xf32, #tpu.memory_space<vmem>>, vector<1x16xf32>,
      %get3A_229 = vector.shape_cast %get3A_228 : vector<1x16xf32> to vector<16xf32>
      %get3A_230 = arith.index_cast %scan3A_156 : i32 to index
      %get3A_231 = arith.constant 80 : index
      %get3A_232 = tpu.vector_load %arg10[%get3A_230, %get3A_231] {strides = array<i32>} : memref<16x1024xf32, #tpu.memory_space<vmem>>, vector<1x16xf32>,
      %get3A_233 = vector.shape_cast %get3A_232 : vector<1x16xf32> to vector<16xf32>
      %add3A_234 = arith.addf %get3A_229, %get3A_233 : vector<16xf32>
      %swap3A_235 = arith.index_cast %scan3A_156 : i32 to index
      %swap3A_236 = arith.constant 80 : index
      %swap3A_237 = tpu.vector_load %arg8[%swap3A_235, %swap3A_236] {strides = array<i32>} : memref<16x1024xf32, #tpu.memory_space<vmem>>, vector<1x16xf32>,
      %swap3A_238 = vector.shape_cast %swap3A_237 : vector<1x16xf32> to vector<16xf32>
      %swap3A_239 = vector.shape_cast %add3A_234 : vector<16xf32> to vector<1x16xf32>
      tpu.vector_store %arg8[%swap3A_235, %swap3A_236], %swap3A_239 {strides = array<i32>} : memref<16x1024xf32, #tpu.memory_space<vmem>>, vector<1x16xf32>,
      %get3A_240 = arith.index_cast %scan3A_156 : i32 to index
      %get3A_241 = arith.constant 96 : index
      %get3A_242 = tpu.vector_load %arg8[%get3A_240, %get3A_241] {strides = array<i32>} : memref<16x1024xf32, #tpu.memory_space<vmem>>, vector<1x16xf32>,
      %get3A_243 = vector.shape_cast %get3A_242 : vector<1x16xf32> to vector<16xf32>
      %get3A_244 = arith.index_cast %scan3A_156 : i32 to index
      %get3A_245 = arith.constant 96 : index
      %get3A_246 = tpu.vector_load %arg10[%get3A_244, %get3A_245] {strides = array<i32>} : memref<16x1024xf32, #tpu.memory_space<vmem>>, vector<1x16xf32>,
      %get3A_247 = vector.shape_cast %get3A_246 : vector<1x16xf32> to vector<16xf32>
      %add3A_248 = arith.addf %get3A_243, %get3A_247 : vector<16xf32>
      %swap3A_249 = arith.index_cast %scan3A_156 : i32 to index
      %swap3A_250 = arith.constant 96 : index
      %swap3A_251 = tpu.vector_load %arg8[%swap3A_249, %swap3A_250] {strides = array<i32>} : memref<16x1024xf32, #tpu.memory_space<vmem>>, vector<1x16xf32>,
      %swap3A_252 = vector.shape_cast %swap3A_251 : vector<1x16xf32> to vector<16xf32>
      %swap3A_253 = vector.shape_cast %add3A_248 : vector<16xf32> to vector<1x16xf32>
      tpu.vector_store %arg8[%swap3A_249, %swap3A_250], %swap3A_253 {strides = array<i32>} : memref<16x1024xf32, #tpu.memory_space<vmem>>, vector<1x16xf32>,
      %get3A_254 = arith.index_cast %scan3A_156 : i32 to index
      %get3A_255 = arith.constant 112 : index
      %get3A_256 = tpu.vector_load %arg8[%get3A_254, %get3A_255] {strides = array<i32>} : memref<16x1024xf32, #tpu.memory_space<vmem>>, vector<1x16xf32>,
      %get3A_257 = vector.shape_cast %get3A_256 : vector<1x16xf32> to vector<16xf32>
      %get3A_258 = arith.index_cast %scan3A_156 : i32 to index
      %get3A_259 = arith.constant 112 : index
      %get3A_260 = tpu.vector_load %arg10[%get3A_258, %get3A_259] {strides = array<i32>} : memref<16x1024xf32, #tpu.memory_space<vmem>>, vector<1x16xf32>,
      %get3A_261 = vector.shape_cast %get3A_260 : vector<1x16xf32> to vector<16xf32>
      %add3A_262 = arith.addf %get3A_257, %get3A_261 : vector<16xf32>
      %swap3A_263 = arith.index_cast %scan3A_156 : i32 to index
      %swap3A_264 = arith.constant 112 : index
      %swap3A_265 = tpu.vector_load %arg8[%swap3A_263, %swap3A_264] {strides = array<i32>} : memref<16x1024xf32, #tpu.memory_space<vmem>>, vector<1x16xf32>,
      %swap3A_266 = vector.shape_cast %swap3A_265 : vector<1x16xf32> to vector<16xf32>
      %swap3A_267 = vector.shape_cast %add3A_262 : vector<16xf32> to vector<1x16xf32>
      tpu.vector_store %arg8[%swap3A_263, %swap3A_264], %swap3A_267 {strides = array<i32>} : memref<16x1024xf32, #tpu.memory_space<vmem>>, vector<1x16xf32>,
      %get3A_268 = arith.index_cast %scan3A_156 : i32 to index
      %get3A_269 = arith.constant 128 : index
      %get3A_270 = tpu.vector_load %arg8[%get3A_268, %get3A_269] {strides = array<i32>} : memref<16x1024xf32, #tpu.memory_space<vmem>>, vector<1x16xf32>,
      %get3A_271 = vector.shape_cast %get3A_270 : vector<1x16xf32> to vector<16xf32>
      %get3A_272 = arith.index_cast %scan3A_156 : i32 to index
      %get3A_273 = arith.constant 128 : index
      %get3A_274 = tpu.vector_load %arg10[%get3A_272, %get3A_273] {strides = array<i32>} : memref<16x1024xf32, #tpu.memory_space<vmem>>, vector<1x16xf32>,
      %get3A_275 = vector.shape_cast %get3A_274 : vector<1x16xf32> to vector<16xf32>
      %add3A_276 = arith.addf %get3A_271, %get3A_275 : vector<16xf32>
      %swap3A_277 = arith.index_cast %scan3A_156 : i32 to index
      %swap3A_278 = arith.constant 128 : index
      %swap3A_279 = tpu.vector_load %arg8[%swap3A_277, %swap3A_278] {strides = array<i32>} : memref<16x1024xf32, #tpu.memory_space<vmem>>, vector<1x16xf32>,
      %swap3A_280 = vector.shape_cast %swap3A_279 : vector<1x16xf32> to vector<16xf32>
      %swap3A_281 = vector.shape_cast %add3A_276 : vector<16xf32> to vector<1x16xf32>
      tpu.vector_store %arg8[%swap3A_277, %swap3A_278], %swap3A_281 {strides = array<i32>} : memref<16x1024xf32, #tpu.memory_space<vmem>>, vector<1x16xf32>,
      %get3A_282 = arith.index_cast %scan3A_156 : i32 to index
      %get3A_283 = arith.constant 144 : index
      %get3A_284 = tpu.vector_load %arg8[%get3A_282, %get3A_283] {strides = array<i32>} : memref<16x1024xf32, #tpu.memory_space<vmem>>, vector<1x16xf32>,
      %get3A_285 = vector.shape_cast %get3A_284 : vector<1x16xf32> to vector<16xf32>
      %get3A_286 = arith.index_cast %scan3A_156 : i32 to index
      %get3A_287 = arith.constant 144 : index
      %get3A_288 = tpu.vector_load %arg10[%get3A_286, %get3A_287] {strides = array<i32>} : memref<16x1024xf32, #tpu.memory_space<vmem>>, vector<1x16xf32>,
      %get3A_289 = vector.shape_cast %get3A_288 : vector<1x16xf32> to vector<16xf32>
      %add3A_290 = arith.addf %get3A_285, %get3A_289 : vector<16xf32>
      %swap3A_291 = arith.index_cast %scan3A_156 : i32 to index
      %swap3A_292 = arith.constant 144 : index
      %swap3A_293 = tpu.vector_load %arg8[%swap3A_291, %swap3A_292] {strides = array<i32>} : memref<16x1024xf32, #tpu.memory_space<vmem>>, vector<1x16xf32>,
      %swap3A_294 = vector.shape_cast %swap3A_293 : vector<1x16xf32> to vector<16xf32>
      %swap3A_295 = vector.shape_cast %add3A_290 : vector<16xf32> to vector<1x16xf32>
      tpu.vector_store %arg8[%swap3A_291, %swap3A_292], %swap3A_295 {strides = array<i32>} : memref<16x1024xf32, #tpu.memory_space<vmem>>, vector<1x16xf32>,
      %get3A_296 = arith.index_cast %scan3A_156 : i32 to index
      %get3A_297 = arith.constant 160 : index
      %get3A_298 = tpu.vector_load %arg8[%get3A_296, %get3A_297] {strides = array<i32>} : memref<16x1024xf32, #tpu.memory_space<vmem>>, vector<1x16xf32>,
      %get3A_299 = vector.shape_cast %get3A_298 : vector<1x16xf32> to vector<16xf32>
      %get3A_300 = arith.index_cast %scan3A_156 : i32 to index
      %get3A_301 = arith.constant 160 : index
      %get3A_302 = tpu.vector_load %arg10[%get3A_300, %get3A_301] {strides = array<i32>} : memref<16x1024xf32, #tpu.memory_space<vmem>>, vector<1x16xf32>,
      %get3A_303 = vector.shape_cast %get3A_302 : vector<1x16xf32> to vector<16xf32>
      %add3A_304 = arith.addf %get3A_299, %get3A_303 : vector<16xf32>
      %swap3A_305 = arith.index_cast %scan3A_156 : i32 to index
      %swap3A_306 = arith.constant 160 : index
      %swap3A_307 = tpu.vector_load %arg8[%swap3A_305, %swap3A_306] {strides = array<i32>} : memref<16x1024xf32, #tpu.memory_space<vmem>>, vector<1x16xf32>,
      %swap3A_308 = vector.shape_cast %swap3A_307 : vector<1x16xf32> to vector<16xf32>
      %swap3A_309 = vector.shape_cast %add3A_304 : vector<16xf32> to vector<1x16xf32>
      tpu.vector_store %arg8[%swap3A_305, %swap3A_306], %swap3A_309 {strides = array<i32>} : memref<16x1024xf32, #tpu.memory_space<vmem>>, vector<1x16xf32>,
      %get3A_310 = arith.index_cast %scan3A_156 : i32 to index
      %get3A_311 = arith.constant 176 : index
      %get3A_312 = tpu.vector_load %arg8[%get3A_310, %get3A_311] {strides = array<i32>} : memref<16x1024xf32, #tpu.memory_space<vmem>>, vector<1x16xf32>,
      %get3A_313 = vector.shape_cast %get3A_312 : vector<1x16xf32> to vector<16xf32>
      %get3A_314 = arith.index_cast %scan3A_156 : i32 to index
      %get3A_315 = arith.constant 176 : index
      %get3A_316 = tpu.vector_load %arg10[%get3A_314, %get3A_315] {strides = array<i32>} : memref<16x1024xf32, #tpu.memory_space<vmem>>, vector<1x16xf32>,
      %get3A_317 = vector.shape_cast %get3A_316 : vector<1x16xf32> to vector<16xf32>
      %add3A_318 = arith.addf %get3A_313, %get3A_317 : vector<16xf32>
      %swap3A_319 = arith.index_cast %scan3A_156 : i32 to index
      %swap3A_320 = arith.constant 176 : index
      %swap3A_321 = tpu.vector_load %arg8[%swap3A_319, %swap3A_320] {strides = array<i32>} : memref<16x1024xf32, #tpu.memory_space<vmem>>, vector<1x16xf32>,
      %swap3A_322 = vector.shape_cast %swap3A_321 : vector<1x16xf32> to vector<16xf32>
      %swap3A_323 = vector.shape_cast %add3A_318 : vector<16xf32> to vector<1x16xf32>
      tpu.vector_store %arg8[%swap3A_319, %swap3A_320], %swap3A_323 {strides = array<i32>} : memref<16x1024xf32, #tpu.memory_space<vmem>>, vector<1x16xf32>,
      %get3A_324 = arith.index_cast %scan3A_156 : i32 to index
      %get3A_325 = arith.constant 192 : index
      %get3A_326 = tpu.vector_load %arg8[%get3A_324, %get3A_325] {strides = array<i32>} : memref<16x1024xf32, #tpu.memory_space<vmem>>, vector<1x16xf32>,
      %get3A_327 = vector.shape_cast %get3A_326 : vector<1x16xf32> to vector<16xf32>
      %get3A_328 = arith.index_cast %scan3A_156 : i32 to index
      %get3A_329 = arith.constant 192 : index
      %get3A_330 = tpu.vector_load %arg10[%get3A_328, %get3A_329] {strides = array<i32>} : memref<16x1024xf32, #tpu.memory_space<vmem>>, vector<1x16xf32>,
      %get3A_331 = vector.shape_cast %get3A_330 : vector<1x16xf32> to vector<16xf32>
      %add3A_332 = arith.addf %get3A_327, %get3A_331 : vector<16xf32>
      %swap3A_333 = arith.index_cast %scan3A_156 : i32 to index
      %swap3A_334 = arith.constant 192 : index
      %swap3A_335 = tpu.vector_load %arg8[%swap3A_333, %swap3A_334] {strides = array<i32>} : memref<16x1024xf32, #tpu.memory_space<vmem>>, vector<1x16xf32>,
      %swap3A_336 = vector.shape_cast %swap3A_335 : vector<1x16xf32> to vector<16xf32>
      %swap3A_337 = vector.shape_cast %add3A_332 : vector<16xf32> to vector<1x16xf32>
      tpu.vector_store %arg8[%swap3A_333, %swap3A_334], %swap3A_337 {strides = array<i32>} : memref<16x1024xf32, #tpu.memory_space<vmem>>, vector<1x16xf32>,
      %get3A_338 = arith.index_cast %scan3A_156 : i32 to index
      %get3A_339 = arith.constant 208 : index
      %get3A_340 = tpu.vector_load %arg8[%get3A_338, %get3A_339] {strides = array<i32>} : memref<16x1024xf32, #tpu.memory_space<vmem>>, vector<1x16xf32>,
      %get3A_341 = vector.shape_cast %get3A_340 : vector<1x16xf32> to vector<16xf32>
      %get3A_342 = arith.index_cast %scan3A_156 : i32 to index
      %get3A_343 = arith.constant 208 : index
      %get3A_344 = tpu.vector_load %arg10[%get3A_342, %get3A_343] {strides = array<i32>} : memref<16x1024xf32, #tpu.memory_space<vmem>>, vector<1x16xf32>,
      %get3A_345 = vector.shape_cast %get3A_344 : vector<1x16xf32> to vector<16xf32>
      %add3A_346 = arith.addf %get3A_341, %get3A_345 : vector<16xf32>
      %swap3A_347 = arith.index_cast %scan3A_156 : i32 to index
      %swap3A_348 = arith.constant 208 : index
      %swap3A_349 = tpu.vector_load %arg8[%swap3A_347, %swap3A_348] {strides = array<i32>} : memref<16x1024xf32, #tpu.memory_space<vmem>>, vector<1x16xf32>,
      %swap3A_350 = vector.shape_cast %swap3A_349 : vector<1x16xf32> to vector<16xf32>
      %swap3A_351 = vector.shape_cast %add3A_346 : vector<16xf32> to vector<1x16xf32>
      tpu.vector_store %arg8[%swap3A_347, %swap3A_348], %swap3A_351 {strides = array<i32>} : memref<16x1024xf32, #tpu.memory_space<vmem>>, vector<1x16xf32>,
      %get3A_352 = arith.index_cast %scan3A_156 : i32 to index
      %get3A_353 = arith.constant 224 : index
      %get3A_354 = tpu.vector_load %arg8[%get3A_352, %get3A_353] {strides = array<i32>} : memref<16x1024xf32, #tpu.memory_space<vmem>>, vector<1x16xf32>,
      %get3A_355 = vector.shape_cast %get3A_354 : vector<1x16xf32> to vector<16xf32>
      %get3A_356 = arith.index_cast %scan3A_156 : i32 to index
      %get3A_357 = arith.constant 224 : index
      %get3A_358 = tpu.vector_load %arg10[%get3A_356, %get3A_357] {strides = array<i32>} : memref<16x1024xf32, #tpu.memory_space<vmem>>, vector<1x16xf32>,
      %get3A_359 = vector.shape_cast %get3A_358 : vector<1x16xf32> to vector<16xf32>
      %add3A_360 = arith.addf %get3A_355, %get3A_359 : vector<16xf32>
      %swap3A_361 = arith.index_cast %scan3A_156 : i32 to index
      %swap3A_362 = arith.constant 224 : index
      %swap3A_363 = tpu.vector_load %arg8[%swap3A_361, %swap3A_362] {strides = array<i32>} : memref<16x1024xf32, #tpu.memory_space<vmem>>, vector<1x16xf32>,
      %swap3A_364 = vector.shape_cast %swap3A_363 : vector<1x16xf32> to vector<16xf32>
      %swap3A_365 = vector.shape_cast %add3A_360 : vector<16xf32> to vector<1x16xf32>
      tpu.vector_store %arg8[%swap3A_361, %swap3A_362], %swap3A_365 {strides = array<i32>} : memref<16x1024xf32, #tpu.memory_space<vmem>>, vector<1x16xf32>,
      %get3A_366 = arith.index_cast %scan3A_156 : i32 to index
      %get3A_367 = arith.constant 240 : index
      %get3A_368 = tpu.vector_load %arg8[%get3A_366, %get3A_367] {strides = array<i32>} : memref<16x1024xf32, #tpu.memory_space<vmem>>, vector<1x16xf32>,
      %get3A_369 = vector.shape_cast %get3A_368 : vector<1x16xf32> to vector<16xf32>
      %get3A_370 = arith.index_cast %scan3A_156 : i32 to index
      %get3A_371 = arith.constant 240 : index
      %get3A_372 = tpu.vector_load %arg10[%get3A_370, %get3A_371] {strides = array<i32>} : memref<16x1024xf32, #tpu.memory_space<vmem>>, vector<1x16xf32>,
      %get3A_373 = vector.shape_cast %get3A_372 : vector<1x16xf32> to vector<16xf32>
      %add3A_374 = arith.addf %get3A_369, %get3A_373 : vector<16xf32>
      %swap3A_375 = arith.index_cast %scan3A_156 : i32 to index
      %swap3A_376 = arith.constant 240 : index
      %swap3A_377 = tpu.vector_load %arg8[%swap3A_375, %swap3A_376] {strides = array<i32>} : memref<16x1024xf32, #tpu.memory_space<vmem>>, vector<1x16xf32>,
      %swap3A_378 = vector.shape_cast %swap3A_377 : vector<1x16xf32> to vector<16xf32>
      %swap3A_379 = vector.shape_cast %add3A_374 : vector<16xf32> to vector<1x16xf32>
      tpu.vector_store %arg8[%swap3A_375, %swap3A_376], %swap3A_379 {strides = array<i32>} : memref<16x1024xf32, #tpu.memory_space<vmem>>, vector<1x16xf32>,
      %get3A_380 = arith.index_cast %scan3A_156 : i32 to index
      %get3A_381 = arith.constant 256 : index
      %get3A_382 = tpu.vector_load %arg8[%get3A_380, %get3A_381] {strides = array<i32>} : memref<16x1024xf32, #tpu.memory_space<vmem>>, vector<1x16xf32>,
      %get3A_383 = vector.shape_cast %get3A_382 : vector<1x16xf32> to vector<16xf32>
      %get3A_384 = arith.index_cast %scan3A_156 : i32 to index
      %get3A_385 = arith.constant 256 : index
      %get3A_386 = tpu.vector_load %arg10[%get3A_384, %get3A_385] {strides = array<i32>} : memref<16x1024xf32, #tpu.memory_space<vmem>>, vector<1x16xf32>,
      %get3A_387 = vector.shape_cast %get3A_386 : vector<1x16xf32> to vector<16xf32>
      %add3A_388 = arith.addf %get3A_383, %get3A_387 : vector<16xf32>
      %swap3A_389 = arith.index_cast %scan3A_156 : i32 to index
      %swap3A_390 = arith.constant 256 : index
      %swap3A_391 = tpu.vector_load %arg8[%swap3A_389, %swap3A_390] {strides = array<i32>} : memref<16x1024xf32, #tpu.memory_space<vmem>>, vector<1x16xf32>,
      %swap3A_392 = vector.shape_cast %swap3A_391 : vector<1x16xf32> to vector<16xf32>
      %swap3A_393 = vector.shape_cast %add3A_388 : vector<16xf32> to vector<1x16xf32>
      tpu.vector_store %arg8[%swap3A_389, %swap3A_390], %swap3A_393 {strides = array<i32>} : memref<16x1024xf32, #tpu.memory_space<vmem>>, vector<1x16xf32>,
      %get3A_394 = arith.index_cast %scan3A_156 : i32 to index
      %get3A_395 = arith.constant 272 : index
      %get3A_396 = tpu.vector_load %arg8[%get3A_394, %get3A_395] {strides = array<i32>} : memref<16x1024xf32, #tpu.memory_space<vmem>>, vector<1x16xf32>,
      %get3A_397 = vector.shape_cast %get3A_396 : vector<1x16xf32> to vector<16xf32>
      %get3A_398 = arith.index_cast %scan3A_156 : i32 to index
      %get3A_399 = arith.constant 272 : index
      %get3A_400 = tpu.vector_load %arg10[%get3A_398, %get3A_399] {strides = array<i32>} : memref<16x1024xf32, #tpu.memory_space<vmem>>, vector<1x16xf32>,
      %get3A_401 = vector.shape_cast %get3A_400 : vector<1x16xf32> to vector<16xf32>
      %add3A_402 = arith.addf %get3A_397, %get3A_401 : vector<16xf32>
      %swap3A_403 = arith.index_cast %scan3A_156 : i32 to index
      %swap3A_404 = arith.constant 272 : index
      %swap3A_405 = tpu.vector_load %arg8[%swap3A_403, %swap3A_404] {strides = array<i32>} : memref<16x1024xf32, #tpu.memory_space<vmem>>, vector<1x16xf32>,
      %swap3A_406 = vector.shape_cast %swap3A_405 : vector<1x16xf32> to vector<16xf32>
      %swap3A_407 = vector.shape_cast %add3A_402 : vector<16xf32> to vector<1x16xf32>
      tpu.vector_store %arg8[%swap3A_403, %swap3A_404], %swap3A_407 {strides = array<i32>} : memref<16x1024xf32, #tpu.memory_space<vmem>>, vector<1x16xf32>,
      %get3A_408 = arith.index_cast %scan3A_156 : i32 to index
      %get3A_409 = arith.constant 288 : index
      %get3A_410 = tpu.vector_load %arg8[%get3A_408, %get3A_409] {strides = array<i32>} : memref<16x1024xf32, #tpu.memory_space<vmem>>, vector<1x16xf32>,
      %get3A_411 = vector.shape_cast %get3A_410 : vector<1x16xf32> to vector<16xf32>
      %get3A_412 = arith.index_cast %scan3A_156 : i32 to index
      %get3A_413 = arith.constant 288 : index
      %get3A_414 = tpu.vector_load %arg10[%get3A_412, %get3A_413] {strides = array<i32>} : memref<16x1024xf32, #tpu.memory_space<vmem>>, vector<1x16xf32>,
      %get3A_415 = vector.shape_cast %get3A_414 : vector<1x16xf32> to vector<16xf32>
      %add3A_416 = arith.addf %get3A_411, %get3A_415 : vector<16xf32>
      %swap3A_417 = arith.index_cast %scan3A_156 : i32 to index
      %swap3A_418 = arith.constant 288 : index
      %swap3A_419 = tpu.vector_load %arg8[%swap3A_417, %swap3A_418] {strides = array<i32>} : memref<16x1024xf32, #tpu.memory_space<vmem>>, vector<1x16xf32>,
      %swap3A_420 = vector.shape_cast %swap3A_419 : vector<1x16xf32> to vector<16xf32>
      %swap3A_421 = vector.shape_cast %add3A_416 : vector<16xf32> to vector<1x16xf32>
      tpu.vector_store %arg8[%swap3A_417, %swap3A_418], %swap3A_421 {strides = array<i32>} : memref<16x1024xf32, #tpu.memory_space<vmem>>, vector<1x16xf32>,
      %get3A_422 = arith.index_cast %scan3A_156 : i32 to index
      %get3A_423 = arith.constant 304 : index
      %get3A_424 = tpu.vector_load %arg8[%get3A_422, %get3A_423] {strides = array<i32>} : memref<16x1024xf32, #tpu.memory_space<vmem>>, vector<1x16xf32>,
      %get3A_425 = vector.shape_cast %get3A_424 : vector<1x16xf32> to vector<16xf32>
      %get3A_426 = arith.index_cast %scan3A_156 : i32 to index
      %get3A_427 = arith.constant 304 : index
      %get3A_428 = tpu.vector_load %arg10[%get3A_426, %get3A_427] {strides = array<i32>} : memref<16x1024xf32, #tpu.memory_space<vmem>>, vector<1x16xf32>,
      %get3A_429 = vector.shape_cast %get3A_428 : vector<1x16xf32> to vector<16xf32>
      %add3A_430 = arith.addf %get3A_425, %get3A_429 : vector<16xf32>
      %swap3A_431 = arith.index_cast %scan3A_156 : i32 to index
      %swap3A_432 = arith.constant 304 : index
      %swap3A_433 = tpu.vector_load %arg8[%swap3A_431, %swap3A_432] {strides = array<i32>} : memref<16x1024xf32, #tpu.memory_space<vmem>>, vector<1x16xf32>,
      %swap3A_434 = vector.shape_cast %swap3A_433 : vector<1x16xf32> to vector<16xf32>
      %swap3A_435 = vector.shape_cast %add3A_430 : vector<16xf32> to vector<1x16xf32>
      tpu.vector_store %arg8[%swap3A_431, %swap3A_432], %swap3A_435 {strides = array<i32>} : memref<16x1024xf32, #tpu.memory_space<vmem>>, vector<1x16xf32>,
      %get3A_436 = arith.index_cast %scan3A_156 : i32 to index
      %get3A_437 = arith.constant 320 : index
      %get3A_438 = tpu.vector_load %arg8[%get3A_436, %get3A_437] {strides = array<i32>} : memref<16x1024xf32, #tpu.memory_space<vmem>>, vector<1x16xf32>,
      %get3A_439 = vector.shape_cast %get3A_438 : vector<1x16xf32> to vector<16xf32>
      %get3A_440 = arith.index_cast %scan3A_156 : i32 to index
      %get3A_441 = arith.constant 320 : index
      %get3A_442 = tpu.vector_load %arg10[%get3A_440, %get3A_441] {strides = array<i32>} : memref<16x1024xf32, #tpu.memory_space<vmem>>, vector<1x16xf32>,
      %get3A_443 = vector.shape_cast %get3A_442 : vector<1x16xf32> to vector<16xf32>
      %add3A_444 = arith.addf %get3A_439, %get3A_443 : vector<16xf32>
      %swap3A_445 = arith.index_cast %scan3A_156 : i32 to index
      %swap3A_446 = arith.constant 320 : index
      %swap3A_447 = tpu.vector_load %arg8[%swap3A_445, %swap3A_446] {strides = array<i32>} : memref<16x1024xf32, #tpu.memory_space<vmem>>, vector<1x16xf32>,
      %swap3A_448 = vector.shape_cast %swap3A_447 : vector<1x16xf32> to vector<16xf32>
      %swap3A_449 = vector.shape_cast %add3A_444 : vector<16xf32> to vector<1x16xf32>
      tpu.vector_store %arg8[%swap3A_445, %swap3A_446], %swap3A_449 {strides = array<i32>} : memref<16x1024xf32, #tpu.memory_space<vmem>>, vector<1x16xf32>,
      %get3A_450 = arith.index_cast %scan3A_156 : i32 to index
      %get3A_451 = arith.constant 336 : index
      %get3A_452 = tpu.vector_load %arg8[%get3A_450, %get3A_451] {strides = array<i32>} : memref<16x1024xf32, #tpu.memory_space<vmem>>, vector<1x16xf32>,
      %get3A_453 = vector.shape_cast %get3A_452 : vector<1x16xf32> to vector<16xf32>
      %get3A_454 = arith.index_cast %scan3A_156 : i32 to index
      %get3A_455 = arith.constant 336 : index
      %get3A_456 = tpu.vector_load %arg10[%get3A_454, %get3A_455] {strides = array<i32>} : memref<16x1024xf32, #tpu.memory_space<vmem>>, vector<1x16xf32>,
      %get3A_457 = vector.shape_cast %get3A_456 : vector<1x16xf32> to vector<16xf32>
      %add3A_458 = arith.addf %get3A_453, %get3A_457 : vector<16xf32>
      %swap3A_459 = arith.index_cast %scan3A_156 : i32 to index
      %swap3A_460 = arith.constant 336 : index
      %swap3A_461 = tpu.vector_load %arg8[%swap3A_459, %swap3A_460] {strides = array<i32>} : memref<16x1024xf32, #tpu.memory_space<vmem>>, vector<1x16xf32>,
      %swap3A_462 = vector.shape_cast %swap3A_461 : vector<1x16xf32> to vector<16xf32>
      %swap3A_463 = vector.shape_cast %add3A_458 : vector<16xf32> to vector<1x16xf32>
      tpu.vector_store %arg8[%swap3A_459, %swap3A_460], %swap3A_463 {strides = array<i32>} : memref<16x1024xf32, #tpu.memory_space<vmem>>, vector<1x16xf32>,
      %get3A_464 = arith.index_cast %scan3A_156 : i32 to index
      %get3A_465 = arith.constant 352 : index
      %get3A_466 = tpu.vector_load %arg8[%get3A_464, %get3A_465] {strides = array<i32>} : memref<16x1024xf32, #tpu.memory_space<vmem>>, vector<1x16xf32>,
      %get3A_467 = vector.shape_cast %get3A_466 : vector<1x16xf32> to vector<16xf32>
      %get3A_468 = arith.index_cast %scan3A_156 : i32 to index
      %get3A_469 = arith.constant 352 : index
      %get3A_470 = tpu.vector_load %arg10[%get3A_468, %get3A_469] {strides = array<i32>} : memref<16x1024xf32, #tpu.memory_space<vmem>>, vector<1x16xf32>,
      %get3A_471 = vector.shape_cast %get3A_470 : vector<1x16xf32> to vector<16xf32>
      %add3A_472 = arith.addf %get3A_467, %get3A_471 : vector<16xf32>
      %swap3A_473 = arith.index_cast %scan3A_156 : i32 to index
      %swap3A_474 = arith.constant 352 : index
      %swap3A_475 = tpu.vector_load %arg8[%swap3A_473, %swap3A_474] {strides = array<i32>} : memref<16x1024xf32, #tpu.memory_space<vmem>>, vector<1x16xf32>,
      %swap3A_476 = vector.shape_cast %swap3A_475 : vector<1x16xf32> to vector<16xf32>
      %swap3A_477 = vector.shape_cast %add3A_472 : vector<16xf32> to vector<1x16xf32>
      tpu.vector_store %arg8[%swap3A_473, %swap3A_474], %swap3A_477 {strides = array<i32>} : memref<16x1024xf32, #tpu.memory_space<vmem>>, vector<1x16xf32>,
      %get3A_478 = arith.index_cast %scan3A_156 : i32 to index
      %get3A_479 = arith.constant 368 : index
      %get3A_480 = tpu.vector_load %arg8[%get3A_478, %get3A_479] {strides = array<i32>} : memref<16x1024xf32, #tpu.memory_space<vmem>>, vector<1x16xf32>,
      %get3A_481 = vector.shape_cast %get3A_480 : vector<1x16xf32> to vector<16xf32>
      %get3A_482 = arith.index_cast %scan3A_156 : i32 to index
      %get3A_483 = arith.constant 368 : index
      %get3A_484 = tpu.vector_load %arg10[%get3A_482, %get3A_483] {strides = array<i32>} : memref<16x1024xf32, #tpu.memory_space<vmem>>, vector<1x16xf32>,
      %get3A_485 = vector.shape_cast %get3A_484 : vector<1x16xf32> to vector<16xf32>
      %add3A_486 = arith.addf %get3A_481, %get3A_485 : vector<16xf32>
      %swap3A_487 = arith.index_cast %scan3A_156 : i32 to index
      %swap3A_488 = arith.constant 368 : index
      %swap3A_489 = tpu.vector_load %arg8[%swap3A_487, %swap3A_488] {strides = array<i32>} : memref<16x1024xf32, #tpu.memory_space<vmem>>, vector<1x16xf32>,
      %swap3A_490 = vector.shape_cast %swap3A_489 : vector<1x16xf32> to vector<16xf32>
      %swap3A_491 = vector.shape_cast %add3A_486 : vector<16xf32> to vector<1x16xf32>
      tpu.vector_store %arg8[%swap3A_487, %swap3A_488], %swap3A_491 {strides = array<i32>} : memref<16x1024xf32, #tpu.memory_space<vmem>>, vector<1x16xf32>,
      %get3A_492 = arith.index_cast %scan3A_156 : i32 to index
      %get3A_493 = arith.constant 384 : index
      %get3A_494 = tpu.vector_load %arg8[%get3A_492, %get3A_493] {strides = array<i32>} : memref<16x1024xf32, #tpu.memory_space<vmem>>, vector<1x16xf32>,
      %get3A_495 = vector.shape_cast %get3A_494 : vector<1x16xf32> to vector<16xf32>
      %get3A_496 = arith.index_cast %scan3A_156 : i32 to index
      %get3A_497 = arith.constant 384 : index
      %get3A_498 = tpu.vector_load %arg10[%get3A_496, %get3A_497] {strides = array<i32>} : memref<16x1024xf32, #tpu.memory_space<vmem>>, vector<1x16xf32>,
      %get3A_499 = vector.shape_cast %get3A_498 : vector<1x16xf32> to vector<16xf32>
      %add3A_500 = arith.addf %get3A_495, %get3A_499 : vector<16xf32>
      %swap3A_501 = arith.index_cast %scan3A_156 : i32 to index
      %swap3A_502 = arith.constant 384 : index
      %swap3A_503 = tpu.vector_load %arg8[%swap3A_501, %swap3A_502] {strides = array<i32>} : memref<16x1024xf32, #tpu.memory_space<vmem>>, vector<1x16xf32>,
      %swap3A_504 = vector.shape_cast %swap3A_503 : vector<1x16xf32> to vector<16xf32>
      %swap3A_505 = vector.shape_cast %add3A_500 : vector<16xf32> to vector<1x16xf32>
      tpu.vector_store %arg8[%swap3A_501, %swap3A_502], %swap3A_505 {strides = array<i32>} : memref<16x1024xf32, #tpu.memory_space<vmem>>, vector<1x16xf32>,
      %get3A_506 = arith.index_cast %scan3A_156 : i32 to index
      %get3A_507 = arith.constant 400 : index
      %get3A_508 = tpu.vector_load %arg8[%get3A_506, %get3A_507] {strides = array<i32>} : memref<16x1024xf32, #tpu.memory_space<vmem>>, vector<1x16xf32>,
      %get3A_509 = vector.shape_cast %get3A_508 : vector<1x16xf32> to vector<16xf32>
      %get3A_510 = arith.index_cast %scan3A_156 : i32 to index
      %get3A_511 = arith.constant 400 : index
      %get3A_512 = tpu.vector_load %arg10[%get3A_510, %get3A_511] {strides = array<i32>} : memref<16x1024xf32, #tpu.memory_space<vmem>>, vector<1x16xf32>,
      %get3A_513 = vector.shape_cast %get3A_512 : vector<1x16xf32> to vector<16xf32>
      %add3A_514 = arith.addf %get3A_509, %get3A_513 : vector<16xf32>
      %swap3A_515 = arith.index_cast %scan3A_156 : i32 to index
      %swap3A_516 = arith.constant 400 : index
      %swap3A_517 = tpu.vector_load %arg8[%swap3A_515, %swap3A_516] {strides = array<i32>} : memref<16x1024xf32, #tpu.memory_space<vmem>>, vector<1x16xf32>,
      %swap3A_518 = vector.shape_cast %swap3A_517 : vector<1x16xf32> to vector<16xf32>
      %swap3A_519 = vector.shape_cast %add3A_514 : vector<16xf32> to vector<1x16xf32>
      tpu.vector_store %arg8[%swap3A_515, %swap3A_516], %swap3A_519 {strides = array<i32>} : memref<16x1024xf32, #tpu.memory_space<vmem>>, vector<1x16xf32>,
      %get3A_520 = arith.index_cast %scan3A_156 : i32 to index
      %get3A_521 = arith.constant 416 : index
      %get3A_522 = tpu.vector_load %arg8[%get3A_520, %get3A_521] {strides = array<i32>} : memref<16x1024xf32, #tpu.memory_space<vmem>>, vector<1x16xf32>,
      %get3A_523 = vector.shape_cast %get3A_522 : vector<1x16xf32> to vector<16xf32>
      %get3A_524 = arith.index_cast %scan3A_156 : i32 to index
      %get3A_525 = arith.constant 416 : index
      %get3A_526 = tpu.vector_load %arg10[%get3A_524, %get3A_525] {strides = array<i32>} : memref<16x1024xf32, #tpu.memory_space<vmem>>, vector<1x16xf32>,
      %get3A_527 = vector.shape_cast %get3A_526 : vector<1x16xf32> to vector<16xf32>
      %add3A_528 = arith.addf %get3A_523, %get3A_527 : vector<16xf32>
      %swap3A_529 = arith.index_cast %scan3A_156 : i32 to index
      %swap3A_530 = arith.constant 416 : index
      %swap3A_531 = tpu.vector_load %arg8[%swap3A_529, %swap3A_530] {strides = array<i32>} : memref<16x1024xf32, #tpu.memory_space<vmem>>, vector<1x16xf32>,
      %swap3A_532 = vector.shape_cast %swap3A_531 : vector<1x16xf32> to vector<16xf32>
      %swap3A_533 = vector.shape_cast %add3A_528 : vector<16xf32> to vector<1x16xf32>
      tpu.vector_store %arg8[%swap3A_529, %swap3A_530], %swap3A_533 {strides = array<i32>} : memref<16x1024xf32, #tpu.memory_space<vmem>>, vector<1x16xf32>,
      %get3A_534 = arith.index_cast %scan3A_156 : i32 to index
      %get3A_535 = arith.constant 432 : index
      %get3A_536 = tpu.vector_load %arg8[%get3A_534, %get3A_535] {strides = array<i32>} : memref<16x1024xf32, #tpu.memory_space<vmem>>, vector<1x16xf32>,
      %get3A_537 = vector.shape_cast %get3A_536 : vector<1x16xf32> to vector<16xf32>
      %get3A_538 = arith.index_cast %scan3A_156 : i32 to index
      %get3A_539 = arith.constant 432 : index
      %get3A_540 = tpu.vector_load %arg10[%get3A_538, %get3A_539] {strides = array<i32>} : memref<16x1024xf32, #tpu.memory_space<vmem>>, vector<1x16xf32>,
      %get3A_541 = vector.shape_cast %get3A_540 : vector<1x16xf32> to vector<16xf32>
      %add3A_542 = arith.addf %get3A_537, %get3A_541 : vector<16xf32>
      %swap3A_543 = arith.index_cast %scan3A_156 : i32 to index
      %swap3A_544 = arith.constant 432 : index
      %swap3A_545 = tpu.vector_load %arg8[%swap3A_543, %swap3A_544] {strides = array<i32>} : memref<16x1024xf32, #tpu.memory_space<vmem>>, vector<1x16xf32>,
      %swap3A_546 = vector.shape_cast %swap3A_545 : vector<1x16xf32> to vector<16xf32>
      %swap3A_547 = vector.shape_cast %add3A_542 : vector<16xf32> to vector<1x16xf32>
      tpu.vector_store %arg8[%swap3A_543, %swap3A_544], %swap3A_547 {strides = array<i32>} : memref<16x1024xf32, #tpu.memory_space<vmem>>, vector<1x16xf32>,
      %get3A_548 = arith.index_cast %scan3A_156 : i32 to index
      %get3A_549 = arith.constant 448 : index
      %get3A_550 = tpu.vector_load %arg8[%get3A_548, %get3A_549] {strides = array<i32>} : memref<16x1024xf32, #tpu.memory_space<vmem>>, vector<1x16xf32>,
      %get3A_551 = vector.shape_cast %get3A_550 : vector<1x16xf32> to vector<16xf32>
      %get3A_552 = arith.index_cast %scan3A_156 : i32 to index
      %get3A_553 = arith.constant 448 : index
      %get3A_554 = tpu.vector_load %arg10[%get3A_552, %get3A_553] {strides = array<i32>} : memref<16x1024xf32, #tpu.memory_space<vmem>>, vector<1x16xf32>,
      %get3A_555 = vector.shape_cast %get3A_554 : vector<1x16xf32> to vector<16xf32>
      %add3A_556 = arith.addf %get3A_551, %get3A_555 : vector<16xf32>
      %swap3A_557 = arith.index_cast %scan3A_156 : i32 to index
      %swap3A_558 = arith.constant 448 : index
      %swap3A_559 = tpu.vector_load %arg8[%swap3A_557, %swap3A_558] {strides = array<i32>} : memref<16x1024xf32, #tpu.memory_space<vmem>>, vector<1x16xf32>,
      %swap3A_560 = vector.shape_cast %swap3A_559 : vector<1x16xf32> to vector<16xf32>
      %swap3A_561 = vector.shape_cast %add3A_556 : vector<16xf32> to vector<1x16xf32>
      tpu.vector_store %arg8[%swap3A_557, %swap3A_558], %swap3A_561 {strides = array<i32>} : memref<16x1024xf32, #tpu.memory_space<vmem>>, vector<1x16xf32>,
      %get3A_562 = arith.index_cast %scan3A_156 : i32 to index
      %get3A_563 = arith.constant 464 : index
      %get3A_564 = tpu.vector_load %arg8[%get3A_562, %get3A_563] {strides = array<i32>} : memref<16x1024xf32, #tpu.memory_space<vmem>>, vector<1x16xf32>,
      %get3A_565 = vector.shape_cast %get3A_564 : vector<1x16xf32> to vector<16xf32>
      %get3A_566 = arith.index_cast %scan3A_156 : i32 to index
      %get3A_567 = arith.constant 464 : index
      %get3A_568 = tpu.vector_load %arg10[%get3A_566, %get3A_567] {strides = array<i32>} : memref<16x1024xf32, #tpu.memory_space<vmem>>, vector<1x16xf32>,
      %get3A_569 = vector.shape_cast %get3A_568 : vector<1x16xf32> to vector<16xf32>
      %add3A_570 = arith.addf %get3A_565, %get3A_569 : vector<16xf32>
      %swap3A_571 = arith.index_cast %scan3A_156 : i32 to index
      %swap3A_572 = arith.constant 464 : index
      %swap3A_573 = tpu.vector_load %arg8[%swap3A_571, %swap3A_572] {strides = array<i32>} : memref<16x1024xf32, #tpu.memory_space<vmem>>, vector<1x16xf32>,
      %swap3A_574 = vector.shape_cast %swap3A_573 : vector<1x16xf32> to vector<16xf32>
      %swap3A_575 = vector.shape_cast %add3A_570 : vector<16xf32> to vector<1x16xf32>
      tpu.vector_store %arg8[%swap3A_571, %swap3A_572], %swap3A_575 {strides = array<i32>} : memref<16x1024xf32, #tpu.memory_space<vmem>>, vector<1x16xf32>,
      %get3A_576 = arith.index_cast %scan3A_156 : i32 to index
      %get3A_577 = arith.constant 480 : index
      %get3A_578 = tpu.vector_load %arg8[%get3A_576, %get3A_577] {strides = array<i32>} : memref<16x1024xf32, #tpu.memory_space<vmem>>, vector<1x16xf32>,
      %get3A_579 = vector.shape_cast %get3A_578 : vector<1x16xf32> to vector<16xf32>
      %get3A_580 = arith.index_cast %scan3A_156 : i32 to index
      %get3A_581 = arith.constant 480 : index
      %get3A_582 = tpu.vector_load %arg10[%get3A_580, %get3A_581] {strides = array<i32>} : memref<16x1024xf32, #tpu.memory_space<vmem>>, vector<1x16xf32>,
      %get3A_583 = vector.shape_cast %get3A_582 : vector<1x16xf32> to vector<16xf32>
      %add3A_584 = arith.addf %get3A_579, %get3A_583 : vector<16xf32>
      %swap3A_585 = arith.index_cast %scan3A_156 : i32 to index
      %swap3A_586 = arith.constant 480 : index
      %swap3A_587 = tpu.vector_load %arg8[%swap3A_585, %swap3A_586] {strides = array<i32>} : memref<16x1024xf32, #tpu.memory_space<vmem>>, vector<1x16xf32>,
      %swap3A_588 = vector.shape_cast %swap3A_587 : vector<1x16xf32> to vector<16xf32>
      %swap3A_589 = vector.shape_cast %add3A_584 : vector<16xf32> to vector<1x16xf32>
      tpu.vector_store %arg8[%swap3A_585, %swap3A_586], %swap3A_589 {strides = array<i32>} : memref<16x1024xf32, #tpu.memory_space<vmem>>, vector<1x16xf32>,
      %get3A_590 = arith.index_cast %scan3A_156 : i32 to index
      %get3A_591 = arith.constant 496 : index
      %get3A_592 = tpu.vector_load %arg8[%get3A_590, %get3A_591] {strides = array<i32>} : memref<16x1024xf32, #tpu.memory_space<vmem>>, vector<1x16xf32>,
      %get3A_593 = vector.shape_cast %get3A_592 : vector<1x16xf32> to vector<16xf32>
      %get3A_594 = arith.index_cast %scan3A_156 : i32 to index
      %get3A_595 = arith.constant 496 : index
      %get3A_596 = tpu.vector_load %arg10[%get3A_594, %get3A_595] {strides = array<i32>} : memref<16x1024xf32, #tpu.memory_space<vmem>>, vector<1x16xf32>,
      %get3A_597 = vector.shape_cast %get3A_596 : vector<1x16xf32> to vector<16xf32>
      %add3A_598 = arith.addf %get3A_593, %get3A_597 : vector<16xf32>
      %swap3A_599 = arith.index_cast %scan3A_156 : i32 to index
      %swap3A_600 = arith.constant 496 : index
      %swap3A_601 = tpu.vector_load %arg8[%swap3A_599, %swap3A_600] {strides = array<i32>} : memref<16x1024xf32, #tpu.memory_space<vmem>>, vector<1x16xf32>,
      %swap3A_602 = vector.shape_cast %swap3A_601 : vector<1x16xf32> to vector<16xf32>
      %swap3A_603 = vector.shape_cast %add3A_598 : vector<16xf32> to vector<1x16xf32>
      tpu.vector_store %arg8[%swap3A_599, %swap3A_600], %swap3A_603 {strides = array<i32>} : memref<16x1024xf32, #tpu.memory_space<vmem>>, vector<1x16xf32>,
      %get3A_604 = arith.index_cast %scan3A_156 : i32 to index
      %get3A_605 = arith.constant 512 : index
      %get3A_606 = tpu.vector_load %arg8[%get3A_604, %get3A_605] {strides = array<i32>} : memref<16x1024xf32, #tpu.memory_space<vmem>>, vector<1x16xf32>,
      %get3A_607 = vector.shape_cast %get3A_606 : vector<1x16xf32> to vector<16xf32>
      %get3A_608 = arith.index_cast %scan3A_156 : i32 to index
      %get3A_609 = arith.constant 512 : index
      %get3A_610 = tpu.vector_load %arg10[%get3A_608, %get3A_609] {strides = array<i32>} : memref<16x1024xf32, #tpu.memory_space<vmem>>, vector<1x16xf32>,
      %get3A_611 = vector.shape_cast %get3A_610 : vector<1x16xf32> to vector<16xf32>
      %add3A_612 = arith.addf %get3A_607, %get3A_611 : vector<16xf32>
      %swap3A_613 = arith.index_cast %scan3A_156 : i32 to index
      %swap3A_614 = arith.constant 512 : index
      %swap3A_615 = tpu.vector_load %arg8[%swap3A_613, %swap3A_614] {strides = array<i32>} : memref<16x1024xf32, #tpu.memory_space<vmem>>, vector<1x16xf32>,
      %swap3A_616 = vector.shape_cast %swap3A_615 : vector<1x16xf32> to vector<16xf32>
      %swap3A_617 = vector.shape_cast %add3A_612 : vector<16xf32> to vector<1x16xf32>
      tpu.vector_store %arg8[%swap3A_613, %swap3A_614], %swap3A_617 {strides = array<i32>} : memref<16x1024xf32, #tpu.memory_space<vmem>>, vector<1x16xf32>,
      %get3A_618 = arith.index_cast %scan3A_156 : i32 to index
      %get3A_619 = arith.constant 528 : index
      %get3A_620 = tpu.vector_load %arg8[%get3A_618, %get3A_619] {strides = array<i32>} : memref<16x1024xf32, #tpu.memory_space<vmem>>, vector<1x16xf32>,
      %get3A_621 = vector.shape_cast %get3A_620 : vector<1x16xf32> to vector<16xf32>
      %get3A_622 = arith.index_cast %scan3A_156 : i32 to index
      %get3A_623 = arith.constant 528 : index
      %get3A_624 = tpu.vector_load %arg10[%get3A_622, %get3A_623] {strides = array<i32>} : memref<16x1024xf32, #tpu.memory_space<vmem>>, vector<1x16xf32>,
      %get3A_625 = vector.shape_cast %get3A_624 : vector<1x16xf32> to vector<16xf32>
      %add3A_626 = arith.addf %get3A_621, %get3A_625 : vector<16xf32>
      %swap3A_627 = arith.index_cast %scan3A_156 : i32 to index
      %swap3A_628 = arith.constant 528 : index
      %swap3A_629 = tpu.vector_load %arg8[%swap3A_627, %swap3A_628] {strides = array<i32>} : memref<16x1024xf32, #tpu.memory_space<vmem>>, vector<1x16xf32>,
      %swap3A_630 = vector.shape_cast %swap3A_629 : vector<1x16xf32> to vector<16xf32>
      %swap3A_631 = vector.shape_cast %add3A_626 : vector<16xf32> to vector<1x16xf32>
      tpu.vector_store %arg8[%swap3A_627, %swap3A_628], %swap3A_631 {strides = array<i32>} : memref<16x1024xf32, #tpu.memory_space<vmem>>, vector<1x16xf32>,
      %get3A_632 = arith.index_cast %scan3A_156 : i32 to index
      %get3A_633 = arith.constant 544 : index
      %get3A_634 = tpu.vector_load %arg8[%get3A_632, %get3A_633] {strides = array<i32>} : memref<16x1024xf32, #tpu.memory_space<vmem>>, vector<1x16xf32>,
      %get3A_635 = vector.shape_cast %get3A_634 : vector<1x16xf32> to vector<16xf32>
      %get3A_636 = arith.index_cast %scan3A_156 : i32 to index
      %get3A_637 = arith.constant 544 : index
      %get3A_638 = tpu.vector_load %arg10[%get3A_636, %get3A_637] {strides = array<i32>} : memref<16x1024xf32, #tpu.memory_space<vmem>>, vector<1x16xf32>,
      %get3A_639 = vector.shape_cast %get3A_638 : vector<1x16xf32> to vector<16xf32>
      %add3A_640 = arith.addf %get3A_635, %get3A_639 : vector<16xf32>
      %swap3A_641 = arith.index_cast %scan3A_156 : i32 to index
      %swap3A_642 = arith.constant 544 : index
      %swap3A_643 = tpu.vector_load %arg8[%swap3A_641, %swap3A_642] {strides = array<i32>} : memref<16x1024xf32, #tpu.memory_space<vmem>>, vector<1x16xf32>,
      %swap3A_644 = vector.shape_cast %swap3A_643 : vector<1x16xf32> to vector<16xf32>
      %swap3A_645 = vector.shape_cast %add3A_640 : vector<16xf32> to vector<1x16xf32>
      tpu.vector_store %arg8[%swap3A_641, %swap3A_642], %swap3A_645 {strides = array<i32>} : memref<16x1024xf32, #tpu.memory_space<vmem>>, vector<1x16xf32>,
      %get3A_646 = arith.index_cast %scan3A_156 : i32 to index
      %get3A_647 = arith.constant 560 : index
      %get3A_648 = tpu.vector_load %arg8[%get3A_646, %get3A_647] {strides = array<i32>} : memref<16x1024xf32, #tpu.memory_space<vmem>>, vector<1x16xf32>,
      %get3A_649 = vector.shape_cast %get3A_648 : vector<1x16xf32> to vector<16xf32>
      %get3A_650 = arith.index_cast %scan3A_156 : i32 to index
      %get3A_651 = arith.constant 560 : index
      %get3A_652 = tpu.vector_load %arg10[%get3A_650, %get3A_651] {strides = array<i32>} : memref<16x1024xf32, #tpu.memory_space<vmem>>, vector<1x16xf32>,
      %get3A_653 = vector.shape_cast %get3A_652 : vector<1x16xf32> to vector<16xf32>
      %add3A_654 = arith.addf %get3A_649, %get3A_653 : vector<16xf32>
      %swap3A_655 = arith.index_cast %scan3A_156 : i32 to index
      %swap3A_656 = arith.constant 560 : index
      %swap3A_657 = tpu.vector_load %arg8[%swap3A_655, %swap3A_656] {strides = array<i32>} : memref<16x1024xf32, #tpu.memory_space<vmem>>, vector<1x16xf32>,
      %swap3A_658 = vector.shape_cast %swap3A_657 : vector<1x16xf32> to vector<16xf32>
      %swap3A_659 = vector.shape_cast %add3A_654 : vector<16xf32> to vector<1x16xf32>
      tpu.vector_store %arg8[%swap3A_655, %swap3A_656], %swap3A_659 {strides = array<i32>} : memref<16x1024xf32, #tpu.memory_space<vmem>>, vector<1x16xf32>,
      %get3A_660 = arith.index_cast %scan3A_156 : i32 to index
      %get3A_661 = arith.constant 576 : index
      %get3A_662 = tpu.vector_load %arg8[%get3A_660, %get3A_661] {strides = array<i32>} : memref<16x1024xf32, #tpu.memory_space<vmem>>, vector<1x16xf32>,
      %get3A_663 = vector.shape_cast %get3A_662 : vector<1x16xf32> to vector<16xf32>
      %get3A_664 = arith.index_cast %scan3A_156 : i32 to index
      %get3A_665 = arith.constant 576 : index
      %get3A_666 = tpu.vector_load %arg10[%get3A_664, %get3A_665] {strides = array<i32>} : memref<16x1024xf32, #tpu.memory_space<vmem>>, vector<1x16xf32>,
      %get3A_667 = vector.shape_cast %get3A_666 : vector<1x16xf32> to vector<16xf32>
      %add3A_668 = arith.addf %get3A_663, %get3A_667 : vector<16xf32>
      %swap3A_669 = arith.index_cast %scan3A_156 : i32 to index
      %swap3A_670 = arith.constant 576 : index
      %swap3A_671 = tpu.vector_load %arg8[%swap3A_669, %swap3A_670] {strides = array<i32>} : memref<16x1024xf32, #tpu.memory_space<vmem>>, vector<1x16xf32>,
      %swap3A_672 = vector.shape_cast %swap3A_671 : vector<1x16xf32> to vector<16xf32>
      %swap3A_673 = vector.shape_cast %add3A_668 : vector<16xf32> to vector<1x16xf32>
      tpu.vector_store %arg8[%swap3A_669, %swap3A_670], %swap3A_673 {strides = array<i32>} : memref<16x1024xf32, #tpu.memory_space<vmem>>, vector<1x16xf32>,
      %get3A_674 = arith.index_cast %scan3A_156 : i32 to index
      %get3A_675 = arith.constant 592 : index
      %get3A_676 = tpu.vector_load %arg8[%get3A_674, %get3A_675] {strides = array<i32>} : memref<16x1024xf32, #tpu.memory_space<vmem>>, vector<1x16xf32>,
      %get3A_677 = vector.shape_cast %get3A_676 : vector<1x16xf32> to vector<16xf32>
      %get3A_678 = arith.index_cast %scan3A_156 : i32 to index
      %get3A_679 = arith.constant 592 : index
      %get3A_680 = tpu.vector_load %arg10[%get3A_678, %get3A_679] {strides = array<i32>} : memref<16x1024xf32, #tpu.memory_space<vmem>>, vector<1x16xf32>,
      %get3A_681 = vector.shape_cast %get3A_680 : vector<1x16xf32> to vector<16xf32>
      %add3A_682 = arith.addf %get3A_677, %get3A_681 : vector<16xf32>
      %swap3A_683 = arith.index_cast %scan3A_156 : i32 to index
      %swap3A_684 = arith.constant 592 : index
      %swap3A_685 = tpu.vector_load %arg8[%swap3A_683, %swap3A_684] {strides = array<i32>} : memref<16x1024xf32, #tpu.memory_space<vmem>>, vector<1x16xf32>,
      %swap3A_686 = vector.shape_cast %swap3A_685 : vector<1x16xf32> to vector<16xf32>
      %swap3A_687 = vector.shape_cast %add3A_682 : vector<16xf32> to vector<1x16xf32>
      tpu.vector_store %arg8[%swap3A_683, %swap3A_684], %swap3A_687 {strides = array<i32>} : memref<16x1024xf32, #tpu.memory_space<vmem>>, vector<1x16xf32>,
      %get3A_688 = arith.index_cast %scan3A_156 : i32 to index
      %get3A_689 = arith.constant 608 : index
      %get3A_690 = tpu.vector_load %arg8[%get3A_688, %get3A_689] {strides = array<i32>} : memref<16x1024xf32, #tpu.memory_space<vmem>>, vector<1x16xf32>,
      %get3A_691 = vector.shape_cast %get3A_690 : vector<1x16xf32> to vector<16xf32>
      %get3A_692 = arith.index_cast %scan3A_156 : i32 to index
      %get3A_693 = arith.constant 608 : index
      %get3A_694 = tpu.vector_load %arg10[%get3A_692, %get3A_693] {strides = array<i32>} : memref<16x1024xf32, #tpu.memory_space<vmem>>, vector<1x16xf32>,
      %get3A_695 = vector.shape_cast %get3A_694 : vector<1x16xf32> to vector<16xf32>
      %add3A_696 = arith.addf %get3A_691, %get3A_695 : vector<16xf32>
      %swap3A_697 = arith.index_cast %scan3A_156 : i32 to index
      %swap3A_698 = arith.constant 608 : index
      %swap3A_699 = tpu.vector_load %arg8[%swap3A_697, %swap3A_698] {strides = array<i32>} : memref<16x1024xf32, #tpu.memory_space<vmem>>, vector<1x16xf32>,
      %swap3A_700 = vector.shape_cast %swap3A_699 : vector<1x16xf32> to vector<16xf32>
      %swap3A_701 = vector.shape_cast %add3A_696 : vector<16xf32> to vector<1x16xf32>
      tpu.vector_store %arg8[%swap3A_697, %swap3A_698], %swap3A_701 {strides = array<i32>} : memref<16x1024xf32, #tpu.memory_space<vmem>>, vector<1x16xf32>,
      %get3A_702 = arith.index_cast %scan3A_156 : i32 to index
      %get3A_703 = arith.constant 624 : index
      %get3A_704 = tpu.vector_load %arg8[%get3A_702, %get3A_703] {strides = array<i32>} : memref<16x1024xf32, #tpu.memory_space<vmem>>, vector<1x16xf32>,
      %get3A_705 = vector.shape_cast %get3A_704 : vector<1x16xf32> to vector<16xf32>
      %get3A_706 = arith.index_cast %scan3A_156 : i32 to index
      %get3A_707 = arith.constant 624 : index
      %get3A_708 = tpu.vector_load %arg10[%get3A_706, %get3A_707] {strides = array<i32>} : memref<16x1024xf32, #tpu.memory_space<vmem>>, vector<1x16xf32>,
      %get3A_709 = vector.shape_cast %get3A_708 : vector<1x16xf32> to vector<16xf32>
      %add3A_710 = arith.addf %get3A_705, %get3A_709 : vector<16xf32>
      %swap3A_711 = arith.index_cast %scan3A_156 : i32 to index
      %swap3A_712 = arith.constant 624 : index
      %swap3A_713 = tpu.vector_load %arg8[%swap3A_711, %swap3A_712] {strides = array<i32>} : memref<16x1024xf32, #tpu.memory_space<vmem>>, vector<1x16xf32>,
      %swap3A_714 = vector.shape_cast %swap3A_713 : vector<1x16xf32> to vector<16xf32>
      %swap3A_715 = vector.shape_cast %add3A_710 : vector<16xf32> to vector<1x16xf32>
      tpu.vector_store %arg8[%swap3A_711, %swap3A_712], %swap3A_715 {strides = array<i32>} : memref<16x1024xf32, #tpu.memory_space<vmem>>, vector<1x16xf32>,
      %get3A_716 = arith.index_cast %scan3A_156 : i32 to index
      %get3A_717 = arith.constant 640 : index
      %get3A_718 = tpu.vector_load %arg8[%get3A_716, %get3A_717] {strides = array<i32>} : memref<16x1024xf32, #tpu.memory_space<vmem>>, vector<1x16xf32>,
      %get3A_719 = vector.shape_cast %get3A_718 : vector<1x16xf32> to vector<16xf32>
      %get3A_720 = arith.index_cast %scan3A_156 : i32 to index
      %get3A_721 = arith.constant 640 : index
      %get3A_722 = tpu.vector_load %arg10[%get3A_720, %get3A_721] {strides = array<i32>} : memref<16x1024xf32, #tpu.memory_space<vmem>>, vector<1x16xf32>,
      %get3A_723 = vector.shape_cast %get3A_722 : vector<1x16xf32> to vector<16xf32>
      %add3A_724 = arith.addf %get3A_719, %get3A_723 : vector<16xf32>
      %swap3A_725 = arith.index_cast %scan3A_156 : i32 to index
      %swap3A_726 = arith.constant 640 : index
      %swap3A_727 = tpu.vector_load %arg8[%swap3A_725, %swap3A_726] {strides = array<i32>} : memref<16x1024xf32, #tpu.memory_space<vmem>>, vector<1x16xf32>,
      %swap3A_728 = vector.shape_cast %swap3A_727 : vector<1x16xf32> to vector<16xf32>
      %swap3A_729 = vector.shape_cast %add3A_724 : vector<16xf32> to vector<1x16xf32>
      tpu.vector_store %arg8[%swap3A_725, %swap3A_726], %swap3A_729 {strides = array<i32>} : memref<16x1024xf32, #tpu.memory_space<vmem>>, vector<1x16xf32>,
      %get3A_730 = arith.index_cast %scan3A_156 : i32 to index
      %get3A_731 = arith.constant 656 : index
      %get3A_732 = tpu.vector_load %arg8[%get3A_730, %get3A_731] {strides = array<i32>} : memref<16x1024xf32, #tpu.memory_space<vmem>>, vector<1x16xf32>,
      %get3A_733 = vector.shape_cast %get3A_732 : vector<1x16xf32> to vector<16xf32>
      %get3A_734 = arith.index_cast %scan3A_156 : i32 to index
      %get3A_735 = arith.constant 656 : index
      %get3A_736 = tpu.vector_load %arg10[%get3A_734, %get3A_735] {strides = array<i32>} : memref<16x1024xf32, #tpu.memory_space<vmem>>, vector<1x16xf32>,
      %get3A_737 = vector.shape_cast %get3A_736 : vector<1x16xf32> to vector<16xf32>
      %add3A_738 = arith.addf %get3A_733, %get3A_737 : vector<16xf32>
      %swap3A_739 = arith.index_cast %scan3A_156 : i32 to index
      %swap3A_740 = arith.constant 656 : index
      %swap3A_741 = tpu.vector_load %arg8[%swap3A_739, %swap3A_740] {strides = array<i32>} : memref<16x1024xf32, #tpu.memory_space<vmem>>, vector<1x16xf32>,
      %swap3A_742 = vector.shape_cast %swap3A_741 : vector<1x16xf32> to vector<16xf32>
      %swap3A_743 = vector.shape_cast %add3A_738 : vector<16xf32> to vector<1x16xf32>
      tpu.vector_store %arg8[%swap3A_739, %swap3A_740], %swap3A_743 {strides = array<i32>} : memref<16x1024xf32, #tpu.memory_space<vmem>>, vector<1x16xf32>,
      %get3A_744 = arith.index_cast %scan3A_156 : i32 to index
      %get3A_745 = arith.constant 672 : index
      %get3A_746 = tpu.vector_load %arg8[%get3A_744, %get3A_745] {strides = array<i32>} : memref<16x1024xf32, #tpu.memory_space<vmem>>, vector<1x16xf32>,
      %get3A_747 = vector.shape_cast %get3A_746 : vector<1x16xf32> to vector<16xf32>
      %get3A_748 = arith.index_cast %scan3A_156 : i32 to index
      %get3A_749 = arith.constant 672 : index
      %get3A_750 = tpu.vector_load %arg10[%get3A_748, %get3A_749] {strides = array<i32>} : memref<16x1024xf32, #tpu.memory_space<vmem>>, vector<1x16xf32>,
      %get3A_751 = vector.shape_cast %get3A_750 : vector<1x16xf32> to vector<16xf32>
      %add3A_752 = arith.addf %get3A_747, %get3A_751 : vector<16xf32>
      %swap3A_753 = arith.index_cast %scan3A_156 : i32 to index
      %swap3A_754 = arith.constant 672 : index
      %swap3A_755 = tpu.vector_load %arg8[%swap3A_753, %swap3A_754] {strides = array<i32>} : memref<16x1024xf32, #tpu.memory_space<vmem>>, vector<1x16xf32>,
      %swap3A_756 = vector.shape_cast %swap3A_755 : vector<1x16xf32> to vector<16xf32>
      %swap3A_757 = vector.shape_cast %add3A_752 : vector<16xf32> to vector<1x16xf32>
      tpu.vector_store %arg8[%swap3A_753, %swap3A_754], %swap3A_757 {strides = array<i32>} : memref<16x1024xf32, #tpu.memory_space<vmem>>, vector<1x16xf32>,
      %get3A_758 = arith.index_cast %scan3A_156 : i32 to index
      %get3A_759 = arith.constant 688 : index
      %get3A_760 = tpu.vector_load %arg8[%get3A_758, %get3A_759] {strides = array<i32>} : memref<16x1024xf32, #tpu.memory_space<vmem>>, vector<1x16xf32>,
      %get3A_761 = vector.shape_cast %get3A_760 : vector<1x16xf32> to vector<16xf32>
      %get3A_762 = arith.index_cast %scan3A_156 : i32 to index
      %get3A_763 = arith.constant 688 : index
      %get3A_764 = tpu.vector_load %arg10[%get3A_762, %get3A_763] {strides = array<i32>} : memref<16x1024xf32, #tpu.memory_space<vmem>>, vector<1x16xf32>,
      %get3A_765 = vector.shape_cast %get3A_764 : vector<1x16xf32> to vector<16xf32>
      %add3A_766 = arith.addf %get3A_761, %get3A_765 : vector<16xf32>
      %swap3A_767 = arith.index_cast %scan3A_156 : i32 to index
      %swap3A_768 = arith.constant 688 : index
      %swap3A_769 = tpu.vector_load %arg8[%swap3A_767, %swap3A_768] {strides = array<i32>} : memref<16x1024xf32, #tpu.memory_space<vmem>>, vector<1x16xf32>,
      %swap3A_770 = vector.shape_cast %swap3A_769 : vector<1x16xf32> to vector<16xf32>
      %swap3A_771 = vector.shape_cast %add3A_766 : vector<16xf32> to vector<1x16xf32>
      tpu.vector_store %arg8[%swap3A_767, %swap3A_768], %swap3A_771 {strides = array<i32>} : memref<16x1024xf32, #tpu.memory_space<vmem>>, vector<1x16xf32>,
      %get3A_772 = arith.index_cast %scan3A_156 : i32 to index
      %get3A_773 = arith.constant 704 : index
      %get3A_774 = tpu.vector_load %arg8[%get3A_772, %get3A_773] {strides = array<i32>} : memref<16x1024xf32, #tpu.memory_space<vmem>>, vector<1x16xf32>,
      %get3A_775 = vector.shape_cast %get3A_774 : vector<1x16xf32> to vector<16xf32>
      %get3A_776 = arith.index_cast %scan3A_156 : i32 to index
      %get3A_777 = arith.constant 704 : index
      %get3A_778 = tpu.vector_load %arg10[%get3A_776, %get3A_777] {strides = array<i32>} : memref<16x1024xf32, #tpu.memory_space<vmem>>, vector<1x16xf32>,
      %get3A_779 = vector.shape_cast %get3A_778 : vector<1x16xf32> to vector<16xf32>
      %add3A_780 = arith.addf %get3A_775, %get3A_779 : vector<16xf32>
      %swap3A_781 = arith.index_cast %scan3A_156 : i32 to index
      %swap3A_782 = arith.constant 704 : index
      %swap3A_783 = tpu.vector_load %arg8[%swap3A_781, %swap3A_782] {strides = array<i32>} : memref<16x1024xf32, #tpu.memory_space<vmem>>, vector<1x16xf32>,
      %swap3A_784 = vector.shape_cast %swap3A_783 : vector<1x16xf32> to vector<16xf32>
      %swap3A_785 = vector.shape_cast %add3A_780 : vector<16xf32> to vector<1x16xf32>
      tpu.vector_store %arg8[%swap3A_781, %swap3A_782], %swap3A_785 {strides = array<i32>} : memref<16x1024xf32, #tpu.memory_space<vmem>>, vector<1x16xf32>,
      %get3A_786 = arith.index_cast %scan3A_156 : i32 to index
      %get3A_787 = arith.constant 720 : index
      %get3A_788 = tpu.vector_load %arg8[%get3A_786, %get3A_787] {strides = array<i32>} : memref<16x1024xf32, #tpu.memory_space<vmem>>, vector<1x16xf32>,
      %get3A_789 = vector.shape_cast %get3A_788 : vector<1x16xf32> to vector<16xf32>
      %get3A_790 = arith.index_cast %scan3A_156 : i32 to index
      %get3A_791 = arith.constant 720 : index
      %get3A_792 = tpu.vector_load %arg10[%get3A_790, %get3A_791] {strides = array<i32>} : memref<16x1024xf32, #tpu.memory_space<vmem>>, vector<1x16xf32>,
      %get3A_793 = vector.shape_cast %get3A_792 : vector<1x16xf32> to vector<16xf32>
      %add3A_794 = arith.addf %get3A_789, %get3A_793 : vector<16xf32>
      %swap3A_795 = arith.index_cast %scan3A_156 : i32 to index
      %swap3A_796 = arith.constant 720 : index
      %swap3A_797 = tpu.vector_load %arg8[%swap3A_795, %swap3A_796] {strides = array<i32>} : memref<16x1024xf32, #tpu.memory_space<vmem>>, vector<1x16xf32>,
      %swap3A_798 = vector.shape_cast %swap3A_797 : vector<1x16xf32> to vector<16xf32>
      %swap3A_799 = vector.shape_cast %add3A_794 : vector<16xf32> to vector<1x16xf32>
      tpu.vector_store %arg8[%swap3A_795, %swap3A_796], %swap3A_799 {strides = array<i32>} : memref<16x1024xf32, #tpu.memory_space<vmem>>, vector<1x16xf32>,
      %get3A_800 = arith.index_cast %scan3A_156 : i32 to index
      %get3A_801 = arith.constant 736 : index
      %get3A_802 = tpu.vector_load %arg8[%get3A_800, %get3A_801] {strides = array<i32>} : memref<16x1024xf32, #tpu.memory_space<vmem>>, vector<1x16xf32>,
      %get3A_803 = vector.shape_cast %get3A_802 : vector<1x16xf32> to vector<16xf32>
      %get3A_804 = arith.index_cast %scan3A_156 : i32 to index
      %get3A_805 = arith.constant 736 : index
      %get3A_806 = tpu.vector_load %arg10[%get3A_804, %get3A_805] {strides = array<i32>} : memref<16x1024xf32, #tpu.memory_space<vmem>>, vector<1x16xf32>,
      %get3A_807 = vector.shape_cast %get3A_806 : vector<1x16xf32> to vector<16xf32>
      %add3A_808 = arith.addf %get3A_803, %get3A_807 : vector<16xf32>
      %swap3A_809 = arith.index_cast %scan3A_156 : i32 to index
      %swap3A_810 = arith.constant 736 : index
      %swap3A_811 = tpu.vector_load %arg8[%swap3A_809, %swap3A_810] {strides = array<i32>} : memref<16x1024xf32, #tpu.memory_space<vmem>>, vector<1x16xf32>,
      %swap3A_812 = vector.shape_cast %swap3A_811 : vector<1x16xf32> to vector<16xf32>
      %swap3A_813 = vector.shape_cast %add3A_808 : vector<16xf32> to vector<1x16xf32>
      tpu.vector_store %arg8[%swap3A_809, %swap3A_810], %swap3A_813 {strides = array<i32>} : memref<16x1024xf32, #tpu.memory_space<vmem>>, vector<1x16xf32>,
      %get3A_814 = arith.index_cast %scan3A_156 : i32 to index
      %get3A_815 = arith.constant 752 : index
      %get3A_816 = tpu.vector_load %arg8[%get3A_814, %get3A_815] {strides = array<i32>} : memref<16x1024xf32, #tpu.memory_space<vmem>>, vector<1x16xf32>,
      %get3A_817 = vector.shape_cast %get3A_816 : vector<1x16xf32> to vector<16xf32>
      %get3A_818 = arith.index_cast %scan3A_156 : i32 to index
      %get3A_819 = arith.constant 752 : index
      %get3A_820 = tpu.vector_load %arg10[%get3A_818, %get3A_819] {strides = array<i32>} : memref<16x1024xf32, #tpu.memory_space<vmem>>, vector<1x16xf32>,
      %get3A_821 = vector.shape_cast %get3A_820 : vector<1x16xf32> to vector<16xf32>
      %add3A_822 = arith.addf %get3A_817, %get3A_821 : vector<16xf32>
      %swap3A_823 = arith.index_cast %scan3A_156 : i32 to index
      %swap3A_824 = arith.constant 752 : index
      %swap3A_825 = tpu.vector_load %arg8[%swap3A_823, %swap3A_824] {strides = array<i32>} : memref<16x1024xf32, #tpu.memory_space<vmem>>, vector<1x16xf32>,
      %swap3A_826 = vector.shape_cast %swap3A_825 : vector<1x16xf32> to vector<16xf32>
      %swap3A_827 = vector.shape_cast %add3A_822 : vector<16xf32> to vector<1x16xf32>
      tpu.vector_store %arg8[%swap3A_823, %swap3A_824], %swap3A_827 {strides = array<i32>} : memref<16x1024xf32, #tpu.memory_space<vmem>>, vector<1x16xf32>,
      %get3A_828 = arith.index_cast %scan3A_156 : i32 to index
      %get3A_829 = arith.constant 768 : index
      %get3A_830 = tpu.vector_load %arg8[%get3A_828, %get3A_829] {strides = array<i32>} : memref<16x1024xf32, #tpu.memory_space<vmem>>, vector<1x16xf32>,
      %get3A_831 = vector.shape_cast %get3A_830 : vector<1x16xf32> to vector<16xf32>
      %get3A_832 = arith.index_cast %scan3A_156 : i32 to index
      %get3A_833 = arith.constant 768 : index
      %get3A_834 = tpu.vector_load %arg10[%get3A_832, %get3A_833] {strides = array<i32>} : memref<16x1024xf32, #tpu.memory_space<vmem>>, vector<1x16xf32>,
      %get3A_835 = vector.shape_cast %get3A_834 : vector<1x16xf32> to vector<16xf32>
      %add3A_836 = arith.addf %get3A_831, %get3A_835 : vector<16xf32>
      %swap3A_837 = arith.index_cast %scan3A_156 : i32 to index
      %swap3A_838 = arith.constant 768 : index
      %swap3A_839 = tpu.vector_load %arg8[%swap3A_837, %swap3A_838] {strides = array<i32>} : memref<16x1024xf32, #tpu.memory_space<vmem>>, vector<1x16xf32>,
      %swap3A_840 = vector.shape_cast %swap3A_839 : vector<1x16xf32> to vector<16xf32>
      %swap3A_841 = vector.shape_cast %add3A_836 : vector<16xf32> to vector<1x16xf32>
      tpu.vector_store %arg8[%swap3A_837, %swap3A_838], %swap3A_841 {strides = array<i32>} : memref<16x1024xf32, #tpu.memory_space<vmem>>, vector<1x16xf32>,
      %get3A_842 = arith.index_cast %scan3A_156 : i32 to index
      %get3A_843 = arith.constant 784 : index
      %get3A_844 = tpu.vector_load %arg8[%get3A_842, %get3A_843] {strides = array<i32>} : memref<16x1024xf32, #tpu.memory_space<vmem>>, vector<1x16xf32>,
      %get3A_845 = vector.shape_cast %get3A_844 : vector<1x16xf32> to vector<16xf32>
      %get3A_846 = arith.index_cast %scan3A_156 : i32 to index
      %get3A_847 = arith.constant 784 : index
      %get3A_848 = tpu.vector_load %arg10[%get3A_846, %get3A_847] {strides = array<i32>} : memref<16x1024xf32, #tpu.memory_space<vmem>>, vector<1x16xf32>,
      %get3A_849 = vector.shape_cast %get3A_848 : vector<1x16xf32> to vector<16xf32>
      %add3A_850 = arith.addf %get3A_845, %get3A_849 : vector<16xf32>
      %swap3A_851 = arith.index_cast %scan3A_156 : i32 to index
      %swap3A_852 = arith.constant 784 : index
      %swap3A_853 = tpu.vector_load %arg8[%swap3A_851, %swap3A_852] {strides = array<i32>} : memref<16x1024xf32, #tpu.memory_space<vmem>>, vector<1x16xf32>,
      %swap3A_854 = vector.shape_cast %swap3A_853 : vector<1x16xf32> to vector<16xf32>
      %swap3A_855 = vector.shape_cast %add3A_850 : vector<16xf32> to vector<1x16xf32>
      tpu.vector_store %arg8[%swap3A_851, %swap3A_852], %swap3A_855 {strides = array<i32>} : memref<16x1024xf32, #tpu.memory_space<vmem>>, vector<1x16xf32>,
      %get3A_856 = arith.index_cast %scan3A_156 : i32 to index
      %get3A_857 = arith.constant 800 : index
      %get3A_858 = tpu.vector_load %arg8[%get3A_856, %get3A_857] {strides = array<i32>} : memref<16x1024xf32, #tpu.memory_space<vmem>>, vector<1x16xf32>,
      %get3A_859 = vector.shape_cast %get3A_858 : vector<1x16xf32> to vector<16xf32>
      %get3A_860 = arith.index_cast %scan3A_156 : i32 to index
      %get3A_861 = arith.constant 800 : index
      %get3A_862 = tpu.vector_load %arg10[%get3A_860, %get3A_861] {strides = array<i32>} : memref<16x1024xf32, #tpu.memory_space<vmem>>, vector<1x16xf32>,
      %get3A_863 = vector.shape_cast %get3A_862 : vector<1x16xf32> to vector<16xf32>
      %add3A_864 = arith.addf %get3A_859, %get3A_863 : vector<16xf32>
      %swap3A_865 = arith.index_cast %scan3A_156 : i32 to index
      %swap3A_866 = arith.constant 800 : index
      %swap3A_867 = tpu.vector_load %arg8[%swap3A_865, %swap3A_866] {strides = array<i32>} : memref<16x1024xf32, #tpu.memory_space<vmem>>, vector<1x16xf32>,
      %swap3A_868 = vector.shape_cast %swap3A_867 : vector<1x16xf32> to vector<16xf32>
      %swap3A_869 = vector.shape_cast %add3A_864 : vector<16xf32> to vector<1x16xf32>
      tpu.vector_store %arg8[%swap3A_865, %swap3A_866], %swap3A_869 {strides = array<i32>} : memref<16x1024xf32, #tpu.memory_space<vmem>>, vector<1x16xf32>,
      %get3A_870 = arith.index_cast %scan3A_156 : i32 to index
      %get3A_871 = arith.constant 816 : index
      %get3A_872 = tpu.vector_load %arg8[%get3A_870, %get3A_871] {strides = array<i32>} : memref<16x1024xf32, #tpu.memory_space<vmem>>, vector<1x16xf32>,
      %get3A_873 = vector.shape_cast %get3A_872 : vector<1x16xf32> to vector<16xf32>
      %get3A_874 = arith.index_cast %scan3A_156 : i32 to index
      %get3A_875 = arith.constant 816 : index
      %get3A_876 = tpu.vector_load %arg10[%get3A_874, %get3A_875] {strides = array<i32>} : memref<16x1024xf32, #tpu.memory_space<vmem>>, vector<1x16xf32>,
      %get3A_877 = vector.shape_cast %get3A_876 : vector<1x16xf32> to vector<16xf32>
      %add3A_878 = arith.addf %get3A_873, %get3A_877 : vector<16xf32>
      %swap3A_879 = arith.index_cast %scan3A_156 : i32 to index
      %swap3A_880 = arith.constant 816 : index
      %swap3A_881 = tpu.vector_load %arg8[%swap3A_879, %swap3A_880] {strides = array<i32>} : memref<16x1024xf32, #tpu.memory_space<vmem>>, vector<1x16xf32>,
      %swap3A_882 = vector.shape_cast %swap3A_881 : vector<1x16xf32> to vector<16xf32>
      %swap3A_883 = vector.shape_cast %add3A_878 : vector<16xf32> to vector<1x16xf32>
      tpu.vector_store %arg8[%swap3A_879, %swap3A_880], %swap3A_883 {strides = array<i32>} : memref<16x1024xf32, #tpu.memory_space<vmem>>, vector<1x16xf32>,
      %get3A_884 = arith.index_cast %scan3A_156 : i32 to index
      %get3A_885 = arith.constant 832 : index
      %get3A_886 = tpu.vector_load %arg8[%get3A_884, %get3A_885] {strides = array<i32>} : memref<16x1024xf32, #tpu.memory_space<vmem>>, vector<1x16xf32>,
      %get3A_887 = vector.shape_cast %get3A_886 : vector<1x16xf32> to vector<16xf32>
      %get3A_888 = arith.index_cast %scan3A_156 : i32 to index
      %get3A_889 = arith.constant 832 : index
      %get3A_890 = tpu.vector_load %arg10[%get3A_888, %get3A_889] {strides = array<i32>} : memref<16x1024xf32, #tpu.memory_space<vmem>>, vector<1x16xf32>,
      %get3A_891 = vector.shape_cast %get3A_890 : vector<1x16xf32> to vector<16xf32>
      %add3A_892 = arith.addf %get3A_887, %get3A_891 : vector<16xf32>
      %swap3A_893 = arith.index_cast %scan3A_156 : i32 to index
      %swap3A_894 = arith.constant 832 : index
      %swap3A_895 = tpu.vector_load %arg8[%swap3A_893, %swap3A_894] {strides = array<i32>} : memref<16x1024xf32, #tpu.memory_space<vmem>>, vector<1x16xf32>,
      %swap3A_896 = vector.shape_cast %swap3A_895 : vector<1x16xf32> to vector<16xf32>
      %swap3A_897 = vector.shape_cast %add3A_892 : vector<16xf32> to vector<1x16xf32>
      tpu.vector_store %arg8[%swap3A_893, %swap3A_894], %swap3A_897 {strides = array<i32>} : memref<16x1024xf32, #tpu.memory_space<vmem>>, vector<1x16xf32>,
      %get3A_898 = arith.index_cast %scan3A_156 : i32 to index
      %get3A_899 = arith.constant 848 : index
      %get3A_900 = tpu.vector_load %arg8[%get3A_898, %get3A_899] {strides = array<i32>} : memref<16x1024xf32, #tpu.memory_space<vmem>>, vector<1x16xf32>,
      %get3A_901 = vector.shape_cast %get3A_900 : vector<1x16xf32> to vector<16xf32>
      %get3A_902 = arith.index_cast %scan3A_156 : i32 to index
      %get3A_903 = arith.constant 848 : index
      %get3A_904 = tpu.vector_load %arg10[%get3A_902, %get3A_903] {strides = array<i32>} : memref<16x1024xf32, #tpu.memory_space<vmem>>, vector<1x16xf32>,
      %get3A_905 = vector.shape_cast %get3A_904 : vector<1x16xf32> to vector<16xf32>
      %add3A_906 = arith.addf %get3A_901, %get3A_905 : vector<16xf32>
      %swap3A_907 = arith.index_cast %scan3A_156 : i32 to index
      %swap3A_908 = arith.constant 848 : index
      %swap3A_909 = tpu.vector_load %arg8[%swap3A_907, %swap3A_908] {strides = array<i32>} : memref<16x1024xf32, #tpu.memory_space<vmem>>, vector<1x16xf32>,
      %swap3A_910 = vector.shape_cast %swap3A_909 : vector<1x16xf32> to vector<16xf32>
      %swap3A_911 = vector.shape_cast %add3A_906 : vector<16xf32> to vector<1x16xf32>
      tpu.vector_store %arg8[%swap3A_907, %swap3A_908], %swap3A_911 {strides = array<i32>} : memref<16x1024xf32, #tpu.memory_space<vmem>>, vector<1x16xf32>,
      %get3A_912 = arith.index_cast %scan3A_156 : i32 to index
      %get3A_913 = arith.constant 864 : index
      %get3A_914 = tpu.vector_load %arg8[%get3A_912, %get3A_913] {strides = array<i32>} : memref<16x1024xf32, #tpu.memory_space<vmem>>, vector<1x16xf32>,
      %get3A_915 = vector.shape_cast %get3A_914 : vector<1x16xf32> to vector<16xf32>
      %get3A_916 = arith.index_cast %scan3A_156 : i32 to index
      %get3A_917 = arith.constant 864 : index
      %get3A_918 = tpu.vector_load %arg10[%get3A_916, %get3A_917] {strides = array<i32>} : memref<16x1024xf32, #tpu.memory_space<vmem>>, vector<1x16xf32>,
      %get3A_919 = vector.shape_cast %get3A_918 : vector<1x16xf32> to vector<16xf32>
      %add3A_920 = arith.addf %get3A_915, %get3A_919 : vector<16xf32>
      %swap3A_921 = arith.index_cast %scan3A_156 : i32 to index
      %swap3A_922 = arith.constant 864 : index
      %swap3A_923 = tpu.vector_load %arg8[%swap3A_921, %swap3A_922] {strides = array<i32>} : memref<16x1024xf32, #tpu.memory_space<vmem>>, vector<1x16xf32>,
      %swap3A_924 = vector.shape_cast %swap3A_923 : vector<1x16xf32> to vector<16xf32>
      %swap3A_925 = vector.shape_cast %add3A_920 : vector<16xf32> to vector<1x16xf32>
      tpu.vector_store %arg8[%swap3A_921, %swap3A_922], %swap3A_925 {strides = array<i32>} : memref<16x1024xf32, #tpu.memory_space<vmem>>, vector<1x16xf32>,
      %get3A_926 = arith.index_cast %scan3A_156 : i32 to index
      %get3A_927 = arith.constant 880 : index
      %get3A_928 = tpu.vector_load %arg8[%get3A_926, %get3A_927] {strides = array<i32>} : memref<16x1024xf32, #tpu.memory_space<vmem>>, vector<1x16xf32>,
      %get3A_929 = vector.shape_cast %get3A_928 : vector<1x16xf32> to vector<16xf32>
      %get3A_930 = arith.index_cast %scan3A_156 : i32 to index
      %get3A_931 = arith.constant 880 : index
      %get3A_932 = tpu.vector_load %arg10[%get3A_930, %get3A_931] {strides = array<i32>} : memref<16x1024xf32, #tpu.memory_space<vmem>>, vector<1x16xf32>,
      %get3A_933 = vector.shape_cast %get3A_932 : vector<1x16xf32> to vector<16xf32>
      %add3A_934 = arith.addf %get3A_929, %get3A_933 : vector<16xf32>
      %swap3A_935 = arith.index_cast %scan3A_156 : i32 to index
      %swap3A_936 = arith.constant 880 : index
      %swap3A_937 = tpu.vector_load %arg8[%swap3A_935, %swap3A_936] {strides = array<i32>} : memref<16x1024xf32, #tpu.memory_space<vmem>>, vector<1x16xf32>,
      %swap3A_938 = vector.shape_cast %swap3A_937 : vector<1x16xf32> to vector<16xf32>
      %swap3A_939 = vector.shape_cast %add3A_934 : vector<16xf32> to vector<1x16xf32>
      tpu.vector_store %arg8[%swap3A_935, %swap3A_936], %swap3A_939 {strides = array<i32>} : memref<16x1024xf32, #tpu.memory_space<vmem>>, vector<1x16xf32>,
      %get3A_940 = arith.index_cast %scan3A_156 : i32 to index
      %get3A_941 = arith.constant 896 : index
      %get3A_942 = tpu.vector_load %arg8[%get3A_940, %get3A_941] {strides = array<i32>} : memref<16x1024xf32, #tpu.memory_space<vmem>>, vector<1x16xf32>,
      %get3A_943 = vector.shape_cast %get3A_942 : vector<1x16xf32> to vector<16xf32>
      %get3A_944 = arith.index_cast %scan3A_156 : i32 to index
      %get3A_945 = arith.constant 896 : index
      %get3A_946 = tpu.vector_load %arg10[%get3A_944, %get3A_945] {strides = array<i32>} : memref<16x1024xf32, #tpu.memory_space<vmem>>, vector<1x16xf32>,
      %get3A_947 = vector.shape_cast %get3A_946 : vector<1x16xf32> to vector<16xf32>
      %add3A_948 = arith.addf %get3A_943, %get3A_947 : vector<16xf32>
      %swap3A_949 = arith.index_cast %scan3A_156 : i32 to index
      %swap3A_950 = arith.constant 896 : index
      %swap3A_951 = tpu.vector_load %arg8[%swap3A_949, %swap3A_950] {strides = array<i32>} : memref<16x1024xf32, #tpu.memory_space<vmem>>, vector<1x16xf32>,
      %swap3A_952 = vector.shape_cast %swap3A_951 : vector<1x16xf32> to vector<16xf32>
      %swap3A_953 = vector.shape_cast %add3A_948 : vector<16xf32> to vector<1x16xf32>
      tpu.vector_store %arg8[%swap3A_949, %swap3A_950], %swap3A_953 {strides = array<i32>} : memref<16x1024xf32, #tpu.memory_space<vmem>>, vector<1x16xf32>,
      %get3A_954 = arith.index_cast %scan3A_156 : i32 to index
      %get3A_955 = arith.constant 912 : index
      %get3A_956 = tpu.vector_load %arg8[%get3A_954, %get3A_955] {strides = array<i32>} : memref<16x1024xf32, #tpu.memory_space<vmem>>, vector<1x16xf32>,
      %get3A_957 = vector.shape_cast %get3A_956 : vector<1x16xf32> to vector<16xf32>
      %get3A_958 = arith.index_cast %scan3A_156 : i32 to index
      %get3A_959 = arith.constant 912 : index
      %get3A_960 = tpu.vector_load %arg10[%get3A_958, %get3A_959] {strides = array<i32>} : memref<16x1024xf32, #tpu.memory_space<vmem>>, vector<1x16xf32>,
      %get3A_961 = vector.shape_cast %get3A_960 : vector<1x16xf32> to vector<16xf32>
      %add3A_962 = arith.addf %get3A_957, %get3A_961 : vector<16xf32>
      %swap3A_963 = arith.index_cast %scan3A_156 : i32 to index
      %swap3A_964 = arith.constant 912 : index
      %swap3A_965 = tpu.vector_load %arg8[%swap3A_963, %swap3A_964] {strides = array<i32>} : memref<16x1024xf32, #tpu.memory_space<vmem>>, vector<1x16xf32>,
      %swap3A_966 = vector.shape_cast %swap3A_965 : vector<1x16xf32> to vector<16xf32>
      %swap3A_967 = vector.shape_cast %add3A_962 : vector<16xf32> to vector<1x16xf32>
      tpu.vector_store %arg8[%swap3A_963, %swap3A_964], %swap3A_967 {strides = array<i32>} : memref<16x1024xf32, #tpu.memory_space<vmem>>, vector<1x16xf32>,
      %get3A_968 = arith.index_cast %scan3A_156 : i32 to index
      %get3A_969 = arith.constant 928 : index
      %get3A_970 = tpu.vector_load %arg8[%get3A_968, %get3A_969] {strides = array<i32>} : memref<16x1024xf32, #tpu.memory_space<vmem>>, vector<1x16xf32>,
      %get3A_971 = vector.shape_cast %get3A_970 : vector<1x16xf32> to vector<16xf32>
      %get3A_972 = arith.index_cast %scan3A_156 : i32 to index
      %get3A_973 = arith.constant 928 : index
      %get3A_974 = tpu.vector_load %arg10[%get3A_972, %get3A_973] {strides = array<i32>} : memref<16x1024xf32, #tpu.memory_space<vmem>>, vector<1x16xf32>,
      %get3A_975 = vector.shape_cast %get3A_974 : vector<1x16xf32> to vector<16xf32>
      %add3A_976 = arith.addf %get3A_971, %get3A_975 : vector<16xf32>
      %swap3A_977 = arith.index_cast %scan3A_156 : i32 to index
      %swap3A_978 = arith.constant 928 : index
      %swap3A_979 = tpu.vector_load %arg8[%swap3A_977, %swap3A_978] {strides = array<i32>} : memref<16x1024xf32, #tpu.memory_space<vmem>>, vector<1x16xf32>,
      %swap3A_980 = vector.shape_cast %swap3A_979 : vector<1x16xf32> to vector<16xf32>
      %swap3A_981 = vector.shape_cast %add3A_976 : vector<16xf32> to vector<1x16xf32>
      tpu.vector_store %arg8[%swap3A_977, %swap3A_978], %swap3A_981 {strides = array<i32>} : memref<16x1024xf32, #tpu.memory_space<vmem>>, vector<1x16xf32>,
      %get3A_982 = arith.index_cast %scan3A_156 : i32 to index
      %get3A_983 = arith.constant 944 : index
      %get3A_984 = tpu.vector_load %arg8[%get3A_982, %get3A_983] {strides = array<i32>} : memref<16x1024xf32, #tpu.memory_space<vmem>>, vector<1x16xf32>,
      %get3A_985 = vector.shape_cast %get3A_984 : vector<1x16xf32> to vector<16xf32>
      %get3A_986 = arith.index_cast %scan3A_156 : i32 to index
      %get3A_987 = arith.constant 944 : index
      %get3A_988 = tpu.vector_load %arg10[%get3A_986, %get3A_987] {strides = array<i32>} : memref<16x1024xf32, #tpu.memory_space<vmem>>, vector<1x16xf32>,
      %get3A_989 = vector.shape_cast %get3A_988 : vector<1x16xf32> to vector<16xf32>
      %add3A_990 = arith.addf %get3A_985, %get3A_989 : vector<16xf32>
      %swap3A_991 = arith.index_cast %scan3A_156 : i32 to index
      %swap3A_992 = arith.constant 944 : index
      %swap3A_993 = tpu.vector_load %arg8[%swap3A_991, %swap3A_992] {strides = array<i32>} : memref<16x1024xf32, #tpu.memory_space<vmem>>, vector<1x16xf32>,
      %swap3A_994 = vector.shape_cast %swap3A_993 : vector<1x16xf32> to vector<16xf32>
      %swap3A_995 = vector.shape_cast %add3A_990 : vector<16xf32> to vector<1x16xf32>
      tpu.vector_store %arg8[%swap3A_991, %swap3A_992], %swap3A_995 {strides = array<i32>} : memref<16x1024xf32, #tpu.memory_space<vmem>>, vector<1x16xf32>,
      %get3A_996 = arith.index_cast %scan3A_156 : i32 to index
      %get3A_997 = arith.constant 960 : index
      %get3A_998 = tpu.vector_load %arg8[%get3A_996, %get3A_997] {strides = array<i32>} : memref<16x1024xf32, #tpu.memory_space<vmem>>, vector<1x16xf32>,
      %get3A_999 = vector.shape_cast %get3A_998 : vector<1x16xf32> to vector<16xf32>
      %get3A_1000 = arith.index_cast %scan3A_156 : i32 to index
      %get3A_1001 = arith.constant 960 : index
      %get3A_1002 = tpu.vector_load %arg10[%get3A_1000, %get3A_1001] {strides = array<i32>} : memref<16x1024xf32, #tpu.memory_space<vmem>>, vector<1x16xf32>,
      %get3A_1003 = vector.shape_cast %get3A_1002 : vector<1x16xf32> to vector<16xf32>
      %add3A_1004 = arith.addf %get3A_999, %get3A_1003 : vector<16xf32>
      %swap3A_1005 = arith.index_cast %scan3A_156 : i32 to index
      %swap3A_1006 = arith.constant 960 : index
      %swap3A_1007 = tpu.vector_load %arg8[%swap3A_1005, %swap3A_1006] {strides = array<i32>} : memref<16x1024xf32, #tpu.memory_space<vmem>>, vector<1x16xf32>,
      %swap3A_1008 = vector.shape_cast %swap3A_1007 : vector<1x16xf32> to vector<16xf32>
      %swap3A_1009 = vector.shape_cast %add3A_1004 : vector<16xf32> to vector<1x16xf32>
      tpu.vector_store %arg8[%swap3A_1005, %swap3A_1006], %swap3A_1009 {strides = array<i32>} : memref<16x1024xf32, #tpu.memory_space<vmem>>, vector<1x16xf32>,
      %get3A_1010 = arith.index_cast %scan3A_156 : i32 to index
      %get3A_1011 = arith.constant 976 : index
      %get3A_1012 = tpu.vector_load %arg8[%get3A_1010, %get3A_1011] {strides = array<i32>} : memref<16x1024xf32, #tpu.memory_space<vmem>>, vector<1x16xf32>,
      %get3A_1013 = vector.shape_cast %get3A_1012 : vector<1x16xf32> to vector<16xf32>
      %get3A_1014 = arith.index_cast %scan3A_156 : i32 to index
      %get3A_1015 = arith.constant 976 : index
      %get3A_1016 = tpu.vector_load %arg10[%get3A_1014, %get3A_1015] {strides = array<i32>} : memref<16x1024xf32, #tpu.memory_space<vmem>>, vector<1x16xf32>,
      %get3A_1017 = vector.shape_cast %get3A_1016 : vector<1x16xf32> to vector<16xf32>
      %add3A_1018 = arith.addf %get3A_1013, %get3A_1017 : vector<16xf32>
      %swap3A_1019 = arith.index_cast %scan3A_156 : i32 to index
      %swap3A_1020 = arith.constant 976 : index
      %swap3A_1021 = tpu.vector_load %arg8[%swap3A_1019, %swap3A_1020] {strides = array<i32>} : memref<16x1024xf32, #tpu.memory_space<vmem>>, vector<1x16xf32>,
      %swap3A_1022 = vector.shape_cast %swap3A_1021 : vector<1x16xf32> to vector<16xf32>
      %swap3A_1023 = vector.shape_cast %add3A_1018 : vector<16xf32> to vector<1x16xf32>
      tpu.vector_store %arg8[%swap3A_1019, %swap3A_1020], %swap3A_1023 {strides = array<i32>} : memref<16x1024xf32, #tpu.memory_space<vmem>>, vector<1x16xf32>,
      %get3A_1024 = arith.index_cast %scan3A_156 : i32 to index
      %get3A_1025 = arith.constant 992 : index
      %get3A_1026 = tpu.vector_load %arg8[%get3A_1024, %get3A_1025] {strides = array<i32>} : memref<16x1024xf32, #tpu.memory_space<vmem>>, vector<1x16xf32>,
      %get3A_1027 = vector.shape_cast %get3A_1026 : vector<1x16xf32> to vector<16xf32>
      %get3A_1028 = arith.index_cast %scan3A_156 : i32 to index
      %get3A_1029 = arith.constant 992 : index
      %get3A_1030 = tpu.vector_load %arg10[%get3A_1028, %get3A_1029] {strides = array<i32>} : memref<16x1024xf32, #tpu.memory_space<vmem>>, vector<1x16xf32>,
      %get3A_1031 = vector.shape_cast %get3A_1030 : vector<1x16xf32> to vector<16xf32>
      %add3A_1032 = arith.addf %get3A_1027, %get3A_1031 : vector<16xf32>
      %swap3A_1033 = arith.index_cast %scan3A_156 : i32 to index
      %swap3A_1034 = arith.constant 992 : index
      %swap3A_1035 = tpu.vector_load %arg8[%swap3A_1033, %swap3A_1034] {strides = array<i32>} : memref<16x1024xf32, #tpu.memory_space<vmem>>, vector<1x16xf32>,
      %swap3A_1036 = vector.shape_cast %swap3A_1035 : vector<1x16xf32> to vector<16xf32>
      %swap3A_1037 = vector.shape_cast %add3A_1032 : vector<16xf32> to vector<1x16xf32>
      tpu.vector_store %arg8[%swap3A_1033, %swap3A_1034], %swap3A_1037 {strides = array<i32>} : memref<16x1024xf32, #tpu.memory_space<vmem>>, vector<1x16xf32>,
      %get3A_1038 = arith.index_cast %scan3A_156 : i32 to index
      %get3A_1039 = arith.constant 1008 : index
      %get3A_1040 = tpu.vector_load %arg8[%get3A_1038, %get3A_1039] {strides = array<i32>} : memref<16x1024xf32, #tpu.memory_space<vmem>>, vector<1x16xf32>,
      %get3A_1041 = vector.shape_cast %get3A_1040 : vector<1x16xf32> to vector<16xf32>
      %get3A_1042 = arith.index_cast %scan3A_156 : i32 to index
      %get3A_1043 = arith.constant 1008 : index
      %get3A_1044 = tpu.vector_load %arg10[%get3A_1042, %get3A_1043] {strides = array<i32>} : memref<16x1024xf32, #tpu.memory_space<vmem>>, vector<1x16xf32>,
      %get3A_1045 = vector.shape_cast %get3A_1044 : vector<1x16xf32> to vector<16xf32>
      %add3A_1046 = arith.addf %get3A_1041, %get3A_1045 : vector<16xf32>
      %swap3A_1047 = arith.index_cast %scan3A_156 : i32 to index
      %swap3A_1048 = arith.constant 1008 : index
      %swap3A_1049 = tpu.vector_load %arg8[%swap3A_1047, %swap3A_1048] {strides = array<i32>} : memref<16x1024xf32, #tpu.memory_space<vmem>>, vector<1x16xf32>,
      %swap3A_1050 = vector.shape_cast %swap3A_1049 : vector<1x16xf32> to vector<16xf32>
      %swap3A_1051 = vector.shape_cast %add3A_1046 : vector<16xf32> to vector<1x16xf32>
      tpu.vector_store %arg8[%swap3A_1047, %swap3A_1048], %swap3A_1051 {strides = array<i32>} : memref<16x1024xf32, #tpu.memory_space<vmem>>, vector<1x16xf32>,
      %scan3A_1052 = arith.constant 0 : i32
      scf.yield %scan3A_1052 : i32
    }
    %scan3A_118 = arith.constant 16 : i32
    %add3A_119 = arith.constant 32 : i32
    %add3A_120 = arith.addi %mul3A_2, %add3A_119 : i32
    %dma_start3A_121 = arith.constant 0 : i32
    %dma_start3A_122 = tpu.memref_slice %arg5[%add3A_120, %dma_start3A_121] : memref<2048x1024xf32, #tpu.memory_space<hbm>> -> memref<16x1024xf32, #tpu.memory_space<hbm>>
    %dma_start3A_123 = arith.constant 0 : i32
    %dma_start3A_124 = tpu.memref_slice %arg5[%add3A_120, %dma_start3A_123] : memref<2048x1024xf32, #tpu.memory_space<hbm>> -> memref<16x1024xf32, #tpu.memory_space<hbm>>
    tpu.enqueue_dma source(%arg8 : memref<16x1024xf32, #tpu.memory_space<vmem>>) target(%dma_start3A_124 : memref<16x1024xf32, #tpu.memory_space<hbm>>) target_semaphore(%arg16 : memref<!tpu.dma_semaphore, #tpu.memory_space<semaphore_mem>>)
    %dma_wait3A_125 = arith.constant 48 : i32
    %dma_wait3A_126 = tpu.memref_slice %arg6[%dma_wait3A_125] : memref<64xi32, #tpu.memory_space<vmem>> -> memref<16xi32, #tpu.memory_space<vmem>>
    %dma_wait3A_127 = arith.constant 0 : i32
    %dma_wait3A_128 = arith.constant 0 : i32
    %dma_wait3A_129 = tpu.memref_slice %arg2[%dma_wait3A_127, %dma_wait3A_128] : memref<5248x1024xf32, #tpu.memory_space<hbm>> -> memref<5248x1024xf32, #tpu.memory_space<hbm>>
    tpu.wait_indirect_dma semaphore(%arg13 : memref<!tpu.dma_semaphore, #tpu.memory_space<semaphore_mem>>) src(%dma_wait3A_129 : memref<5248x1024xf32, #tpu.memory_space<hbm>>) dst(%arg9 : memref<16x1024xf32, #tpu.memory_space<vmem>>)
    %dma_wait3A_130 = arith.constant 48 : i32
    %dma_wait3A_131 = tpu.memref_slice %arg7[%dma_wait3A_130] : memref<64xi32, #tpu.memory_space<vmem>> -> memref<16xi32, #tpu.memory_space<vmem>>
    %dma_wait3A_132 = arith.constant 0 : i32
    %dma_wait3A_133 = arith.constant 0 : i32
    %dma_wait3A_134 = tpu.memref_slice %arg2[%dma_wait3A_132, %dma_wait3A_133] : memref<5248x1024xf32, #tpu.memory_space<hbm>> -> memref<5248x1024xf32, #tpu.memory_space<hbm>>
    tpu.wait_indirect_dma semaphore(%arg15 : memref<!tpu.dma_semaphore, #tpu.memory_space<semaphore_mem>>) src(%dma_wait3A_134 : memref<5248x1024xf32, #tpu.memory_space<hbm>>) dst(%arg11 : memref<16x1024xf32, #tpu.memory_space<vmem>>)
    %scan3A_135 = arith.constant 0 : i32
    %scan3A_136 = arith.constant 0 : i32
    %scan3A_137 = arith.constant 16 : i32
    %scan3A_138 = arith.addi %scan3A_136, %scan3A_137 : i32
    %scan3A_139 = arith.constant 1 : i32
    %scan3A_140 = scf.for %scan3A_156 = %scan3A_136 to %scan3A_138 step %scan3A_139 iter_args(%scan3A_157 = %scan3A_135) -> (i32)  : i32 {
      %get3A = arith.index_cast %scan3A_156 : i32 to index
      %get3A_158 = arith.constant 0 : index
      %get3A_159 = tpu.vector_load %arg9[%get3A, %get3A_158] {strides = array<i32>} : memref<16x1024xf32, #tpu.memory_space<vmem>>, vector<1x16xf32>,
      %get3A_160 = vector.shape_cast %get3A_159 : vector<1x16xf32> to vector<16xf32>
      %get3A_161 = arith.index_cast %scan3A_156 : i32 to index
      %get3A_162 = arith.constant 0 : index
      %get3A_163 = tpu.vector_load %arg11[%get3A_161, %get3A_162] {strides = array<i32>} : memref<16x1024xf32, #tpu.memory_space<vmem>>, vector<1x16xf32>,
      %get3A_164 = vector.shape_cast %get3A_163 : vector<1x16xf32> to vector<16xf32>
      %add3A_165 = arith.addf %get3A_160, %get3A_164 : vector<16xf32>
      %swap3A = arith.index_cast %scan3A_156 : i32 to index
      %swap3A_166 = arith.constant 0 : index
      %swap3A_167 = tpu.vector_load %arg9[%swap3A, %swap3A_166] {strides = array<i32>} : memref<16x1024xf32, #tpu.memory_space<vmem>>, vector<1x16xf32>,
      %swap3A_168 = vector.shape_cast %swap3A_167 : vector<1x16xf32> to vector<16xf32>
      %swap3A_169 = vector.shape_cast %add3A_165 : vector<16xf32> to vector<1x16xf32>
      tpu.vector_store %arg9[%swap3A, %swap3A_166], %swap3A_169 {strides = array<i32>} : memref<16x1024xf32, #tpu.memory_space<vmem>>, vector<1x16xf32>,
      %get3A_170 = arith.index_cast %scan3A_156 : i32 to index
      %get3A_171 = arith.constant 16 : index
      %get3A_172 = tpu.vector_load %arg9[%get3A_170, %get3A_171] {strides = array<i32>} : memref<16x1024xf32, #tpu.memory_space<vmem>>, vector<1x16xf32>,
      %get3A_173 = vector.shape_cast %get3A_172 : vector<1x16xf32> to vector<16xf32>
      %get3A_174 = arith.index_cast %scan3A_156 : i32 to index
      %get3A_175 = arith.constant 16 : index
      %get3A_176 = tpu.vector_load %arg11[%get3A_174, %get3A_175] {strides = array<i32>} : memref<16x1024xf32, #tpu.memory_space<vmem>>, vector<1x16xf32>,
      %get3A_177 = vector.shape_cast %get3A_176 : vector<1x16xf32> to vector<16xf32>
      %add3A_178 = arith.addf %get3A_173, %get3A_177 : vector<16xf32>
      %swap3A_179 = arith.index_cast %scan3A_156 : i32 to index
      %swap3A_180 = arith.constant 16 : index
      %swap3A_181 = tpu.vector_load %arg9[%swap3A_179, %swap3A_180] {strides = array<i32>} : memref<16x1024xf32, #tpu.memory_space<vmem>>, vector<1x16xf32>,
      %swap3A_182 = vector.shape_cast %swap3A_181 : vector<1x16xf32> to vector<16xf32>
      %swap3A_183 = vector.shape_cast %add3A_178 : vector<16xf32> to vector<1x16xf32>
      tpu.vector_store %arg9[%swap3A_179, %swap3A_180], %swap3A_183 {strides = array<i32>} : memref<16x1024xf32, #tpu.memory_space<vmem>>, vector<1x16xf32>,
      %get3A_184 = arith.index_cast %scan3A_156 : i32 to index
      %get3A_185 = arith.constant 32 : index
      %get3A_186 = tpu.vector_load %arg9[%get3A_184, %get3A_185] {strides = array<i32>} : memref<16x1024xf32, #tpu.memory_space<vmem>>, vector<1x16xf32>,
      %get3A_187 = vector.shape_cast %get3A_186 : vector<1x16xf32> to vector<16xf32>
      %get3A_188 = arith.index_cast %scan3A_156 : i32 to index
      %get3A_189 = arith.constant 32 : index
      %get3A_190 = tpu.vector_load %arg11[%get3A_188, %get3A_189] {strides = array<i32>} : memref<16x1024xf32, #tpu.memory_space<vmem>>, vector<1x16xf32>,
      %get3A_191 = vector.shape_cast %get3A_190 : vector<1x16xf32> to vector<16xf32>
      %add3A_192 = arith.addf %get3A_187, %get3A_191 : vector<16xf32>
      %swap3A_193 = arith.index_cast %scan3A_156 : i32 to index
      %swap3A_194 = arith.constant 32 : index
      %swap3A_195 = tpu.vector_load %arg9[%swap3A_193, %swap3A_194] {strides = array<i32>} : memref<16x1024xf32, #tpu.memory_space<vmem>>, vector<1x16xf32>,
      %swap3A_196 = vector.shape_cast %swap3A_195 : vector<1x16xf32> to vector<16xf32>
      %swap3A_197 = vector.shape_cast %add3A_192 : vector<16xf32> to vector<1x16xf32>
      tpu.vector_store %arg9[%swap3A_193, %swap3A_194], %swap3A_197 {strides = array<i32>} : memref<16x1024xf32, #tpu.memory_space<vmem>>, vector<1x16xf32>,
      %get3A_198 = arith.index_cast %scan3A_156 : i32 to index
      %get3A_199 = arith.constant 48 : index
      %get3A_200 = tpu.vector_load %arg9[%get3A_198, %get3A_199] {strides = array<i32>} : memref<16x1024xf32, #tpu.memory_space<vmem>>, vector<1x16xf32>,
      %get3A_201 = vector.shape_cast %get3A_200 : vector<1x16xf32> to vector<16xf32>
      %get3A_202 = arith.index_cast %scan3A_156 : i32 to index
      %get3A_203 = arith.constant 48 : index
      %get3A_204 = tpu.vector_load %arg11[%get3A_202, %get3A_203] {strides = array<i32>} : memref<16x1024xf32, #tpu.memory_space<vmem>>, vector<1x16xf32>,
      %get3A_205 = vector.shape_cast %get3A_204 : vector<1x16xf32> to vector<16xf32>
      %add3A_206 = arith.addf %get3A_201, %get3A_205 : vector<16xf32>
      %swap3A_207 = arith.index_cast %scan3A_156 : i32 to index
      %swap3A_208 = arith.constant 48 : index
      %swap3A_209 = tpu.vector_load %arg9[%swap3A_207, %swap3A_208] {strides = array<i32>} : memref<16x1024xf32, #tpu.memory_space<vmem>>, vector<1x16xf32>,
      %swap3A_210 = vector.shape_cast %swap3A_209 : vector<1x16xf32> to vector<16xf32>
      %swap3A_211 = vector.shape_cast %add3A_206 : vector<16xf32> to vector<1x16xf32>
      tpu.vector_store %arg9[%swap3A_207, %swap3A_208], %swap3A_211 {strides = array<i32>} : memref<16x1024xf32, #tpu.memory_space<vmem>>, vector<1x16xf32>,
      %get3A_212 = arith.index_cast %scan3A_156 : i32 to index
      %get3A_213 = arith.constant 64 : index
      %get3A_214 = tpu.vector_load %arg9[%get3A_212, %get3A_213] {strides = array<i32>} : memref<16x1024xf32, #tpu.memory_space<vmem>>, vector<1x16xf32>,
      %get3A_215 = vector.shape_cast %get3A_214 : vector<1x16xf32> to vector<16xf32>
      %get3A_216 = arith.index_cast %scan3A_156 : i32 to index
      %get3A_217 = arith.constant 64 : index
      %get3A_218 = tpu.vector_load %arg11[%get3A_216, %get3A_217] {strides = array<i32>} : memref<16x1024xf32, #tpu.memory_space<vmem>>, vector<1x16xf32>,
      %get3A_219 = vector.shape_cast %get3A_218 : vector<1x16xf32> to vector<16xf32>
      %add3A_220 = arith.addf %get3A_215, %get3A_219 : vector<16xf32>
      %swap3A_221 = arith.index_cast %scan3A_156 : i32 to index
      %swap3A_222 = arith.constant 64 : index
      %swap3A_223 = tpu.vector_load %arg9[%swap3A_221, %swap3A_222] {strides = array<i32>} : memref<16x1024xf32, #tpu.memory_space<vmem>>, vector<1x16xf32>,
      %swap3A_224 = vector.shape_cast %swap3A_223 : vector<1x16xf32> to vector<16xf32>
      %swap3A_225 = vector.shape_cast %add3A_220 : vector<16xf32> to vector<1x16xf32>
      tpu.vector_store %arg9[%swap3A_221, %swap3A_222], %swap3A_225 {strides = array<i32>} : memref<16x1024xf32, #tpu.memory_space<vmem>>, vector<1x16xf32>,
      %get3A_226 = arith.index_cast %scan3A_156 : i32 to index
      %get3A_227 = arith.constant 80 : index
      %get3A_228 = tpu.vector_load %arg9[%get3A_226, %get3A_227] {strides = array<i32>} : memref<16x1024xf32, #tpu.memory_space<vmem>>, vector<1x16xf32>,
      %get3A_229 = vector.shape_cast %get3A_228 : vector<1x16xf32> to vector<16xf32>
      %get3A_230 = arith.index_cast %scan3A_156 : i32 to index
      %get3A_231 = arith.constant 80 : index
      %get3A_232 = tpu.vector_load %arg11[%get3A_230, %get3A_231] {strides = array<i32>} : memref<16x1024xf32, #tpu.memory_space<vmem>>, vector<1x16xf32>,
      %get3A_233 = vector.shape_cast %get3A_232 : vector<1x16xf32> to vector<16xf32>
      %add3A_234 = arith.addf %get3A_229, %get3A_233 : vector<16xf32>
      %swap3A_235 = arith.index_cast %scan3A_156 : i32 to index
      %swap3A_236 = arith.constant 80 : index
      %swap3A_237 = tpu.vector_load %arg9[%swap3A_235, %swap3A_236] {strides = array<i32>} : memref<16x1024xf32, #tpu.memory_space<vmem>>, vector<1x16xf32>,
      %swap3A_238 = vector.shape_cast %swap3A_237 : vector<1x16xf32> to vector<16xf32>
      %swap3A_239 = vector.shape_cast %add3A_234 : vector<16xf32> to vector<1x16xf32>
      tpu.vector_store %arg9[%swap3A_235, %swap3A_236], %swap3A_239 {strides = array<i32>} : memref<16x1024xf32, #tpu.memory_space<vmem>>, vector<1x16xf32>,
      %get3A_240 = arith.index_cast %scan3A_156 : i32 to index
      %get3A_241 = arith.constant 96 : index
      %get3A_242 = tpu.vector_load %arg9[%get3A_240, %get3A_241] {strides = array<i32>} : memref<16x1024xf32, #tpu.memory_space<vmem>>, vector<1x16xf32>,
      %get3A_243 = vector.shape_cast %get3A_242 : vector<1x16xf32> to vector<16xf32>
      %get3A_244 = arith.index_cast %scan3A_156 : i32 to index
      %get3A_245 = arith.constant 96 : index
      %get3A_246 = tpu.vector_load %arg11[%get3A_244, %get3A_245] {strides = array<i32>} : memref<16x1024xf32, #tpu.memory_space<vmem>>, vector<1x16xf32>,
      %get3A_247 = vector.shape_cast %get3A_246 : vector<1x16xf32> to vector<16xf32>
      %add3A_248 = arith.addf %get3A_243, %get3A_247 : vector<16xf32>
      %swap3A_249 = arith.index_cast %scan3A_156 : i32 to index
      %swap3A_250 = arith.constant 96 : index
      %swap3A_251 = tpu.vector_load %arg9[%swap3A_249, %swap3A_250] {strides = array<i32>} : memref<16x1024xf32, #tpu.memory_space<vmem>>, vector<1x16xf32>,
      %swap3A_252 = vector.shape_cast %swap3A_251 : vector<1x16xf32> to vector<16xf32>
      %swap3A_253 = vector.shape_cast %add3A_248 : vector<16xf32> to vector<1x16xf32>
      tpu.vector_store %arg9[%swap3A_249, %swap3A_250], %swap3A_253 {strides = array<i32>} : memref<16x1024xf32, #tpu.memory_space<vmem>>, vector<1x16xf32>,
      %get3A_254 = arith.index_cast %scan3A_156 : i32 to index
      %get3A_255 = arith.constant 112 : index
      %get3A_256 = tpu.vector_load %arg9[%get3A_254, %get3A_255] {strides = array<i32>} : memref<16x1024xf32, #tpu.memory_space<vmem>>, vector<1x16xf32>,
      %get3A_257 = vector.shape_cast %get3A_256 : vector<1x16xf32> to vector<16xf32>
      %get3A_258 = arith.index_cast %scan3A_156 : i32 to index
      %get3A_259 = arith.constant 112 : index
      %get3A_260 = tpu.vector_load %arg11[%get3A_258, %get3A_259] {strides = array<i32>} : memref<16x1024xf32, #tpu.memory_space<vmem>>, vector<1x16xf32>,
      %get3A_261 = vector.shape_cast %get3A_260 : vector<1x16xf32> to vector<16xf32>
      %add3A_262 = arith.addf %get3A_257, %get3A_261 : vector<16xf32>
      %swap3A_263 = arith.index_cast %scan3A_156 : i32 to index
      %swap3A_264 = arith.constant 112 : index
      %swap3A_265 = tpu.vector_load %arg9[%swap3A_263, %swap3A_264] {strides = array<i32>} : memref<16x1024xf32, #tpu.memory_space<vmem>>, vector<1x16xf32>,
      %swap3A_266 = vector.shape_cast %swap3A_265 : vector<1x16xf32> to vector<16xf32>
      %swap3A_267 = vector.shape_cast %add3A_262 : vector<16xf32> to vector<1x16xf32>
      tpu.vector_store %arg9[%swap3A_263, %swap3A_264], %swap3A_267 {strides = array<i32>} : memref<16x1024xf32, #tpu.memory_space<vmem>>, vector<1x16xf32>,
      %get3A_268 = arith.index_cast %scan3A_156 : i32 to index
      %get3A_269 = arith.constant 128 : index
      %get3A_270 = tpu.vector_load %arg9[%get3A_268, %get3A_269] {strides = array<i32>} : memref<16x1024xf32, #tpu.memory_space<vmem>>, vector<1x16xf32>,
      %get3A_271 = vector.shape_cast %get3A_270 : vector<1x16xf32> to vector<16xf32>
      %get3A_272 = arith.index_cast %scan3A_156 : i32 to index
      %get3A_273 = arith.constant 128 : index
      %get3A_274 = tpu.vector_load %arg11[%get3A_272, %get3A_273] {strides = array<i32>} : memref<16x1024xf32, #tpu.memory_space<vmem>>, vector<1x16xf32>,
      %get3A_275 = vector.shape_cast %get3A_274 : vector<1x16xf32> to vector<16xf32>
      %add3A_276 = arith.addf %get3A_271, %get3A_275 : vector<16xf32>
      %swap3A_277 = arith.index_cast %scan3A_156 : i32 to index
      %swap3A_278 = arith.constant 128 : index
      %swap3A_279 = tpu.vector_load %arg9[%swap3A_277, %swap3A_278] {strides = array<i32>} : memref<16x1024xf32, #tpu.memory_space<vmem>>, vector<1x16xf32>,
      %swap3A_280 = vector.shape_cast %swap3A_279 : vector<1x16xf32> to vector<16xf32>
      %swap3A_281 = vector.shape_cast %add3A_276 : vector<16xf32> to vector<1x16xf32>
      tpu.vector_store %arg9[%swap3A_277, %swap3A_278], %swap3A_281 {strides = array<i32>} : memref<16x1024xf32, #tpu.memory_space<vmem>>, vector<1x16xf32>,
      %get3A_282 = arith.index_cast %scan3A_156 : i32 to index
      %get3A_283 = arith.constant 144 : index
      %get3A_284 = tpu.vector_load %arg9[%get3A_282, %get3A_283] {strides = array<i32>} : memref<16x1024xf32, #tpu.memory_space<vmem>>, vector<1x16xf32>,
      %get3A_285 = vector.shape_cast %get3A_284 : vector<1x16xf32> to vector<16xf32>
      %get3A_286 = arith.index_cast %scan3A_156 : i32 to index
      %get3A_287 = arith.constant 144 : index
      %get3A_288 = tpu.vector_load %arg11[%get3A_286, %get3A_287] {strides = array<i32>} : memref<16x1024xf32, #tpu.memory_space<vmem>>, vector<1x16xf32>,
      %get3A_289 = vector.shape_cast %get3A_288 : vector<1x16xf32> to vector<16xf32>
      %add3A_290 = arith.addf %get3A_285, %get3A_289 : vector<16xf32>
      %swap3A_291 = arith.index_cast %scan3A_156 : i32 to index
      %swap3A_292 = arith.constant 144 : index
      %swap3A_293 = tpu.vector_load %arg9[%swap3A_291, %swap3A_292] {strides = array<i32>} : memref<16x1024xf32, #tpu.memory_space<vmem>>, vector<1x16xf32>,
      %swap3A_294 = vector.shape_cast %swap3A_293 : vector<1x16xf32> to vector<16xf32>
      %swap3A_295 = vector.shape_cast %add3A_290 : vector<16xf32> to vector<1x16xf32>
      tpu.vector_store %arg9[%swap3A_291, %swap3A_292], %swap3A_295 {strides = array<i32>} : memref<16x1024xf32, #tpu.memory_space<vmem>>, vector<1x16xf32>,
      %get3A_296 = arith.index_cast %scan3A_156 : i32 to index
      %get3A_297 = arith.constant 160 : index
      %get3A_298 = tpu.vector_load %arg9[%get3A_296, %get3A_297] {strides = array<i32>} : memref<16x1024xf32, #tpu.memory_space<vmem>>, vector<1x16xf32>,
      %get3A_299 = vector.shape_cast %get3A_298 : vector<1x16xf32> to vector<16xf32>
      %get3A_300 = arith.index_cast %scan3A_156 : i32 to index
      %get3A_301 = arith.constant 160 : index
      %get3A_302 = tpu.vector_load %arg11[%get3A_300, %get3A_301] {strides = array<i32>} : memref<16x1024xf32, #tpu.memory_space<vmem>>, vector<1x16xf32>,
      %get3A_303 = vector.shape_cast %get3A_302 : vector<1x16xf32> to vector<16xf32>
      %add3A_304 = arith.addf %get3A_299, %get3A_303 : vector<16xf32>
      %swap3A_305 = arith.index_cast %scan3A_156 : i32 to index
      %swap3A_306 = arith.constant 160 : index
      %swap3A_307 = tpu.vector_load %arg9[%swap3A_305, %swap3A_306] {strides = array<i32>} : memref<16x1024xf32, #tpu.memory_space<vmem>>, vector<1x16xf32>,
      %swap3A_308 = vector.shape_cast %swap3A_307 : vector<1x16xf32> to vector<16xf32>
      %swap3A_309 = vector.shape_cast %add3A_304 : vector<16xf32> to vector<1x16xf32>
      tpu.vector_store %arg9[%swap3A_305, %swap3A_306], %swap3A_309 {strides = array<i32>} : memref<16x1024xf32, #tpu.memory_space<vmem>>, vector<1x16xf32>,
      %get3A_310 = arith.index_cast %scan3A_156 : i32 to index
      %get3A_311 = arith.constant 176 : index
      %get3A_312 = tpu.vector_load %arg9[%get3A_310, %get3A_311] {strides = array<i32>} : memref<16x1024xf32, #tpu.memory_space<vmem>>, vector<1x16xf32>,
      %get3A_313 = vector.shape_cast %get3A_312 : vector<1x16xf32> to vector<16xf32>
      %get3A_314 = arith.index_cast %scan3A_156 : i32 to index
      %get3A_315 = arith.constant 176 : index
      %get3A_316 = tpu.vector_load %arg11[%get3A_314, %get3A_315] {strides = array<i32>} : memref<16x1024xf32, #tpu.memory_space<vmem>>, vector<1x16xf32>,
      %get3A_317 = vector.shape_cast %get3A_316 : vector<1x16xf32> to vector<16xf32>
      %add3A_318 = arith.addf %get3A_313, %get3A_317 : vector<16xf32>
      %swap3A_319 = arith.index_cast %scan3A_156 : i32 to index
      %swap3A_320 = arith.constant 176 : index
      %swap3A_321 = tpu.vector_load %arg9[%swap3A_319, %swap3A_320] {strides = array<i32>} : memref<16x1024xf32, #tpu.memory_space<vmem>>, vector<1x16xf32>,
      %swap3A_322 = vector.shape_cast %swap3A_321 : vector<1x16xf32> to vector<16xf32>
      %swap3A_323 = vector.shape_cast %add3A_318 : vector<16xf32> to vector<1x16xf32>
      tpu.vector_store %arg9[%swap3A_319, %swap3A_320], %swap3A_323 {strides = array<i32>} : memref<16x1024xf32, #tpu.memory_space<vmem>>, vector<1x16xf32>,
      %get3A_324 = arith.index_cast %scan3A_156 : i32 to index
      %get3A_325 = arith.constant 192 : index
      %get3A_326 = tpu.vector_load %arg9[%get3A_324, %get3A_325] {strides = array<i32>} : memref<16x1024xf32, #tpu.memory_space<vmem>>, vector<1x16xf32>,
      %get3A_327 = vector.shape_cast %get3A_326 : vector<1x16xf32> to vector<16xf32>
      %get3A_328 = arith.index_cast %scan3A_156 : i32 to index
      %get3A_329 = arith.constant 192 : index
      %get3A_330 = tpu.vector_load %arg11[%get3A_328, %get3A_329] {strides = array<i32>} : memref<16x1024xf32, #tpu.memory_space<vmem>>, vector<1x16xf32>,
      %get3A_331 = vector.shape_cast %get3A_330 : vector<1x16xf32> to vector<16xf32>
      %add3A_332 = arith.addf %get3A_327, %get3A_331 : vector<16xf32>
      %swap3A_333 = arith.index_cast %scan3A_156 : i32 to index
      %swap3A_334 = arith.constant 192 : index
      %swap3A_335 = tpu.vector_load %arg9[%swap3A_333, %swap3A_334] {strides = array<i32>} : memref<16x1024xf32, #tpu.memory_space<vmem>>, vector<1x16xf32>,
      %swap3A_336 = vector.shape_cast %swap3A_335 : vector<1x16xf32> to vector<16xf32>
      %swap3A_337 = vector.shape_cast %add3A_332 : vector<16xf32> to vector<1x16xf32>
      tpu.vector_store %arg9[%swap3A_333, %swap3A_334], %swap3A_337 {strides = array<i32>} : memref<16x1024xf32, #tpu.memory_space<vmem>>, vector<1x16xf32>,
      %get3A_338 = arith.index_cast %scan3A_156 : i32 to index
      %get3A_339 = arith.constant 208 : index
      %get3A_340 = tpu.vector_load %arg9[%get3A_338, %get3A_339] {strides = array<i32>} : memref<16x1024xf32, #tpu.memory_space<vmem>>, vector<1x16xf32>,
      %get3A_341 = vector.shape_cast %get3A_340 : vector<1x16xf32> to vector<16xf32>
      %get3A_342 = arith.index_cast %scan3A_156 : i32 to index
      %get3A_343 = arith.constant 208 : index
      %get3A_344 = tpu.vector_load %arg11[%get3A_342, %get3A_343] {strides = array<i32>} : memref<16x1024xf32, #tpu.memory_space<vmem>>, vector<1x16xf32>,
      %get3A_345 = vector.shape_cast %get3A_344 : vector<1x16xf32> to vector<16xf32>
      %add3A_346 = arith.addf %get3A_341, %get3A_345 : vector<16xf32>
      %swap3A_347 = arith.index_cast %scan3A_156 : i32 to index
      %swap3A_348 = arith.constant 208 : index
      %swap3A_349 = tpu.vector_load %arg9[%swap3A_347, %swap3A_348] {strides = array<i32>} : memref<16x1024xf32, #tpu.memory_space<vmem>>, vector<1x16xf32>,
      %swap3A_350 = vector.shape_cast %swap3A_349 : vector<1x16xf32> to vector<16xf32>
      %swap3A_351 = vector.shape_cast %add3A_346 : vector<16xf32> to vector<1x16xf32>
      tpu.vector_store %arg9[%swap3A_347, %swap3A_348], %swap3A_351 {strides = array<i32>} : memref<16x1024xf32, #tpu.memory_space<vmem>>, vector<1x16xf32>,
      %get3A_352 = arith.index_cast %scan3A_156 : i32 to index
      %get3A_353 = arith.constant 224 : index
      %get3A_354 = tpu.vector_load %arg9[%get3A_352, %get3A_353] {strides = array<i32>} : memref<16x1024xf32, #tpu.memory_space<vmem>>, vector<1x16xf32>,
      %get3A_355 = vector.shape_cast %get3A_354 : vector<1x16xf32> to vector<16xf32>
      %get3A_356 = arith.index_cast %scan3A_156 : i32 to index
      %get3A_357 = arith.constant 224 : index
      %get3A_358 = tpu.vector_load %arg11[%get3A_356, %get3A_357] {strides = array<i32>} : memref<16x1024xf32, #tpu.memory_space<vmem>>, vector<1x16xf32>,
      %get3A_359 = vector.shape_cast %get3A_358 : vector<1x16xf32> to vector<16xf32>
      %add3A_360 = arith.addf %get3A_355, %get3A_359 : vector<16xf32>
      %swap3A_361 = arith.index_cast %scan3A_156 : i32 to index
      %swap3A_362 = arith.constant 224 : index
      %swap3A_363 = tpu.vector_load %arg9[%swap3A_361, %swap3A_362] {strides = array<i32>} : memref<16x1024xf32, #tpu.memory_space<vmem>>, vector<1x16xf32>,
      %swap3A_364 = vector.shape_cast %swap3A_363 : vector<1x16xf32> to vector<16xf32>
      %swap3A_365 = vector.shape_cast %add3A_360 : vector<16xf32> to vector<1x16xf32>
      tpu.vector_store %arg9[%swap3A_361, %swap3A_362], %swap3A_365 {strides = array<i32>} : memref<16x1024xf32, #tpu.memory_space<vmem>>, vector<1x16xf32>,
      %get3A_366 = arith.index_cast %scan3A_156 : i32 to index
      %get3A_367 = arith.constant 240 : index
      %get3A_368 = tpu.vector_load %arg9[%get3A_366, %get3A_367] {strides = array<i32>} : memref<16x1024xf32, #tpu.memory_space<vmem>>, vector<1x16xf32>,
      %get3A_369 = vector.shape_cast %get3A_368 : vector<1x16xf32> to vector<16xf32>
      %get3A_370 = arith.index_cast %scan3A_156 : i32 to index
      %get3A_371 = arith.constant 240 : index
      %get3A_372 = tpu.vector_load %arg11[%get3A_370, %get3A_371] {strides = array<i32>} : memref<16x1024xf32, #tpu.memory_space<vmem>>, vector<1x16xf32>,
      %get3A_373 = vector.shape_cast %get3A_372 : vector<1x16xf32> to vector<16xf32>
      %add3A_374 = arith.addf %get3A_369, %get3A_373 : vector<16xf32>
      %swap3A_375 = arith.index_cast %scan3A_156 : i32 to index
      %swap3A_376 = arith.constant 240 : index
      %swap3A_377 = tpu.vector_load %arg9[%swap3A_375, %swap3A_376] {strides = array<i32>} : memref<16x1024xf32, #tpu.memory_space<vmem>>, vector<1x16xf32>,
      %swap3A_378 = vector.shape_cast %swap3A_377 : vector<1x16xf32> to vector<16xf32>
      %swap3A_379 = vector.shape_cast %add3A_374 : vector<16xf32> to vector<1x16xf32>
      tpu.vector_store %arg9[%swap3A_375, %swap3A_376], %swap3A_379 {strides = array<i32>} : memref<16x1024xf32, #tpu.memory_space<vmem>>, vector<1x16xf32>,
      %get3A_380 = arith.index_cast %scan3A_156 : i32 to index
      %get3A_381 = arith.constant 256 : index
      %get3A_382 = tpu.vector_load %arg9[%get3A_380, %get3A_381] {strides = array<i32>} : memref<16x1024xf32, #tpu.memory_space<vmem>>, vector<1x16xf32>,
      %get3A_383 = vector.shape_cast %get3A_382 : vector<1x16xf32> to vector<16xf32>
      %get3A_384 = arith.index_cast %scan3A_156 : i32 to index
      %get3A_385 = arith.constant 256 : index
      %get3A_386 = tpu.vector_load %arg11[%get3A_384, %get3A_385] {strides = array<i32>} : memref<16x1024xf32, #tpu.memory_space<vmem>>, vector<1x16xf32>,
      %get3A_387 = vector.shape_cast %get3A_386 : vector<1x16xf32> to vector<16xf32>
      %add3A_388 = arith.addf %get3A_383, %get3A_387 : vector<16xf32>
      %swap3A_389 = arith.index_cast %scan3A_156 : i32 to index
      %swap3A_390 = arith.constant 256 : index
      %swap3A_391 = tpu.vector_load %arg9[%swap3A_389, %swap3A_390] {strides = array<i32>} : memref<16x1024xf32, #tpu.memory_space<vmem>>, vector<1x16xf32>,
      %swap3A_392 = vector.shape_cast %swap3A_391 : vector<1x16xf32> to vector<16xf32>
      %swap3A_393 = vector.shape_cast %add3A_388 : vector<16xf32> to vector<1x16xf32>
      tpu.vector_store %arg9[%swap3A_389, %swap3A_390], %swap3A_393 {strides = array<i32>} : memref<16x1024xf32, #tpu.memory_space<vmem>>, vector<1x16xf32>,
      %get3A_394 = arith.index_cast %scan3A_156 : i32 to index
      %get3A_395 = arith.constant 272 : index
      %get3A_396 = tpu.vector_load %arg9[%get3A_394, %get3A_395] {strides = array<i32>} : memref<16x1024xf32, #tpu.memory_space<vmem>>, vector<1x16xf32>,
      %get3A_397 = vector.shape_cast %get3A_396 : vector<1x16xf32> to vector<16xf32>
      %get3A_398 = arith.index_cast %scan3A_156 : i32 to index
      %get3A_399 = arith.constant 272 : index
      %get3A_400 = tpu.vector_load %arg11[%get3A_398, %get3A_399] {strides = array<i32>} : memref<16x1024xf32, #tpu.memory_space<vmem>>, vector<1x16xf32>,
      %get3A_401 = vector.shape_cast %get3A_400 : vector<1x16xf32> to vector<16xf32>
      %add3A_402 = arith.addf %get3A_397, %get3A_401 : vector<16xf32>
      %swap3A_403 = arith.index_cast %scan3A_156 : i32 to index
      %swap3A_404 = arith.constant 272 : index
      %swap3A_405 = tpu.vector_load %arg9[%swap3A_403, %swap3A_404] {strides = array<i32>} : memref<16x1024xf32, #tpu.memory_space<vmem>>, vector<1x16xf32>,
      %swap3A_406 = vector.shape_cast %swap3A_405 : vector<1x16xf32> to vector<16xf32>
      %swap3A_407 = vector.shape_cast %add3A_402 : vector<16xf32> to vector<1x16xf32>
      tpu.vector_store %arg9[%swap3A_403, %swap3A_404], %swap3A_407 {strides = array<i32>} : memref<16x1024xf32, #tpu.memory_space<vmem>>, vector<1x16xf32>,
      %get3A_408 = arith.index_cast %scan3A_156 : i32 to index
      %get3A_409 = arith.constant 288 : index
      %get3A_410 = tpu.vector_load %arg9[%get3A_408, %get3A_409] {strides = array<i32>} : memref<16x1024xf32, #tpu.memory_space<vmem>>, vector<1x16xf32>,
      %get3A_411 = vector.shape_cast %get3A_410 : vector<1x16xf32> to vector<16xf32>
      %get3A_412 = arith.index_cast %scan3A_156 : i32 to index
      %get3A_413 = arith.constant 288 : index
      %get3A_414 = tpu.vector_load %arg11[%get3A_412, %get3A_413] {strides = array<i32>} : memref<16x1024xf32, #tpu.memory_space<vmem>>, vector<1x16xf32>,
      %get3A_415 = vector.shape_cast %get3A_414 : vector<1x16xf32> to vector<16xf32>
      %add3A_416 = arith.addf %get3A_411, %get3A_415 : vector<16xf32>
      %swap3A_417 = arith.index_cast %scan3A_156 : i32 to index
      %swap3A_418 = arith.constant 288 : index
      %swap3A_419 = tpu.vector_load %arg9[%swap3A_417, %swap3A_418] {strides = array<i32>} : memref<16x1024xf32, #tpu.memory_space<vmem>>, vector<1x16xf32>,
      %swap3A_420 = vector.shape_cast %swap3A_419 : vector<1x16xf32> to vector<16xf32>
      %swap3A_421 = vector.shape_cast %add3A_416 : vector<16xf32> to vector<1x16xf32>
      tpu.vector_store %arg9[%swap3A_417, %swap3A_418], %swap3A_421 {strides = array<i32>} : memref<16x1024xf32, #tpu.memory_space<vmem>>, vector<1x16xf32>,
      %get3A_422 = arith.index_cast %scan3A_156 : i32 to index
      %get3A_423 = arith.constant 304 : index
      %get3A_424 = tpu.vector_load %arg9[%get3A_422, %get3A_423] {strides = array<i32>} : memref<16x1024xf32, #tpu.memory_space<vmem>>, vector<1x16xf32>,
      %get3A_425 = vector.shape_cast %get3A_424 : vector<1x16xf32> to vector<16xf32>
      %get3A_426 = arith.index_cast %scan3A_156 : i32 to index
      %get3A_427 = arith.constant 304 : index
      %get3A_428 = tpu.vector_load %arg11[%get3A_426, %get3A_427] {strides = array<i32>} : memref<16x1024xf32, #tpu.memory_space<vmem>>, vector<1x16xf32>,
      %get3A_429 = vector.shape_cast %get3A_428 : vector<1x16xf32> to vector<16xf32>
      %add3A_430 = arith.addf %get3A_425, %get3A_429 : vector<16xf32>
      %swap3A_431 = arith.index_cast %scan3A_156 : i32 to index
      %swap3A_432 = arith.constant 304 : index
      %swap3A_433 = tpu.vector_load %arg9[%swap3A_431, %swap3A_432] {strides = array<i32>} : memref<16x1024xf32, #tpu.memory_space<vmem>>, vector<1x16xf32>,
      %swap3A_434 = vector.shape_cast %swap3A_433 : vector<1x16xf32> to vector<16xf32>
      %swap3A_435 = vector.shape_cast %add3A_430 : vector<16xf32> to vector<1x16xf32>
      tpu.vector_store %arg9[%swap3A_431, %swap3A_432], %swap3A_435 {strides = array<i32>} : memref<16x1024xf32, #tpu.memory_space<vmem>>, vector<1x16xf32>,
      %get3A_436 = arith.index_cast %scan3A_156 : i32 to index
      %get3A_437 = arith.constant 320 : index
      %get3A_438 = tpu.vector_load %arg9[%get3A_436, %get3A_437] {strides = array<i32>} : memref<16x1024xf32, #tpu.memory_space<vmem>>, vector<1x16xf32>,
      %get3A_439 = vector.shape_cast %get3A_438 : vector<1x16xf32> to vector<16xf32>
      %get3A_440 = arith.index_cast %scan3A_156 : i32 to index
      %get3A_441 = arith.constant 320 : index
      %get3A_442 = tpu.vector_load %arg11[%get3A_440, %get3A_441] {strides = array<i32>} : memref<16x1024xf32, #tpu.memory_space<vmem>>, vector<1x16xf32>,
      %get3A_443 = vector.shape_cast %get3A_442 : vector<1x16xf32> to vector<16xf32>
      %add3A_444 = arith.addf %get3A_439, %get3A_443 : vector<16xf32>
      %swap3A_445 = arith.index_cast %scan3A_156 : i32 to index
      %swap3A_446 = arith.constant 320 : index
      %swap3A_447 = tpu.vector_load %arg9[%swap3A_445, %swap3A_446] {strides = array<i32>} : memref<16x1024xf32, #tpu.memory_space<vmem>>, vector<1x16xf32>,
      %swap3A_448 = vector.shape_cast %swap3A_447 : vector<1x16xf32> to vector<16xf32>
      %swap3A_449 = vector.shape_cast %add3A_444 : vector<16xf32> to vector<1x16xf32>
      tpu.vector_store %arg9[%swap3A_445, %swap3A_446], %swap3A_449 {strides = array<i32>} : memref<16x1024xf32, #tpu.memory_space<vmem>>, vector<1x16xf32>,
      %get3A_450 = arith.index_cast %scan3A_156 : i32 to index
      %get3A_451 = arith.constant 336 : index
      %get3A_452 = tpu.vector_load %arg9[%get3A_450, %get3A_451] {strides = array<i32>} : memref<16x1024xf32, #tpu.memory_space<vmem>>, vector<1x16xf32>,
      %get3A_453 = vector.shape_cast %get3A_452 : vector<1x16xf32> to vector<16xf32>
      %get3A_454 = arith.index_cast %scan3A_156 : i32 to index
      %get3A_455 = arith.constant 336 : index
      %get3A_456 = tpu.vector_load %arg11[%get3A_454, %get3A_455] {strides = array<i32>} : memref<16x1024xf32, #tpu.memory_space<vmem>>, vector<1x16xf32>,
      %get3A_457 = vector.shape_cast %get3A_456 : vector<1x16xf32> to vector<16xf32>
      %add3A_458 = arith.addf %get3A_453, %get3A_457 : vector<16xf32>
      %swap3A_459 = arith.index_cast %scan3A_156 : i32 to index
      %swap3A_460 = arith.constant 336 : index
      %swap3A_461 = tpu.vector_load %arg9[%swap3A_459, %swap3A_460] {strides = array<i32>} : memref<16x1024xf32, #tpu.memory_space<vmem>>, vector<1x16xf32>,
      %swap3A_462 = vector.shape_cast %swap3A_461 : vector<1x16xf32> to vector<16xf32>
      %swap3A_463 = vector.shape_cast %add3A_458 : vector<16xf32> to vector<1x16xf32>
      tpu.vector_store %arg9[%swap3A_459, %swap3A_460], %swap3A_463 {strides = array<i32>} : memref<16x1024xf32, #tpu.memory_space<vmem>>, vector<1x16xf32>,
      %get3A_464 = arith.index_cast %scan3A_156 : i32 to index
      %get3A_465 = arith.constant 352 : index
      %get3A_466 = tpu.vector_load %arg9[%get3A_464, %get3A_465] {strides = array<i32>} : memref<16x1024xf32, #tpu.memory_space<vmem>>, vector<1x16xf32>,
      %get3A_467 = vector.shape_cast %get3A_466 : vector<1x16xf32> to vector<16xf32>
      %get3A_468 = arith.index_cast %scan3A_156 : i32 to index
      %get3A_469 = arith.constant 352 : index
      %get3A_470 = tpu.vector_load %arg11[%get3A_468, %get3A_469] {strides = array<i32>} : memref<16x1024xf32, #tpu.memory_space<vmem>>, vector<1x16xf32>,
      %get3A_471 = vector.shape_cast %get3A_470 : vector<1x16xf32> to vector<16xf32>
      %add3A_472 = arith.addf %get3A_467, %get3A_471 : vector<16xf32>
      %swap3A_473 = arith.index_cast %scan3A_156 : i32 to index
      %swap3A_474 = arith.constant 352 : index
      %swap3A_475 = tpu.vector_load %arg9[%swap3A_473, %swap3A_474] {strides = array<i32>} : memref<16x1024xf32, #tpu.memory_space<vmem>>, vector<1x16xf32>,
      %swap3A_476 = vector.shape_cast %swap3A_475 : vector<1x16xf32> to vector<16xf32>
      %swap3A_477 = vector.shape_cast %add3A_472 : vector<16xf32> to vector<1x16xf32>
      tpu.vector_store %arg9[%swap3A_473, %swap3A_474], %swap3A_477 {strides = array<i32>} : memref<16x1024xf32, #tpu.memory_space<vmem>>, vector<1x16xf32>,
      %get3A_478 = arith.index_cast %scan3A_156 : i32 to index
      %get3A_479 = arith.constant 368 : index
      %get3A_480 = tpu.vector_load %arg9[%get3A_478, %get3A_479] {strides = array<i32>} : memref<16x1024xf32, #tpu.memory_space<vmem>>, vector<1x16xf32>,
      %get3A_481 = vector.shape_cast %get3A_480 : vector<1x16xf32> to vector<16xf32>
      %get3A_482 = arith.index_cast %scan3A_156 : i32 to index
      %get3A_483 = arith.constant 368 : index
      %get3A_484 = tpu.vector_load %arg11[%get3A_482, %get3A_483] {strides = array<i32>} : memref<16x1024xf32, #tpu.memory_space<vmem>>, vector<1x16xf32>,
      %get3A_485 = vector.shape_cast %get3A_484 : vector<1x16xf32> to vector<16xf32>
      %add3A_486 = arith.addf %get3A_481, %get3A_485 : vector<16xf32>
      %swap3A_487 = arith.index_cast %scan3A_156 : i32 to index
      %swap3A_488 = arith.constant 368 : index
      %swap3A_489 = tpu.vector_load %arg9[%swap3A_487, %swap3A_488] {strides = array<i32>} : memref<16x1024xf32, #tpu.memory_space<vmem>>, vector<1x16xf32>,
      %swap3A_490 = vector.shape_cast %swap3A_489 : vector<1x16xf32> to vector<16xf32>
      %swap3A_491 = vector.shape_cast %add3A_486 : vector<16xf32> to vector<1x16xf32>
      tpu.vector_store %arg9[%swap3A_487, %swap3A_488], %swap3A_491 {strides = array<i32>} : memref<16x1024xf32, #tpu.memory_space<vmem>>, vector<1x16xf32>,
      %get3A_492 = arith.index_cast %scan3A_156 : i32 to index
      %get3A_493 = arith.constant 384 : index
      %get3A_494 = tpu.vector_load %arg9[%get3A_492, %get3A_493] {strides = array<i32>} : memref<16x1024xf32, #tpu.memory_space<vmem>>, vector<1x16xf32>,
      %get3A_495 = vector.shape_cast %get3A_494 : vector<1x16xf32> to vector<16xf32>
      %get3A_496 = arith.index_cast %scan3A_156 : i32 to index
      %get3A_497 = arith.constant 384 : index
      %get3A_498 = tpu.vector_load %arg11[%get3A_496, %get3A_497] {strides = array<i32>} : memref<16x1024xf32, #tpu.memory_space<vmem>>, vector<1x16xf32>,
      %get3A_499 = vector.shape_cast %get3A_498 : vector<1x16xf32> to vector<16xf32>
      %add3A_500 = arith.addf %get3A_495, %get3A_499 : vector<16xf32>
      %swap3A_501 = arith.index_cast %scan3A_156 : i32 to index
      %swap3A_502 = arith.constant 384 : index
      %swap3A_503 = tpu.vector_load %arg9[%swap3A_501, %swap3A_502] {strides = array<i32>} : memref<16x1024xf32, #tpu.memory_space<vmem>>, vector<1x16xf32>,
      %swap3A_504 = vector.shape_cast %swap3A_503 : vector<1x16xf32> to vector<16xf32>
      %swap3A_505 = vector.shape_cast %add3A_500 : vector<16xf32> to vector<1x16xf32>
      tpu.vector_store %arg9[%swap3A_501, %swap3A_502], %swap3A_505 {strides = array<i32>} : memref<16x1024xf32, #tpu.memory_space<vmem>>, vector<1x16xf32>,
      %get3A_506 = arith.index_cast %scan3A_156 : i32 to index
      %get3A_507 = arith.constant 400 : index
      %get3A_508 = tpu.vector_load %arg9[%get3A_506, %get3A_507] {strides = array<i32>} : memref<16x1024xf32, #tpu.memory_space<vmem>>, vector<1x16xf32>,
      %get3A_509 = vector.shape_cast %get3A_508 : vector<1x16xf32> to vector<16xf32>
      %get3A_510 = arith.index_cast %scan3A_156 : i32 to index
      %get3A_511 = arith.constant 400 : index
      %get3A_512 = tpu.vector_load %arg11[%get3A_510, %get3A_511] {strides = array<i32>} : memref<16x1024xf32, #tpu.memory_space<vmem>>, vector<1x16xf32>,
      %get3A_513 = vector.shape_cast %get3A_512 : vector<1x16xf32> to vector<16xf32>
      %add3A_514 = arith.addf %get3A_509, %get3A_513 : vector<16xf32>
      %swap3A_515 = arith.index_cast %scan3A_156 : i32 to index
      %swap3A_516 = arith.constant 400 : index
      %swap3A_517 = tpu.vector_load %arg9[%swap3A_515, %swap3A_516] {strides = array<i32>} : memref<16x1024xf32, #tpu.memory_space<vmem>>, vector<1x16xf32>,
      %swap3A_518 = vector.shape_cast %swap3A_517 : vector<1x16xf32> to vector<16xf32>
      %swap3A_519 = vector.shape_cast %add3A_514 : vector<16xf32> to vector<1x16xf32>
      tpu.vector_store %arg9[%swap3A_515, %swap3A_516], %swap3A_519 {strides = array<i32>} : memref<16x1024xf32, #tpu.memory_space<vmem>>, vector<1x16xf32>,
      %get3A_520 = arith.index_cast %scan3A_156 : i32 to index
      %get3A_521 = arith.constant 416 : index
      %get3A_522 = tpu.vector_load %arg9[%get3A_520, %get3A_521] {strides = array<i32>} : memref<16x1024xf32, #tpu.memory_space<vmem>>, vector<1x16xf32>,
      %get3A_523 = vector.shape_cast %get3A_522 : vector<1x16xf32> to vector<16xf32>
      %get3A_524 = arith.index_cast %scan3A_156 : i32 to index
      %get3A_525 = arith.constant 416 : index
      %get3A_526 = tpu.vector_load %arg11[%get3A_524, %get3A_525] {strides = array<i32>} : memref<16x1024xf32, #tpu.memory_space<vmem>>, vector<1x16xf32>,
      %get3A_527 = vector.shape_cast %get3A_526 : vector<1x16xf32> to vector<16xf32>
      %add3A_528 = arith.addf %get3A_523, %get3A_527 : vector<16xf32>
      %swap3A_529 = arith.index_cast %scan3A_156 : i32 to index
      %swap3A_530 = arith.constant 416 : index
      %swap3A_531 = tpu.vector_load %arg9[%swap3A_529, %swap3A_530] {strides = array<i32>} : memref<16x1024xf32, #tpu.memory_space<vmem>>, vector<1x16xf32>,
      %swap3A_532 = vector.shape_cast %swap3A_531 : vector<1x16xf32> to vector<16xf32>
      %swap3A_533 = vector.shape_cast %add3A_528 : vector<16xf32> to vector<1x16xf32>
      tpu.vector_store %arg9[%swap3A_529, %swap3A_530], %swap3A_533 {strides = array<i32>} : memref<16x1024xf32, #tpu.memory_space<vmem>>, vector<1x16xf32>,
      %get3A_534 = arith.index_cast %scan3A_156 : i32 to index
      %get3A_535 = arith.constant 432 : index
      %get3A_536 = tpu.vector_load %arg9[%get3A_534, %get3A_535] {strides = array<i32>} : memref<16x1024xf32, #tpu.memory_space<vmem>>, vector<1x16xf32>,
      %get3A_537 = vector.shape_cast %get3A_536 : vector<1x16xf32> to vector<16xf32>
      %get3A_538 = arith.index_cast %scan3A_156 : i32 to index
      %get3A_539 = arith.constant 432 : index
      %get3A_540 = tpu.vector_load %arg11[%get3A_538, %get3A_539] {strides = array<i32>} : memref<16x1024xf32, #tpu.memory_space<vmem>>, vector<1x16xf32>,
      %get3A_541 = vector.shape_cast %get3A_540 : vector<1x16xf32> to vector<16xf32>
      %add3A_542 = arith.addf %get3A_537, %get3A_541 : vector<16xf32>
      %swap3A_543 = arith.index_cast %scan3A_156 : i32 to index
      %swap3A_544 = arith.constant 432 : index
      %swap3A_545 = tpu.vector_load %arg9[%swap3A_543, %swap3A_544] {strides = array<i32>} : memref<16x1024xf32, #tpu.memory_space<vmem>>, vector<1x16xf32>,
      %swap3A_546 = vector.shape_cast %swap3A_545 : vector<1x16xf32> to vector<16xf32>
      %swap3A_547 = vector.shape_cast %add3A_542 : vector<16xf32> to vector<1x16xf32>
      tpu.vector_store %arg9[%swap3A_543, %swap3A_544], %swap3A_547 {strides = array<i32>} : memref<16x1024xf32, #tpu.memory_space<vmem>>, vector<1x16xf32>,
      %get3A_548 = arith.index_cast %scan3A_156 : i32 to index
      %get3A_549 = arith.constant 448 : index
      %get3A_550 = tpu.vector_load %arg9[%get3A_548, %get3A_549] {strides = array<i32>} : memref<16x1024xf32, #tpu.memory_space<vmem>>, vector<1x16xf32>,
      %get3A_551 = vector.shape_cast %get3A_550 : vector<1x16xf32> to vector<16xf32>
      %get3A_552 = arith.index_cast %scan3A_156 : i32 to index
      %get3A_553 = arith.constant 448 : index
      %get3A_554 = tpu.vector_load %arg11[%get3A_552, %get3A_553] {strides = array<i32>} : memref<16x1024xf32, #tpu.memory_space<vmem>>, vector<1x16xf32>,
      %get3A_555 = vector.shape_cast %get3A_554 : vector<1x16xf32> to vector<16xf32>
      %add3A_556 = arith.addf %get3A_551, %get3A_555 : vector<16xf32>
      %swap3A_557 = arith.index_cast %scan3A_156 : i32 to index
      %swap3A_558 = arith.constant 448 : index
      %swap3A_559 = tpu.vector_load %arg9[%swap3A_557, %swap3A_558] {strides = array<i32>} : memref<16x1024xf32, #tpu.memory_space<vmem>>, vector<1x16xf32>,
      %swap3A_560 = vector.shape_cast %swap3A_559 : vector<1x16xf32> to vector<16xf32>
      %swap3A_561 = vector.shape_cast %add3A_556 : vector<16xf32> to vector<1x16xf32>
      tpu.vector_store %arg9[%swap3A_557, %swap3A_558], %swap3A_561 {strides = array<i32>} : memref<16x1024xf32, #tpu.memory_space<vmem>>, vector<1x16xf32>,
      %get3A_562 = arith.index_cast %scan3A_156 : i32 to index
      %get3A_563 = arith.constant 464 : index
      %get3A_564 = tpu.vector_load %arg9[%get3A_562, %get3A_563] {strides = array<i32>} : memref<16x1024xf32, #tpu.memory_space<vmem>>, vector<1x16xf32>,
      %get3A_565 = vector.shape_cast %get3A_564 : vector<1x16xf32> to vector<16xf32>
      %get3A_566 = arith.index_cast %scan3A_156 : i32 to index
      %get3A_567 = arith.constant 464 : index
      %get3A_568 = tpu.vector_load %arg11[%get3A_566, %get3A_567] {strides = array<i32>} : memref<16x1024xf32, #tpu.memory_space<vmem>>, vector<1x16xf32>,
      %get3A_569 = vector.shape_cast %get3A_568 : vector<1x16xf32> to vector<16xf32>
      %add3A_570 = arith.addf %get3A_565, %get3A_569 : vector<16xf32>
      %swap3A_571 = arith.index_cast %scan3A_156 : i32 to index
      %swap3A_572 = arith.constant 464 : index
      %swap3A_573 = tpu.vector_load %arg9[%swap3A_571, %swap3A_572] {strides = array<i32>} : memref<16x1024xf32, #tpu.memory_space<vmem>>, vector<1x16xf32>,
      %swap3A_574 = vector.shape_cast %swap3A_573 : vector<1x16xf32> to vector<16xf32>
      %swap3A_575 = vector.shape_cast %add3A_570 : vector<16xf32> to vector<1x16xf32>
      tpu.vector_store %arg9[%swap3A_571, %swap3A_572], %swap3A_575 {strides = array<i32>} : memref<16x1024xf32, #tpu.memory_space<vmem>>, vector<1x16xf32>,
      %get3A_576 = arith.index_cast %scan3A_156 : i32 to index
      %get3A_577 = arith.constant 480 : index
      %get3A_578 = tpu.vector_load %arg9[%get3A_576, %get3A_577] {strides = array<i32>} : memref<16x1024xf32, #tpu.memory_space<vmem>>, vector<1x16xf32>,
      %get3A_579 = vector.shape_cast %get3A_578 : vector<1x16xf32> to vector<16xf32>
      %get3A_580 = arith.index_cast %scan3A_156 : i32 to index
      %get3A_581 = arith.constant 480 : index
      %get3A_582 = tpu.vector_load %arg11[%get3A_580, %get3A_581] {strides = array<i32>} : memref<16x1024xf32, #tpu.memory_space<vmem>>, vector<1x16xf32>,
      %get3A_583 = vector.shape_cast %get3A_582 : vector<1x16xf32> to vector<16xf32>
      %add3A_584 = arith.addf %get3A_579, %get3A_583 : vector<16xf32>
      %swap3A_585 = arith.index_cast %scan3A_156 : i32 to index
      %swap3A_586 = arith.constant 480 : index
      %swap3A_587 = tpu.vector_load %arg9[%swap3A_585, %swap3A_586] {strides = array<i32>} : memref<16x1024xf32, #tpu.memory_space<vmem>>, vector<1x16xf32>,
      %swap3A_588 = vector.shape_cast %swap3A_587 : vector<1x16xf32> to vector<16xf32>
      %swap3A_589 = vector.shape_cast %add3A_584 : vector<16xf32> to vector<1x16xf32>
      tpu.vector_store %arg9[%swap3A_585, %swap3A_586], %swap3A_589 {strides = array<i32>} : memref<16x1024xf32, #tpu.memory_space<vmem>>, vector<1x16xf32>,
      %get3A_590 = arith.index_cast %scan3A_156 : i32 to index
      %get3A_591 = arith.constant 496 : index
      %get3A_592 = tpu.vector_load %arg9[%get3A_590, %get3A_591] {strides = array<i32>} : memref<16x1024xf32, #tpu.memory_space<vmem>>, vector<1x16xf32>,
      %get3A_593 = vector.shape_cast %get3A_592 : vector<1x16xf32> to vector<16xf32>
      %get3A_594 = arith.index_cast %scan3A_156 : i32 to index
      %get3A_595 = arith.constant 496 : index
      %get3A_596 = tpu.vector_load %arg11[%get3A_594, %get3A_595] {strides = array<i32>} : memref<16x1024xf32, #tpu.memory_space<vmem>>, vector<1x16xf32>,
      %get3A_597 = vector.shape_cast %get3A_596 : vector<1x16xf32> to vector<16xf32>
      %add3A_598 = arith.addf %get3A_593, %get3A_597 : vector<16xf32>
      %swap3A_599 = arith.index_cast %scan3A_156 : i32 to index
      %swap3A_600 = arith.constant 496 : index
      %swap3A_601 = tpu.vector_load %arg9[%swap3A_599, %swap3A_600] {strides = array<i32>} : memref<16x1024xf32, #tpu.memory_space<vmem>>, vector<1x16xf32>,
      %swap3A_602 = vector.shape_cast %swap3A_601 : vector<1x16xf32> to vector<16xf32>
      %swap3A_603 = vector.shape_cast %add3A_598 : vector<16xf32> to vector<1x16xf32>
      tpu.vector_store %arg9[%swap3A_599, %swap3A_600], %swap3A_603 {strides = array<i32>} : memref<16x1024xf32, #tpu.memory_space<vmem>>, vector<1x16xf32>,
      %get3A_604 = arith.index_cast %scan3A_156 : i32 to index
      %get3A_605 = arith.constant 512 : index
      %get3A_606 = tpu.vector_load %arg9[%get3A_604, %get3A_605] {strides = array<i32>} : memref<16x1024xf32, #tpu.memory_space<vmem>>, vector<1x16xf32>,
      %get3A_607 = vector.shape_cast %get3A_606 : vector<1x16xf32> to vector<16xf32>
      %get3A_608 = arith.index_cast %scan3A_156 : i32 to index
      %get3A_609 = arith.constant 512 : index
      %get3A_610 = tpu.vector_load %arg11[%get3A_608, %get3A_609] {strides = array<i32>} : memref<16x1024xf32, #tpu.memory_space<vmem>>, vector<1x16xf32>,
      %get3A_611 = vector.shape_cast %get3A_610 : vector<1x16xf32> to vector<16xf32>
      %add3A_612 = arith.addf %get3A_607, %get3A_611 : vector<16xf32>
      %swap3A_613 = arith.index_cast %scan3A_156 : i32 to index
      %swap3A_614 = arith.constant 512 : index
      %swap3A_615 = tpu.vector_load %arg9[%swap3A_613, %swap3A_614] {strides = array<i32>} : memref<16x1024xf32, #tpu.memory_space<vmem>>, vector<1x16xf32>,
      %swap3A_616 = vector.shape_cast %swap3A_615 : vector<1x16xf32> to vector<16xf32>
      %swap3A_617 = vector.shape_cast %add3A_612 : vector<16xf32> to vector<1x16xf32>
      tpu.vector_store %arg9[%swap3A_613, %swap3A_614], %swap3A_617 {strides = array<i32>} : memref<16x1024xf32, #tpu.memory_space<vmem>>, vector<1x16xf32>,
      %get3A_618 = arith.index_cast %scan3A_156 : i32 to index
      %get3A_619 = arith.constant 528 : index
      %get3A_620 = tpu.vector_load %arg9[%get3A_618, %get3A_619] {strides = array<i32>} : memref<16x1024xf32, #tpu.memory_space<vmem>>, vector<1x16xf32>,
      %get3A_621 = vector.shape_cast %get3A_620 : vector<1x16xf32> to vector<16xf32>
      %get3A_622 = arith.index_cast %scan3A_156 : i32 to index
      %get3A_623 = arith.constant 528 : index
      %get3A_624 = tpu.vector_load %arg11[%get3A_622, %get3A_623] {strides = array<i32>} : memref<16x1024xf32, #tpu.memory_space<vmem>>, vector<1x16xf32>,
      %get3A_625 = vector.shape_cast %get3A_624 : vector<1x16xf32> to vector<16xf32>
      %add3A_626 = arith.addf %get3A_621, %get3A_625 : vector<16xf32>
      %swap3A_627 = arith.index_cast %scan3A_156 : i32 to index
      %swap3A_628 = arith.constant 528 : index
      %swap3A_629 = tpu.vector_load %arg9[%swap3A_627, %swap3A_628] {strides = array<i32>} : memref<16x1024xf32, #tpu.memory_space<vmem>>, vector<1x16xf32>,
      %swap3A_630 = vector.shape_cast %swap3A_629 : vector<1x16xf32> to vector<16xf32>
      %swap3A_631 = vector.shape_cast %add3A_626 : vector<16xf32> to vector<1x16xf32>
      tpu.vector_store %arg9[%swap3A_627, %swap3A_628], %swap3A_631 {strides = array<i32>} : memref<16x1024xf32, #tpu.memory_space<vmem>>, vector<1x16xf32>,
      %get3A_632 = arith.index_cast %scan3A_156 : i32 to index
      %get3A_633 = arith.constant 544 : index
      %get3A_634 = tpu.vector_load %arg9[%get3A_632, %get3A_633] {strides = array<i32>} : memref<16x1024xf32, #tpu.memory_space<vmem>>, vector<1x16xf32>,
      %get3A_635 = vector.shape_cast %get3A_634 : vector<1x16xf32> to vector<16xf32>
      %get3A_636 = arith.index_cast %scan3A_156 : i32 to index
      %get3A_637 = arith.constant 544 : index
      %get3A_638 = tpu.vector_load %arg11[%get3A_636, %get3A_637] {strides = array<i32>} : memref<16x1024xf32, #tpu.memory_space<vmem>>, vector<1x16xf32>,
      %get3A_639 = vector.shape_cast %get3A_638 : vector<1x16xf32> to vector<16xf32>
      %add3A_640 = arith.addf %get3A_635, %get3A_639 : vector<16xf32>
      %swap3A_641 = arith.index_cast %scan3A_156 : i32 to index
      %swap3A_642 = arith.constant 544 : index
      %swap3A_643 = tpu.vector_load %arg9[%swap3A_641, %swap3A_642] {strides = array<i32>} : memref<16x1024xf32, #tpu.memory_space<vmem>>, vector<1x16xf32>,
      %swap3A_644 = vector.shape_cast %swap3A_643 : vector<1x16xf32> to vector<16xf32>
      %swap3A_645 = vector.shape_cast %add3A_640 : vector<16xf32> to vector<1x16xf32>
      tpu.vector_store %arg9[%swap3A_641, %swap3A_642], %swap3A_645 {strides = array<i32>} : memref<16x1024xf32, #tpu.memory_space<vmem>>, vector<1x16xf32>,
      %get3A_646 = arith.index_cast %scan3A_156 : i32 to index
      %get3A_647 = arith.constant 560 : index
      %get3A_648 = tpu.vector_load %arg9[%get3A_646, %get3A_647] {strides = array<i32>} : memref<16x1024xf32, #tpu.memory_space<vmem>>, vector<1x16xf32>,
      %get3A_649 = vector.shape_cast %get3A_648 : vector<1x16xf32> to vector<16xf32>
      %get3A_650 = arith.index_cast %scan3A_156 : i32 to index
      %get3A_651 = arith.constant 560 : index
      %get3A_652 = tpu.vector_load %arg11[%get3A_650, %get3A_651] {strides = array<i32>} : memref<16x1024xf32, #tpu.memory_space<vmem>>, vector<1x16xf32>,
      %get3A_653 = vector.shape_cast %get3A_652 : vector<1x16xf32> to vector<16xf32>
      %add3A_654 = arith.addf %get3A_649, %get3A_653 : vector<16xf32>
      %swap3A_655 = arith.index_cast %scan3A_156 : i32 to index
      %swap3A_656 = arith.constant 560 : index
      %swap3A_657 = tpu.vector_load %arg9[%swap3A_655, %swap3A_656] {strides = array<i32>} : memref<16x1024xf32, #tpu.memory_space<vmem>>, vector<1x16xf32>,
      %swap3A_658 = vector.shape_cast %swap3A_657 : vector<1x16xf32> to vector<16xf32>
      %swap3A_659 = vector.shape_cast %add3A_654 : vector<16xf32> to vector<1x16xf32>
      tpu.vector_store %arg9[%swap3A_655, %swap3A_656], %swap3A_659 {strides = array<i32>} : memref<16x1024xf32, #tpu.memory_space<vmem>>, vector<1x16xf32>,
      %get3A_660 = arith.index_cast %scan3A_156 : i32 to index
      %get3A_661 = arith.constant 576 : index
      %get3A_662 = tpu.vector_load %arg9[%get3A_660, %get3A_661] {strides = array<i32>} : memref<16x1024xf32, #tpu.memory_space<vmem>>, vector<1x16xf32>,
      %get3A_663 = vector.shape_cast %get3A_662 : vector<1x16xf32> to vector<16xf32>
      %get3A_664 = arith.index_cast %scan3A_156 : i32 to index
      %get3A_665 = arith.constant 576 : index
      %get3A_666 = tpu.vector_load %arg11[%get3A_664, %get3A_665] {strides = array<i32>} : memref<16x1024xf32, #tpu.memory_space<vmem>>, vector<1x16xf32>,
      %get3A_667 = vector.shape_cast %get3A_666 : vector<1x16xf32> to vector<16xf32>
      %add3A_668 = arith.addf %get3A_663, %get3A_667 : vector<16xf32>
      %swap3A_669 = arith.index_cast %scan3A_156 : i32 to index
      %swap3A_670 = arith.constant 576 : index
      %swap3A_671 = tpu.vector_load %arg9[%swap3A_669, %swap3A_670] {strides = array<i32>} : memref<16x1024xf32, #tpu.memory_space<vmem>>, vector<1x16xf32>,
      %swap3A_672 = vector.shape_cast %swap3A_671 : vector<1x16xf32> to vector<16xf32>
      %swap3A_673 = vector.shape_cast %add3A_668 : vector<16xf32> to vector<1x16xf32>
      tpu.vector_store %arg9[%swap3A_669, %swap3A_670], %swap3A_673 {strides = array<i32>} : memref<16x1024xf32, #tpu.memory_space<vmem>>, vector<1x16xf32>,
      %get3A_674 = arith.index_cast %scan3A_156 : i32 to index
      %get3A_675 = arith.constant 592 : index
      %get3A_676 = tpu.vector_load %arg9[%get3A_674, %get3A_675] {strides = array<i32>} : memref<16x1024xf32, #tpu.memory_space<vmem>>, vector<1x16xf32>,
      %get3A_677 = vector.shape_cast %get3A_676 : vector<1x16xf32> to vector<16xf32>
      %get3A_678 = arith.index_cast %scan3A_156 : i32 to index
      %get3A_679 = arith.constant 592 : index
      %get3A_680 = tpu.vector_load %arg11[%get3A_678, %get3A_679] {strides = array<i32>} : memref<16x1024xf32, #tpu.memory_space<vmem>>, vector<1x16xf32>,
      %get3A_681 = vector.shape_cast %get3A_680 : vector<1x16xf32> to vector<16xf32>
      %add3A_682 = arith.addf %get3A_677, %get3A_681 : vector<16xf32>
      %swap3A_683 = arith.index_cast %scan3A_156 : i32 to index
      %swap3A_684 = arith.constant 592 : index
      %swap3A_685 = tpu.vector_load %arg9[%swap3A_683, %swap3A_684] {strides = array<i32>} : memref<16x1024xf32, #tpu.memory_space<vmem>>, vector<1x16xf32>,
      %swap3A_686 = vector.shape_cast %swap3A_685 : vector<1x16xf32> to vector<16xf32>
      %swap3A_687 = vector.shape_cast %add3A_682 : vector<16xf32> to vector<1x16xf32>
      tpu.vector_store %arg9[%swap3A_683, %swap3A_684], %swap3A_687 {strides = array<i32>} : memref<16x1024xf32, #tpu.memory_space<vmem>>, vector<1x16xf32>,
      %get3A_688 = arith.index_cast %scan3A_156 : i32 to index
      %get3A_689 = arith.constant 608 : index
      %get3A_690 = tpu.vector_load %arg9[%get3A_688, %get3A_689] {strides = array<i32>} : memref<16x1024xf32, #tpu.memory_space<vmem>>, vector<1x16xf32>,
      %get3A_691 = vector.shape_cast %get3A_690 : vector<1x16xf32> to vector<16xf32>
      %get3A_692 = arith.index_cast %scan3A_156 : i32 to index
      %get3A_693 = arith.constant 608 : index
      %get3A_694 = tpu.vector_load %arg11[%get3A_692, %get3A_693] {strides = array<i32>} : memref<16x1024xf32, #tpu.memory_space<vmem>>, vector<1x16xf32>,
      %get3A_695 = vector.shape_cast %get3A_694 : vector<1x16xf32> to vector<16xf32>
      %add3A_696 = arith.addf %get3A_691, %get3A_695 : vector<16xf32>
      %swap3A_697 = arith.index_cast %scan3A_156 : i32 to index
      %swap3A_698 = arith.constant 608 : index
      %swap3A_699 = tpu.vector_load %arg9[%swap3A_697, %swap3A_698] {strides = array<i32>} : memref<16x1024xf32, #tpu.memory_space<vmem>>, vector<1x16xf32>,
      %swap3A_700 = vector.shape_cast %swap3A_699 : vector<1x16xf32> to vector<16xf32>
      %swap3A_701 = vector.shape_cast %add3A_696 : vector<16xf32> to vector<1x16xf32>
      tpu.vector_store %arg9[%swap3A_697, %swap3A_698], %swap3A_701 {strides = array<i32>} : memref<16x1024xf32, #tpu.memory_space<vmem>>, vector<1x16xf32>,
      %get3A_702 = arith.index_cast %scan3A_156 : i32 to index
      %get3A_703 = arith.constant 624 : index
      %get3A_704 = tpu.vector_load %arg9[%get3A_702, %get3A_703] {strides = array<i32>} : memref<16x1024xf32, #tpu.memory_space<vmem>>, vector<1x16xf32>,
      %get3A_705 = vector.shape_cast %get3A_704 : vector<1x16xf32> to vector<16xf32>
      %get3A_706 = arith.index_cast %scan3A_156 : i32 to index
      %get3A_707 = arith.constant 624 : index
      %get3A_708 = tpu.vector_load %arg11[%get3A_706, %get3A_707] {strides = array<i32>} : memref<16x1024xf32, #tpu.memory_space<vmem>>, vector<1x16xf32>,
      %get3A_709 = vector.shape_cast %get3A_708 : vector<1x16xf32> to vector<16xf32>
      %add3A_710 = arith.addf %get3A_705, %get3A_709 : vector<16xf32>
      %swap3A_711 = arith.index_cast %scan3A_156 : i32 to index
      %swap3A_712 = arith.constant 624 : index
      %swap3A_713 = tpu.vector_load %arg9[%swap3A_711, %swap3A_712] {strides = array<i32>} : memref<16x1024xf32, #tpu.memory_space<vmem>>, vector<1x16xf32>,
      %swap3A_714 = vector.shape_cast %swap3A_713 : vector<1x16xf32> to vector<16xf32>
      %swap3A_715 = vector.shape_cast %add3A_710 : vector<16xf32> to vector<1x16xf32>
      tpu.vector_store %arg9[%swap3A_711, %swap3A_712], %swap3A_715 {strides = array<i32>} : memref<16x1024xf32, #tpu.memory_space<vmem>>, vector<1x16xf32>,
      %get3A_716 = arith.index_cast %scan3A_156 : i32 to index
      %get3A_717 = arith.constant 640 : index
      %get3A_718 = tpu.vector_load %arg9[%get3A_716, %get3A_717] {strides = array<i32>} : memref<16x1024xf32, #tpu.memory_space<vmem>>, vector<1x16xf32>,
      %get3A_719 = vector.shape_cast %get3A_718 : vector<1x16xf32> to vector<16xf32>
      %get3A_720 = arith.index_cast %scan3A_156 : i32 to index
      %get3A_721 = arith.constant 640 : index
      %get3A_722 = tpu.vector_load %arg11[%get3A_720, %get3A_721] {strides = array<i32>} : memref<16x1024xf32, #tpu.memory_space<vmem>>, vector<1x16xf32>,
      %get3A_723 = vector.shape_cast %get3A_722 : vector<1x16xf32> to vector<16xf32>
      %add3A_724 = arith.addf %get3A_719, %get3A_723 : vector<16xf32>
      %swap3A_725 = arith.index_cast %scan3A_156 : i32 to index
      %swap3A_726 = arith.constant 640 : index
      %swap3A_727 = tpu.vector_load %arg9[%swap3A_725, %swap3A_726] {strides = array<i32>} : memref<16x1024xf32, #tpu.memory_space<vmem>>, vector<1x16xf32>,
      %swap3A_728 = vector.shape_cast %swap3A_727 : vector<1x16xf32> to vector<16xf32>
      %swap3A_729 = vector.shape_cast %add3A_724 : vector<16xf32> to vector<1x16xf32>
      tpu.vector_store %arg9[%swap3A_725, %swap3A_726], %swap3A_729 {strides = array<i32>} : memref<16x1024xf32, #tpu.memory_space<vmem>>, vector<1x16xf32>,
      %get3A_730 = arith.index_cast %scan3A_156 : i32 to index
      %get3A_731 = arith.constant 656 : index
      %get3A_732 = tpu.vector_load %arg9[%get3A_730, %get3A_731] {strides = array<i32>} : memref<16x1024xf32, #tpu.memory_space<vmem>>, vector<1x16xf32>,
      %get3A_733 = vector.shape_cast %get3A_732 : vector<1x16xf32> to vector<16xf32>
      %get3A_734 = arith.index_cast %scan3A_156 : i32 to index
      %get3A_735 = arith.constant 656 : index
      %get3A_736 = tpu.vector_load %arg11[%get3A_734, %get3A_735] {strides = array<i32>} : memref<16x1024xf32, #tpu.memory_space<vmem>>, vector<1x16xf32>,
      %get3A_737 = vector.shape_cast %get3A_736 : vector<1x16xf32> to vector<16xf32>
      %add3A_738 = arith.addf %get3A_733, %get3A_737 : vector<16xf32>
      %swap3A_739 = arith.index_cast %scan3A_156 : i32 to index
      %swap3A_740 = arith.constant 656 : index
      %swap3A_741 = tpu.vector_load %arg9[%swap3A_739, %swap3A_740] {strides = array<i32>} : memref<16x1024xf32, #tpu.memory_space<vmem>>, vector<1x16xf32>,
      %swap3A_742 = vector.shape_cast %swap3A_741 : vector<1x16xf32> to vector<16xf32>
      %swap3A_743 = vector.shape_cast %add3A_738 : vector<16xf32> to vector<1x16xf32>
      tpu.vector_store %arg9[%swap3A_739, %swap3A_740], %swap3A_743 {strides = array<i32>} : memref<16x1024xf32, #tpu.memory_space<vmem>>, vector<1x16xf32>,
      %get3A_744 = arith.index_cast %scan3A_156 : i32 to index
      %get3A_745 = arith.constant 672 : index
      %get3A_746 = tpu.vector_load %arg9[%get3A_744, %get3A_745] {strides = array<i32>} : memref<16x1024xf32, #tpu.memory_space<vmem>>, vector<1x16xf32>,
      %get3A_747 = vector.shape_cast %get3A_746 : vector<1x16xf32> to vector<16xf32>
      %get3A_748 = arith.index_cast %scan3A_156 : i32 to index
      %get3A_749 = arith.constant 672 : index
      %get3A_750 = tpu.vector_load %arg11[%get3A_748, %get3A_749] {strides = array<i32>} : memref<16x1024xf32, #tpu.memory_space<vmem>>, vector<1x16xf32>,
      %get3A_751 = vector.shape_cast %get3A_750 : vector<1x16xf32> to vector<16xf32>
      %add3A_752 = arith.addf %get3A_747, %get3A_751 : vector<16xf32>
      %swap3A_753 = arith.index_cast %scan3A_156 : i32 to index
      %swap3A_754 = arith.constant 672 : index
      %swap3A_755 = tpu.vector_load %arg9[%swap3A_753, %swap3A_754] {strides = array<i32>} : memref<16x1024xf32, #tpu.memory_space<vmem>>, vector<1x16xf32>,
      %swap3A_756 = vector.shape_cast %swap3A_755 : vector<1x16xf32> to vector<16xf32>
      %swap3A_757 = vector.shape_cast %add3A_752 : vector<16xf32> to vector<1x16xf32>
      tpu.vector_store %arg9[%swap3A_753, %swap3A_754], %swap3A_757 {strides = array<i32>} : memref<16x1024xf32, #tpu.memory_space<vmem>>, vector<1x16xf32>,
      %get3A_758 = arith.index_cast %scan3A_156 : i32 to index
      %get3A_759 = arith.constant 688 : index
      %get3A_760 = tpu.vector_load %arg9[%get3A_758, %get3A_759] {strides = array<i32>} : memref<16x1024xf32, #tpu.memory_space<vmem>>, vector<1x16xf32>,
      %get3A_761 = vector.shape_cast %get3A_760 : vector<1x16xf32> to vector<16xf32>
      %get3A_762 = arith.index_cast %scan3A_156 : i32 to index
      %get3A_763 = arith.constant 688 : index
      %get3A_764 = tpu.vector_load %arg11[%get3A_762, %get3A_763] {strides = array<i32>} : memref<16x1024xf32, #tpu.memory_space<vmem>>, vector<1x16xf32>,
      %get3A_765 = vector.shape_cast %get3A_764 : vector<1x16xf32> to vector<16xf32>
      %add3A_766 = arith.addf %get3A_761, %get3A_765 : vector<16xf32>
      %swap3A_767 = arith.index_cast %scan3A_156 : i32 to index
      %swap3A_768 = arith.constant 688 : index
      %swap3A_769 = tpu.vector_load %arg9[%swap3A_767, %swap3A_768] {strides = array<i32>} : memref<16x1024xf32, #tpu.memory_space<vmem>>, vector<1x16xf32>,
      %swap3A_770 = vector.shape_cast %swap3A_769 : vector<1x16xf32> to vector<16xf32>
      %swap3A_771 = vector.shape_cast %add3A_766 : vector<16xf32> to vector<1x16xf32>
      tpu.vector_store %arg9[%swap3A_767, %swap3A_768], %swap3A_771 {strides = array<i32>} : memref<16x1024xf32, #tpu.memory_space<vmem>>, vector<1x16xf32>,
      %get3A_772 = arith.index_cast %scan3A_156 : i32 to index
      %get3A_773 = arith.constant 704 : index
      %get3A_774 = tpu.vector_load %arg9[%get3A_772, %get3A_773] {strides = array<i32>} : memref<16x1024xf32, #tpu.memory_space<vmem>>, vector<1x16xf32>,
      %get3A_775 = vector.shape_cast %get3A_774 : vector<1x16xf32> to vector<16xf32>
      %get3A_776 = arith.index_cast %scan3A_156 : i32 to index
      %get3A_777 = arith.constant 704 : index
      %get3A_778 = tpu.vector_load %arg11[%get3A_776, %get3A_777] {strides = array<i32>} : memref<16x1024xf32, #tpu.memory_space<vmem>>, vector<1x16xf32>,
      %get3A_779 = vector.shape_cast %get3A_778 : vector<1x16xf32> to vector<16xf32>
      %add3A_780 = arith.addf %get3A_775, %get3A_779 : vector<16xf32>
      %swap3A_781 = arith.index_cast %scan3A_156 : i32 to index
      %swap3A_782 = arith.constant 704 : index
      %swap3A_783 = tpu.vector_load %arg9[%swap3A_781, %swap3A_782] {strides = array<i32>} : memref<16x1024xf32, #tpu.memory_space<vmem>>, vector<1x16xf32>,
      %swap3A_784 = vector.shape_cast %swap3A_783 : vector<1x16xf32> to vector<16xf32>
      %swap3A_785 = vector.shape_cast %add3A_780 : vector<16xf32> to vector<1x16xf32>
      tpu.vector_store %arg9[%swap3A_781, %swap3A_782], %swap3A_785 {strides = array<i32>} : memref<16x1024xf32, #tpu.memory_space<vmem>>, vector<1x16xf32>,
      %get3A_786 = arith.index_cast %scan3A_156 : i32 to index
      %get3A_787 = arith.constant 720 : index
      %get3A_788 = tpu.vector_load %arg9[%get3A_786, %get3A_787] {strides = array<i32>} : memref<16x1024xf32, #tpu.memory_space<vmem>>, vector<1x16xf32>,
      %get3A_789 = vector.shape_cast %get3A_788 : vector<1x16xf32> to vector<16xf32>
      %get3A_790 = arith.index_cast %scan3A_156 : i32 to index
      %get3A_791 = arith.constant 720 : index
      %get3A_792 = tpu.vector_load %arg11[%get3A_790, %get3A_791] {strides = array<i32>} : memref<16x1024xf32, #tpu.memory_space<vmem>>, vector<1x16xf32>,
      %get3A_793 = vector.shape_cast %get3A_792 : vector<1x16xf32> to vector<16xf32>
      %add3A_794 = arith.addf %get3A_789, %get3A_793 : vector<16xf32>
      %swap3A_795 = arith.index_cast %scan3A_156 : i32 to index
      %swap3A_796 = arith.constant 720 : index
      %swap3A_797 = tpu.vector_load %arg9[%swap3A_795, %swap3A_796] {strides = array<i32>} : memref<16x1024xf32, #tpu.memory_space<vmem>>, vector<1x16xf32>,
      %swap3A_798 = vector.shape_cast %swap3A_797 : vector<1x16xf32> to vector<16xf32>
      %swap3A_799 = vector.shape_cast %add3A_794 : vector<16xf32> to vector<1x16xf32>
      tpu.vector_store %arg9[%swap3A_795, %swap3A_796], %swap3A_799 {strides = array<i32>} : memref<16x1024xf32, #tpu.memory_space<vmem>>, vector<1x16xf32>,
      %get3A_800 = arith.index_cast %scan3A_156 : i32 to index
      %get3A_801 = arith.constant 736 : index
      %get3A_802 = tpu.vector_load %arg9[%get3A_800, %get3A_801] {strides = array<i32>} : memref<16x1024xf32, #tpu.memory_space<vmem>>, vector<1x16xf32>,
      %get3A_803 = vector.shape_cast %get3A_802 : vector<1x16xf32> to vector<16xf32>
      %get3A_804 = arith.index_cast %scan3A_156 : i32 to index
      %get3A_805 = arith.constant 736 : index
      %get3A_806 = tpu.vector_load %arg11[%get3A_804, %get3A_805] {strides = array<i32>} : memref<16x1024xf32, #tpu.memory_space<vmem>>, vector<1x16xf32>,
      %get3A_807 = vector.shape_cast %get3A_806 : vector<1x16xf32> to vector<16xf32>
      %add3A_808 = arith.addf %get3A_803, %get3A_807 : vector<16xf32>
      %swap3A_809 = arith.index_cast %scan3A_156 : i32 to index
      %swap3A_810 = arith.constant 736 : index
      %swap3A_811 = tpu.vector_load %arg9[%swap3A_809, %swap3A_810] {strides = array<i32>} : memref<16x1024xf32, #tpu.memory_space<vmem>>, vector<1x16xf32>,
      %swap3A_812 = vector.shape_cast %swap3A_811 : vector<1x16xf32> to vector<16xf32>
      %swap3A_813 = vector.shape_cast %add3A_808 : vector<16xf32> to vector<1x16xf32>
      tpu.vector_store %arg9[%swap3A_809, %swap3A_810], %swap3A_813 {strides = array<i32>} : memref<16x1024xf32, #tpu.memory_space<vmem>>, vector<1x16xf32>,
      %get3A_814 = arith.index_cast %scan3A_156 : i32 to index
      %get3A_815 = arith.constant 752 : index
      %get3A_816 = tpu.vector_load %arg9[%get3A_814, %get3A_815] {strides = array<i32>} : memref<16x1024xf32, #tpu.memory_space<vmem>>, vector<1x16xf32>,
      %get3A_817 = vector.shape_cast %get3A_816 : vector<1x16xf32> to vector<16xf32>
      %get3A_818 = arith.index_cast %scan3A_156 : i32 to index
      %get3A_819 = arith.constant 752 : index
      %get3A_820 = tpu.vector_load %arg11[%get3A_818, %get3A_819] {strides = array<i32>} : memref<16x1024xf32, #tpu.memory_space<vmem>>, vector<1x16xf32>,
      %get3A_821 = vector.shape_cast %get3A_820 : vector<1x16xf32> to vector<16xf32>
      %add3A_822 = arith.addf %get3A_817, %get3A_821 : vector<16xf32>
      %swap3A_823 = arith.index_cast %scan3A_156 : i32 to index
      %swap3A_824 = arith.constant 752 : index
      %swap3A_825 = tpu.vector_load %arg9[%swap3A_823, %swap3A_824] {strides = array<i32>} : memref<16x1024xf32, #tpu.memory_space<vmem>>, vector<1x16xf32>,
      %swap3A_826 = vector.shape_cast %swap3A_825 : vector<1x16xf32> to vector<16xf32>
      %swap3A_827 = vector.shape_cast %add3A_822 : vector<16xf32> to vector<1x16xf32>
      tpu.vector_store %arg9[%swap3A_823, %swap3A_824], %swap3A_827 {strides = array<i32>} : memref<16x1024xf32, #tpu.memory_space<vmem>>, vector<1x16xf32>,
      %get3A_828 = arith.index_cast %scan3A_156 : i32 to index
      %get3A_829 = arith.constant 768 : index
      %get3A_830 = tpu.vector_load %arg9[%get3A_828, %get3A_829] {strides = array<i32>} : memref<16x1024xf32, #tpu.memory_space<vmem>>, vector<1x16xf32>,
      %get3A_831 = vector.shape_cast %get3A_830 : vector<1x16xf32> to vector<16xf32>
      %get3A_832 = arith.index_cast %scan3A_156 : i32 to index
      %get3A_833 = arith.constant 768 : index
      %get3A_834 = tpu.vector_load %arg11[%get3A_832, %get3A_833] {strides = array<i32>} : memref<16x1024xf32, #tpu.memory_space<vmem>>, vector<1x16xf32>,
      %get3A_835 = vector.shape_cast %get3A_834 : vector<1x16xf32> to vector<16xf32>
      %add3A_836 = arith.addf %get3A_831, %get3A_835 : vector<16xf32>
      %swap3A_837 = arith.index_cast %scan3A_156 : i32 to index
      %swap3A_838 = arith.constant 768 : index
      %swap3A_839 = tpu.vector_load %arg9[%swap3A_837, %swap3A_838] {strides = array<i32>} : memref<16x1024xf32, #tpu.memory_space<vmem>>, vector<1x16xf32>,
      %swap3A_840 = vector.shape_cast %swap3A_839 : vector<1x16xf32> to vector<16xf32>
      %swap3A_841 = vector.shape_cast %add3A_836 : vector<16xf32> to vector<1x16xf32>
      tpu.vector_store %arg9[%swap3A_837, %swap3A_838], %swap3A_841 {strides = array<i32>} : memref<16x1024xf32, #tpu.memory_space<vmem>>, vector<1x16xf32>,
      %get3A_842 = arith.index_cast %scan3A_156 : i32 to index
      %get3A_843 = arith.constant 784 : index
      %get3A_844 = tpu.vector_load %arg9[%get3A_842, %get3A_843] {strides = array<i32>} : memref<16x1024xf32, #tpu.memory_space<vmem>>, vector<1x16xf32>,
      %get3A_845 = vector.shape_cast %get3A_844 : vector<1x16xf32> to vector<16xf32>
      %get3A_846 = arith.index_cast %scan3A_156 : i32 to index
      %get3A_847 = arith.constant 784 : index
      %get3A_848 = tpu.vector_load %arg11[%get3A_846, %get3A_847] {strides = array<i32>} : memref<16x1024xf32, #tpu.memory_space<vmem>>, vector<1x16xf32>,
      %get3A_849 = vector.shape_cast %get3A_848 : vector<1x16xf32> to vector<16xf32>
      %add3A_850 = arith.addf %get3A_845, %get3A_849 : vector<16xf32>
      %swap3A_851 = arith.index_cast %scan3A_156 : i32 to index
      %swap3A_852 = arith.constant 784 : index
      %swap3A_853 = tpu.vector_load %arg9[%swap3A_851, %swap3A_852] {strides = array<i32>} : memref<16x1024xf32, #tpu.memory_space<vmem>>, vector<1x16xf32>,
      %swap3A_854 = vector.shape_cast %swap3A_853 : vector<1x16xf32> to vector<16xf32>
      %swap3A_855 = vector.shape_cast %add3A_850 : vector<16xf32> to vector<1x16xf32>
      tpu.vector_store %arg9[%swap3A_851, %swap3A_852], %swap3A_855 {strides = array<i32>} : memref<16x1024xf32, #tpu.memory_space<vmem>>, vector<1x16xf32>,
      %get3A_856 = arith.index_cast %scan3A_156 : i32 to index
      %get3A_857 = arith.constant 800 : index
      %get3A_858 = tpu.vector_load %arg9[%get3A_856, %get3A_857] {strides = array<i32>} : memref<16x1024xf32, #tpu.memory_space<vmem>>, vector<1x16xf32>,
      %get3A_859 = vector.shape_cast %get3A_858 : vector<1x16xf32> to vector<16xf32>
      %get3A_860 = arith.index_cast %scan3A_156 : i32 to index
      %get3A_861 = arith.constant 800 : index
      %get3A_862 = tpu.vector_load %arg11[%get3A_860, %get3A_861] {strides = array<i32>} : memref<16x1024xf32, #tpu.memory_space<vmem>>, vector<1x16xf32>,
      %get3A_863 = vector.shape_cast %get3A_862 : vector<1x16xf32> to vector<16xf32>
      %add3A_864 = arith.addf %get3A_859, %get3A_863 : vector<16xf32>
      %swap3A_865 = arith.index_cast %scan3A_156 : i32 to index
      %swap3A_866 = arith.constant 800 : index
      %swap3A_867 = tpu.vector_load %arg9[%swap3A_865, %swap3A_866] {strides = array<i32>} : memref<16x1024xf32, #tpu.memory_space<vmem>>, vector<1x16xf32>,
      %swap3A_868 = vector.shape_cast %swap3A_867 : vector<1x16xf32> to vector<16xf32>
      %swap3A_869 = vector.shape_cast %add3A_864 : vector<16xf32> to vector<1x16xf32>
      tpu.vector_store %arg9[%swap3A_865, %swap3A_866], %swap3A_869 {strides = array<i32>} : memref<16x1024xf32, #tpu.memory_space<vmem>>, vector<1x16xf32>,
      %get3A_870 = arith.index_cast %scan3A_156 : i32 to index
      %get3A_871 = arith.constant 816 : index
      %get3A_872 = tpu.vector_load %arg9[%get3A_870, %get3A_871] {strides = array<i32>} : memref<16x1024xf32, #tpu.memory_space<vmem>>, vector<1x16xf32>,
      %get3A_873 = vector.shape_cast %get3A_872 : vector<1x16xf32> to vector<16xf32>
      %get3A_874 = arith.index_cast %scan3A_156 : i32 to index
      %get3A_875 = arith.constant 816 : index
      %get3A_876 = tpu.vector_load %arg11[%get3A_874, %get3A_875] {strides = array<i32>} : memref<16x1024xf32, #tpu.memory_space<vmem>>, vector<1x16xf32>,
      %get3A_877 = vector.shape_cast %get3A_876 : vector<1x16xf32> to vector<16xf32>
      %add3A_878 = arith.addf %get3A_873, %get3A_877 : vector<16xf32>
      %swap3A_879 = arith.index_cast %scan3A_156 : i32 to index
      %swap3A_880 = arith.constant 816 : index
      %swap3A_881 = tpu.vector_load %arg9[%swap3A_879, %swap3A_880] {strides = array<i32>} : memref<16x1024xf32, #tpu.memory_space<vmem>>, vector<1x16xf32>,
      %swap3A_882 = vector.shape_cast %swap3A_881 : vector<1x16xf32> to vector<16xf32>
      %swap3A_883 = vector.shape_cast %add3A_878 : vector<16xf32> to vector<1x16xf32>
      tpu.vector_store %arg9[%swap3A_879, %swap3A_880], %swap3A_883 {strides = array<i32>} : memref<16x1024xf32, #tpu.memory_space<vmem>>, vector<1x16xf32>,
      %get3A_884 = arith.index_cast %scan3A_156 : i32 to index
      %get3A_885 = arith.constant 832 : index
      %get3A_886 = tpu.vector_load %arg9[%get3A_884, %get3A_885] {strides = array<i32>} : memref<16x1024xf32, #tpu.memory_space<vmem>>, vector<1x16xf32>,
      %get3A_887 = vector.shape_cast %get3A_886 : vector<1x16xf32> to vector<16xf32>
      %get3A_888 = arith.index_cast %scan3A_156 : i32 to index
      %get3A_889 = arith.constant 832 : index
      %get3A_890 = tpu.vector_load %arg11[%get3A_888, %get3A_889] {strides = array<i32>} : memref<16x1024xf32, #tpu.memory_space<vmem>>, vector<1x16xf32>,
      %get3A_891 = vector.shape_cast %get3A_890 : vector<1x16xf32> to vector<16xf32>
      %add3A_892 = arith.addf %get3A_887, %get3A_891 : vector<16xf32>
      %swap3A_893 = arith.index_cast %scan3A_156 : i32 to index
      %swap3A_894 = arith.constant 832 : index
      %swap3A_895 = tpu.vector_load %arg9[%swap3A_893, %swap3A_894] {strides = array<i32>} : memref<16x1024xf32, #tpu.memory_space<vmem>>, vector<1x16xf32>,
      %swap3A_896 = vector.shape_cast %swap3A_895 : vector<1x16xf32> to vector<16xf32>
      %swap3A_897 = vector.shape_cast %add3A_892 : vector<16xf32> to vector<1x16xf32>
      tpu.vector_store %arg9[%swap3A_893, %swap3A_894], %swap3A_897 {strides = array<i32>} : memref<16x1024xf32, #tpu.memory_space<vmem>>, vector<1x16xf32>,
      %get3A_898 = arith.index_cast %scan3A_156 : i32 to index
      %get3A_899 = arith.constant 848 : index
      %get3A_900 = tpu.vector_load %arg9[%get3A_898, %get3A_899] {strides = array<i32>} : memref<16x1024xf32, #tpu.memory_space<vmem>>, vector<1x16xf32>,
      %get3A_901 = vector.shape_cast %get3A_900 : vector<1x16xf32> to vector<16xf32>
      %get3A_902 = arith.index_cast %scan3A_156 : i32 to index
      %get3A_903 = arith.constant 848 : index
      %get3A_904 = tpu.vector_load %arg11[%get3A_902, %get3A_903] {strides = array<i32>} : memref<16x1024xf32, #tpu.memory_space<vmem>>, vector<1x16xf32>,
      %get3A_905 = vector.shape_cast %get3A_904 : vector<1x16xf32> to vector<16xf32>
      %add3A_906 = arith.addf %get3A_901, %get3A_905 : vector<16xf32>
      %swap3A_907 = arith.index_cast %scan3A_156 : i32 to index
      %swap3A_908 = arith.constant 848 : index
      %swap3A_909 = tpu.vector_load %arg9[%swap3A_907, %swap3A_908] {strides = array<i32>} : memref<16x1024xf32, #tpu.memory_space<vmem>>, vector<1x16xf32>,
      %swap3A_910 = vector.shape_cast %swap3A_909 : vector<1x16xf32> to vector<16xf32>
      %swap3A_911 = vector.shape_cast %add3A_906 : vector<16xf32> to vector<1x16xf32>
      tpu.vector_store %arg9[%swap3A_907, %swap3A_908], %swap3A_911 {strides = array<i32>} : memref<16x1024xf32, #tpu.memory_space<vmem>>, vector<1x16xf32>,
      %get3A_912 = arith.index_cast %scan3A_156 : i32 to index
      %get3A_913 = arith.constant 864 : index
      %get3A_914 = tpu.vector_load %arg9[%get3A_912, %get3A_913] {strides = array<i32>} : memref<16x1024xf32, #tpu.memory_space<vmem>>, vector<1x16xf32>,
      %get3A_915 = vector.shape_cast %get3A_914 : vector<1x16xf32> to vector<16xf32>
      %get3A_916 = arith.index_cast %scan3A_156 : i32 to index
      %get3A_917 = arith.constant 864 : index
      %get3A_918 = tpu.vector_load %arg11[%get3A_916, %get3A_917] {strides = array<i32>} : memref<16x1024xf32, #tpu.memory_space<vmem>>, vector<1x16xf32>,
      %get3A_919 = vector.shape_cast %get3A_918 : vector<1x16xf32> to vector<16xf32>
      %add3A_920 = arith.addf %get3A_915, %get3A_919 : vector<16xf32>
      %swap3A_921 = arith.index_cast %scan3A_156 : i32 to index
      %swap3A_922 = arith.constant 864 : index
      %swap3A_923 = tpu.vector_load %arg9[%swap3A_921, %swap3A_922] {strides = array<i32>} : memref<16x1024xf32, #tpu.memory_space<vmem>>, vector<1x16xf32>,
      %swap3A_924 = vector.shape_cast %swap3A_923 : vector<1x16xf32> to vector<16xf32>
      %swap3A_925 = vector.shape_cast %add3A_920 : vector<16xf32> to vector<1x16xf32>
      tpu.vector_store %arg9[%swap3A_921, %swap3A_922], %swap3A_925 {strides = array<i32>} : memref<16x1024xf32, #tpu.memory_space<vmem>>, vector<1x16xf32>,
      %get3A_926 = arith.index_cast %scan3A_156 : i32 to index
      %get3A_927 = arith.constant 880 : index
      %get3A_928 = tpu.vector_load %arg9[%get3A_926, %get3A_927] {strides = array<i32>} : memref<16x1024xf32, #tpu.memory_space<vmem>>, vector<1x16xf32>,
      %get3A_929 = vector.shape_cast %get3A_928 : vector<1x16xf32> to vector<16xf32>
      %get3A_930 = arith.index_cast %scan3A_156 : i32 to index
      %get3A_931 = arith.constant 880 : index
      %get3A_932 = tpu.vector_load %arg11[%get3A_930, %get3A_931] {strides = array<i32>} : memref<16x1024xf32, #tpu.memory_space<vmem>>, vector<1x16xf32>,
      %get3A_933 = vector.shape_cast %get3A_932 : vector<1x16xf32> to vector<16xf32>
      %add3A_934 = arith.addf %get3A_929, %get3A_933 : vector<16xf32>
      %swap3A_935 = arith.index_cast %scan3A_156 : i32 to index
      %swap3A_936 = arith.constant 880 : index
      %swap3A_937 = tpu.vector_load %arg9[%swap3A_935, %swap3A_936] {strides = array<i32>} : memref<16x1024xf32, #tpu.memory_space<vmem>>, vector<1x16xf32>,
      %swap3A_938 = vector.shape_cast %swap3A_937 : vector<1x16xf32> to vector<16xf32>
      %swap3A_939 = vector.shape_cast %add3A_934 : vector<16xf32> to vector<1x16xf32>
      tpu.vector_store %arg9[%swap3A_935, %swap3A_936], %swap3A_939 {strides = array<i32>} : memref<16x1024xf32, #tpu.memory_space<vmem>>, vector<1x16xf32>,
      %get3A_940 = arith.index_cast %scan3A_156 : i32 to index
      %get3A_941 = arith.constant 896 : index
      %get3A_942 = tpu.vector_load %arg9[%get3A_940, %get3A_941] {strides = array<i32>} : memref<16x1024xf32, #tpu.memory_space<vmem>>, vector<1x16xf32>,
      %get3A_943 = vector.shape_cast %get3A_942 : vector<1x16xf32> to vector<16xf32>
      %get3A_944 = arith.index_cast %scan3A_156 : i32 to index
      %get3A_945 = arith.constant 896 : index
      %get3A_946 = tpu.vector_load %arg11[%get3A_944, %get3A_945] {strides = array<i32>} : memref<16x1024xf32, #tpu.memory_space<vmem>>, vector<1x16xf32>,
      %get3A_947 = vector.shape_cast %get3A_946 : vector<1x16xf32> to vector<16xf32>
      %add3A_948 = arith.addf %get3A_943, %get3A_947 : vector<16xf32>
      %swap3A_949 = arith.index_cast %scan3A_156 : i32 to index
      %swap3A_950 = arith.constant 896 : index
      %swap3A_951 = tpu.vector_load %arg9[%swap3A_949, %swap3A_950] {strides = array<i32>} : memref<16x1024xf32, #tpu.memory_space<vmem>>, vector<1x16xf32>,
      %swap3A_952 = vector.shape_cast %swap3A_951 : vector<1x16xf32> to vector<16xf32>
      %swap3A_953 = vector.shape_cast %add3A_948 : vector<16xf32> to vector<1x16xf32>
      tpu.vector_store %arg9[%swap3A_949, %swap3A_950], %swap3A_953 {strides = array<i32>} : memref<16x1024xf32, #tpu.memory_space<vmem>>, vector<1x16xf32>,
      %get3A_954 = arith.index_cast %scan3A_156 : i32 to index
      %get3A_955 = arith.constant 912 : index
      %get3A_956 = tpu.vector_load %arg9[%get3A_954, %get3A_955] {strides = array<i32>} : memref<16x1024xf32, #tpu.memory_space<vmem>>, vector<1x16xf32>,
      %get3A_957 = vector.shape_cast %get3A_956 : vector<1x16xf32> to vector<16xf32>
      %get3A_958 = arith.index_cast %scan3A_156 : i32 to index
      %get3A_959 = arith.constant 912 : index
      %get3A_960 = tpu.vector_load %arg11[%get3A_958, %get3A_959] {strides = array<i32>} : memref<16x1024xf32, #tpu.memory_space<vmem>>, vector<1x16xf32>,
      %get3A_961 = vector.shape_cast %get3A_960 : vector<1x16xf32> to vector<16xf32>
      %add3A_962 = arith.addf %get3A_957, %get3A_961 : vector<16xf32>
      %swap3A_963 = arith.index_cast %scan3A_156 : i32 to index
      %swap3A_964 = arith.constant 912 : index
      %swap3A_965 = tpu.vector_load %arg9[%swap3A_963, %swap3A_964] {strides = array<i32>} : memref<16x1024xf32, #tpu.memory_space<vmem>>, vector<1x16xf32>,
      %swap3A_966 = vector.shape_cast %swap3A_965 : vector<1x16xf32> to vector<16xf32>
      %swap3A_967 = vector.shape_cast %add3A_962 : vector<16xf32> to vector<1x16xf32>
      tpu.vector_store %arg9[%swap3A_963, %swap3A_964], %swap3A_967 {strides = array<i32>} : memref<16x1024xf32, #tpu.memory_space<vmem>>, vector<1x16xf32>,
      %get3A_968 = arith.index_cast %scan3A_156 : i32 to index
      %get3A_969 = arith.constant 928 : index
      %get3A_970 = tpu.vector_load %arg9[%get3A_968, %get3A_969] {strides = array<i32>} : memref<16x1024xf32, #tpu.memory_space<vmem>>, vector<1x16xf32>,
      %get3A_971 = vector.shape_cast %get3A_970 : vector<1x16xf32> to vector<16xf32>
      %get3A_972 = arith.index_cast %scan3A_156 : i32 to index
      %get3A_973 = arith.constant 928 : index
      %get3A_974 = tpu.vector_load %arg11[%get3A_972, %get3A_973] {strides = array<i32>} : memref<16x1024xf32, #tpu.memory_space<vmem>>, vector<1x16xf32>,
      %get3A_975 = vector.shape_cast %get3A_974 : vector<1x16xf32> to vector<16xf32>
      %add3A_976 = arith.addf %get3A_971, %get3A_975 : vector<16xf32>
      %swap3A_977 = arith.index_cast %scan3A_156 : i32 to index
      %swap3A_978 = arith.constant 928 : index
      %swap3A_979 = tpu.vector_load %arg9[%swap3A_977, %swap3A_978] {strides = array<i32>} : memref<16x1024xf32, #tpu.memory_space<vmem>>, vector<1x16xf32>,
      %swap3A_980 = vector.shape_cast %swap3A_979 : vector<1x16xf32> to vector<16xf32>
      %swap3A_981 = vector.shape_cast %add3A_976 : vector<16xf32> to vector<1x16xf32>
      tpu.vector_store %arg9[%swap3A_977, %swap3A_978], %swap3A_981 {strides = array<i32>} : memref<16x1024xf32, #tpu.memory_space<vmem>>, vector<1x16xf32>,
      %get3A_982 = arith.index_cast %scan3A_156 : i32 to index
      %get3A_983 = arith.constant 944 : index
      %get3A_984 = tpu.vector_load %arg9[%get3A_982, %get3A_983] {strides = array<i32>} : memref<16x1024xf32, #tpu.memory_space<vmem>>, vector<1x16xf32>,
      %get3A_985 = vector.shape_cast %get3A_984 : vector<1x16xf32> to vector<16xf32>
      %get3A_986 = arith.index_cast %scan3A_156 : i32 to index
      %get3A_987 = arith.constant 944 : index
      %get3A_988 = tpu.vector_load %arg11[%get3A_986, %get3A_987] {strides = array<i32>} : memref<16x1024xf32, #tpu.memory_space<vmem>>, vector<1x16xf32>,
      %get3A_989 = vector.shape_cast %get3A_988 : vector<1x16xf32> to vector<16xf32>
      %add3A_990 = arith.addf %get3A_985, %get3A_989 : vector<16xf32>
      %swap3A_991 = arith.index_cast %scan3A_156 : i32 to index
      %swap3A_992 = arith.constant 944 : index
      %swap3A_993 = tpu.vector_load %arg9[%swap3A_991, %swap3A_992] {strides = array<i32>} : memref<16x1024xf32, #tpu.memory_space<vmem>>, vector<1x16xf32>,
      %swap3A_994 = vector.shape_cast %swap3A_993 : vector<1x16xf32> to vector<16xf32>
      %swap3A_995 = vector.shape_cast %add3A_990 : vector<16xf32> to vector<1x16xf32>
      tpu.vector_store %arg9[%swap3A_991, %swap3A_992], %swap3A_995 {strides = array<i32>} : memref<16x1024xf32, #tpu.memory_space<vmem>>, vector<1x16xf32>,
      %get3A_996 = arith.index_cast %scan3A_156 : i32 to index
      %get3A_997 = arith.constant 960 : index
      %get3A_998 = tpu.vector_load %arg9[%get3A_996, %get3A_997] {strides = array<i32>} : memref<16x1024xf32, #tpu.memory_space<vmem>>, vector<1x16xf32>,
      %get3A_999 = vector.shape_cast %get3A_998 : vector<1x16xf32> to vector<16xf32>
      %get3A_1000 = arith.index_cast %scan3A_156 : i32 to index
      %get3A_1001 = arith.constant 960 : index
      %get3A_1002 = tpu.vector_load %arg11[%get3A_1000, %get3A_1001] {strides = array<i32>} : memref<16x1024xf32, #tpu.memory_space<vmem>>, vector<1x16xf32>,
      %get3A_1003 = vector.shape_cast %get3A_1002 : vector<1x16xf32> to vector<16xf32>
      %add3A_1004 = arith.addf %get3A_999, %get3A_1003 : vector<16xf32>
      %swap3A_1005 = arith.index_cast %scan3A_156 : i32 to index
      %swap3A_1006 = arith.constant 960 : index
      %swap3A_1007 = tpu.vector_load %arg9[%swap3A_1005, %swap3A_1006] {strides = array<i32>} : memref<16x1024xf32, #tpu.memory_space<vmem>>, vector<1x16xf32>,
      %swap3A_1008 = vector.shape_cast %swap3A_1007 : vector<1x16xf32> to vector<16xf32>
      %swap3A_1009 = vector.shape_cast %add3A_1004 : vector<16xf32> to vector<1x16xf32>
      tpu.vector_store %arg9[%swap3A_1005, %swap3A_1006], %swap3A_1009 {strides = array<i32>} : memref<16x1024xf32, #tpu.memory_space<vmem>>, vector<1x16xf32>,
      %get3A_1010 = arith.index_cast %scan3A_156 : i32 to index
      %get3A_1011 = arith.constant 976 : index
      %get3A_1012 = tpu.vector_load %arg9[%get3A_1010, %get3A_1011] {strides = array<i32>} : memref<16x1024xf32, #tpu.memory_space<vmem>>, vector<1x16xf32>,
      %get3A_1013 = vector.shape_cast %get3A_1012 : vector<1x16xf32> to vector<16xf32>
      %get3A_1014 = arith.index_cast %scan3A_156 : i32 to index
      %get3A_1015 = arith.constant 976 : index
      %get3A_1016 = tpu.vector_load %arg11[%get3A_1014, %get3A_1015] {strides = array<i32>} : memref<16x1024xf32, #tpu.memory_space<vmem>>, vector<1x16xf32>,
      %get3A_1017 = vector.shape_cast %get3A_1016 : vector<1x16xf32> to vector<16xf32>
      %add3A_1018 = arith.addf %get3A_1013, %get3A_1017 : vector<16xf32>
      %swap3A_1019 = arith.index_cast %scan3A_156 : i32 to index
      %swap3A_1020 = arith.constant 976 : index
      %swap3A_1021 = tpu.vector_load %arg9[%swap3A_1019, %swap3A_1020] {strides = array<i32>} : memref<16x1024xf32, #tpu.memory_space<vmem>>, vector<1x16xf32>,
      %swap3A_1022 = vector.shape_cast %swap3A_1021 : vector<1x16xf32> to vector<16xf32>
      %swap3A_1023 = vector.shape_cast %add3A_1018 : vector<16xf32> to vector<1x16xf32>
      tpu.vector_store %arg9[%swap3A_1019, %swap3A_1020], %swap3A_1023 {strides = array<i32>} : memref<16x1024xf32, #tpu.memory_space<vmem>>, vector<1x16xf32>,
      %get3A_1024 = arith.index_cast %scan3A_156 : i32 to index
      %get3A_1025 = arith.constant 992 : index
      %get3A_1026 = tpu.vector_load %arg9[%get3A_1024, %get3A_1025] {strides = array<i32>} : memref<16x1024xf32, #tpu.memory_space<vmem>>, vector<1x16xf32>,
      %get3A_1027 = vector.shape_cast %get3A_1026 : vector<1x16xf32> to vector<16xf32>
      %get3A_1028 = arith.index_cast %scan3A_156 : i32 to index
      %get3A_1029 = arith.constant 992 : index
      %get3A_1030 = tpu.vector_load %arg11[%get3A_1028, %get3A_1029] {strides = array<i32>} : memref<16x1024xf32, #tpu.memory_space<vmem>>, vector<1x16xf32>,
      %get3A_1031 = vector.shape_cast %get3A_1030 : vector<1x16xf32> to vector<16xf32>
      %add3A_1032 = arith.addf %get3A_1027, %get3A_1031 : vector<16xf32>
      %swap3A_1033 = arith.index_cast %scan3A_156 : i32 to index
      %swap3A_1034 = arith.constant 992 : index
      %swap3A_1035 = tpu.vector_load %arg9[%swap3A_1033, %swap3A_1034] {strides = array<i32>} : memref<16x1024xf32, #tpu.memory_space<vmem>>, vector<1x16xf32>,
      %swap3A_1036 = vector.shape_cast %swap3A_1035 : vector<1x16xf32> to vector<16xf32>
      %swap3A_1037 = vector.shape_cast %add3A_1032 : vector<16xf32> to vector<1x16xf32>
      tpu.vector_store %arg9[%swap3A_1033, %swap3A_1034], %swap3A_1037 {strides = array<i32>} : memref<16x1024xf32, #tpu.memory_space<vmem>>, vector<1x16xf32>,
      %get3A_1038 = arith.index_cast %scan3A_156 : i32 to index
      %get3A_1039 = arith.constant 1008 : index
      %get3A_1040 = tpu.vector_load %arg9[%get3A_1038, %get3A_1039] {strides = array<i32>} : memref<16x1024xf32, #tpu.memory_space<vmem>>, vector<1x16xf32>,
      %get3A_1041 = vector.shape_cast %get3A_1040 : vector<1x16xf32> to vector<16xf32>
      %get3A_1042 = arith.index_cast %scan3A_156 : i32 to index
      %get3A_1043 = arith.constant 1008 : index
      %get3A_1044 = tpu.vector_load %arg11[%get3A_1042, %get3A_1043] {strides = array<i32>} : memref<16x1024xf32, #tpu.memory_space<vmem>>, vector<1x16xf32>,
      %get3A_1045 = vector.shape_cast %get3A_1044 : vector<1x16xf32> to vector<16xf32>
      %add3A_1046 = arith.addf %get3A_1041, %get3A_1045 : vector<16xf32>
      %swap3A_1047 = arith.index_cast %scan3A_156 : i32 to index
      %swap3A_1048 = arith.constant 1008 : index
      %swap3A_1049 = tpu.vector_load %arg9[%swap3A_1047, %swap3A_1048] {strides = array<i32>} : memref<16x1024xf32, #tpu.memory_space<vmem>>, vector<1x16xf32>,
      %swap3A_1050 = vector.shape_cast %swap3A_1049 : vector<1x16xf32> to vector<16xf32>
      %swap3A_1051 = vector.shape_cast %add3A_1046 : vector<16xf32> to vector<1x16xf32>
      tpu.vector_store %arg9[%swap3A_1047, %swap3A_1048], %swap3A_1051 {strides = array<i32>} : memref<16x1024xf32, #tpu.memory_space<vmem>>, vector<1x16xf32>,
      %scan3A_1052 = arith.constant 0 : i32
      scf.yield %scan3A_1052 : i32
    }
    %scan3A_141 = arith.constant 16 : i32
    %add3A_142 = arith.constant 48 : i32
    %add3A_143 = arith.addi %mul3A_2, %add3A_142 : i32
    %dma_start3A_144 = arith.constant 0 : i32
    %dma_start3A_145 = tpu.memref_slice %arg5[%add3A_143, %dma_start3A_144] : memref<2048x1024xf32, #tpu.memory_space<hbm>> -> memref<16x1024xf32, #tpu.memory_space<hbm>>
    %dma_start3A_146 = arith.constant 0 : i32
    %dma_start3A_147 = tpu.memref_slice %arg5[%add3A_143, %dma_start3A_146] : memref<2048x1024xf32, #tpu.memory_space<hbm>> -> memref<16x1024xf32, #tpu.memory_space<hbm>>
    tpu.enqueue_dma source(%arg9 : memref<16x1024xf32, #tpu.memory_space<vmem>>) target(%dma_start3A_147 : memref<16x1024xf32, #tpu.memory_space<hbm>>) target_semaphore(%arg17 : memref<!tpu.dma_semaphore, #tpu.memory_space<semaphore_mem>>)
    %dma_wait3A_148 = arith.constant 0 : i32
    %dma_wait3A_149 = tpu.memref_slice %arg5[%add3A_143, %dma_wait3A_148] : memref<2048x1024xf32, #tpu.memory_space<hbm>> -> memref<16x1024xf32, #tpu.memory_space<hbm>>
    %dma_wait3A_150 = arith.constant 0 : i32
    %dma_wait3A_151 = tpu.memref_slice %arg5[%add3A_143, %dma_wait3A_150] : memref<2048x1024xf32, #tpu.memory_space<hbm>> -> memref<16x1024xf32, #tpu.memory_space<hbm>>
    tpu.wait_dma2 semaphore(%arg17 : memref<!tpu.dma_semaphore, #tpu.memory_space<semaphore_mem>>) src(%arg9 : memref<16x1024xf32, #tpu.memory_space<vmem>>) dst(%dma_wait3A_151 : memref<16x1024xf32, #tpu.memory_space<hbm>>)
    %dma_wait3A_152 = arith.constant 0 : i32
    %dma_wait3A_153 = tpu.memref_slice %arg5[%add3A_120, %dma_wait3A_152] : memref<2048x1024xf32, #tpu.memory_space<hbm>> -> memref<16x1024xf32, #tpu.memory_space<hbm>>
    %dma_wait3A_154 = arith.constant 0 : i32
    %dma_wait3A_155 = tpu.memref_slice %arg5[%add3A_120, %dma_wait3A_154] : memref<2048x1024xf32, #tpu.memory_space<hbm>> -> memref<16x1024xf32, #tpu.memory_space<hbm>>
    tpu.wait_dma2 semaphore(%arg16 : memref<!tpu.dma_semaphore, #tpu.memory_space<semaphore_mem>>) src(%arg8 : memref<16x1024xf32, #tpu.memory_space<vmem>>) dst(%dma_wait3A_155 : memref<16x1024xf32, #tpu.memory_space<hbm>>)
    return
  }
}

#map = affine_map<(d0, d1) -> (0, 0)>
#map1 = affine_map<(d0, d1) -> (0)>
module attributes {stable_mosaic.version = 14 : i64} {
  func.func @k(%arg0: i32, %arg1: i32, %arg2: memref<2048x1024xf32, #tpu.memory_space<hbm>>, %arg3: memref<2048xi32, #tpu.memory_space<hbm>>, %arg4: memref<2048xi32, #tpu.memory_space<hbm>>, %arg5: memref<2048xf32, #tpu.memory_space<hbm>>, %arg6: memref<2048xf32, #tpu.memory_space<hbm>>, %arg7: memref<5312x1024xf32, #tpu.memory_space<hbm>>, %arg8: memref<5312xf32, #tpu.memory_space<hbm>>, %arg9: memref<64xi32, #tpu.memory_space<vmem>>, %arg10: memref<64xi32, #tpu.memory_space<vmem>>, %arg11: memref<64xf32, #tpu.memory_space<vmem>>, %arg12: memref<64xf32, #tpu.memory_space<vmem>>, %arg13: memref<64x1024xf32, #tpu.memory_space<vmem>>, %arg14: memref<!tpu.dma_semaphore, #tpu.memory_space<semaphore_mem>>, %arg15: memref<!tpu.dma_semaphore, #tpu.memory_space<semaphore_mem>>, %arg16: memref<!tpu.dma_semaphore, #tpu.memory_space<semaphore_mem>>, %arg17: memref<!tpu.dma_semaphore, #tpu.memory_space<semaphore_mem>>, %arg18: memref<!tpu.dma_semaphore, #tpu.memory_space<semaphore_mem>>, %arg19: memref<!tpu.dma_semaphore, #tpu.memory_space<semaphore_mem>>, %arg20: memref<!tpu.dma_semaphore, #tpu.memory_space<semaphore_mem>>, %arg21: memref<!tpu.dma_semaphore, #tpu.memory_space<semaphore_mem>>, %arg22: memref<!tpu.dma_semaphore, #tpu.memory_space<semaphore_mem>>) attributes {dimension_semantics = [#tpu.dimension_semantics<core_parallel>, #tpu.dimension_semantics<subcore_parallel>], iteration_bounds = array<i64: 2, 16>, scalar_prefetch = 0 : i64, scratch_operands = 14 : i64, tpu.core_type = #tpu.core_type<sc_vector_subcore>, window_params = [{transform_indices = #map}, {transform_indices = #map1}, {transform_indices = #map1}, {transform_indices = #map1}, {transform_indices = #map1}, {transform_indices = #map}, {transform_indices = #map1}]} {
    %mul3A = arith.constant 2 : i32
    %mul3A_0 = arith.muli %arg1, %mul3A : i32
    %add3A = arith.addi %mul3A_0, %arg0 : i32
    %mul3A_1 = arith.constant 64 : i32
    %mul3A_2 = arith.muli %add3A, %mul3A_1 : i32
    %dma_start3A = arith.constant 0 : i32
    %dma_start3A_3 = tpu.memref_slice %arg2[%mul3A_2, %dma_start3A] : memref<2048x1024xf32, #tpu.memory_space<hbm>> -> memref<64x1024xf32, #tpu.memory_space<hbm>>
    %dma_start3A_4 = arith.constant 0 : i32
    %dma_start3A_5 = tpu.memref_slice %arg2[%mul3A_2, %dma_start3A_4] : memref<2048x1024xf32, #tpu.memory_space<hbm>> -> memref<64x1024xf32, #tpu.memory_space<hbm>>
    tpu.enqueue_dma source(%dma_start3A_5 : memref<64x1024xf32, #tpu.memory_space<hbm>>) target(%arg13 : memref<64x1024xf32, #tpu.memory_space<vmem>>) target_semaphore(%arg18 : memref<!tpu.dma_semaphore, #tpu.memory_space<semaphore_mem>>)
    %dma_start3A_6 = tpu.memref_slice %arg3[%mul3A_2] : memref<2048xi32, #tpu.memory_space<hbm>> -> memref<64xi32, #tpu.memory_space<hbm>>
    %dma_start3A_7 = tpu.memref_slice %arg3[%mul3A_2] : memref<2048xi32, #tpu.memory_space<hbm>> -> memref<64xi32, #tpu.memory_space<hbm>>
    tpu.enqueue_dma source(%dma_start3A_7 : memref<64xi32, #tpu.memory_space<hbm>>) target(%arg9 : memref<64xi32, #tpu.memory_space<vmem>>) target_semaphore(%arg19 : memref<!tpu.dma_semaphore, #tpu.memory_space<semaphore_mem>>)
    %dma_start3A_8 = tpu.memref_slice %arg4[%mul3A_2] : memref<2048xi32, #tpu.memory_space<hbm>> -> memref<64xi32, #tpu.memory_space<hbm>>
    %dma_start3A_9 = tpu.memref_slice %arg4[%mul3A_2] : memref<2048xi32, #tpu.memory_space<hbm>> -> memref<64xi32, #tpu.memory_space<hbm>>
    tpu.enqueue_dma source(%dma_start3A_9 : memref<64xi32, #tpu.memory_space<hbm>>) target(%arg10 : memref<64xi32, #tpu.memory_space<vmem>>) target_semaphore(%arg20 : memref<!tpu.dma_semaphore, #tpu.memory_space<semaphore_mem>>)
    %dma_start3A_10 = tpu.memref_slice %arg5[%mul3A_2] : memref<2048xf32, #tpu.memory_space<hbm>> -> memref<64xf32, #tpu.memory_space<hbm>>
    %dma_start3A_11 = tpu.memref_slice %arg5[%mul3A_2] : memref<2048xf32, #tpu.memory_space<hbm>> -> memref<64xf32, #tpu.memory_space<hbm>>
    tpu.enqueue_dma source(%dma_start3A_11 : memref<64xf32, #tpu.memory_space<hbm>>) target(%arg11 : memref<64xf32, #tpu.memory_space<vmem>>) target_semaphore(%arg21 : memref<!tpu.dma_semaphore, #tpu.memory_space<semaphore_mem>>)
    %dma_start3A_12 = tpu.memref_slice %arg6[%mul3A_2] : memref<2048xf32, #tpu.memory_space<hbm>> -> memref<64xf32, #tpu.memory_space<hbm>>
    %dma_start3A_13 = tpu.memref_slice %arg6[%mul3A_2] : memref<2048xf32, #tpu.memory_space<hbm>> -> memref<64xf32, #tpu.memory_space<hbm>>
    tpu.enqueue_dma source(%dma_start3A_13 : memref<64xf32, #tpu.memory_space<hbm>>) target(%arg12 : memref<64xf32, #tpu.memory_space<vmem>>) target_semaphore(%arg22 : memref<!tpu.dma_semaphore, #tpu.memory_space<semaphore_mem>>)
    %dma_wait3A = tpu.memref_slice %arg3[%mul3A_2] : memref<2048xi32, #tpu.memory_space<hbm>> -> memref<64xi32, #tpu.memory_space<hbm>>
    %dma_wait3A_14 = tpu.memref_slice %arg3[%mul3A_2] : memref<2048xi32, #tpu.memory_space<hbm>> -> memref<64xi32, #tpu.memory_space<hbm>>
    tpu.wait_dma2 semaphore(%arg19 : memref<!tpu.dma_semaphore, #tpu.memory_space<semaphore_mem>>) src(%dma_wait3A_14 : memref<64xi32, #tpu.memory_space<hbm>>) dst(%arg9 : memref<64xi32, #tpu.memory_space<vmem>>)
    %dma_wait3A_15 = tpu.memref_slice %arg4[%mul3A_2] : memref<2048xi32, #tpu.memory_space<hbm>> -> memref<64xi32, #tpu.memory_space<hbm>>
    %dma_wait3A_16 = tpu.memref_slice %arg4[%mul3A_2] : memref<2048xi32, #tpu.memory_space<hbm>> -> memref<64xi32, #tpu.memory_space<hbm>>
    tpu.wait_dma2 semaphore(%arg20 : memref<!tpu.dma_semaphore, #tpu.memory_space<semaphore_mem>>) src(%dma_wait3A_16 : memref<64xi32, #tpu.memory_space<hbm>>) dst(%arg10 : memref<64xi32, #tpu.memory_space<vmem>>)
    %dma_wait3A_17 = tpu.memref_slice %arg5[%mul3A_2] : memref<2048xf32, #tpu.memory_space<hbm>> -> memref<64xf32, #tpu.memory_space<hbm>>
    %dma_wait3A_18 = tpu.memref_slice %arg5[%mul3A_2] : memref<2048xf32, #tpu.memory_space<hbm>> -> memref<64xf32, #tpu.memory_space<hbm>>
    tpu.wait_dma2 semaphore(%arg21 : memref<!tpu.dma_semaphore, #tpu.memory_space<semaphore_mem>>) src(%dma_wait3A_18 : memref<64xf32, #tpu.memory_space<hbm>>) dst(%arg11 : memref<64xf32, #tpu.memory_space<vmem>>)
    %dma_wait3A_19 = tpu.memref_slice %arg6[%mul3A_2] : memref<2048xf32, #tpu.memory_space<hbm>> -> memref<64xf32, #tpu.memory_space<hbm>>
    %dma_wait3A_20 = tpu.memref_slice %arg6[%mul3A_2] : memref<2048xf32, #tpu.memory_space<hbm>> -> memref<64xf32, #tpu.memory_space<hbm>>
    tpu.wait_dma2 semaphore(%arg22 : memref<!tpu.dma_semaphore, #tpu.memory_space<semaphore_mem>>) src(%dma_wait3A_20 : memref<64xf32, #tpu.memory_space<hbm>>) dst(%arg12 : memref<64xf32, #tpu.memory_space<vmem>>)
    %dma_start3A_21 = arith.constant 0 : i32
    %dma_start3A_22 = tpu.memref_slice %arg8[%dma_start3A_21] : memref<5312xf32, #tpu.memory_space<hbm>> -> memref<5312xf32, #tpu.memory_space<hbm>>
    tpu.enqueue_indirect_dma source(%arg11 : memref<64xf32, #tpu.memory_space<vmem>>) target(%dma_start3A_22 : memref<5312xf32, #tpu.memory_space<hbm>>) offsets(%arg9 : memref<64xi32, #tpu.memory_space<vmem>>) semaphore(%arg16 : memref<!tpu.dma_semaphore, #tpu.memory_space<semaphore_mem>>)
    %dma_start3A_23 = arith.constant 0 : i32
    %dma_start3A_24 = tpu.memref_slice %arg8[%dma_start3A_23] : memref<5312xf32, #tpu.memory_space<hbm>> -> memref<5312xf32, #tpu.memory_space<hbm>>
    tpu.enqueue_indirect_dma source(%arg12 : memref<64xf32, #tpu.memory_space<vmem>>) target(%dma_start3A_24 : memref<5312xf32, #tpu.memory_space<hbm>>) offsets(%arg10 : memref<64xi32, #tpu.memory_space<vmem>>) semaphore(%arg17 : memref<!tpu.dma_semaphore, #tpu.memory_space<semaphore_mem>>)
    %dma_wait3A_25 = arith.constant 0 : i32
    %dma_wait3A_26 = tpu.memref_slice %arg2[%mul3A_2, %dma_wait3A_25] : memref<2048x1024xf32, #tpu.memory_space<hbm>> -> memref<64x1024xf32, #tpu.memory_space<hbm>>
    %dma_wait3A_27 = arith.constant 0 : i32
    %dma_wait3A_28 = tpu.memref_slice %arg2[%mul3A_2, %dma_wait3A_27] : memref<2048x1024xf32, #tpu.memory_space<hbm>> -> memref<64x1024xf32, #tpu.memory_space<hbm>>
    tpu.wait_dma2 semaphore(%arg18 : memref<!tpu.dma_semaphore, #tpu.memory_space<semaphore_mem>>) src(%dma_wait3A_28 : memref<64x1024xf32, #tpu.memory_space<hbm>>) dst(%arg13 : memref<64x1024xf32, #tpu.memory_space<vmem>>)
    %dma_start3A_29 = arith.constant 0 : i32
    %dma_start3A_30 = arith.constant 0 : i32
    %dma_start3A_31 = tpu.memref_slice %arg7[%dma_start3A_29, %dma_start3A_30] : memref<5312x1024xf32, #tpu.memory_space<hbm>> -> memref<5312x1024xf32, #tpu.memory_space<hbm>>
    tpu.enqueue_indirect_dma source(%arg13 : memref<64x1024xf32, #tpu.memory_space<vmem>>) target(%dma_start3A_31 : memref<5312x1024xf32, #tpu.memory_space<hbm>>) offsets(%arg9 : memref<64xi32, #tpu.memory_space<vmem>>) semaphore(%arg14 : memref<!tpu.dma_semaphore, #tpu.memory_space<semaphore_mem>>)
    %dma_start3A_32 = arith.constant 0 : i32
    %dma_start3A_33 = arith.constant 0 : i32
    %dma_start3A_34 = tpu.memref_slice %arg7[%dma_start3A_32, %dma_start3A_33] : memref<5312x1024xf32, #tpu.memory_space<hbm>> -> memref<5312x1024xf32, #tpu.memory_space<hbm>>
    tpu.enqueue_indirect_dma source(%arg13 : memref<64x1024xf32, #tpu.memory_space<vmem>>) target(%dma_start3A_34 : memref<5312x1024xf32, #tpu.memory_space<hbm>>) offsets(%arg10 : memref<64xi32, #tpu.memory_space<vmem>>) semaphore(%arg15 : memref<!tpu.dma_semaphore, #tpu.memory_space<semaphore_mem>>)
    %dma_wait3A_35 = arith.constant 0 : i32
    %dma_wait3A_36 = arith.constant 0 : i32
    %dma_wait3A_37 = tpu.memref_slice %arg7[%dma_wait3A_35, %dma_wait3A_36] : memref<5312x1024xf32, #tpu.memory_space<hbm>> -> memref<5312x1024xf32, #tpu.memory_space<hbm>>
    tpu.wait_indirect_dma semaphore(%arg14 : memref<!tpu.dma_semaphore, #tpu.memory_space<semaphore_mem>>) src(%arg13 : memref<64x1024xf32, #tpu.memory_space<vmem>>) dst(%dma_wait3A_37 : memref<5312x1024xf32, #tpu.memory_space<hbm>>)
    %dma_wait3A_38 = arith.constant 0 : i32
    %dma_wait3A_39 = arith.constant 0 : i32
    %dma_wait3A_40 = tpu.memref_slice %arg7[%dma_wait3A_38, %dma_wait3A_39] : memref<5312x1024xf32, #tpu.memory_space<hbm>> -> memref<5312x1024xf32, #tpu.memory_space<hbm>>
    tpu.wait_indirect_dma semaphore(%arg15 : memref<!tpu.dma_semaphore, #tpu.memory_space<semaphore_mem>>) src(%arg13 : memref<64x1024xf32, #tpu.memory_space<vmem>>) dst(%dma_wait3A_40 : memref<5312x1024xf32, #tpu.memory_space<hbm>>)
    %dma_wait3A_41 = arith.constant 0 : i32
    %dma_wait3A_42 = tpu.memref_slice %arg8[%dma_wait3A_41] : memref<5312xf32, #tpu.memory_space<hbm>> -> memref<5312xf32, #tpu.memory_space<hbm>>
    tpu.wait_indirect_dma semaphore(%arg16 : memref<!tpu.dma_semaphore, #tpu.memory_space<semaphore_mem>>) src(%arg11 : memref<64xf32, #tpu.memory_space<vmem>>) dst(%dma_wait3A_42 : memref<5312xf32, #tpu.memory_space<hbm>>)
    %dma_wait3A_43 = arith.constant 0 : i32
    %dma_wait3A_44 = tpu.memref_slice %arg8[%dma_wait3A_43] : memref<5312xf32, #tpu.memory_space<hbm>> -> memref<5312xf32, #tpu.memory_space<hbm>>
    tpu.wait_indirect_dma semaphore(%arg17 : memref<!tpu.dma_semaphore, #tpu.memory_space<semaphore_mem>>) src(%arg12 : memref<64xf32, #tpu.memory_space<vmem>>) dst(%dma_wait3A_44 : memref<5312xf32, #tpu.memory_space<hbm>>)
    return
  }
}

module attributes {stable_mosaic.version = 14 : i64} {
  func.func @_router_body(%arg0: i32, %arg1: memref<256x1024xf32, #tpu.memory_space<vmem>>, %arg2: memref<8x1024xf32, #tpu.memory_space<vmem>>, %arg3: memref<256x8xf32, #tpu.memory_space<vmem>>) attributes {dimension_semantics = [#tpu.dimension_semantics<arbitrary>], iteration_bounds = array<i64: 8>, scalar_prefetch = 0 : i64, scratch_operands = 0 : i64, tpu.core_type = #tpu.core_type<tc>, window_params = [{transform_indices = @transform_0, window_bounds = array<i64: 256, 1024>}, {pipeline_mode = #tpu.pipeline_mode<synchronous>, transform_indices = @transform_1, window_bounds = array<i64: 8, 1024>}, {transform_indices = @transform_2, window_bounds = array<i64: 256, 8>}]} {
    %get3A = arith.constant 0 : index
    %get3A_0 = arith.constant 0 : index
    %get3A_1 = vector.load %arg1[%get3A, %get3A_0] : memref<256x1024xf32, #tpu.memory_space<vmem>>, vector<256x1024xf32>
    %get3A_2 = arith.constant 0 : index
    %get3A_3 = arith.constant 0 : index
    %get3A_4 = vector.load %arg2[%get3A_2, %get3A_3] : memref<8x1024xf32, #tpu.memory_space<vmem>>, vector<8x1024xf32>
    %dot_general3A = arith.constant dense<0.000000e+00> : vector<256x8xf32>
    %dot_general3A_5 = tpu.matmul %get3A_1, %get3A_4, %dot_general3A {dimension_numbers = #tpu.dot_dimension_numbers<[1], [1], [0], [0], [0, 0, 1, 0], [], []>, transpose_lhs_hint = false} : vector<256x1024xf32>, vector<8x1024xf32>, vector<256x8xf32> -> vector<256x8xf32>
    %reduce_max3A = arith.constant dense<0xFF800000> : vector<256xf32>
    %reduce_max3A_6 = vector.multi_reduction <maximumf>, %dot_general3A_5, %reduce_max3A [1] : vector<256x8xf32> to vector<256xf32>
    %broadcast_in_dim3A = vector.shape_cast %reduce_max3A_6 : vector<256xf32> to vector<256x1xf32>
    %sub3A = vector.broadcast %broadcast_in_dim3A : vector<256x1xf32> to vector<256x8xf32>
    %sub3A_7 = arith.subf %dot_general3A_5, %sub3A : vector<256x8xf32>
    %exp3A = math.exp %sub3A_7 : vector<256x8xf32>
    %reduce_sum3A = arith.constant dense<0.000000e+00> : vector<256xf32>
    %reduce_sum3A_8 = vector.multi_reduction <add>, %exp3A, %reduce_sum3A [1] : vector<256x8xf32> to vector<256xf32>
    %broadcast_in_dim3A_9 = vector.shape_cast %reduce_sum3A_8 : vector<256xf32> to vector<256x1xf32>
    %div3A = vector.broadcast %broadcast_in_dim3A_9 : vector<256x1xf32> to vector<256x8xf32>
    %div3A_10 = arith.divf %exp3A, %div3A : vector<256x8xf32>
    %iota3A = tpu.iota {dimensions = array<i32: 1>} : vector<256x8xi32>
    %reduce_max3A_11 = arith.constant dense<0xFF800000> : vector<256xf32>
    %reduce_max3A_12 = vector.multi_reduction <maximumf>, %div3A_10, %reduce_max3A_11 [1] : vector<256x8xf32> to vector<256xf32>
    %broadcast_in_dim3A_13 = vector.shape_cast %reduce_max3A_12 : vector<256xf32> to vector<256x1xf32>
    %eq3A = vector.broadcast %broadcast_in_dim3A_13 : vector<256x1xf32> to vector<256x8xf32>
    %eq3A_14 = arith.cmpf oeq, %div3A_10, %eq3A : vector<256x8xf32>
    %jit3A = arith.constant 8 : i32
    %broadcast_in_dim3A_15 = vector.broadcast %jit3A : i32 to vector<256x8xi32>
    %select_n3A = arith.select %eq3A_14, %iota3A, %broadcast_in_dim3A_15 : vector<256x8xi1>, vector<256x8xi32>
    %reduce_min3A = arith.constant dense<2147483647> : vector<256xi32>
    %reduce_min3A_16 = vector.multi_reduction <minsi>, %select_n3A, %reduce_min3A [1] : vector<256x8xi32> to vector<256xi32>
    %broadcast_in_dim3A_17 = vector.shape_cast %reduce_min3A_16 : vector<256xi32> to vector<256x1xi32>
    %eq3A_18 = vector.broadcast %broadcast_in_dim3A_17 : vector<256x1xi32> to vector<256x8xi32>
    %eq3A_19 = arith.cmpi eq, %iota3A, %eq3A_18 : vector<256x8xi32>
    %jit3A_20 = arith.constant -1.000000e+00 : f32
    %broadcast_in_dim3A_21 = vector.broadcast %jit3A_20 : f32 to vector<256x8xf32>
    %select_n3A_22 = arith.select %eq3A_19, %broadcast_in_dim3A_21, %div3A_10 : vector<256x8xi1>, vector<256x8xf32>
    %reduce_max3A_23 = arith.constant dense<0xFF800000> : vector<256xf32>
    %reduce_max3A_24 = vector.multi_reduction <maximumf>, %select_n3A_22, %reduce_max3A_23 [1] : vector<256x8xf32> to vector<256xf32>
    %broadcast_in_dim3A_25 = vector.shape_cast %reduce_max3A_24 : vector<256xf32> to vector<256x1xf32>
    %eq3A_26 = vector.broadcast %broadcast_in_dim3A_25 : vector<256x1xf32> to vector<256x8xf32>
    %eq3A_27 = arith.cmpf oeq, %select_n3A_22, %eq3A_26 : vector<256x8xf32>
    %jit3A_28 = arith.constant 8 : i32
    %broadcast_in_dim3A_29 = vector.broadcast %jit3A_28 : i32 to vector<256x8xi32>
    %select_n3A_30 = arith.select %eq3A_27, %iota3A, %broadcast_in_dim3A_29 : vector<256x8xi1>, vector<256x8xi32>
    %reduce_min3A_31 = arith.constant dense<2147483647> : vector<256xi32>
    %reduce_min3A_32 = vector.multi_reduction <minsi>, %select_n3A_30, %reduce_min3A_31 [1] : vector<256x8xi32> to vector<256xi32>
    %broadcast_in_dim3A_33 = vector.shape_cast %reduce_min3A_32 : vector<256xi32> to vector<256x1xi32>
    %add3A = arith.addf %broadcast_in_dim3A_13, %broadcast_in_dim3A_25 : vector<256x1xf32>
    %max3A = arith.constant 9.99999996E-13 : f32
    %max3A_34 = vector.broadcast %max3A : f32 to vector<256x1xf32>
    %max3A_35 = arith.maximumf %add3A, %max3A_34 : vector<256x1xf32>
    %div3A_36 = arith.divf %broadcast_in_dim3A_13, %max3A_35 : vector<256x1xf32>
    %lt3A = arith.constant 0.699999988 : f32
    %lt3A_37 = vector.broadcast %lt3A : f32 to vector<256x1xf32>
    %lt3A_38 = arith.cmpf olt, %div3A_36, %lt3A_37 : vector<256x1xf32>
    %add3A_39 = arith.addf %broadcast_in_dim3A_13, %broadcast_in_dim3A_25 : vector<256x1xf32>
    %max3A_40 = arith.constant 9.99999996E-13 : f32
    %max3A_41 = vector.broadcast %max3A_40 : f32 to vector<256x1xf32>
    %max3A_42 = arith.maximumf %add3A_39, %max3A_41 : vector<256x1xf32>
    %max3A_43 = arith.constant 9.99999996E-13 : f32
    %max3A_44 = vector.broadcast %max3A_43 : f32 to vector<256x1xf32>
    %max3A_45 = arith.maximumf %broadcast_in_dim3A_13, %max3A_44 : vector<256x1xf32>
    %select_n3A_46 = arith.select %lt3A_38, %max3A_42, %max3A_45 : vector<256x1xi1>, vector<256x1xf32>
    %div3A_47 = arith.divf %broadcast_in_dim3A_13, %select_n3A_46 : vector<256x1xf32>
    %div3A_48 = arith.divf %broadcast_in_dim3A_25, %select_n3A_46 : vector<256x1xf32>
    %jit3A_49 = arith.constant 0.000000e+00 : f32
    %broadcast_in_dim3A_50 = vector.broadcast %jit3A_49 : f32 to vector<256x1xf32>
    %select_n3A_51 = arith.select %lt3A_38, %div3A_48, %broadcast_in_dim3A_50 : vector<256x1xi1>, vector<256x1xf32>
    %eq3A_52 = vector.broadcast %broadcast_in_dim3A_17 : vector<256x1xi32> to vector<256x8xi32>
    %eq3A_53 = arith.cmpi eq, %iota3A, %eq3A_52 : vector<256x8xi32>
    %jit3A_54 = arith.constant 0.000000e+00 : f32
    %broadcast_in_dim3A_55 = vector.shape_cast %div3A_47 : vector<256x1xf32> to vector<256x1xf32>
    %broadcast_in_dim3A_56 = vector.broadcast %broadcast_in_dim3A_55 : vector<256x1xf32> to vector<256x8xf32>
    %broadcast_in_dim3A_57 = vector.broadcast %jit3A_54 : f32 to vector<256x8xf32>
    %select_n3A_58 = arith.select %eq3A_53, %broadcast_in_dim3A_56, %broadcast_in_dim3A_57 : vector<256x8xi1>, vector<256x8xf32>
    %eq3A_59 = vector.broadcast %broadcast_in_dim3A_33 : vector<256x1xi32> to vector<256x8xi32>
    %eq3A_60 = arith.cmpi eq, %iota3A, %eq3A_59 : vector<256x8xi32>
    %jit3A_61 = arith.constant 0.000000e+00 : f32
    %broadcast_in_dim3A_62 = vector.shape_cast %select_n3A_51 : vector<256x1xf32> to vector<256x1xf32>
    %broadcast_in_dim3A_63 = vector.broadcast %broadcast_in_dim3A_62 : vector<256x1xf32> to vector<256x8xf32>
    %broadcast_in_dim3A_64 = vector.broadcast %jit3A_61 : f32 to vector<256x8xf32>
    %select_n3A_65 = arith.select %eq3A_60, %broadcast_in_dim3A_63, %broadcast_in_dim3A_64 : vector<256x8xi1>, vector<256x8xf32>
    %add3A_66 = arith.addf %select_n3A_58, %select_n3A_65 : vector<256x8xf32>
    %swap3A = arith.constant 0 : index
    %swap3A_67 = arith.constant 0 : index
    %swap3A_68 = vector.load %arg3[%swap3A, %swap3A_67] : memref<256x8xf32, #tpu.memory_space<vmem>>, vector<256x8xf32>
    tpu.vector_store %arg3[%swap3A, %swap3A_67], %add3A_66 {strides = array<i32>} : memref<256x8xf32, #tpu.memory_space<vmem>>, vector<256x8xf32>,
    return
  }
  func.func @transform_0(%arg0: i32) -> (i32, i32) {
    %c0_i32 = arith.constant 0 : i32
    %c0_i32_0 = arith.constant 0 : i32
    return %arg0, %c0_i32 : i32, i32
  }
  func.func @transform_1(%arg0: i32) -> (i32, i32) {
    %c0_i32 = arith.constant 0 : i32
    %c0_i32_0 = arith.constant 0 : i32
    %c0_i32_1 = arith.constant 0 : i32
    return %c0_i32, %c0_i32_0 : i32, i32
  }
  func.func @transform_2(%arg0: i32) -> (i32, i32) {
    %c0_i32 = arith.constant 0 : i32
    %c0_i32_0 = arith.constant 0 : i32
    return %arg0, %c0_i32 : i32, i32
  }
}

module attributes {stable_mosaic.version = 14 : i64} {
  func.func @_ffn_body(%arg0: i32, %arg1: memref<41xi32, #tpu.memory_space<smem>>, %arg2: memref<41xi32, #tpu.memory_space<smem>>, %arg3: memref<128x1024xf32, #tpu.memory_space<vmem>>, %arg4: memref<1x1536x1024xf32, #tpu.memory_space<vmem>>, %arg5: memref<1x1024x768xf32, #tpu.memory_space<vmem>>, %arg6: memref<128x1xf32, #tpu.memory_space<vmem>>, %arg7: memref<128x1024xf32, #tpu.memory_space<vmem>>) attributes {dimension_semantics = [#tpu.dimension_semantics<arbitrary>], iteration_bounds = array<i64: 41>, scalar_prefetch = 2 : i64, scratch_operands = 0 : i64, tpu.core_type = #tpu.core_type<tc>, window_params = [{transform_indices = @transform_0, window_bounds = array<i64: 128, 1024>}, {transform_indices = @transform_1, window_bounds = array<i64: 1, 1536, 1024>}, {transform_indices = @transform_2, window_bounds = array<i64: 1, 1024, 768>}, {transform_indices = @transform_3, window_bounds = array<i64: 128, 1>}, {transform_indices = @transform_4, window_bounds = array<i64: 128, 1024>}]} {
    %get3A = arith.index_cast %arg0 : i32 to index
    %get3A_0 = memref.load %arg2[%get3A] : memref<41xi32, #tpu.memory_space<smem>>
    %gt3A = arith.constant 0 : i32
    %gt3A_1 = arith.cmpi sgt, %get3A_0, %gt3A : i32
    %convert_element_type3A = arith.extui %gt3A_1 : i1 to i32
    %cond3A = arith.constant 0 : i32
    %cond3A_2 = arith.cmpi ne, %convert_element_type3A, %cond3A : i32
    scf.if %cond3A_2 {
      %get3A_7 = arith.constant 0 : index
      %get3A_8 = arith.constant 0 : index
      %get3A_9 = vector.load %arg3[%get3A_7, %get3A_8] : memref<128x1024xf32, #tpu.memory_space<vmem>>, vector<128x1024xf32>
      %convert_element_type3A_10 = arith.truncf %get3A_9 : vector<128x1024xf32> to vector<128x1024xbf16>
      %get3A_11 = arith.constant 0 : index
      %get3A_12 = arith.constant 0 : index
      %get3A_13 = arith.constant 0 : index
      %get3A_14 = vector.load %arg4[%get3A_11, %get3A_12, %get3A_13] : memref<1x1536x1024xf32, #tpu.memory_space<vmem>>, vector<1x1536x1024xf32>
      %get3A_15 = vector.shape_cast %get3A_14 : vector<1x1536x1024xf32> to vector<1536x1024xf32>
      %convert_element_type3A_16 = arith.truncf %get3A_15 : vector<1536x1024xf32> to vector<1536x1024xbf16>
      %dot_general3A = arith.constant dense<0.000000e+00> : vector<128x1536xf32>
      %dot_general3A_17 = tpu.matmul %convert_element_type3A_10, %convert_element_type3A_16, %dot_general3A {dimension_numbers = #tpu.dot_dimension_numbers<[1], [1], [0], [0], [0, 0, 1, 0], [], []>, transpose_lhs_hint = false} : vector<128x1024xbf16>, vector<1536x1024xbf16>, vector<128x1536xf32> -> vector<128x1536xf32>
      %slice3A = vector.extract_strided_slice %dot_general3A_17 {offsets = [0, 0], sizes = [128, 768], strides = [1, 1]} : vector<128x1536xf32> to vector<128x768xf32>
      %slice3A_18 = vector.extract_strided_slice %dot_general3A_17 {offsets = [0, 768], sizes = [128, 768], strides = [1, 1]} : vector<128x1536xf32> to vector<128x768xf32>
      %logistic3A = arith.negf %slice3A : vector<128x768xf32>
      %logistic3A_19 = math.exp %logistic3A : vector<128x768xf32>
      %logistic3A_20 = arith.constant 1.000000e+00 : f32
      %logistic3A_21 = vector.broadcast %logistic3A_20 : f32 to vector<128x768xf32>
      %logistic3A_22 = arith.addf %logistic3A_21, %logistic3A_19 : vector<128x768xf32>
      %logistic3A_23 = arith.divf %logistic3A_21, %logistic3A_22 : vector<128x768xf32>
      %mul3A = arith.mulf %slice3A, %logistic3A_23 : vector<128x768xf32>
      %mul3A_24 = arith.mulf %mul3A, %slice3A_18 : vector<128x768xf32>
      %get3A_25 = arith.constant 0 : index
      %get3A_26 = arith.constant 0 : index
      %get3A_27 = arith.constant 0 : index
      %get3A_28 = vector.load %arg5[%get3A_25, %get3A_26, %get3A_27] : memref<1x1024x768xf32, #tpu.memory_space<vmem>>, vector<1x1024x768xf32>
      %get3A_29 = vector.shape_cast %get3A_28 : vector<1x1024x768xf32> to vector<1024x768xf32>
      %convert_element_type3A_30 = arith.truncf %get3A_29 : vector<1024x768xf32> to vector<1024x768xbf16>
      %convert_element_type3A_31 = arith.truncf %mul3A_24 : vector<128x768xf32> to vector<128x768xbf16>
      %dot_general3A_32 = arith.constant dense<0.000000e+00> : vector<128x1024xf32>
      %dot_general3A_33 = tpu.matmul %convert_element_type3A_31, %convert_element_type3A_30, %dot_general3A_32 {dimension_numbers = #tpu.dot_dimension_numbers<[1], [1], [0], [0], [0, 0, 1, 0], [], []>, transpose_lhs_hint = false} : vector<128x768xbf16>, vector<1024x768xbf16>, vector<128x1024xf32> -> vector<128x1024xf32>
      %get3A_34 = arith.constant 0 : index
      %get3A_35 = arith.constant 0 : index
      %get3A_36 = vector.load %arg6[%get3A_34, %get3A_35] : memref<128x1xf32, #tpu.memory_space<vmem>>, vector<128x1xf32>
      %mul3A_37 = vector.broadcast %get3A_36 : vector<128x1xf32> to vector<128x1024xf32>
      %mul3A_38 = arith.mulf %dot_general3A_33, %mul3A_37 : vector<128x1024xf32>
      %swap3A = arith.constant 0 : index
      %swap3A_39 = arith.constant 0 : index
      %swap3A_40 = vector.load %arg7[%swap3A, %swap3A_39] : memref<128x1024xf32, #tpu.memory_space<vmem>>, vector<128x1024xf32>
      tpu.vector_store %arg7[%swap3A, %swap3A_39], %mul3A_38 {strides = array<i32>} : memref<128x1024xf32, #tpu.memory_space<vmem>>, vector<128x1024xf32>,
    } else {
    }
    %eq3A = arith.constant 40 : i32
    %eq3A_3 = arith.cmpi eq, %arg0, %eq3A : i32
    %convert_element_type3A_4 = arith.extui %eq3A_3 : i1 to i32
    %cond3A_5 = arith.constant 0 : i32
    %cond3A_6 = arith.cmpi ne, %convert_element_type3A_4, %cond3A_5 : i32
    scf.if %cond3A_6 {
      %broadcast_in_dim3A = arith.constant 0.000000e+00 : f32
      %broadcast_in_dim3A_7 = vector.broadcast %broadcast_in_dim3A : f32 to vector<128x1024xf32>
      %swap3A = arith.constant 0 : index
      %swap3A_8 = arith.constant 0 : index
      %swap3A_9 = vector.load %arg7[%swap3A, %swap3A_8] : memref<128x1024xf32, #tpu.memory_space<vmem>>, vector<128x1024xf32>
      tpu.vector_store %arg7[%swap3A, %swap3A_8], %broadcast_in_dim3A_7 {strides = array<i32>} : memref<128x1024xf32, #tpu.memory_space<vmem>>, vector<128x1024xf32>,
    } else {
    }
    return
  }
  func.func @transform_0(%arg0: i32, %arg1: memref<41xi32, #tpu.memory_space<smem>>, %arg2: memref<41xi32, #tpu.memory_space<smem>>) -> (i32, i32) {
    %min3A = arith.constant 39 : i32
    %min3A_0 = arith.minsi %arg0, %min3A : i32
    %c0_i32 = arith.constant 0 : i32
    %c0_i32_1 = arith.constant 0 : i32
    return %min3A_0, %c0_i32 : i32, i32
  }
  func.func @transform_1(%arg0: i32, %arg1: memref<41xi32, #tpu.memory_space<smem>>, %arg2: memref<41xi32, #tpu.memory_space<smem>>) -> (i32, i32, i32) {
    %get3A = arith.index_cast %arg0 : i32 to index
    %get3A_0 = memref.load %arg1[%get3A] : memref<41xi32, #tpu.memory_space<smem>>
    %c0_i32 = arith.constant 0 : i32
    %c0_i32_1 = arith.constant 0 : i32
    %c0_i32_2 = arith.constant 0 : i32
    return %get3A_0, %c0_i32, %c0_i32_1 : i32, i32, i32
  }
  func.func @transform_2(%arg0: i32, %arg1: memref<41xi32, #tpu.memory_space<smem>>, %arg2: memref<41xi32, #tpu.memory_space<smem>>) -> (i32, i32, i32) {
    %get3A = arith.index_cast %arg0 : i32 to index
    %get3A_0 = memref.load %arg1[%get3A] : memref<41xi32, #tpu.memory_space<smem>>
    %c0_i32 = arith.constant 0 : i32
    %c0_i32_1 = arith.constant 0 : i32
    %c0_i32_2 = arith.constant 0 : i32
    return %get3A_0, %c0_i32, %c0_i32_1 : i32, i32, i32
  }
  func.func @transform_3(%arg0: i32, %arg1: memref<41xi32, #tpu.memory_space<smem>>, %arg2: memref<41xi32, #tpu.memory_space<smem>>) -> (i32, i32) {
    %min3A = arith.constant 39 : i32
    %min3A_0 = arith.minsi %arg0, %min3A : i32
    %c0_i32 = arith.constant 0 : i32
    %c0_i32_1 = arith.constant 0 : i32
    return %min3A_0, %c0_i32 : i32, i32
  }
  func.func @transform_4(%arg0: i32, %arg1: memref<41xi32, #tpu.memory_space<smem>>, %arg2: memref<41xi32, #tpu.memory_space<smem>>) -> (i32, i32) {
    %c0_i32 = arith.constant 0 : i32
    %c0_i32_0 = arith.constant 0 : i32
    return %arg0, %c0_i32 : i32, i32
  }
}

</mosaic_0001>

<sc_bundles>
// kernel: kernel.6.cloned.1.call-start
scs
__scs_entry_jumppad:
0x0: {  	(pc) =	sbr.rel $0x88, $3  }
0x1: {  	(tag) =	ssettag $0x0;
	lr =	simm.s32 $0x1  }
0x2: {  	[smem:$0x3F9D] =	sst lr;
	_ =	strace $0xD0000000  }
0x3: {  	_ = 	snop  }
0x4: {  	_ = 	snop  }
0x5: {  	_ = 	snop  }
0x6: {  	_ = 	snop  }
0x7: {  	_ = 	snop  }
__scs_overlays_trampoline_lowered:
0x8: {  	[smem:$0x3FAC] =	sst s0  }
0x9: {  	[smem:$0x3FAD] =	sst s1  }
0xa: {  	[smem:$0x3FAE] =	sst s2  }
0xb: {  	[smem:$0x3FAF] =	sst s3  }
0xc: {  	[smem:$0x3FB0] =	sst s4  }
0xd: {  	[smem:$0x3FB1] =	sst s5  }
0xe: {  	[smem:$0x3FB2] =	sst s6  }
0xf: {  	[smem:$0x3FB3] =	sst s7  }
0x10: {  	[smem:$0x3FB4] =	sst s8  }
0x11: {  	[smem:$0x3FB5] =	sst s9;
	s0 =	simm.s32 @!p0 $0x0  }
0x12: {  	s1 =	sld [smem:$0x3F9B];
	s0 =	simm.s32 @p0 $0x1  }
0x13: {  	[smem:$0x3FB6] =	sst s0;
	s0 =	simm.s32 @!p1 $0x0  }
0x14: {  	s2 =	sld [smem:$0x3F9A];
	s0 =	simm.s32 @p1 $0x1  }
0x15: {  	[smem:$0x3FB7] =	sst s0;
	s0 =	simm.s32 @!p2 $0x0  }
0x16: {  	s3 =	sld [smem:$0x3FDB];
	s0 =	simm.s32 @p2 $0x1  }
0x17: {  	s4 =	simm.s32 $0x1BF5;
	[smem:$0x3FB9] =	sst s0  }
0x18: {  	s0 =	sld [smem:$0x3F9C];
	_ =	swait.ge [sflag:s4], $0x0  }
0x19: {  	s7 =	sld [smem:$0x3F9D]  }
0x1a: {  	s8 =	sadd.s32 $0xFFFFE003, lr  }
0x1b: {  	s9 =	sadd.s32 $0xFFFFFEF7, lr;
	s5 =	simm.s32 $0xFFFFFFFF;
	p2 =	slt.u32 s8, $0xFFFFF086  }
0x1c: {  	p1 =	slt.u32 s9, $0xF7A;
	s5 =	simm.s32 @!p2 $0x0  }
0x1d: {  	s5 =	simm.s32 @p1 $0x1;
	p0 =	seq.s32 s7, s2  }
0x1e: {  	s7 =	smul.u32 @!p0 $0xF7A, s2;
	p2 =	seq.s32 @!p0 s5, $0x0  }
0x1f: {  	s9 =	smul.u32 $0xF7A, s1;
	s8 =	simm.s32 @!p0 $0x1BF5;
	p2 =	por !p2, p0  }
0x20: {  	[sflag:s8] =	ssyncset.s32 @!p0 $0xFFFFF086;
	s6 =	sadd.s32 @!p0 s3, s7;
	s7 =	simm.s32 @!p0 $0x108  }
0x21: {  	s3 =	sadd.s32 s3, s9;
	s6 =	sadd.s32 @!p0 $0x88, s6;
	s7 =	simm.s32 @p2 $0x1082  }
0x22: {  	[simem:s7], [sflag:s8] =	dma.local @!p0 [hbm:s6], $0xF7A  }
0x23: {  	s9 =	sor.u32 $0xD0000000, s2;
	s6 =	simm.s32 $0x108;
	_ =	swait.ge @!p0 [sflag:s8], $0x0  }
0x24: {  	s3 =	sadd.s32 $0x88, s3;
	s6 =	simm.s32 @!p1 $0x1082;
	[sflag:s4] =	ssyncset.s32 $0xFFFFF086  }
0x25: {  	[simem:s6], [sflag:s4] =	dma.local [hbm:s3], $0xF7A  }
0x26: {  	[smem:$0x3F9D] =	sst s1;
	(tag) =	ssettag s2;
	_ =	strace s9  }
0x27: {  	s1 =	sld [smem:$0x3FAD]  }
0x28: {  	s2 =	sld [smem:$0x3FAE]  }
0x29: {  	s4 =	sld [smem:$0x3FB0]  }
0x2a: {  	p0 =	seq.s32 s5, $0x0;
	s5 =	sld [smem:$0x3FB1]  }
0x2b: {  	s6 =	sld [smem:$0x3FB2]  }
0x2c: {  	s7 =	sld [smem:$0x3FB3]  }
0x2d: {  	s3 =	simm.s32 $0x108;
	s8 =	sld [smem:$0x3FB4]  }
0x2e: {  	s3 =	simm.s32 @!p0 $0x1082;
	s9 =	sld [smem:$0x3FB5]  }
0x2f: {  	lr =	sadd.s32 s0, s3;
	s0 =	sld [smem:$0x3FAC]  }
0x30: {  	s3 =	sld [smem:$0x3FAF]  }
0x31: {  	[smem:$0x3FB8] =	sst s10  }
0x32: {  	s10 =	sld [smem:$0x3FB6];
	_ =	sdelay $0x3  }
0x33: {  	p0 =	seq.s32 s10, $0x1;
	s10 =	sld [smem:$0x3FB8];
	_ =	sdelay $0x3  }
0x34: {  	[smem:$0x3FB8] =	sst s10  }
0x35: {  	s10 =	sld [smem:$0x3FB7];
	_ =	sdelay $0x3  }
0x36: {  	p1 =	seq.s32 s10, $0x1;
	s10 =	sld [smem:$0x3FB8];
	_ =	sdelay $0x3  }
0x37: {  	[smem:$0x3FB8] =	sst s10  }
0x38: {  	s10 =	sld [smem:$0x3FB9]  }
0x39: {  	_ = 	snop;
	(pc) =	sbr.ind lr, $3  }
0x3a: {  	_ = 	snop  }
0x3b: {  	_ = 	snop  }
0x3c: {  	p2 =	seq.s32 s10, $0x1;
	s10 =	sld [smem:$0x3FB8]  }
0x3d: {  	_ =	shalt  }
0x3e: {  	_ =	shalt  }
0x3f: {  	_ =	shalt  }
0x40: {  	_ =	shalt  }
0x41: {  	_ =	shalt  }
0x42: {  	_ =	shalt  }
0x43: {  	_ =	shalt  }
0x44: {  	_ =	shalt  }
0x45: {  	_ =	shalt  }
0x46: {  	_ =	shalt  }
0x47: {  	_ =	shalt  }
0x48: {  	_ =	shalt  }
0x49: {  	_ =	shalt  }
0x4a: {  	_ =	shalt  }
0x4b: {  	_ =	shalt  }
0x4c: {  	_ =	shalt  }
0x4d: {  	_ =	shalt  }
0x4e: {  	_ =	shalt  }
0x4f: {  	_ =	shalt  }
0x50: {  	_ =	shalt  }
0x51: {  	_ =	shalt  }
0x52: {  	_ =	shalt  }
0x53: {  	_ =	shalt  }
0x54: {  	_ =	shalt  }
0x55: {  	_ =	shalt  }
0x56: {  	_ =	shalt  }
0x57: {  	_ =	shalt  }
0x58: {  	_ =	shalt  }
0x59: {  	_ =	shalt  }
0x5a: {  	_ =	shalt  }
0x5b: {  	_ =	shalt  }
0x5c: {  	_ =	shalt  }
0x5d: {  	_ =	shalt  }
0x5e: {  	_ =	shalt  }
0x5f: {  	_ =	shalt  }
0x60: {  	_ =	shalt  }
0x61: {  	_ =	shalt  }
0x62: {  	_ =	shalt  }
0x63: {  	_ =	shalt  }
0x64: {  	_ =	shalt  }
0x65: {  	_ =	shalt  }
0x66: {  	_ =	shalt  }
0x67: {  	_ =	shalt  }
0x68: {  	_ =	shalt  }
0x69: {  	_ =	shalt  }
0x6a: {  	_ =	shalt  }
0x6b: {  	_ =	shalt  }
0x6c: {  	_ =	shalt  }
0x6d: {  	_ =	shalt  }
0x6e: {  	_ =	shalt  }
0x6f: {  	_ =	shalt  }
0x70: {  	_ =	shalt  }
0x71: {  	_ =	shalt  }
0x72: {  	_ =	shalt  }
0x73: {  	_ =	shalt  }
0x74: {  	_ =	shalt  }
0x75: {  	_ =	shalt  }
0x76: {  	_ =	shalt  }
0x77: {  	_ =	shalt  }
0x78: {  	_ =	shalt  }
0x79: {  	_ =	shalt  }
0x7a: {  	_ =	shalt  }
0x7b: {  	_ =	shalt  }
0x7c: {  	_ =	shalt  }
0x7d: {  	_ =	shalt  }
0x7e: {  	_ =	shalt  }
0x7f: {  	_ =	shalt  }
0x80: {  	_ =	shalt  }
0x81: {  	_ =	shalt  }
0x82: {  	_ =	shalt  }
0x83: {  	_ =	shalt  }
0x84: {  	_ =	shalt  }
0x85: {  	_ =	shalt  }
0x86: {  	_ =	shalt  }
0x87: {  	_ =	shalt  }
.Lfunc_end0:
.L_simem_size_0:
called_computation_lowered:
.L_overlay_start_0:
0x88: {  	s2 =	sld [smem:$0x3FD9]  }
0x89: {  	s3 =	sld [smem:$0x3FFE];
	_ =	sdelay $0x1  }
0x8a: {  	s1 =	srdreg.scid  }
0x8b: {  	s0 =	sand.u32 $0x1, s1  }
0x8c: {  	s17 =	sshll.u32 s0, $0xA;
	s2 =	sadd.s32 s3, s2  }
0x8d: {  	s2 =	sadd.s32 s2, s17  }
0x8e: {  	[smem:$0x3FC4] =	sst s2  }
0x8f: {  	_ = 	snop  }
0x90: {  	s2 =	sld [smem:$0x3FC9]  }
0x91: {  	s18 =	sld [smem:$0x3FD0];
	(tm) =	ssettm $0x1  }
0x92: {  	s4 =	sld [smem:$0x3FFB];
	_ =	sdelay $0x3  }
0x93: {  	_ =	strace s4  }
0x94: {  	s4 =	sld [smem:$0x3FFC];
	_ =	sdelay $0x3  }
0x95: {  	_ =	strace s4  }
0x96: {  	s4 =	sld [smem:$0x3FFD];
	_ =	sdelay $0x3  }
0x97: {  	_ =	strace s4  }
0x98: {  	_ =	strace $0x8FFFFFFF  }
0x99: {  	s19 =	sld [smem:$0x3FDB];
	_ =	sdelay $0x1  }
0x9a: {  	s5 =	simm.s32 $_scs_section_size  }
0x9b: {  	s6 =	simm.s32 $_size__tile_overlayer_lowered;
	s7 =	simm.s32 $_tile_overlayer_lowered  }
0x9c: {  	s22 =	simm.s32 $0x1BFF;
	s21 =	sshll.u32 s7, $0x1;
	s4 =	sadd.s32 s5, s19  }
0x9d: {  	s8 =	simm.s32 $0x0;
	s20 =	sshll.u32 s6, $0x1;
	s6 =	sadd.s32 s21, s4  }
0x9e: {  	[timem:s8], [sflag:s22] =	dma.local [hbm:s6], s20  }
0x9f: {  	_ =	swait.ge [sflag:s22], s20  }
0xa0: {  	s5 =	ssub.s32 $0x0, s20;
	[sflag:s22] =	ssyncset.done $0x0  }
0xa1: {  	[sflag:s22] =	ssyncadd.s32 s5;
	_ =	sdelay $0x1  }
0xa2: {  	s23 =	simm.s32 $0x1B8B  }
0xa3: {  	_ =	swait.ge [sflag:s23], $0x1  }
0xa4: {  	[sflag:s23] =	ssyncset.done $0x0  }
0xa5: {  	s25 =	simm.s32 $0x1B8E;
	s24 =	sld [smem:$0x3FFE];
	[sflag:s23] =	ssyncadd.s32 $0xFFFFFFFF  }
0xa6: {  	s26 =	simm.s32 $execute0_lowered;
	[smem:$0x3FD2] =	sst s25  }
0xa7: {  	s6 =	sshll.u32 s26, $0x1;
	_ =	strace $0x80000046;
	[dreg:$0x1] =	wrdreg $0xFFFFFFFF  }
0xa8: {  	s28 =	simm.s32 $_size_execute0_lowered;
	s4 =	sadd.s32 s4, s6;
	[dreg:$0x0] =	wrdreg $0x0  }
0xa9: {  	s6 =	sshll.u32 s28, $0x1;
	[dreg:$0x2] =	wrdreg s4  }
0xaa: {  	[dreg:$0x3] =	wrdreg s6  }
0xab: {  	[dreg:$0x4] =	wrdreg $0xC0  }
0xac: {  	_ =	task [dreg:s8], $0x5FFFF  }
0xad: {  	[dreg:$0x1] =	wrdreg $0xFFFFFFFF  }
0xae: {  	[dreg:$0x0] =	wrdreg $0x60  }
0xaf: {  	[dreg:$0x2] =	wrdreg s2  }
0xb0: {  	[dreg:$0x3] =	wrdreg s24  }
0xb1: {  	[dreg:$0x4] =	wrdreg s18  }
0xb2: {  	[dreg:$0x5] =	wrdreg $0x9  }
0xb3: {  	_ =	task.clear_ibuf [dreg:s8], $0x6FFFF;
	_ =	strace $0x90000046  }
0xb4: {  	s29 =	simm.s32 $0x9;
	_ =	strace $0x80000048  }
0xb5: {  	_ =	swait.ge [sflag:s29], $0x1  }
0xb6: {  	[sflag:s29] =	ssyncadd.s32 $0xFFFFFFFF  }
0xb7: {  	_ =	strace $0x90000048  }
0xb8: {  	_ =	sfence  }
0xb9: {  	s30 =	sld [smem:$0x0];
	_ =	sdelay $0x2  }
0xba: {  	s31 =	sshll.u32 s1, $0xD;
	s1 =	sshrl.u32 s1, $0x2  }
0xbb: {  	s3 =	sand.u32 $0x4000, s31;
	s1 =	sadd.s32 s1, s30  }
0xbc: {  	s0 =	sor.u32 s3, s0;
	s1 =	sshll.u32 s1, $0x11  }
0xbd: {  	s0 =	sor.u32 s1, s0  }
0xbe: {  	s0 =	sadd.s32 $0x8F2B, s0  }
0xbf: {  	[sflag:s0] =	ssyncadd.remote.s32 $0x1  }
0xc0: {  	_ =	sfence.sel $0xFFFF  }
0xc1: {  	[dreg:$0x0] =	wrdreg $0xFFFFFFFF;
	(pc) =	sbr.abs _section_cstart, $3  }
0xc2: {  	[dreg:$0x1] =	wrdreg $0xFFFFFFFF  }
0xc3: {  	_ =	task.clear_ibuf [dreg:s8], $0x2FFFF;
	_ =	strace $0x9FFFFFFF  }
0xc4: {  	(tm) =	ssettm $0x7FFFFFFF  }
0xc5: {  	_ =	shalt  }
tec
execute0_lowered:
.L_overlay_start_1:
0x0: {  	(tag) =	ssettag $0x1  }
0x1: {  	s0 =	rddreg [dreg:$0x0];
	s1 =	srdreg.scid  }
0x2: {  	s2 =	rddreg [dreg:$0x1];
	s3 =	stileid.u32  }
0x3: {  	s22 =	simm.s32 $0x3200;
	s28 =	simm.s32 $0x5A00;
	s29 =	simm.s32 $0x6200  }
0x4: {  	s30 =	simm.s32 $0x6A00;
	s31 =	simm.s32 $0x7200;
	s10 =	simm.s32 $0x8200  }
0x5: {  	s15 =	simm.s32 $0x8A00;
	s16 =	simm.s32 $0x9200;
	s17 =	simm.s32 $0x9A00  }
0x6: {  	s19 =	simm.s32 $0xA200;
	s11 =	simm.s32 $0xBA00;
	s12 =	simm.s32 $0xC200  }
0x7: {  	s14 =	simm.s32 $0xCA00;
	s1 =	sand.u32 $0x1, s1;
	s4 =	sshll.u32 s3, $0x7  }
0x8: {  	s3 =	simm.s32 $0x0;
	s7 =	sadd.s32 $0xC00, s2;
	s5 =	sshll.u32 s1, $0x6  }
0x9: {  	s8 =	sadd.s32 $0xD00, s2;
	[smem:$0x7FF] =	sst s3;
	s4 =	sor.u32 s5, s4  }
0xa: {  	s1 =	ssub.s32 $0x2, s1;
	_ =	strace $0x80000047;
	s5 =	sshll.u32 s4, $0x7  }
0xb: {  	s25 =	sshrl.u32 s1, $0x1;
	s4 =	sshrl.u32 s4, $0x3;
	s0 =	sadd.s32 s0, s5  }
0xc: {  	s1 =	ssub.s32 s1, s25;
	s6 =	sadd.s32 s2, s4;
	[dreg:$0x4] =	wrdreg s0  }
0xd: {  	s25 =	simm.s32 $0x4A00;
	s23 =	sadd.s32 $0x800, s6;
	[dreg:$0x8] =	wrdreg s6  }
0xe: {  	s5 =	sadd.s32 $0xA00, s2;
	s24 =	sadd.s32 $0x400, s6;
	[dreg:$0x5] =	wrdreg s23  }
0xf: {  	v2 =	vlaneseq.u32;
	s9 =	smax.u32 s1, $0x1;
	s26 =	sadd.s32 $0x200, s6;
	[dreg:$0x6] =	wrdreg s24  }
0x10: {  	vm0 =	vmmov $0xffff;
	v1 =	vshrl.u32 v2, $0x3;
	s6 =	sadd.s32 $0xB00, s2;
	s2 =	simm.s32 $0xB200;
	[dreg:$0x7] =	wrdreg s26  }
0x11: {  	v0 =	vand.u32 $0x7, v2;
	v2 =	vor.u32 $0x8, v2;
	v1 =	vmul.u32 $0x8, v1;
	s23 =	simm.s32 $0x3A00;
	s24 =	simm.s32 $0x4200;
	s26 =	simm.s32 $0x5200  }
.LBB2_1:
0x12: {  	s13 =	rddreg [dreg:$0x4];
	s0 =	simm.s32 $0x200  }
0x13: {  	[tilespmem:s0], [sflag:$0x5] =	stream.linear.gather [hbm4b:s13+s3], $0x10000, $0x38;
	[tilespmem:$0x10200] =	vst v63  }
0x14: {  	s18 =	rddreg [dreg:$0x8]  }
0x15: {  	[tilespmem:s3], [sflag:$0x6] =	stream.linear.gather [hbm4b:s18+s3], $0x40, $0x38;
	[tilespmem:$0x10200] =	vst v63  }
0x16: {  	s4 =	rddreg [dreg:$0x5];
	s20 =	simm.s32 $0x80  }
0x17: {  	[tilespmem:s20], [sflag:$0x7] =	stream.linear.gather [hbm4b:s4+s3], $0x40, $0x38;
	[tilespmem:$0x10200] =	vst v63  }
0x18: {  	s21 =	rddreg [dreg:$0x6];
	s4 =	simm.s32 $0x100  }
0x19: {  	[tilespmem:s4], [sflag:$0x8] =	stream.linear.gather [hbm4b:s21+s3], $0x40, $0x38;
	[tilespmem:$0x10200] =	vst v63  }
0x1a: {  	s1 =	rddreg [dreg:$0x7];
	s18 =	simm.s32 $0x180  }
0x1b: {  	[tilespmem:s18], [sflag:$0x9] =	stream.linear.gather [hbm4b:s1+s3], $0x40, $0x38;
	[tilespmem:$0x10200] =	vst v63  }
0x1c: {  	s1 =	simm.s32 $0x6  }
0x1d: {  	_ =	swait.ge [sflag:s1], $0x40  }
0x1e: {  	[sflag:s1] =	ssyncset.done $0x0  }
0x1f: {  	s21 =	simm.s32 $0x7;
	[sflag:s1] =	ssyncadd.s32 $0xFFFFFFC0  }
0x20: {  	_ =	swait.ge [sflag:s21], $0x40  }
0x21: {  	[sflag:s21] =	ssyncset.done $0x0  }
0x22: {  	s13 =	simm.s32 $0x8;
	[sflag:s21] =	ssyncadd.s32 $0xFFFFFFC0  }
0x23: {  	_ =	swait.ge [sflag:s13], $0x40  }
0x24: {  	[sflag:s13] =	ssyncset.done $0x0  }
0x25: {  	s21 =	simm.s32 $0x9;
	[sflag:s13] =	ssyncadd.s32 $0xFFFFFFC0  }
0x26: {  	_ =	swait.ge [sflag:s21], $0x40  }
0x27: {  	[sflag:s21] =	ssyncset.done $0x0  }
0x28: {  	[sflag:s21] =	ssyncadd.s32 $0xFFFFFFC0  }
0x29: {  	s21 =	simm.s32 $0x40;
	s1 =	rddreg [dreg:$0x2]  }
0x2a: {  	[hbm4b:s1+s21] =	stream.indirect.scatter [tilespmem:s4], [sflag:$0x3], $0x1, s3, s21, $0xb8;
	[tilespmem:$0x10200] =	vst v63  }
0x2b: {  	_ = 	snop  }
0x2c: {  	[hbm4b:s1+s21] =	stream.indirect.scatter [tilespmem:s18], [sflag:$0x4], $0x1, s20, s21, $0xb8;
	[tilespmem:$0x10200] =	vst v63  }
0x2d: {  	s21 =	simm.s32 $0x5  }
0x2e: {  	_ =	swait.ge [sflag:s21], $0x10000  }
0x2f: {  	[sflag:s21] =	ssyncset.done $0x0  }
0x30: {  	[sflag:s21] =	ssyncadd.s32 $0xFFFF0000  }
0x31: {  	v3 =	vld [tilespmem:$0x0];
	_ =	sdelay $0x4  }
0x32: {  	v4 =	vshll.u32 v3, $0x3  }
0x33: {  	v3 =	vand.u32 $0x7, v3;
	v4 =	vand.u32 $0xFFFFFFC0, v4  }
0x34: {  	v3 =	vor.u32 v3, v4  }
0x35: {  	v4 =	vperm.xlane v3, v0;
	_ =	sdelay $0x1  }
0x36: {  	v4 =	vadd.s32 v1, v4;
	_ =	sdelay $0x3  }
0x37: {  	s0 =	simm.s32 $0x200  }
0x38: {  	[hbm4b:s5+s3] =	stream.indirect_vreg.scatter [tilespmem:s0], [sflag:$0x1], $0x80, v4, vm0, $0xb8;
	[tilespmem:$0x10200] =	vst v63  }
0x39: {  	s4 =	simm.s32 $0xA00;
	v3 =	vperm.xlane v3, v2  }
0x3a: {  	[hbm4b:s6+s3] =	stream.indirect_vreg.scatter [tilespmem:s4], [sflag:$0x1], $0x80, v4, vm0, $0xb8;
	[tilespmem:$0x10200] =	vst v63  }
0x3b: {  	s13 =	simm.s32 $0x1200;
	v3 =	vadd.s32 v1, v3  }
0x3c: {  	[hbm4b:s7+s3] =	stream.indirect_vreg.scatter [tilespmem:s13], [sflag:$0x1], $0x80, v4, vm0, $0xb8;
	[tilespmem:$0x10200] =	vst v63  }
0x3d: {  	s18 =	simm.s32 $0x1A00  }
0x3e: {  	[hbm4b:s8+s3] =	stream.indirect_vreg.scatter [tilespmem:s18], [sflag:$0x1], $0x80, v4, vm0, $0xb8;
	[tilespmem:$0x10200] =	vst v63  }
0x3f: {  	s20 =	simm.s32 $0x2200  }
0x40: {  	[hbm4b:s5+s3] =	stream.indirect_vreg.scatter [tilespmem:s20], [sflag:$0x1], $0x80, v3, vm0, $0xb8;
	[tilespmem:$0x10200] =	vst v63  }
0x41: {  	s21 =	simm.s32 $0x2A00  }
0x42: {  	[hbm4b:s6+s3] =	stream.indirect_vreg.scatter [tilespmem:s21], [sflag:$0x1], $0x80, v3, vm0, $0xb8;
	[tilespmem:$0x10200] =	vst v63  }
0x43: {  	_ = 	snop  }
0x44: {  	[hbm4b:s7+s3] =	stream.indirect_vreg.scatter [tilespmem:s22], [sflag:$0x1], $0x80, v3, vm0, $0xb8;
	[tilespmem:$0x10200] =	vst v63  }
0x45: {  	_ = 	snop  }
0x46: {  	[hbm4b:s8+s3] =	stream.indirect_vreg.scatter [tilespmem:s23], [sflag:$0x1], $0x80, v3, vm0, $0xb8;
	[tilespmem:$0x10200] =	vst v63  }
0x47: {  	v3 =	vld [tilespmem:$0x10];
	_ =	sdelay $0x4  }
0x48: {  	v57 =	vshll.u32 v3, $0x3  }
0x49: {  	v3 =	vand.u32 $0x7, v3;
	v4 =	vand.u32 $0xFFFFFFC0, v57  }
0x4a: {  	v3 =	vor.u32 v3, v4  }
0x4b: {  	v4 =	vperm.xlane v3, v0;
	_ =	sdelay $0x1  }
0x4c: {  	v4 =	vadd.s32 v1, v4;
	_ =	sdelay $0x4  }
0x4d: {  	[hbm4b:s5+s3] =	stream.indirect_vreg.scatter [tilespmem:s24], [sflag:$0x1], $0x80, v4, vm0, $0xb8;
	[tilespmem:$0x10200] =	vst v63  }
0x4e: {  	v3 =	vperm.xlane v3, v2  }
0x4f: {  	[hbm4b:s6+s3] =	stream.indirect_vreg.scatter [tilespmem:s25], [sflag:$0x1], $0x80, v4, vm0, $0xb8;
	[tilespmem:$0x10200] =	vst v63  }
0x50: {  	v3 =	vadd.s32 v1, v3  }
0x51: {  	[hbm4b:s7+s3] =	stream.indirect_vreg.scatter [tilespmem:s26], [sflag:$0x1], $0x80, v4, vm0, $0xb8;
	[tilespmem:$0x10200] =	vst v63  }
0x52: {  	_ = 	snop  }
0x53: {  	[hbm4b:s8+s3] =	stream.indirect_vreg.scatter [tilespmem:s28], [sflag:$0x1], $0x80, v4, vm0, $0xb8;
	[tilespmem:$0x10200] =	vst v63  }
0x54: {  	_ = 	snop  }
0x55: {  	[hbm4b:s5+s3] =	stream.indirect_vreg.scatter [tilespmem:s29], [sflag:$0x1], $0x80, v3, vm0, $0xb8;
	[tilespmem:$0x10200] =	vst v63  }
0x56: {  	_ = 	snop  }
0x57: {  	[hbm4b:s6+s3] =	stream.indirect_vreg.scatter [tilespmem:s30], [sflag:$0x1], $0x80, v3, vm0, $0xb8;
	[tilespmem:$0x10200] =	vst v63  }
0x58: {  	_ = 	snop  }
0x59: {  	[hbm4b:s7+s3] =	stream.indirect_vreg.scatter [tilespmem:s31], [sflag:$0x1], $0x80, v3, vm0, $0xb8;
	[tilespmem:$0x10200] =	vst v63  }
0x5a: {  	s1 =	simm.s32 $0x7A00  }
0x5b: {  	[hbm4b:s8+s3] =	stream.indirect_vreg.scatter [tilespmem:s1], [sflag:$0x1], $0x80, v3, vm0, $0xb8;
	[tilespmem:$0x10200] =	vst v63  }
0x5c: {  	v3 =	vld [tilespmem:$0x20];
	_ =	sdelay $0x4  }
0x5d: {  	v58 =	vshll.u32 v3, $0x3  }
0x5e: {  	v3 =	vand.u32 $0x7, v3;
	v4 =	vand.u32 $0xFFFFFFC0, v58  }
0x5f: {  	v3 =	vor.u32 v3, v4  }
0x60: {  	v4 =	vperm.xlane v3, v0;
	_ =	sdelay $0x1  }
0x61: {  	v4 =	vadd.s32 v1, v4;
	_ =	sdelay $0x4  }
0x62: {  	[hbm4b:s5+s3] =	stream.indirect_vreg.scatter [tilespmem:s10], [sflag:$0x1], $0x80, v4, vm0, $0xb8;
	[tilespmem:$0x10200] =	vst v63  }
0x63: {  	v3 =	vperm.xlane v3, v2  }
0x64: {  	[hbm4b:s6+s3] =	stream.indirect_vreg.scatter [tilespmem:s15], [sflag:$0x1], $0x80, v4, vm0, $0xb8;
	[tilespmem:$0x10200] =	vst v63  }
0x65: {  	v3 =	vadd.s32 v1, v3  }
0x66: {  	[hbm4b:s7+s3] =	stream.indirect_vreg.scatter [tilespmem:s16], [sflag:$0x1], $0x80, v4, vm0, $0xb8;
	[tilespmem:$0x10200] =	vst v63  }
0x67: {  	_ = 	snop  }
0x68: {  	[hbm4b:s8+s3] =	stream.indirect_vreg.scatter [tilespmem:s17], [sflag:$0x1], $0x80, v4, vm0, $0xb8;
	[tilespmem:$0x10200] =	vst v63  }
0x69: {  	_ = 	snop  }
0x6a: {  	[hbm4b:s5+s3] =	stream.indirect_vreg.scatter [tilespmem:s19], [sflag:$0x1], $0x80, v3, vm0, $0xb8;
	[tilespmem:$0x10200] =	vst v63  }
0x6b: {  	s0 =	simm.s32 $0xAA00  }
0x6c: {  	[hbm4b:s6+s3] =	stream.indirect_vreg.scatter [tilespmem:s0], [sflag:$0x1], $0x80, v3, vm0, $0xb8;
	[tilespmem:$0x10200] =	vst v63  }
0x6d: {  	_ = 	snop  }
0x6e: {  	[hbm4b:s7+s3] =	stream.indirect_vreg.scatter [tilespmem:s2], [sflag:$0x1], $0x80, v3, vm0, $0xb8;
	[tilespmem:$0x10200] =	vst v63  }
0x6f: {  	_ = 	snop  }
0x70: {  	[hbm4b:s8+s3] =	stream.indirect_vreg.scatter [tilespmem:s11], [sflag:$0x1], $0x80, v3, vm0, $0xb8;
	[tilespmem:$0x10200] =	vst v63  }
0x71: {  	v3 =	vld [tilespmem:$0x30];
	_ =	sdelay $0x4  }
0x72: {  	v59 =	vshll.u32 v3, $0x3  }
0x73: {  	v3 =	vand.u32 $0x7, v3;
	v4 =	vand.u32 $0xFFFFFFC0, v59  }
0x74: {  	v3 =	vor.u32 v3, v4  }
0x75: {  	v4 =	vperm.xlane v3, v0;
	_ =	sdelay $0x1  }
0x76: {  	v4 =	vadd.s32 v1, v4;
	_ =	sdelay $0x4  }
0x77: {  	[hbm4b:s5+s3] =	stream.indirect_vreg.scatter [tilespmem:s12], [sflag:$0x1], $0x80, v4, vm0, $0xb8;
	[tilespmem:$0x10200] =	vst v63  }
0x78: {  	v3 =	vperm.xlane v3, v2  }
0x79: {  	[hbm4b:s6+s3] =	stream.indirect_vreg.scatter [tilespmem:s14], [sflag:$0x1], $0x80, v4, vm0, $0xb8;
	[tilespmem:$0x10200] =	vst v63  }
0x7a: {  	s0 =	simm.s32 $0xD200;
	v3 =	vadd.s32 v1, v3  }
0x7b: {  	[hbm4b:s7+s3] =	stream.indirect_vreg.scatter [tilespmem:s0], [sflag:$0x1], $0x80, v4, vm0, $0xb8;
	[tilespmem:$0x10200] =	vst v63  }
0x7c: {  	s0 =	simm.s32 $0xDA00  }
0x7d: {  	[hbm4b:s8+s3] =	stream.indirect_vreg.scatter [tilespmem:s0], [sflag:$0x1], $0x80, v4, vm0, $0xb8;
	[tilespmem:$0x10200] =	vst v63  }
0x7e: {  	s0 =	simm.s32 $0xE200  }
0x7f: {  	[hbm4b:s5+s3] =	stream.indirect_vreg.scatter [tilespmem:s0], [sflag:$0x1], $0x80, v3, vm0, $0xb8;
	[tilespmem:$0x10200] =	vst v63  }
0x80: {  	s0 =	simm.s32 $0xEA00  }
0x81: {  	[hbm4b:s6+s3] =	stream.indirect_vreg.scatter [tilespmem:s0], [sflag:$0x1], $0x80, v3, vm0, $0xb8;
	[tilespmem:$0x10200] =	vst v63  }
0x82: {  	s0 =	simm.s32 $0xF200  }
0x83: {  	[hbm4b:s7+s3] =	stream.indirect_vreg.scatter [tilespmem:s0], [sflag:$0x1], $0x80, v3, vm0, $0xb8;
	[tilespmem:$0x10200] =	vst v63  }
0x84: {  	s0 =	simm.s32 $0xFA00  }
0x85: {  	[hbm4b:s8+s3] =	stream.indirect_vreg.scatter [tilespmem:s0], [sflag:$0x1], $0x80, v3, vm0, $0xb8;
	[tilespmem:$0x10200] =	vst v63  }
0x86: {  	v3 =	vld [tilespmem:$0x80];
	_ =	sdelay $0x4  }
0x87: {  	v60 =	vshll.u32 v3, $0x3  }
0x88: {  	v3 =	vand.u32 $0x7, v3;
	v4 =	vand.u32 $0xFFFFFFC0, v60  }
0x89: {  	v3 =	vor.u32 v3, v4  }
0x8a: {  	v4 =	vperm.xlane v3, v0;
	_ =	sdelay $0x1  }
0x8b: {  	v4 =	vadd.s32 v1, v4;
	_ =	sdelay $0x3  }
0x8c: {  	s0 =	simm.s32 $0x200  }
0x8d: {  	[hbm4b:s5+s3] =	stream.indirect_vreg.scatter [tilespmem:s0], [sflag:$0x2], $0x80, v4, vm0, $0xb8;
	[tilespmem:$0x10200] =	vst v63  }
0x8e: {  	v3 =	vperm.xlane v3, v2  }
0x8f: {  	[hbm4b:s6+s3] =	stream.indirect_vreg.scatter [tilespmem:s4], [sflag:$0x2], $0x80, v4, vm0, $0xb8;
	[tilespmem:$0x10200] =	vst v63  }
0x90: {  	v3 =	vadd.s32 v1, v3  }
0x91: {  	[hbm4b:s7+s3] =	stream.indirect_vreg.scatter [tilespmem:s13], [sflag:$0x2], $0x80, v4, vm0, $0xb8;
	[tilespmem:$0x10200] =	vst v63  }
0x92: {  	_ = 	snop  }
0x93: {  	[hbm4b:s8+s3] =	stream.indirect_vreg.scatter [tilespmem:s18], [sflag:$0x2], $0x80, v4, vm0, $0xb8;
	[tilespmem:$0x10200] =	vst v63  }
0x94: {  	_ = 	snop  }
0x95: {  	[hbm4b:s5+s3] =	stream.indirect_vreg.scatter [tilespmem:s20], [sflag:$0x2], $0x80, v3, vm0, $0xb8;
	[tilespmem:$0x10200] =	vst v63  }
0x96: {  	_ = 	snop  }
0x97: {  	[hbm4b:s6+s3] =	stream.indirect_vreg.scatter [tilespmem:s21], [sflag:$0x2], $0x80, v3, vm0, $0xb8;
	[tilespmem:$0x10200] =	vst v63  }
0x98: {  	_ = 	snop  }
0x99: {  	[hbm4b:s7+s3] =	stream.indirect_vreg.scatter [tilespmem:s22], [sflag:$0x2], $0x80, v3, vm0, $0xb8;
	[tilespmem:$0x10200] =	vst v63  }
0x9a: {  	_ = 	snop  }
0x9b: {  	[hbm4b:s8+s3] =	stream.indirect_vreg.scatter [tilespmem:s23], [sflag:$0x2], $0x80, v3, vm0, $0xb8;
	[tilespmem:$0x10200] =	vst v63  }
0x9c: {  	v3 =	vld [tilespmem:$0x90];
	_ =	sdelay $0x4  }
0x9d: {  	v61 =	vshll.u32 v3, $0x3  }
0x9e: {  	v3 =	vand.u32 $0x7, v3;
	v4 =	vand.u32 $0xFFFFFFC0, v61  }
0x9f: {  	v3 =	vor.u32 v3, v4  }
0xa0: {  	v4 =	vperm.xlane v3, v0;
	_ =	sdelay $0x1  }
0xa1: {  	v4 =	vadd.s32 v1, v4;
	_ =	sdelay $0x4  }
0xa2: {  	[hbm4b:s5+s3] =	stream.indirect_vreg.scatter [tilespmem:s24], [sflag:$0x2], $0x80, v4, vm0, $0xb8;
	[tilespmem:$0x10200] =	vst v63  }
0xa3: {  	v3 =	vperm.xlane v3, v2  }
0xa4: {  	[hbm4b:s6+s3] =	stream.indirect_vreg.scatter [tilespmem:s25], [sflag:$0x2], $0x80, v4, vm0, $0xb8;
	[tilespmem:$0x10200] =	vst v63  }
0xa5: {  	v3 =	vadd.s32 v1, v3  }
0xa6: {  	[hbm4b:s7+s3] =	stream.indirect_vreg.scatter [tilespmem:s26], [sflag:$0x2], $0x80, v4, vm0, $0xb8;
	[tilespmem:$0x10200] =	vst v63  }
0xa7: {  	_ = 	snop  }
0xa8: {  	[hbm4b:s8+s3] =	stream.indirect_vreg.scatter [tilespmem:s28], [sflag:$0x2], $0x80, v4, vm0, $0xb8;
	[tilespmem:$0x10200] =	vst v63  }
0xa9: {  	_ = 	snop  }
0xaa: {  	[hbm4b:s5+s3] =	stream.indirect_vreg.scatter [tilespmem:s29], [sflag:$0x2], $0x80, v3, vm0, $0xb8;
	[tilespmem:$0x10200] =	vst v63  }
0xab: {  	_ = 	snop  }
0xac: {  	[hbm4b:s6+s3] =	stream.indirect_vreg.scatter [tilespmem:s30], [sflag:$0x2], $0x80, v3, vm0, $0xb8;
	[tilespmem:$0x10200] =	vst v63  }
0xad: {  	_ = 	snop  }
0xae: {  	[hbm4b:s7+s3] =	stream.indirect_vreg.scatter [tilespmem:s31], [sflag:$0x2], $0x80, v3, vm0, $0xb8;
	[tilespmem:$0x10200] =	vst v63  }
0xaf: {  	_ = 	snop  }
0xb0: {  	[hbm4b:s8+s3] =	stream.indirect_vreg.scatter [tilespmem:s1], [sflag:$0x2], $0x80, v3, vm0, $0xb8;
	[tilespmem:$0x10200] =	vst v63  }
0xb1: {  	v3 =	vld [tilespmem:$0xA0];
	_ =	sdelay $0x4  }
0xb2: {  	v62 =	vshll.u32 v3, $0x3  }
0xb3: {  	v3 =	vand.u32 $0x7, v3;
	v4 =	vand.u32 $0xFFFFFFC0, v62  }
0xb4: {  	v3 =	vor.u32 v3, v4  }
0xb5: {  	v4 =	vperm.xlane v3, v0;
	_ =	sdelay $0x1  }
0xb6: {  	v4 =	vadd.s32 v1, v4;
	_ =	sdelay $0x4  }
0xb7: {  	[hbm4b:s5+s3] =	stream.indirect_vreg.scatter [tilespmem:s10], [sflag:$0x2], $0x80, v4, vm0, $0xb8;
	[tilespmem:$0x10200] =	vst v63  }
0xb8: {  	v3 =	vperm.xlane v3, v2  }
0xb9: {  	[hbm4b:s6+s3] =	stream.indirect_vreg.scatter [tilespmem:s15], [sflag:$0x2], $0x80, v4, vm0, $0xb8;
	[tilespmem:$0x10200] =	vst v63  }
0xba: {  	v3 =	vadd.s32 v1, v3  }
0xbb: {  	[hbm4b:s7+s3] =	stream.indirect_vreg.scatter [tilespmem:s16], [sflag:$0x2], $0x80, v4, vm0, $0xb8;
	[tilespmem:$0x10200] =	vst v63  }
0xbc: {  	_ = 	snop  }
0xbd: {  	[hbm4b:s8+s3] =	stream.indirect_vreg.scatter [tilespmem:s17], [sflag:$0x2], $0x80, v4, vm0, $0xb8;
	[tilespmem:$0x10200] =	vst v63  }
0xbe: {  	_ = 	snop  }
0xbf: {  	[hbm4b:s5+s3] =	stream.indirect_vreg.scatter [tilespmem:s19], [sflag:$0x2], $0x80, v3, vm0, $0xb8;
	[tilespmem:$0x10200] =	vst v63  }
0xc0: {  	s4 =	simm.s32 $0xAA00  }
0xc1: {  	[hbm4b:s6+s3] =	stream.indirect_vreg.scatter [tilespmem:s4], [sflag:$0x2], $0x80, v3, vm0, $0xb8;
	[tilespmem:$0x10200] =	vst v63  }
0xc2: {  	_ = 	snop  }
0xc3: {  	[hbm4b:s7+s3] =	stream.indirect_vreg.scatter [tilespmem:s2], [sflag:$0x2], $0x80, v3, vm0, $0xb8;
	[tilespmem:$0x10200] =	vst v63  }
0xc4: {  	_ = 	snop  }
0xc5: {  	[hbm4b:s8+s3] =	stream.indirect_vreg.scatter [tilespmem:s11], [sflag:$0x2], $0x80, v3, vm0, $0xb8;
	[tilespmem:$0x10200] =	vst v63  }
0xc6: {  	v3 =	vld [tilespmem:$0xB0];
	_ =	sdelay $0x4  }
0xc7: {  	v63 =	vshll.u32 v3, $0x3  }
0xc8: {  	v3 =	vand.u32 $0x7, v3;
	v4 =	vand.u32 $0xFFFFFFC0, v63  }
0xc9: {  	v3 =	vor.u32 v3, v4  }
0xca: {  	v4 =	vperm.xlane v3, v0;
	_ =	sdelay $0x1  }
0xcb: {  	v4 =	vadd.s32 v1, v4;
	_ =	sdelay $0x4  }
0xcc: {  	[hbm4b:s5+s3] =	stream.indirect_vreg.scatter [tilespmem:s12], [sflag:$0x2], $0x80, v4, vm0, $0xb8;
	[tilespmem:$0x10200] =	vst v63  }
0xcd: {  	v3 =	vperm.xlane v3, v2  }
0xce: {  	[hbm4b:s6+s3] =	stream.indirect_vreg.scatter [tilespmem:s14], [sflag:$0x2], $0x80, v4, vm0, $0xb8;
	[tilespmem:$0x10200] =	vst v63  }
0xcf: {  	s13 =	simm.s32 $0xD200;
	v3 =	vadd.s32 v1, v3  }
0xd0: {  	[hbm4b:s7+s3] =	stream.indirect_vreg.scatter [tilespmem:s13], [sflag:$0x2], $0x80, v4, vm0, $0xb8;
	[tilespmem:$0x10200] =	vst v63  }
0xd1: {  	s18 =	simm.s32 $0xDA00  }
0xd2: {  	[hbm4b:s8+s3] =	stream.indirect_vreg.scatter [tilespmem:s18], [sflag:$0x2], $0x80, v4, vm0, $0xb8;
	[tilespmem:$0x10200] =	vst v63  }
0xd3: {  	s20 =	simm.s32 $0xE200  }
0xd4: {  	[hbm4b:s5+s3] =	stream.indirect_vreg.scatter [tilespmem:s20], [sflag:$0x2], $0x80, v3, vm0, $0xb8;
	[tilespmem:$0x10200] =	vst v63  }
0xd5: {  	s21 =	simm.s32 $0xEA00  }
0xd6: {  	[hbm4b:s6+s3] =	stream.indirect_vreg.scatter [tilespmem:s21], [sflag:$0x2], $0x80, v3, vm0, $0xb8;
	[tilespmem:$0x10200] =	vst v63  }
0xd7: {  	s0 =	simm.s32 $0xF200  }
0xd8: {  	[hbm4b:s7+s3] =	stream.indirect_vreg.scatter [tilespmem:s0], [sflag:$0x2], $0x80, v3, vm0, $0xb8;
	[tilespmem:$0x10200] =	vst v63  }
0xd9: {  	s4 =	simm.s32 $0xFA00;
	s13 =	simm.s32 $0x1  }
0xda: {  	[hbm4b:s8+s3] =	stream.indirect_vreg.scatter [tilespmem:s4], [sflag:$0x2], $0x80, v3, vm0, $0xb8;
	[tilespmem:$0x10200] =	vst v63  }
0xdb: {  	_ =	swait.ge [sflag:s13], $0x10000  }
0xdc: {  	[sflag:s13] =	ssyncset.done $0x0  }
0xdd: {  	s18 =	simm.s32 $0x2;
	[sflag:s13] =	ssyncadd.s32 $0xFFFF0000  }
0xde: {  	_ =	swait.ge [sflag:s18], $0x10000  }
0xdf: {  	[sflag:s18] =	ssyncset.done $0x0  }
0xe0: {  	s20 =	simm.s32 $0x3;
	[sflag:s18] =	ssyncadd.s32 $0xFFFF0000  }
0xe1: {  	p0 =	sne.s32 s9, $0x1;
	_ =	swait.ge [sflag:s20], $0x40  }
.Ltmp0:
0xe2: {  	[sflag:s20] =	ssyncset.done $0x0;
	(pc) =	sbr.rel @p0 .LBB2_1-.Ltmp0, $4  }
0xe3: {  	s21 =	simm.s32 $0x4;
	[sflag:s20] =	ssyncadd.s32 $0xFFFFFFC0  }
0xe4: {  	_ =	swait.ge [sflag:s21], $0x40  }
0xe5: {  	[sflag:s21] =	ssyncset.done $0x0  }
0xe6: {  	s9 =	sadd.s32 $0xFFFFFFFF, s9;
	[sflag:s21] =	ssyncadd.s32 $0xFFFFFFC0  }
0xe7: {  	_ =	sfence.sel $0x180000  }
0xe8: {  	[bflag:$0x0] =	sbarrier.arrive $0xFFFF  }
0xe9: {  	_ =	strace $0x90000047  }
0xea: {  	s0 =	stileid.u32;
	[bflag:$0x2] =	sbarrier.arrive $0xFFFF  }
0xeb: {  	p0 =	sne.s32 s0, $0x0;
	s0 =	rddreg [dreg:$0x3]  }
0xec: {  	s0 =	sadd.s32 @!p0 $0x100000, s0  }
0xed: {  	[sflag:s0] =	ssyncadd.tile.s32 @!p0 $0x1;
	_ =	shalt  }
.Lfunc_end2:
_tile_overlayer_lowered:
.L_overlay_start_2:
0xee: {  	(tag) =	ssettag $0x2  }
0xef: {  	s0 =	rddreg [dreg:$0x0];
	s2 =	stileid.u32  }
0xf0: {  	s1 =	rddreg [dreg:$0x1];
	p0 =	sne.s32 s2, $0x0  }
0xf1: {  	s3 =	rddreg [dreg:$0x2];
	[bflag:$0x3] =	sbarrier.arrive $0xFFFF;
	s2 =	simm.s32 @!p0 $0x1C0A  }
0xf2: {  	[timem:s3], [sflag:s2] =	dma.local @!p0 [hbm:s0], s1  }
0xf3: {  	s0 =	simm.s32 @!p0 $0xA  }
0xf4: {  	_ =	swait.ge @!p0 [sflag:s0], s1  }
0xf5: {  	s1 =	ssub.s32 @!p0 $0x0, s1;
	[sflag:s0] =	ssyncset.done @!p0 $0x0  }
0xf6: {  	[sflag:s0] =	ssyncadd.s32 @!p0 s1  }
0xf7: {  	[bflag:$0x3] =	sbarrier.arrive $0xFFFF  }
0xf8: {  	_ =	shalt  }

// kernel: kernel.9.cloned.1.call-start
scs
__scs_entry_jumppad:
0x0: {  	(pc) =	sbr.rel $0x88, $3  }
0x1: {  	(tag) =	ssettag $0x0;
	lr =	simm.s32 $0x1  }
0x2: {  	[smem:$0x3F9D] =	sst lr;
	_ =	strace $0xD0000000  }
0x3: {  	_ = 	snop  }
0x4: {  	_ = 	snop  }
0x5: {  	_ = 	snop  }
0x6: {  	_ = 	snop  }
0x7: {  	_ = 	snop  }
__scs_overlays_trampoline_lowered:
0x8: {  	[smem:$0x3FAC] =	sst s0  }
0x9: {  	[smem:$0x3FAD] =	sst s1  }
0xa: {  	[smem:$0x3FAE] =	sst s2  }
0xb: {  	[smem:$0x3FAF] =	sst s3  }
0xc: {  	[smem:$0x3FB0] =	sst s4  }
0xd: {  	[smem:$0x3FB1] =	sst s5  }
0xe: {  	[smem:$0x3FB2] =	sst s6  }
0xf: {  	[smem:$0x3FB3] =	sst s7  }
0x10: {  	[smem:$0x3FB4] =	sst s8  }
0x11: {  	[smem:$0x3FB5] =	sst s9;
	s0 =	simm.s32 @!p0 $0x0  }
0x12: {  	s1 =	sld [smem:$0x3F9B];
	s0 =	simm.s32 @p0 $0x1  }
0x13: {  	[smem:$0x3FB6] =	sst s0;
	s0 =	simm.s32 @!p1 $0x0  }
0x14: {  	s2 =	sld [smem:$0x3F9A];
	s0 =	simm.s32 @p1 $0x1  }
0x15: {  	[smem:$0x3FB7] =	sst s0;
	s0 =	simm.s32 @!p2 $0x0  }
0x16: {  	s3 =	sld [smem:$0x3FDB];
	s0 =	simm.s32 @p2 $0x1  }
0x17: {  	s4 =	simm.s32 $0x1BF5;
	[smem:$0x3FB9] =	sst s0  }
0x18: {  	s0 =	sld [smem:$0x3F9C];
	_ =	swait.ge [sflag:s4], $0x0  }
0x19: {  	s7 =	sld [smem:$0x3F9D]  }
0x1a: {  	s8 =	sadd.s32 $0xFFFFE003, lr  }
0x1b: {  	s9 =	sadd.s32 $0xFFFFFEF7, lr;
	s5 =	simm.s32 $0xFFFFFFFF;
	p2 =	slt.u32 s8, $0xFFFFF086  }
0x1c: {  	p1 =	slt.u32 s9, $0xF7A;
	s5 =	simm.s32 @!p2 $0x0  }
0x1d: {  	s5 =	simm.s32 @p1 $0x1;
	p0 =	seq.s32 s7, s2  }
0x1e: {  	s7 =	smul.u32 @!p0 $0xF7A, s2;
	p2 =	seq.s32 @!p0 s5, $0x0  }
0x1f: {  	s9 =	smul.u32 $0xF7A, s1;
	s8 =	simm.s32 @!p0 $0x1BF5;
	p2 =	por !p2, p0  }
0x20: {  	[sflag:s8] =	ssyncset.s32 @!p0 $0xFFFFF086;
	s6 =	sadd.s32 @!p0 s3, s7;
	s7 =	simm.s32 @!p0 $0x108  }
0x21: {  	s3 =	sadd.s32 s3, s9;
	s6 =	sadd.s32 @!p0 $0x88, s6;
	s7 =	simm.s32 @p2 $0x1082  }
0x22: {  	[simem:s7], [sflag:s8] =	dma.local @!p0 [hbm:s6], $0xF7A  }
0x23: {  	s9 =	sor.u32 $0xD0000000, s2;
	s6 =	simm.s32 $0x108;
	_ =	swait.ge @!p0 [sflag:s8], $0x0  }
0x24: {  	s3 =	sadd.s32 $0x88, s3;
	s6 =	simm.s32 @!p1 $0x1082;
	[sflag:s4] =	ssyncset.s32 $0xFFFFF086  }
0x25: {  	[simem:s6], [sflag:s4] =	dma.local [hbm:s3], $0xF7A  }
0x26: {  	[smem:$0x3F9D] =	sst s1;
	(tag) =	ssettag s2;
	_ =	strace s9  }
0x27: {  	s1 =	sld [smem:$0x3FAD]  }
0x28: {  	s2 =	sld [smem:$0x3FAE]  }
0x29: {  	s4 =	sld [smem:$0x3FB0]  }
0x2a: {  	p0 =	seq.s32 s5, $0x0;
	s5 =	sld [smem:$0x3FB1]  }
0x2b: {  	s6 =	sld [smem:$0x3FB2]  }
0x2c: {  	s7 =	sld [smem:$0x3FB3]  }
0x2d: {  	s3 =	simm.s32 $0x108;
	s8 =	sld [smem:$0x3FB4]  }
0x2e: {  	s3 =	simm.s32 @!p0 $0x1082;
	s9 =	sld [smem:$0x3FB5]  }
0x2f: {  	lr =	sadd.s32 s0, s3;
	s0 =	sld [smem:$0x3FAC]  }
0x30: {  	s3 =	sld [smem:$0x3FAF]  }
0x31: {  	[smem:$0x3FB8] =	sst s10  }
0x32: {  	s10 =	sld [smem:$0x3FB6];
	_ =	sdelay $0x3  }
0x33: {  	p0 =	seq.s32 s10, $0x1;
	s10 =	sld [smem:$0x3FB8];
	_ =	sdelay $0x3  }
0x34: {  	[smem:$0x3FB8] =	sst s10  }
0x35: {  	s10 =	sld [smem:$0x3FB7];
	_ =	sdelay $0x3  }
0x36: {  	p1 =	seq.s32 s10, $0x1;
	s10 =	sld [smem:$0x3FB8];
	_ =	sdelay $0x3  }
0x37: {  	[smem:$0x3FB8] =	sst s10  }
0x38: {  	s10 =	sld [smem:$0x3FB9]  }
0x39: {  	_ = 	snop;
	(pc) =	sbr.ind lr, $3  }
0x3a: {  	_ = 	snop  }
0x3b: {  	_ = 	snop  }
0x3c: {  	p2 =	seq.s32 s10, $0x1;
	s10 =	sld [smem:$0x3FB8]  }
0x3d: {  	_ =	shalt  }
0x3e: {  	_ =	shalt  }
0x3f: {  	_ =	shalt  }
0x40: {  	_ =	shalt  }
0x41: {  	_ =	shalt  }
0x42: {  	_ =	shalt  }
0x43: {  	_ =	shalt  }
0x44: {  	_ =	shalt  }
0x45: {  	_ =	shalt  }
0x46: {  	_ =	shalt  }
0x47: {  	_ =	shalt  }
0x48: {  	_ =	shalt  }
0x49: {  	_ =	shalt  }
0x4a: {  	_ =	shalt  }
0x4b: {  	_ =	shalt  }
0x4c: {  	_ =	shalt  }
0x4d: {  	_ =	shalt  }
0x4e: {  	_ =	shalt  }
0x4f: {  	_ =	shalt  }
0x50: {  	_ =	shalt  }
0x51: {  	_ =	shalt  }
0x52: {  	_ =	shalt  }
0x53: {  	_ =	shalt  }
0x54: {  	_ =	shalt  }
0x55: {  	_ =	shalt  }
0x56: {  	_ =	shalt  }
0x57: {  	_ =	shalt  }
0x58: {  	_ =	shalt  }
0x59: {  	_ =	shalt  }
0x5a: {  	_ =	shalt  }
0x5b: {  	_ =	shalt  }
0x5c: {  	_ =	shalt  }
0x5d: {  	_ =	shalt  }
0x5e: {  	_ =	shalt  }
0x5f: {  	_ =	shalt  }
0x60: {  	_ =	shalt  }
0x61: {  	_ =	shalt  }
0x62: {  	_ =	shalt  }
0x63: {  	_ =	shalt  }
0x64: {  	_ =	shalt  }
0x65: {  	_ =	shalt  }
0x66: {  	_ =	shalt  }
0x67: {  	_ =	shalt  }
0x68: {  	_ =	shalt  }
0x69: {  	_ =	shalt  }
0x6a: {  	_ =	shalt  }
0x6b: {  	_ =	shalt  }
0x6c: {  	_ =	shalt  }
0x6d: {  	_ =	shalt  }
0x6e: {  	_ =	shalt  }
0x6f: {  	_ =	shalt  }
0x70: {  	_ =	shalt  }
0x71: {  	_ =	shalt  }
0x72: {  	_ =	shalt  }
0x73: {  	_ =	shalt  }
0x74: {  	_ =	shalt  }
0x75: {  	_ =	shalt  }
0x76: {  	_ =	shalt  }
0x77: {  	_ =	shalt  }
0x78: {  	_ =	shalt  }
0x79: {  	_ =	shalt  }
0x7a: {  	_ =	shalt  }
0x7b: {  	_ =	shalt  }
0x7c: {  	_ =	shalt  }
0x7d: {  	_ =	shalt  }
0x7e: {  	_ =	shalt  }
0x7f: {  	_ =	shalt  }
0x80: {  	_ =	shalt  }
0x81: {  	_ =	shalt  }
0x82: {  	_ =	shalt  }
0x83: {  	_ =	shalt  }
0x84: {  	_ =	shalt  }
0x85: {  	_ =	shalt  }
0x86: {  	_ =	shalt  }
0x87: {  	_ =	shalt  }
.Lfunc_end0:
.L_simem_size_0:
called_computation.1_lowered:
.L_overlay_start_0:
0x88: {  	s2 =	sld [smem:$0x3FD9]  }
0x89: {  	s3 =	sld [smem:$0x3FFE];
	_ =	sdelay $0x1  }
0x8a: {  	s1 =	srdreg.scid  }
0x8b: {  	s0 =	sand.u32 $0x1, s1  }
0x8c: {  	s17 =	sshll.u32 s0, $0xA;
	s2 =	sadd.s32 s3, s2  }
0x8d: {  	s2 =	sadd.s32 s2, s17  }
0x8e: {  	[smem:$0x3FC4] =	sst s2  }
0x8f: {  	_ = 	snop  }
0x90: {  	s2 =	sld [smem:$0x3FD0];
	(tm) =	ssettm $0x1  }
0x91: {  	s18 =	sld [smem:$0x3FFB];
	_ =	sdelay $0x3  }
0x92: {  	_ =	strace s18  }
0x93: {  	s3 =	sld [smem:$0x3FFC];
	_ =	sdelay $0x3  }
0x94: {  	_ =	strace s3  }
0x95: {  	s3 =	sld [smem:$0x3FFD];
	_ =	sdelay $0x3  }
0x96: {  	_ =	strace s3  }
0x97: {  	_ =	strace $0x8FFFFFFF  }
0x98: {  	s19 =	sld [smem:$0x3FDB];
	_ =	sdelay $0x1  }
0x99: {  	s4 =	simm.s32 $_scs_section_size  }
0x9a: {  	s5 =	simm.s32 $_size__tile_overlayer_lowered;
	s6 =	simm.s32 $_tile_overlayer_lowered  }
0x9b: {  	s22 =	simm.s32 $0x1BFF;
	s21 =	sshll.u32 s6, $0x1;
	s3 =	sadd.s32 s4, s19  }
0x9c: {  	s7 =	simm.s32 $0x0;
	s20 =	sshll.u32 s5, $0x1;
	s5 =	sadd.s32 s21, s3  }
0x9d: {  	[timem:s7], [sflag:s22] =	dma.local [hbm:s5], s20  }
0x9e: {  	_ =	swait.ge [sflag:s22], s20  }
0x9f: {  	s4 =	ssub.s32 $0x0, s20;
	[sflag:s22] =	ssyncset.done $0x0  }
0xa0: {  	[sflag:s22] =	ssyncadd.s32 s4;
	_ =	sdelay $0x1  }
0xa1: {  	s23 =	simm.s32 $0x1B8B  }
0xa2: {  	_ =	swait.ge [sflag:s23], $0x1  }
0xa3: {  	[sflag:s23] =	ssyncset.done $0x0  }
0xa4: {  	s25 =	simm.s32 $0x1B8E;
	s24 =	sld [smem:$0x3FFE];
	[sflag:s23] =	ssyncadd.s32 $0xFFFFFFFF  }
0xa5: {  	s26 =	simm.s32 $execute0_lowered;
	[smem:$0x3FD2] =	sst s25  }
0xa6: {  	s5 =	sshll.u32 s26, $0x1;
	_ =	strace $0x80000049;
	[dreg:$0x1] =	wrdreg $0xFFFFFFFF  }
0xa7: {  	s28 =	simm.s32 $_size_execute0_lowered;
	s3 =	sadd.s32 s3, s5;
	[dreg:$0x0] =	wrdreg $0x0  }
0xa8: {  	s5 =	sshll.u32 s28, $0x1;
	[dreg:$0x2] =	wrdreg s3  }
0xa9: {  	[dreg:$0x3] =	wrdreg s5  }
0xaa: {  	[dreg:$0x4] =	wrdreg $0xC0  }
0xab: {  	_ =	task [dreg:s7], $0x5FFFF  }
0xac: {  	[dreg:$0x1] =	wrdreg $0xFFFFFFFF  }
0xad: {  	[dreg:$0x0] =	wrdreg $0x60  }
0xae: {  	[dreg:$0x2] =	wrdreg s24  }
0xaf: {  	[dreg:$0x3] =	wrdreg s2  }
0xb0: {  	[dreg:$0x4] =	wrdreg $0x9  }
0xb1: {  	_ =	task.clear_ibuf [dreg:s7], $0x5FFFF;
	_ =	strace $0x90000049  }
0xb2: {  	s29 =	simm.s32 $0x9;
	_ =	strace $0x8000004B  }
0xb3: {  	_ =	swait.ge [sflag:s29], $0x1  }
0xb4: {  	[sflag:s29] =	ssyncadd.s32 $0xFFFFFFFF  }
0xb5: {  	_ =	strace $0x9000004B  }
0xb6: {  	_ =	sfence  }
0xb7: {  	s30 =	sld [smem:$0x0];
	_ =	sdelay $0x2  }
0xb8: {  	s31 =	sshll.u32 s1, $0xD;
	s1 =	sshrl.u32 s1, $0x2  }
0xb9: {  	s3 =	sand.u32 $0x4000, s31;
	s1 =	sadd.s32 s1, s30  }
0xba: {  	s0 =	sor.u32 s3, s0;
	s1 =	sshll.u32 s1, $0x11  }
0xbb: {  	s0 =	sor.u32 s1, s0  }
0xbc: {  	s0 =	sadd.s32 $0x8F2B, s0  }
0xbd: {  	[sflag:s0] =	ssyncadd.remote.s32 $0x1  }
0xbe: {  	_ =	sfence.sel $0xFFFF  }
0xbf: {  	[dreg:$0x0] =	wrdreg $0xFFFFFFFF;
	(pc) =	sbr.abs _section_cstart, $3  }
0xc0: {  	[dreg:$0x1] =	wrdreg $0xFFFFFFFF  }
0xc1: {  	_ =	task.clear_ibuf [dreg:s7], $0x2FFFF;
	_ =	strace $0x9FFFFFFF  }
0xc2: {  	(tm) =	ssettm $0x7FFFFFFF  }
0xc3: {  	_ =	shalt  }
tec
execute0_lowered:
.L_overlay_start_1:
0x0: {  	(tag) =	ssettag $0x1  }
0x1: {  	s0 =	rddreg [dreg:$0x0]  }
0x2: {  	s1 =	rddreg [dreg:$0x1]  }
0x3: {  	s2 =	srdreg.scid;
	s4 =	stileid.u32  }
0x4: {  	s15 =	simm.s32 $0x5;
	s16 =	simm.s32 $0x6;
	s17 =	simm.s32 $0x100  }
0x5: {  	s14 =	simm.s32 $0x1;
	s18 =	simm.s32 $0x3;
	s19 =	simm.s32 $0x4100  }
0x6: {  	s28 =	simm.s32 $0xC900;
	s29 =	simm.s32 $0xD100;
	s30 =	simm.s32 $0xD900  }
0x7: {  	s31 =	simm.s32 $0xE100;
	s11 =	simm.s32 $0x2;
	s12 =	simm.s32 $0x4  }
0x8: {  	s13 =	simm.s32 $0x0;
	s3 =	sand.u32 $0x1, s2;
	s2 =	simm.s32 $0x0  }
0x9: {  	s4 =	sshll.u32 s4, $0x7;
	s9 =	sadd.s32 $0xA6D00, s0;
	s5 =	sshll.u32 s3, $0x6  }
0xa: {  	[smem:$0x7FF] =	sst s2;
	s6 =	ssub.s32 $0x2, s3;
	s3 =	sadd.s32 $0xA6A00, s0  }
0xb: {  	s5 =	sor.u32 s5, s4;
	_ =	strace $0x8000004A;
	s7 =	sshrl.u32 s6, $0x1  }
0xc: {  	s4 =	sshrl.u32 s5, $0x3;
	s10 =	ssub.s32 s6, s7;
	s5 =	sshll.u32 s5, $0x7  }
0xd: {  	s6 =	sadd.s32 $0xA6B00, s0;
	s4 =	sadd.s32 s0, s4;
	s26 =	smax.u32 s10, $0x1  }
0xe: {  	s8 =	sadd.s32 s1, s5;
	s22 =	sadd.s32 $0x600, s4;
	[dreg:$0x7] =	wrdreg s26  }
0xf: {  	s7 =	sadd.s32 $0xA6C00, s0;
	s23 =	sadd.s32 $0x800, s8;
	[dreg:$0x3] =	wrdreg s22  }
0x10: {  	v2 =	vlaneseq.u32;
	s0 =	simm.s32 $0xE900;
	s24 =	sadd.s32 $0x1000, s8;
	[dreg:$0x4] =	wrdreg s23  }
0x11: {  	vm0 =	vmmov $0xffff;
	v1 =	vshrl.u32 v2, $0x3;
	s10 =	simm.s32 $0xF100;
	s25 =	sadd.s32 $0x1800, s8;
	[dreg:$0x5] =	wrdreg s24  }
0x12: {  	v0 =	vand.u32 $0x7, v2;
	v2 =	vor.u32 $0x8, v2;
	v1 =	vmul.u32 $0x8, v1;
	s1 =	simm.s32 $0xF900;
	s26 =	simm.s32 $0xC100;
	[dreg:$0x6] =	wrdreg s25  }
.LBB2_1:
0x13: {  	[tilespmem:s2], [sflag:$0x5] =	stream.linear.gather [hbm4b:s4+s2], $0x40, $0x38;
	[tilespmem:$0x10100] =	vst v63  }
0x14: {  	s5 =	rddreg [dreg:$0x3];
	s20 =	simm.s32 $0x80  }
0x15: {  	[tilespmem:s20], [sflag:$0x6] =	stream.linear.gather [hbm4b:s5+s2], $0x40, $0x38;
	[tilespmem:$0x10100] =	vst v63  }
0x16: {  	_ =	swait.ge [sflag:s15], $0x40  }
0x17: {  	[sflag:s15] =	ssyncset.done $0x0  }
0x18: {  	[sflag:s15] =	ssyncadd.s32 $0xFFFFFFC0  }
0x19: {  	_ =	swait.ge [sflag:s16], $0x40  }
0x1a: {  	[sflag:s16] =	ssyncset.done $0x0  }
0x1b: {  	[sflag:s16] =	ssyncadd.s32 $0xFFFFFFC0  }
0x1c: {  	v3 =	vld [tilespmem:$0x0];
	_ =	sdelay $0x4  }
0x1d: {  	v4 =	vshll.u32 v3, $0x3  }
0x1e: {  	v3 =	vand.u32 $0x7, v3;
	v4 =	vand.u32 $0xFFFFFFC0, v4  }
0x1f: {  	v3 =	vor.u32 v3, v4  }
0x20: {  	v4 =	vperm.xlane v3, v0;
	_ =	sdelay $0x1  }
0x21: {  	v4 =	vadd.s32 v1, v4;
	_ =	sdelay $0x4  }
0x22: {  	[tilespmem:s17], [sflag:$0x1] =	stream.indirect_vreg.gather [hbm4b:s3+s2], $0x80, v4, vm0, $0xb8;
	[tilespmem:$0x10100] =	vst v63  }
0x23: {  	s22 =	simm.s32 $0x900;
	v3 =	vperm.xlane v3, v2  }
0x24: {  	[tilespmem:s22], [sflag:$0x1] =	stream.indirect_vreg.gather [hbm4b:s6+s2], $0x80, v4, vm0, $0xb8;
	[tilespmem:$0x10100] =	vst v63  }
0x25: {  	s23 =	simm.s32 $0x1100;
	v3 =	vadd.s32 v1, v3  }
0x26: {  	[tilespmem:s23], [sflag:$0x1] =	stream.indirect_vreg.gather [hbm4b:s7+s2], $0x80, v4, vm0, $0xb8;
	[tilespmem:$0x10100] =	vst v63  }
0x27: {  	s24 =	simm.s32 $0x1900  }
0x28: {  	[tilespmem:s24], [sflag:$0x1] =	stream.indirect_vreg.gather [hbm4b:s9+s2], $0x80, v4, vm0, $0xb8;
	[tilespmem:$0x10100] =	vst v63  }
0x29: {  	s25 =	simm.s32 $0x2100  }
0x2a: {  	[tilespmem:s25], [sflag:$0x1] =	stream.indirect_vreg.gather [hbm4b:s3+s2], $0x80, v3, vm0, $0xb8;
	[tilespmem:$0x10100] =	vst v63  }
0x2b: {  	s20 =	simm.s32 $0x2900  }
0x2c: {  	[tilespmem:s20], [sflag:$0x1] =	stream.indirect_vreg.gather [hbm4b:s6+s2], $0x80, v3, vm0, $0xb8;
	[tilespmem:$0x10100] =	vst v63  }
0x2d: {  	s21 =	simm.s32 $0x3100  }
0x2e: {  	[tilespmem:s21], [sflag:$0x1] =	stream.indirect_vreg.gather [hbm4b:s7+s2], $0x80, v3, vm0, $0xb8;
	[tilespmem:$0x10100] =	vst v63  }
0x2f: {  	s22 =	simm.s32 $0x3900  }
0x30: {  	[tilespmem:s22], [sflag:$0x1] =	stream.indirect_vreg.gather [hbm4b:s9+s2], $0x80, v3, vm0, $0xb8;
	[tilespmem:$0x10100] =	vst v63  }
0x31: {  	v3 =	vld [tilespmem:$0x80];
	_ =	sdelay $0x4  }
0x32: {  	v61 =	vshll.u32 v3, $0x3  }
0x33: {  	v3 =	vand.u32 $0x7, v3;
	v4 =	vand.u32 $0xFFFFFFC0, v61  }
0x34: {  	v3 =	vor.u32 v3, v4  }
0x35: {  	v4 =	vperm.xlane v3, v0;
	_ =	sdelay $0x1  }
0x36: {  	v4 =	vadd.s32 v1, v4;
	_ =	sdelay $0x3  }
0x37: {  	s23 =	simm.s32 $0x8100  }
0x38: {  	[tilespmem:s23], [sflag:$0x3] =	stream.indirect_vreg.gather [hbm4b:s3+s2], $0x80, v4, vm0, $0xb8;
	[tilespmem:$0x10100] =	vst v63  }
0x39: {  	s24 =	simm.s32 $0x8900;
	v3 =	vperm.xlane v3, v2  }
0x3a: {  	[tilespmem:s24], [sflag:$0x3] =	stream.indirect_vreg.gather [hbm4b:s6+s2], $0x80, v4, vm0, $0xb8;
	[tilespmem:$0x10100] =	vst v63  }
0x3b: {  	s25 =	simm.s32 $0x9100;
	v3 =	vadd.s32 v1, v3  }
0x3c: {  	[tilespmem:s25], [sflag:$0x3] =	stream.indirect_vreg.gather [hbm4b:s7+s2], $0x80, v4, vm0, $0xb8;
	[tilespmem:$0x10100] =	vst v63  }
0x3d: {  	s20 =	simm.s32 $0x9900  }
0x3e: {  	[tilespmem:s20], [sflag:$0x3] =	stream.indirect_vreg.gather [hbm4b:s9+s2], $0x80, v4, vm0, $0xb8;
	[tilespmem:$0x10100] =	vst v63  }
0x3f: {  	s21 =	simm.s32 $0xA100  }
0x40: {  	[tilespmem:s21], [sflag:$0x3] =	stream.indirect_vreg.gather [hbm4b:s3+s2], $0x80, v3, vm0, $0xb8;
	[tilespmem:$0x10100] =	vst v63  }
0x41: {  	s22 =	simm.s32 $0xA900  }
0x42: {  	[tilespmem:s22], [sflag:$0x3] =	stream.indirect_vreg.gather [hbm4b:s6+s2], $0x80, v3, vm0, $0xb8;
	[tilespmem:$0x10100] =	vst v63  }
0x43: {  	s23 =	simm.s32 $0xB100  }
0x44: {  	[tilespmem:s23], [sflag:$0x3] =	stream.indirect_vreg.gather [hbm4b:s7+s2], $0x80, v3, vm0, $0xb8;
	[tilespmem:$0x10100] =	vst v63  }
0x45: {  	s24 =	simm.s32 $0xB900  }
0x46: {  	[tilespmem:s24], [sflag:$0x3] =	stream.indirect_vreg.gather [hbm4b:s9+s2], $0x80, v3, vm0, $0xb8;
	[tilespmem:$0x10100] =	vst v63  }
0x47: {  	_ =	swait.ge [sflag:s14], $0x4000  }
0x48: {  	[sflag:s14] =	ssyncset.done $0x0  }
0x49: {  	[sflag:s14] =	ssyncadd.s32 $0xFFFFC000  }
0x4a: {  	_ =	swait.ge [sflag:s18], $0x4000  }
0x4b: {  	[sflag:s18] =	ssyncset.done $0x0  }
0x4c: {  	[sflag:s18] =	ssyncadd.s32 $0xFFFFC000  }
0x4d: {  	v3 =	vld [tilespmem:$0x10];
	_ =	sdelay $0x4  }
0x4e: {  	v62 =	vshll.u32 v3, $0x3  }
0x4f: {  	v3 =	vand.u32 $0x7, v3;
	v4 =	vand.u32 $0xFFFFFFC0, v62  }
0x50: {  	v3 =	vor.u32 v3, v4  }
0x51: {  	v4 =	vperm.xlane v3, v0;
	_ =	sdelay $0x1  }
0x52: {  	v4 =	vadd.s32 v1, v4;
	_ =	sdelay $0x4  }
0x53: {  	[tilespmem:s19], [sflag:$0x2] =	stream.indirect_vreg.gather [hbm4b:s3+s2], $0x80, v4, vm0, $0xb8;
	[tilespmem:$0x10100] =	vst v63  }
0x54: {  	s25 =	simm.s32 $0x4900;
	v3 =	vperm.xlane v3, v2  }
0x55: {  	[tilespmem:s25], [sflag:$0x2] =	stream.indirect_vreg.gather [hbm4b:s6+s2], $0x80, v4, vm0, $0xb8;
	[tilespmem:$0x10100] =	vst v63  }
0x56: {  	s20 =	simm.s32 $0x5100;
	v3 =	vadd.s32 v1, v3  }
0x57: {  	[tilespmem:s20], [sflag:$0x2] =	stream.indirect_vreg.gather [hbm4b:s7+s2], $0x80, v4, vm0, $0xb8;
	[tilespmem:$0x10100] =	vst v63  }
0x58: {  	s21 =	simm.s32 $0x5900  }
0x59: {  	[tilespmem:s21], [sflag:$0x2] =	stream.indirect_vreg.gather [hbm4b:s9+s2], $0x80, v4, vm0, $0xb8;
	[tilespmem:$0x10100] =	vst v63  }
0x5a: {  	s22 =	simm.s32 $0x6100  }
0x5b: {  	[tilespmem:s22], [sflag:$0x2] =	stream.indirect_vreg.gather [hbm4b:s3+s2], $0x80, v3, vm0, $0xb8;
	[tilespmem:$0x10100] =	vst v63  }
0x5c: {  	s23 =	simm.s32 $0x6900  }
0x5d: {  	[tilespmem:s23], [sflag:$0x2] =	stream.indirect_vreg.gather [hbm4b:s6+s2], $0x80, v3, vm0, $0xb8;
	[tilespmem:$0x10100] =	vst v63  }
0x5e: {  	s24 =	simm.s32 $0x7100  }
0x5f: {  	[tilespmem:s24], [sflag:$0x2] =	stream.indirect_vreg.gather [hbm4b:s7+s2], $0x80, v3, vm0, $0xb8;
	[tilespmem:$0x10100] =	vst v63  }
0x60: {  	s25 =	simm.s32 $0x7900  }
0x61: {  	[tilespmem:s25], [sflag:$0x2] =	stream.indirect_vreg.gather [hbm4b:s9+s2], $0x80, v3, vm0, $0xb8;
	[tilespmem:$0x10100] =	vst v63  }
0x62: {  	v3 =	vld [tilespmem:$0x90];
	_ =	sdelay $0x4  }
0x63: {  	v63 =	vshll.u32 v3, $0x3  }
0x64: {  	v3 =	vand.u32 $0x7, v3;
	v4 =	vand.u32 $0xFFFFFFC0, v63  }
0x65: {  	v3 =	vor.u32 v3, v4  }
0x66: {  	v4 =	vperm.xlane v3, v0;
	_ =	sdelay $0x1  }
0x67: {  	v4 =	vadd.s32 v1, v4;
	_ =	sdelay $0x4  }
0x68: {  	[tilespmem:s26], [sflag:$0x4] =	stream.indirect_vreg.gather [hbm4b:s3+s2], $0x80, v4, vm0, $0xb8;
	[tilespmem:$0x10100] =	vst v63  }
0x69: {  	v3 =	vperm.xlane v3, v2  }
0x6a: {  	[tilespmem:s28], [sflag:$0x4] =	stream.indirect_vreg.gather [hbm4b:s6+s2], $0x80, v4, vm0, $0xb8;
	[tilespmem:$0x10100] =	vst v63  }
0x6b: {  	v3 =	vadd.s32 v1, v3  }
0x6c: {  	[tilespmem:s29], [sflag:$0x4] =	stream.indirect_vreg.gather [hbm4b:s7+s2], $0x80, v4, vm0, $0xb8;
	[tilespmem:$0x10100] =	vst v63  }
0x6d: {  	_ = 	snop  }
0x6e: {  	[tilespmem:s30], [sflag:$0x4] =	stream.indirect_vreg.gather [hbm4b:s9+s2], $0x80, v4, vm0, $0xb8;
	[tilespmem:$0x10100] =	vst v63  }
0x6f: {  	_ = 	snop  }
0x70: {  	[tilespmem:s31], [sflag:$0x4] =	stream.indirect_vreg.gather [hbm4b:s3+s2], $0x80, v3, vm0, $0xb8;
	[tilespmem:$0x10100] =	vst v63  }
0x71: {  	_ = 	snop  }
0x72: {  	[tilespmem:s0], [sflag:$0x4] =	stream.indirect_vreg.gather [hbm4b:s6+s2], $0x80, v3, vm0, $0xb8;
	[tilespmem:$0x10100] =	vst v63  }
0x73: {  	s20 =	simm.s32 $0xFFFFC000  }
0x74: {  	[tilespmem:s10], [sflag:$0x4] =	stream.indirect_vreg.gather [hbm4b:s7+s2], $0x80, v3, vm0, $0xb8;
	[tilespmem:$0x10100] =	vst v63  }
0x75: {  	s21 =	simm.s32 $0x0;
	s22 =	simm.s32 $0x0;
	s23 =	simm.s32 $0x0  }
0x76: {  	[tilespmem:s1], [sflag:$0x4] =	stream.indirect_vreg.gather [hbm4b:s9+s2], $0x80, v3, vm0, $0xb8;
	[tilespmem:$0x10100] =	vst v63  }
.LBB2_2:
0x77: {  	s24 =	sadd.s32 $0x4000, s20  }
0x78: {  	s25 =	sand.u32 $0x380, s23;
	s24 =	sand.u32 $0x2000, s24  }
0x79: {  	s24 =	sor.u32 s25, s24  }
0x7a: {  	v3 =	vld [tilespmem:s24+$0x100]  }
0x7b: {  	v4 =	vld [tilespmem:s24+$0x8100]  }
0x7c: {  	v5 =	vld [tilespmem:s24+$0x110]  }
0x7d: {  	v6 =	vld [tilespmem:s24+$0x8110]  }
0x7e: {  	v7 =	vld [tilespmem:s24+$0x120]  }
0x7f: {  	v8 =	vld [tilespmem:s24+$0x8120]  }
0x80: {  	v9 =	vld [tilespmem:s24+$0x130]  }
0x81: {  	v10 =	vld [tilespmem:s24+$0x8130]  }
0x82: {  	v11 =	vld [tilespmem:s24+$0x140]  }
0x83: {  	v12 =	vld [tilespmem:s24+$0x8140]  }
0x84: {  	v13 =	vld [tilespmem:s24+$0x150]  }
0x85: {  	v14 =	vld [tilespmem:s24+$0x8150]  }
0x86: {  	v15 =	vld [tilespmem:s24+$0x160]  }
0x87: {  	v16 =	vld [tilespmem:s24+$0x8160]  }
0x88: {  	v17 =	vld [tilespmem:s24+$0x170]  }
0x89: {  	v18 =	vld [tilespmem:s24+$0x8170]  }
0x8a: {  	v19 =	vld [tilespmem:s24+$0x500]  }
0x8b: {  	v20 =	vld [tilespmem:s24+$0x8500]  }
0x8c: {  	v21 =	vld [tilespmem:s24+$0x510]  }
0x8d: {  	v22 =	vld [tilespmem:s24+$0x8510]  }
0x8e: {  	v23 =	vld [tilespmem:s24+$0x520]  }
0x8f: {  	v24 =	vld [tilespmem:s24+$0x8520]  }
0x90: {  	v25 =	vld [tilespmem:s24+$0x530]  }
0x91: {  	v26 =	vld [tilespmem:s24+$0x8530]  }
0x92: {  	v27 =	vld [tilespmem:s24+$0x540]  }
0x93: {  	v28 =	vld [tilespmem:s24+$0x8540]  }
0x94: {  	v29 =	vld [tilespmem:s24+$0x550]  }
0x95: {  	v30 =	vld [tilespmem:s24+$0x8550]  }
0x96: {  	v31 =	vld [tilespmem:s24+$0x560]  }
0x97: {  	v32 =	vld [tilespmem:s24+$0x8560]  }
0x98: {  	v33 =	vld [tilespmem:s24+$0x570]  }
0x99: {  	v34 =	vld [tilespmem:s24+$0x8570]  }
0x9a: {  	v35 =	vld [tilespmem:s24+$0x900]  }
0x9b: {  	v36 =	vld [tilespmem:s24+$0x8900]  }
0x9c: {  	v37 =	vld [tilespmem:s24+$0x910]  }
0x9d: {  	v38 =	vld [tilespmem:s24+$0x8910]  }
0x9e: {  	v39 =	vld [tilespmem:s24+$0x920]  }
0x9f: {  	v40 =	vld [tilespmem:s24+$0x8920]  }
0xa0: {  	v41 =	vld [tilespmem:s24+$0x930]  }
0xa1: {  	v42 =	vld [tilespmem:s24+$0x8930]  }
0xa2: {  	v43 =	vld [tilespmem:s24+$0x940]  }
0xa3: {  	v44 =	vld [tilespmem:s24+$0x8940]  }
0xa4: {  	v45 =	vld [tilespmem:s24+$0x950]  }
0xa5: {  	v46 =	vld [tilespmem:s24+$0x8950]  }
0xa6: {  	v47 =	vld [tilespmem:s24+$0x960]  }
0xa7: {  	v48 =	vld [tilespmem:s24+$0x8960]  }
0xa8: {  	v49 =	vld [tilespmem:s24+$0x970]  }
0xa9: {  	v50 =	vld [tilespmem:s24+$0x8970]  }
0xaa: {  	v51 =	vld [tilespmem:s24+$0xD00]  }
0xab: {  	v52 =	vld [tilespmem:s24+$0x8D00]  }
0xac: {  	v53 =	vld [tilespmem:s24+$0xD10]  }
0xad: {  	v54 =	vld [tilespmem:s24+$0x8D10]  }
0xae: {  	v55 =	vld [tilespmem:s24+$0xD20]  }
0xaf: {  	v56 =	vld [tilespmem:s24+$0x8D20]  }
0xb0: {  	v57 =	vld [tilespmem:s24+$0xD30]  }
0xb1: {  	v58 =	vld [tilespmem:s24+$0x8D30]  }
0xb2: {  	v59 =	vld [tilespmem:s24+$0xD40]  }
0xb3: {  	v60 =	vld [tilespmem:s24+$0x8D40]  }
0xb4: {  	v61 =	vld [tilespmem:s24+$0xD50]  }
0xb5: {  	v62 =	vld [tilespmem:s24+$0x8D50]  }
0xb6: {  	v63 =	vld [tilespmem:s24+$0xD60]  }
0xb7: {  	v3 =	vadd.f32 v4, v3;
	v4 =	vld [tilespmem:s24+$0x8D60]  }
0xb8: {  	v5 =	vadd.f32 v6, v5;
	v6 =	vld [tilespmem:s24+$0xD70]  }
0xb9: {  	v14 =	vadd.f32 v14, v13;
	v13 =	vld [tilespmem:s24+$0x9120];
	[tilespmem:s24+$0x100] =	vst v3;
	v3 =	vadd.f32 v8, v7  }
0xba: {  	v18 =	vadd.f32 v18, v17;
	v17 =	vld [tilespmem:s24+$0x9140];
	[tilespmem:s24+$0x110] =	vst v5  }
0xbb: {  	v22 =	vadd.f32 v22, v21;
	v21 =	vld [tilespmem:s24+$0x9160];
	[tilespmem:s24+$0x120] =	vst v3;
	v3 =	vadd.f32 v12, v11  }
0xbc: {  	v7 =	vld [tilespmem:s24+$0x8D70];
	[tilespmem:s24+$0x150] =	vst v14  }
0xbd: {  	v8 =	vld [tilespmem:s24+$0x1100];
	[tilespmem:s24+$0x140] =	vst v3;
	v3 =	vadd.f32 v16, v15  }
0xbe: {  	v5 =	vadd.f32 v10, v9;
	v9 =	vld [tilespmem:s24+$0x9100];
	[tilespmem:s24+$0x170] =	vst v18  }
0xbf: {  	v10 =	vld [tilespmem:s24+$0x1110];
	[tilespmem:s24+$0x160] =	vst v3;
	v3 =	vadd.f32 v20, v19  }
0xc0: {  	v26 =	vadd.f32 v26, v25;
	v14 =	vld [tilespmem:s24+$0x1130];
	[tilespmem:s24+$0x510] =	vst v22  }
0xc1: {  	v18 =	vld [tilespmem:s24+$0x1150];
	[tilespmem:s24+$0x500] =	vst v3;
	v3 =	vadd.f32 v24, v23  }
0xc2: {  	v30 =	vadd.f32 v30, v29;
	[tilespmem:s24+$0x530] =	vst v26;
	v22 =	vld [tilespmem:s24+$0x1170]  }
0xc3: {  	v19 =	vld [tilespmem:s24+$0x9150];
	[tilespmem:s24+$0x520] =	vst v3;
	v3 =	vadd.f32 v28, v27  }
0xc4: {  	v34 =	vadd.f32 v34, v33;
	[tilespmem:s24+$0x550] =	vst v30;
	v11 =	vld [tilespmem:s24+$0x9110]  }
0xc5: {  	v12 =	vld [tilespmem:s24+$0x1120];
	[tilespmem:s24+$0x540] =	vst v3;
	v3 =	vadd.f32 v32, v31  }
0xc6: {  	[tilespmem:s24+$0x570] =	vst v34;
	v15 =	vld [tilespmem:s24+$0x9130]  }
0xc7: {  	v16 =	vld [tilespmem:s24+$0x1140];
	[tilespmem:s24+$0x560] =	vst v3;
	v3 =	vadd.f32 v36, v35  }
0xc8: {  	[tilespmem:s24+$0x130] =	vst v5;
	v20 =	vld [tilespmem:s24+$0x1160];
	v19 =	vadd.f32 v19, v18  }
0xc9: {  	v24 =	vld [tilespmem:s24+$0x1500];
	[tilespmem:s24+$0x900] =	vst v3;
	v3 =	vadd.f32 v40, v39  }
0xca: {  	[tilespmem:s24+$0x1150] =	vst v19;
	v36 =	vadd.f32 v38, v37;
	v37 =	vld [tilespmem:s24+$0x9170]  }
0xcb: {  	v38 =	vadd.f32 v42, v41;
	v41 =	vld [tilespmem:s24+$0x1510];
	[tilespmem:s24+$0x920] =	vst v3;
	v3 =	vadd.f32 v44, v43  }
0xcc: {  	v42 =	vld [tilespmem:s24+$0x9510];
	[tilespmem:s24+$0x910] =	vst v36  }
0xcd: {  	v35 =	vld [tilespmem:s24+$0x1910];
	[tilespmem:s24+$0x940] =	vst v3;
	v3 =	vadd.f32 v48, v47  }
0xce: {  	v39 =	vld [tilespmem:s24+$0x9500];
	[tilespmem:s24+$0x930] =	vst v38;
	v40 =	vadd.f32 v46, v45  }
0xcf: {  	v45 =	vld [tilespmem:s24+$0x9520];
	[tilespmem:s24+$0x960] =	vst v3;
	v3 =	vadd.f32 v52, v51  }
0xd0: {  	v46 =	vadd.f32 v54, v53;
	v53 =	vld [tilespmem:s24+$0x1550];
	[tilespmem:s24+$0x950] =	vst v40  }
0xd1: {  	v54 =	vld [tilespmem:s24+$0x9550];
	[tilespmem:s24+$0xD00] =	vst v3;
	v3 =	vadd.f32 v56, v55  }
0xd2: {  	v36 =	vld [tilespmem:s24+$0x9910];
	v43 =	vadd.f32 v50, v49;
	[tilespmem:s24+$0xD10] =	vst v46  }
0xd3: {  	v38 =	vld [tilespmem:s24+$0x1920];
	[tilespmem:s24+$0xD20] =	vst v3;
	v3 =	vadd.f32 v60, v59  }
0xd4: {  	v44 =	vld [tilespmem:s24+$0x1520];
	v49 =	vadd.f32 v58, v57;
	[tilespmem:s24+$0x970] =	vst v43  }
0xd5: {  	v50 =	vld [tilespmem:s24+$0x1540];
	[tilespmem:s24+$0xD40] =	vst v3;
	v3 =	vadd.f32 v4, v63  }
0xd6: {  	v57 =	vld [tilespmem:s24+$0x9560];
	v58 =	vadd.f32 v11, v10;
	[tilespmem:s24+$0xD30] =	vst v49  }
0xd7: {  	v46 =	vld [tilespmem:s24+$0x9950];
	[tilespmem:s24+$0xD60] =	vst v3;
	v3 =	vadd.f32 v9, v8  }
0xd8: {  	v37 =	vadd.f32 v37, v22;
	v40 =	vadd.f32 v42, v41;
	v41 =	vld [tilespmem:s24+$0x1930];
	[tilespmem:s24+$0x1110] =	vst v58  }
0xd9: {  	v42 =	vld [tilespmem:s24+$0x9930];
	[tilespmem:s24+$0x1100] =	vst v3;
	v3 =	vadd.f32 v13, v12  }
0xda: {  	v47 =	vld [tilespmem:s24+$0x1530];
	[tilespmem:s24+$0x1170] =	vst v37  }
0xdb: {  	v48 =	vld [tilespmem:s24+$0x9530];
	[tilespmem:s24+$0x1120] =	vst v3;
	v3 =	vadd.f32 v17, v16  }
0xdc: {  	v49 =	vld [tilespmem:s24+$0x9960];
	[tilespmem:s24+$0x1510] =	vst v40;
	v52 =	vadd.f32 v62, v61  }
0xdd: {  	v51 =	vld [tilespmem:s24+$0x9540];
	[tilespmem:s24+$0x1140] =	vst v3;
	v3 =	vadd.f32 v21, v20  }
0xde: {  	v61 =	vadd.f32 v15, v14;
	v62 =	vld [tilespmem:s24+$0x1900];
	[tilespmem:s24+$0xD50] =	vst v52  }
0xdf: {  	v56 =	vld [tilespmem:s24+$0x1560];
	[tilespmem:s24+$0x1160] =	vst v3;
	v3 =	vadd.f32 v39, v24  }
0xe0: {  	v55 =	vadd.f32 v7, v6;
	[tilespmem:s24+$0x1130] =	vst v61;
	v52 =	vld [tilespmem:s24+$0x9970]  }
0xe1: {  	v43 =	vadd.f32 v48, v47;
	v47 =	vld [tilespmem:s24+$0x1960];
	[tilespmem:s24+$0x1500] =	vst v3;
	v3 =	vadd.f32 v45, v44  }
0xe2: {  	[tilespmem:s24+$0xD70] =	vst v55;
	v63 =	vld [tilespmem:s24+$0x9900]  }
0xe3: {  	v59 =	vld [tilespmem:s24+$0x1570];
	[tilespmem:s24+$0x1520] =	vst v3;
	v3 =	vadd.f32 v51, v50  }
0xe4: {  	[tilespmem:s24+$0x1530] =	vst v43;
	v4 =	vadd.f32 v54, v53;
	v39 =	vld [tilespmem:s24+$0x9920]  }
0xe5: {  	v60 =	vld [tilespmem:s24+$0x9570];
	[tilespmem:s24+$0x1540] =	vst v3;
	v3 =	vadd.f32 v57, v56  }
0xe6: {  	v54 =	vadd.f32 v42, v41;
	[tilespmem:s24+$0x1550] =	vst v4;
	v45 =	vld [tilespmem:s24+$0x1950]  }
0xe7: {  	v53 =	vld [tilespmem:s24+$0x9940];
	[tilespmem:s24+$0x1560] =	vst v3;
	v3 =	vadd.f32 v63, v62  }
0xe8: {  	[tilespmem:s24+$0x1930] =	vst v54;
	v55 =	vadd.f32 v49, v47;
	v50 =	vld [tilespmem:s24+$0x1970]  }
0xe9: {  	v44 =	vld [tilespmem:s24+$0x1940];
	[tilespmem:s24+$0x1900] =	vst v3;
	v3 =	vadd.f32 v39, v38  }
0xea: {  	v48 =	vadd.f32 v60, v59;
	[tilespmem:s24+$0x1960] =	vst v55  }
0xeb: {  	[tilespmem:s24+$0x1920] =	vst v3;
	v3 =	vadd.f32 v46, v45  }
0xec: {  	s5 =	sand.u32 $0x7, s21;
	[tilespmem:s24+$0x1570] =	vst v48;
	v51 =	vadd.f32 v36, v35  }
0xed: {  	s25 =	sshll.u32 s5, $0x7;
	[tilespmem:s24+$0x1950] =	vst v3;
	v3 =	vadd.f32 v52, v50  }
0xee: {  	s25 =	sadd.s32 s25, s22;
	[tilespmem:s24+$0x1910] =	vst v51;
	v56 =	vadd.f32 v53, v44  }
0xef: {  	s5 =	sor.u32 $0x1C00, s25;
	[tilespmem:s24+$0x1970] =	vst v3  }
0xf0: {  	[tilespmem:s24+$0x1940] =	vst v56;
	v3 =	vld [tilespmem:s5+$0x100]  }
0xf1: {  	v4 =	vld [tilespmem:s5+$0x8100];
	_ =	sdelay $0x4  }
0xf2: {  	v3 =	vadd.f32 v4, v3;
	_ =	sdelay $0x1  }
0xf3: {  	s24 =	sor.u32 $0x1C10, s25;
	[tilespmem:s5+$0x100] =	vst v3  }
0xf4: {  	v3 =	vld [tilespmem:s24+$0x100]  }
0xf5: {  	v57 =	vld [tilespmem:s24+$0x8100];
	_ =	sdelay $0x4  }
0xf6: {  	v3 =	vadd.f32 v57, v3;
	_ =	sdelay $0x1  }
0xf7: {  	[tilespmem:s24+$0x100] =	vst v3;
	s24 =	sor.u32 $0x1C20, s25  }
0xf8: {  	v3 =	vld [tilespmem:s24+$0x100]  }
0xf9: {  	v58 =	vld [tilespmem:s24+$0x8100];
	_ =	sdelay $0x4  }
0xfa: {  	v3 =	vadd.f32 v58, v3;
	_ =	sdelay $0x1  }
0xfb: {  	[tilespmem:s24+$0x100] =	vst v3;
	s24 =	sor.u32 $0x1C30, s25  }
0xfc: {  	v3 =	vld [tilespmem:s24+$0x100]  }
0xfd: {  	v59 =	vld [tilespmem:s24+$0x8100];
	_ =	sdelay $0x4  }
0xfe: {  	v3 =	vadd.f32 v59, v3;
	_ =	sdelay $0x1  }
0xff: {  	[tilespmem:s24+$0x100] =	vst v3;
	s24 =	sor.u32 $0x1C40, s25  }
0x100: {  	v3 =	vld [tilespmem:s24+$0x100]  }
0x101: {  	v60 =	vld [tilespmem:s24+$0x8100];
	_ =	sdelay $0x4  }
0x102: {  	v3 =	vadd.f32 v60, v3;
	_ =	sdelay $0x1  }
0x103: {  	[tilespmem:s24+$0x100] =	vst v3;
	s24 =	sor.u32 $0x1C50, s25  }
0x104: {  	v3 =	vld [tilespmem:s24+$0x100]  }
0x105: {  	v61 =	vld [tilespmem:s24+$0x8100];
	_ =	sdelay $0x4  }
0x106: {  	v3 =	vadd.f32 v61, v3;
	_ =	sdelay $0x1  }
0x107: {  	[tilespmem:s24+$0x100] =	vst v3;
	s24 =	sor.u32 $0x1C60, s25  }
0x108: {  	v3 =	vld [tilespmem:s24+$0x100]  }
0x109: {  	v62 =	vld [tilespmem:s24+$0x8100];
	_ =	sdelay $0x4  }
0x10a: {  	v3 =	vadd.f32 v62, v3;
	_ =	sdelay $0x1  }
0x10b: {  	s25 =	sor.u32 $0x1C70, s25;
	[tilespmem:s24+$0x100] =	vst v3  }
0x10c: {  	v3 =	vld [tilespmem:s25+$0x100]  }
0x10d: {  	v63 =	vld [tilespmem:s25+$0x8100];
	_ =	sdelay $0x1  }
0x10e: {  	p0 =	sne.s32 s23, $0x780  }
.Ltmp0:
0x10f: {  	_ = 	snop;
	(pc) =	sbr.rel @p0 .LBB2_2-.Ltmp0, $4  }
0x110: {  	_ = 	snop  }
0x111: {  	v3 =	vadd.f32 v63, v3  }
0x112: {  	s21 =	sadd.s32 $0x1, s21  }
0x113: {  	s20 =	sadd.s32 $0x400, s20;
	s23 =	sadd.s32 $0x80, s23;
	s22 =	sadd.s32 $0x400, s22;
	[tilespmem:s25+$0x100] =	vst v3  }
0x114: {  	s20 =	simm.s32 $0x0  }
0x115: {  	[hbm4b:s8+s20] =	stream.linear.scatter [tilespmem:s17], [sflag:$0x5], $0x4000, $0x38;
	[tilespmem:$0x10100] =	vst v63  }
0x116: {  	_ =	swait.ge [sflag:s11], $0x4000  }
0x117: {  	[sflag:s11] =	ssyncset.done $0x0  }
0x118: {  	[sflag:s11] =	ssyncadd.s32 $0xFFFFC000  }
0x119: {  	_ =	swait.ge [sflag:s12], $0x4000  }
0x11a: {  	[sflag:s12] =	ssyncset.done $0x0  }
0x11b: {  	[sflag:s12] =	ssyncadd.s32 $0xFFFFC000  }
0x11c: {  	_ =	swait.ge [sflag:s15], $0x4000  }
0x11d: {  	[sflag:s15] =	ssyncset.done $0x0  }
0x11e: {  	[sflag:s15] =	ssyncadd.s32 $0xFFFFC000  }
0x11f: {  	v3 =	vld [tilespmem:$0x20];
	_ =	sdelay $0x4  }
0x120: {  	v4 =	vshll.u32 v3, $0x3  }
0x121: {  	v3 =	vand.u32 $0x7, v3;
	v4 =	vand.u32 $0xFFFFFFC0, v4  }
0x122: {  	v3 =	vor.u32 v3, v4  }
0x123: {  	v4 =	vperm.xlane v3, v0;
	_ =	sdelay $0x1  }
0x124: {  	v4 =	vadd.s32 v1, v4;
	_ =	sdelay $0x4  }
0x125: {  	[tilespmem:s17], [sflag:$0x1] =	stream.indirect_vreg.gather [hbm4b:s3+s20], $0x80, v4, vm0, $0xb8;
	[tilespmem:$0x10100] =	vst v63  }
0x126: {  	s5 =	simm.s32 $0x900;
	v3 =	vperm.xlane v3, v2  }
0x127: {  	[tilespmem:s5], [sflag:$0x1] =	stream.indirect_vreg.gather [hbm4b:s6+s20], $0x80, v4, vm0, $0xb8;
	[tilespmem:$0x10100] =	vst v63  }
0x128: {  	s22 =	simm.s32 $0x1100;
	v3 =	vadd.s32 v1, v3  }
0x129: {  	[tilespmem:s22], [sflag:$0x1] =	stream.indirect_vreg.gather [hbm4b:s7+s20], $0x80, v4, vm0, $0xb8;
	[tilespmem:$0x10100] =	vst v63  }
0x12a: {  	s23 =	simm.s32 $0x1900  }
0x12b: {  	[tilespmem:s23], [sflag:$0x1] =	stream.indirect_vreg.gather [hbm4b:s9+s20], $0x80, v4, vm0, $0xb8;
	[tilespmem:$0x10100] =	vst v63  }
0x12c: {  	s24 =	simm.s32 $0x2100  }
0x12d: {  	[tilespmem:s24], [sflag:$0x1] =	stream.indirect_vreg.gather [hbm4b:s3+s20], $0x80, v3, vm0, $0xb8;
	[tilespmem:$0x10100] =	vst v63  }
0x12e: {  	s25 =	simm.s32 $0x2900  }
0x12f: {  	[tilespmem:s25], [sflag:$0x1] =	stream.indirect_vreg.gather [hbm4b:s6+s20], $0x80, v3, vm0, $0xb8;
	[tilespmem:$0x10100] =	vst v63  }
0x130: {  	s21 =	simm.s32 $0x3100  }
0x131: {  	[tilespmem:s21], [sflag:$0x1] =	stream.indirect_vreg.gather [hbm4b:s7+s20], $0x80, v3, vm0, $0xb8;
	[tilespmem:$0x10100] =	vst v63  }
0x132: {  	s22 =	simm.s32 $0x3900  }
0x133: {  	[tilespmem:s22], [sflag:$0x1] =	stream.indirect_vreg.gather [hbm4b:s9+s20], $0x80, v3, vm0, $0xb8;
	[tilespmem:$0x10100] =	vst v63  }
0x134: {  	v3 =	vld [tilespmem:$0xA0];
	_ =	sdelay $0x4  }
0x135: {  	v63 =	vshll.u32 v3, $0x3  }
0x136: {  	v3 =	vand.u32 $0x7, v3;
	v4 =	vand.u32 $0xFFFFFFC0, v63  }
0x137: {  	v3 =	vor.u32 v3, v4  }
0x138: {  	v4 =	vperm.xlane v3, v0;
	_ =	sdelay $0x1  }
0x139: {  	v4 =	vadd.s32 v1, v4;
	_ =	sdelay $0x3  }
0x13a: {  	s23 =	simm.s32 $0x8100  }
0x13b: {  	[tilespmem:s23], [sflag:$0x3] =	stream.indirect_vreg.gather [hbm4b:s3+s20], $0x80, v4, vm0, $0xb8;
	[tilespmem:$0x10100] =	vst v63  }
0x13c: {  	s24 =	simm.s32 $0x8900;
	v3 =	vperm.xlane v3, v2  }
0x13d: {  	[tilespmem:s24], [sflag:$0x3] =	stream.indirect_vreg.gather [hbm4b:s6+s20], $0x80, v4, vm0, $0xb8;
	[tilespmem:$0x10100] =	vst v63  }
0x13e: {  	s25 =	simm.s32 $0x9100;
	v3 =	vadd.s32 v1, v3  }
0x13f: {  	[tilespmem:s25], [sflag:$0x3] =	stream.indirect_vreg.gather [hbm4b:s7+s20], $0x80, v4, vm0, $0xb8;
	[tilespmem:$0x10100] =	vst v63  }
0x140: {  	s21 =	simm.s32 $0x9900  }
0x141: {  	[tilespmem:s21], [sflag:$0x3] =	stream.indirect_vreg.gather [hbm4b:s9+s20], $0x80, v4, vm0, $0xb8;
	[tilespmem:$0x10100] =	vst v63  }
0x142: {  	s22 =	simm.s32 $0xA100  }
0x143: {  	[tilespmem:s22], [sflag:$0x3] =	stream.indirect_vreg.gather [hbm4b:s3+s20], $0x80, v3, vm0, $0xb8;
	[tilespmem:$0x10100] =	vst v63  }
0x144: {  	s23 =	simm.s32 $0xA900  }
0x145: {  	[tilespmem:s23], [sflag:$0x3] =	stream.indirect_vreg.gather [hbm4b:s6+s20], $0x80, v3, vm0, $0xb8;
	[tilespmem:$0x10100] =	vst v63  }
0x146: {  	s24 =	simm.s32 $0xB100;
	s25 =	simm.s32 $0xB900  }
0x147: {  	[tilespmem:s24], [sflag:$0x3] =	stream.indirect_vreg.gather [hbm4b:s7+s20], $0x80, v3, vm0, $0xb8;
	[tilespmem:$0x10100] =	vst v63  }
0x148: {  	s21 =	simm.s32 $0xFFFFC000;
	s22 =	simm.s32 $0x0;
	s23 =	simm.s32 $0x0  }
0x149: {  	[tilespmem:s25], [sflag:$0x3] =	stream.indirect_vreg.gather [hbm4b:s9+s20], $0x80, v3, vm0, $0xb8;
	[tilespmem:$0x10100] =	vst v63  }
.LBB2_4:
0x14a: {  	s5 =	sadd.s32 $0x4000, s21  }
0x14b: {  	s24 =	sand.u32 $0x380, s23;
	s5 =	sand.u32 $0x2000, s5  }
0x14c: {  	s24 =	sor.u32 s24, s5  }
0x14d: {  	v3 =	vld [tilespmem:s24+$0x4100]  }
0x14e: {  	v4 =	vld [tilespmem:s24+$0xC100]  }
0x14f: {  	v5 =	vld [tilespmem:s24+$0x4110]  }
0x150: {  	v6 =	vld [tilespmem:s24+$0xC110]  }
0x151: {  	v7 =	vld [tilespmem:s24+$0x4120]  }
0x152: {  	v8 =	vld [tilespmem:s24+$0xC120]  }
0x153: {  	v9 =	vld [tilespmem:s24+$0x4130]  }
0x154: {  	v10 =	vld [tilespmem:s24+$0xC130]  }
0x155: {  	v11 =	vld [tilespmem:s24+$0x4140]  }
0x156: {  	v12 =	vld [tilespmem:s24+$0xC140]  }
0x157: {  	v13 =	vld [tilespmem:s24+$0x4150]  }
0x158: {  	v14 =	vld [tilespmem:s24+$0xC150]  }
0x159: {  	v15 =	vld [tilespmem:s24+$0x4160]  }
0x15a: {  	v16 =	vld [tilespmem:s24+$0xC160]  }
0x15b: {  	v17 =	vld [tilespmem:s24+$0x4170]  }
0x15c: {  	v18 =	vld [tilespmem:s24+$0xC170]  }
0x15d: {  	v19 =	vld [tilespmem:s24+$0x4500]  }
0x15e: {  	v20 =	vld [tilespmem:s24+$0xC500]  }
0x15f: {  	v21 =	vld [tilespmem:s24+$0x4510]  }
0x160: {  	v22 =	vld [tilespmem:s24+$0xC510]  }
0x161: {  	v23 =	vld [tilespmem:s24+$0x4520]  }
0x162: {  	v24 =	vld [tilespmem:s24+$0xC520]  }
0x163: {  	v25 =	vld [tilespmem:s24+$0x4530]  }
0x164: {  	v26 =	vld [tilespmem:s24+$0xC530]  }
0x165: {  	v27 =	vld [tilespmem:s24+$0x4540]  }
0x166: {  	v28 =	vld [tilespmem:s24+$0xC540]  }
0x167: {  	v29 =	vld [tilespmem:s24+$0x4550]  }
0x168: {  	v30 =	vld [tilespmem:s24+$0xC550]  }
0x169: {  	v31 =	vld [tilespmem:s24+$0x4560]  }
0x16a: {  	v32 =	vld [tilespmem:s24+$0xC560]  }
0x16b: {  	v33 =	vld [tilespmem:s24+$0x4570]  }
0x16c: {  	v34 =	vld [tilespmem:s24+$0xC570]  }
0x16d: {  	v35 =	vld [tilespmem:s24+$0x4900]  }
0x16e: {  	v36 =	vld [tilespmem:s24+$0xC900]  }
0x16f: {  	v37 =	vld [tilespmem:s24+$0x4910]  }
0x170: {  	v38 =	vld [tilespmem:s24+$0xC910]  }
0x171: {  	v39 =	vld [tilespmem:s24+$0x4920]  }
0x172: {  	v40 =	vld [tilespmem:s24+$0xC920]  }
0x173: {  	v41 =	vld [tilespmem:s24+$0x4930]  }
0x174: {  	v42 =	vld [tilespmem:s24+$0xC930]  }
0x175: {  	v43 =	vld [tilespmem:s24+$0x4940]  }
0x176: {  	v44 =	vld [tilespmem:s24+$0xC940]  }
0x177: {  	v45 =	vld [tilespmem:s24+$0x4950]  }
0x178: {  	v46 =	vld [tilespmem:s24+$0xC950]  }
0x179: {  	v47 =	vld [tilespmem:s24+$0x4960]  }
0x17a: {  	v48 =	vld [tilespmem:s24+$0xC960]  }
0x17b: {  	v49 =	vld [tilespmem:s24+$0x4970]  }
0x17c: {  	v50 =	vld [tilespmem:s24+$0xC970]  }
0x17d: {  	v51 =	vld [tilespmem:s24+$0x4D00]  }
0x17e: {  	v52 =	vld [tilespmem:s24+$0xCD00]  }
0x17f: {  	v53 =	vld [tilespmem:s24+$0x4D10]  }
0x180: {  	v54 =	vld [tilespmem:s24+$0xCD10]  }
0x181: {  	v55 =	vld [tilespmem:s24+$0x4D20]  }
0x182: {  	v56 =	vld [tilespmem:s24+$0xCD20]  }
0x183: {  	v57 =	vld [tilespmem:s24+$0x4D30]  }
0x184: {  	v58 =	vld [tilespmem:s24+$0xCD30]  }
0x185: {  	v59 =	vld [tilespmem:s24+$0x4D40]  }
0x186: {  	v60 =	vld [tilespmem:s24+$0xCD40]  }
0x187: {  	v61 =	vld [tilespmem:s24+$0x4D50]  }
0x188: {  	v62 =	vld [tilespmem:s24+$0xCD50]  }
0x189: {  	v63 =	vld [tilespmem:s24+$0x4D60]  }
0x18a: {  	v3 =	vadd.f32 v4, v3;
	v4 =	vld [tilespmem:s24+$0xCD60]  }
0x18b: {  	v5 =	vadd.f32 v6, v5;
	v6 =	vld [tilespmem:s24+$0x4D70]  }
0x18c: {  	v14 =	vadd.f32 v14, v13;
	v13 =	vld [tilespmem:s24+$0xD120];
	[tilespmem:s24+$0x4100] =	vst v3;
	v3 =	vadd.f32 v8, v7  }
0x18d: {  	v18 =	vadd.f32 v18, v17;
	v17 =	vld [tilespmem:s24+$0xD140];
	[tilespmem:s24+$0x4110] =	vst v5  }
0x18e: {  	v22 =	vadd.f32 v22, v21;
	v21 =	vld [tilespmem:s24+$0xD160];
	[tilespmem:s24+$0x4120] =	vst v3;
	v3 =	vadd.f32 v12, v11  }
0x18f: {  	v7 =	vld [tilespmem:s24+$0xCD70];
	[tilespmem:s24+$0x4150] =	vst v14  }
0x190: {  	v8 =	vld [tilespmem:s24+$0x5100];
	[tilespmem:s24+$0x4140] =	vst v3;
	v3 =	vadd.f32 v16, v15  }
0x191: {  	v5 =	vadd.f32 v10, v9;
	v9 =	vld [tilespmem:s24+$0xD100];
	[tilespmem:s24+$0x4170] =	vst v18  }
0x192: {  	v10 =	vld [tilespmem:s24+$0x5110];
	[tilespmem:s24+$0x4160] =	vst v3;
	v3 =	vadd.f32 v20, v19  }
0x193: {  	v26 =	vadd.f32 v26, v25;
	v14 =	vld [tilespmem:s24+$0x5130];
	[tilespmem:s24+$0x4510] =	vst v22  }
0x194: {  	v18 =	vld [tilespmem:s24+$0x5150];
	[tilespmem:s24+$0x4500] =	vst v3;
	v3 =	vadd.f32 v24, v23  }
0x195: {  	v30 =	vadd.f32 v30, v29;
	[tilespmem:s24+$0x4530] =	vst v26;
	v22 =	vld [tilespmem:s24+$0x5170]  }
0x196: {  	v19 =	vld [tilespmem:s24+$0xD150];
	[tilespmem:s24+$0x4520] =	vst v3;
	v3 =	vadd.f32 v28, v27  }
0x197: {  	v34 =	vadd.f32 v34, v33;
	[tilespmem:s24+$0x4550] =	vst v30;
	v11 =	vld [tilespmem:s24+$0xD110]  }
0x198: {  	v12 =	vld [tilespmem:s24+$0x5120];
	[tilespmem:s24+$0x4540] =	vst v3;
	v3 =	vadd.f32 v32, v31  }
0x199: {  	[tilespmem:s24+$0x4570] =	vst v34;
	v15 =	vld [tilespmem:s24+$0xD130]  }
0x19a: {  	v16 =	vld [tilespmem:s24+$0x5140];
	[tilespmem:s24+$0x4560] =	vst v3;
	v3 =	vadd.f32 v36, v35  }
0x19b: {  	[tilespmem:s24+$0x4130] =	vst v5;
	v20 =	vld [tilespmem:s24+$0x5160];
	v19 =	vadd.f32 v19, v18  }
0x19c: {  	v24 =	vld [tilespmem:s24+$0x5500];
	[tilespmem:s24+$0x4900] =	vst v3;
	v3 =	vadd.f32 v40, v39  }
0x19d: {  	[tilespmem:s24+$0x5150] =	vst v19;
	v36 =	vadd.f32 v38, v37;
	v37 =	vld [tilespmem:s24+$0xD170]  }
0x19e: {  	v38 =	vadd.f32 v42, v41;
	v41 =	vld [tilespmem:s24+$0x5510];
	[tilespmem:s24+$0x4920] =	vst v3;
	v3 =	vadd.f32 v44, v43  }
0x19f: {  	v42 =	vld [tilespmem:s24+$0xD510];
	[tilespmem:s24+$0x4910] =	vst v36  }
0x1a0: {  	v35 =	vld [tilespmem:s24+$0x5910];
	[tilespmem:s24+$0x4940] =	vst v3;
	v3 =	vadd.f32 v48, v47  }
0x1a1: {  	v39 =	vld [tilespmem:s24+$0xD500];
	[tilespmem:s24+$0x4930] =	vst v38;
	v40 =	vadd.f32 v46, v45  }
0x1a2: {  	v45 =	vld [tilespmem:s24+$0xD520];
	[tilespmem:s24+$0x4960] =	vst v3;
	v3 =	vadd.f32 v52, v51  }
0x1a3: {  	v46 =	vadd.f32 v54, v53;
	v53 =	vld [tilespmem:s24+$0x5550];
	[tilespmem:s24+$0x4950] =	vst v40  }
0x1a4: {  	v54 =	vld [tilespmem:s24+$0xD550];
	[tilespmem:s24+$0x4D00] =	vst v3;
	v3 =	vadd.f32 v56, v55  }
0x1a5: {  	v36 =	vld [tilespmem:s24+$0xD910];
	v43 =	vadd.f32 v50, v49;
	[tilespmem:s24+$0x4D10] =	vst v46  }
0x1a6: {  	v38 =	vld [tilespmem:s24+$0x5920];
	[tilespmem:s24+$0x4D20] =	vst v3;
	v3 =	vadd.f32 v60, v59  }
0x1a7: {  	v44 =	vld [tilespmem:s24+$0x5520];
	v49 =	vadd.f32 v58, v57;
	[tilespmem:s24+$0x4970] =	vst v43  }
0x1a8: {  	v50 =	vld [tilespmem:s24+$0x5540];
	[tilespmem:s24+$0x4D40] =	vst v3;
	v3 =	vadd.f32 v4, v63  }
0x1a9: {  	v57 =	vld [tilespmem:s24+$0xD560];
	v58 =	vadd.f32 v11, v10;
	[tilespmem:s24+$0x4D30] =	vst v49  }
0x1aa: {  	v46 =	vld [tilespmem:s24+$0xD950];
	[tilespmem:s24+$0x4D60] =	vst v3;
	v3 =	vadd.f32 v9, v8  }
0x1ab: {  	v37 =	vadd.f32 v37, v22;
	v40 =	vadd.f32 v42, v41;
	v41 =	vld [tilespmem:s24+$0x5930];
	[tilespmem:s24+$0x5110] =	vst v58  }
0x1ac: {  	v42 =	vld [tilespmem:s24+$0xD930];
	[tilespmem:s24+$0x5100] =	vst v3;
	v3 =	vadd.f32 v13, v12  }
0x1ad: {  	v47 =	vld [tilespmem:s24+$0x5530];
	[tilespmem:s24+$0x5170] =	vst v37  }
0x1ae: {  	v48 =	vld [tilespmem:s24+$0xD530];
	[tilespmem:s24+$0x5120] =	vst v3;
	v3 =	vadd.f32 v17, v16  }
0x1af: {  	v49 =	vld [tilespmem:s24+$0xD960];
	[tilespmem:s24+$0x5510] =	vst v40;
	v52 =	vadd.f32 v62, v61  }
0x1b0: {  	v51 =	vld [tilespmem:s24+$0xD540];
	[tilespmem:s24+$0x5140] =	vst v3;
	v3 =	vadd.f32 v21, v20  }
0x1b1: {  	v61 =	vadd.f32 v15, v14;
	v62 =	vld [tilespmem:s24+$0x5900];
	[tilespmem:s24+$0x4D50] =	vst v52  }
0x1b2: {  	v56 =	vld [tilespmem:s24+$0x5560];
	[tilespmem:s24+$0x5160] =	vst v3;
	v3 =	vadd.f32 v39, v24  }
0x1b3: {  	v55 =	vadd.f32 v7, v6;
	[tilespmem:s24+$0x5130] =	vst v61;
	v52 =	vld [tilespmem:s24+$0xD970]  }
0x1b4: {  	v43 =	vadd.f32 v48, v47;
	v47 =	vld [tilespmem:s24+$0x5960];
	[tilespmem:s24+$0x5500] =	vst v3;
	v3 =	vadd.f32 v45, v44  }
0x1b5: {  	[tilespmem:s24+$0x4D70] =	vst v55;
	v63 =	vld [tilespmem:s24+$0xD900]  }
0x1b6: {  	v59 =	vld [tilespmem:s24+$0x5570];
	[tilespmem:s24+$0x5520] =	vst v3;
	v3 =	vadd.f32 v51, v50  }
0x1b7: {  	[tilespmem:s24+$0x5530] =	vst v43;
	v4 =	vadd.f32 v54, v53;
	v39 =	vld [tilespmem:s24+$0xD920]  }
0x1b8: {  	v60 =	vld [tilespmem:s24+$0xD570];
	[tilespmem:s24+$0x5540] =	vst v3;
	v3 =	vadd.f32 v57, v56  }
0x1b9: {  	v54 =	vadd.f32 v42, v41;
	[tilespmem:s24+$0x5550] =	vst v4;
	v45 =	vld [tilespmem:s24+$0x5950]  }
0x1ba: {  	v53 =	vld [tilespmem:s24+$0xD940];
	[tilespmem:s24+$0x5560] =	vst v3;
	v3 =	vadd.f32 v63, v62  }
0x1bb: {  	[tilespmem:s24+$0x5930] =	vst v54;
	v55 =	vadd.f32 v49, v47;
	v50 =	vld [tilespmem:s24+$0x5970]  }
0x1bc: {  	v44 =	vld [tilespmem:s24+$0x5940];
	[tilespmem:s24+$0x5900] =	vst v3;
	v3 =	vadd.f32 v39, v38  }
0x1bd: {  	v48 =	vadd.f32 v60, v59;
	[tilespmem:s24+$0x5960] =	vst v55  }
0x1be: {  	[tilespmem:s24+$0x5920] =	vst v3;
	v3 =	vadd.f32 v46, v45  }
0x1bf: {  	s25 =	sand.u32 $0x7, s20;
	[tilespmem:s24+$0x5570] =	vst v48;
	v51 =	vadd.f32 v36, v35  }
0x1c0: {  	s5 =	sshll.u32 s25, $0x7;
	[tilespmem:s24+$0x5950] =	vst v3;
	v3 =	vadd.f32 v52, v50  }
0x1c1: {  	s5 =	sadd.s32 s5, s22;
	[tilespmem:s24+$0x5910] =	vst v51;
	v56 =	vadd.f32 v53, v44  }
0x1c2: {  	s25 =	sor.u32 $0x1C00, s5;
	[tilespmem:s24+$0x5970] =	vst v3  }
0x1c3: {  	[tilespmem:s24+$0x5940] =	vst v56;
	v3 =	vld [tilespmem:s25+$0x4100]  }
0x1c4: {  	v4 =	vld [tilespmem:s25+$0xC100];
	_ =	sdelay $0x4  }
0x1c5: {  	v3 =	vadd.f32 v4, v3;
	_ =	sdelay $0x1  }
0x1c6: {  	[tilespmem:s25+$0x4100] =	vst v3;
	s25 =	sor.u32 $0x1C10, s5  }
0x1c7: {  	v3 =	vld [tilespmem:s25+$0x4100]  }
0x1c8: {  	v57 =	vld [tilespmem:s25+$0xC100];
	_ =	sdelay $0x4  }
0x1c9: {  	v3 =	vadd.f32 v57, v3;
	_ =	sdelay $0x1  }
0x1ca: {  	[tilespmem:s25+$0x4100] =	vst v3;
	s25 =	sor.u32 $0x1C20, s5  }
0x1cb: {  	v3 =	vld [tilespmem:s25+$0x4100]  }
0x1cc: {  	v58 =	vld [tilespmem:s25+$0xC100];
	_ =	sdelay $0x4  }
0x1cd: {  	v3 =	vadd.f32 v58, v3;
	_ =	sdelay $0x1  }
0x1ce: {  	[tilespmem:s25+$0x4100] =	vst v3;
	s25 =	sor.u32 $0x1C30, s5  }
0x1cf: {  	v3 =	vld [tilespmem:s25+$0x4100]  }
0x1d0: {  	v59 =	vld [tilespmem:s25+$0xC100];
	_ =	sdelay $0x4  }
0x1d1: {  	v3 =	vadd.f32 v59, v3;
	_ =	sdelay $0x1  }
0x1d2: {  	[tilespmem:s25+$0x4100] =	vst v3;
	s25 =	sor.u32 $0x1C40, s5  }
0x1d3: {  	v3 =	vld [tilespmem:s25+$0x4100]  }
0x1d4: {  	v60 =	vld [tilespmem:s25+$0xC100];
	_ =	sdelay $0x4  }
0x1d5: {  	v3 =	vadd.f32 v60, v3;
	_ =	sdelay $0x1  }
0x1d6: {  	[tilespmem:s25+$0x4100] =	vst v3;
	s25 =	sor.u32 $0x1C50, s5  }
0x1d7: {  	v3 =	vld [tilespmem:s25+$0x4100]  }
0x1d8: {  	v61 =	vld [tilespmem:s25+$0xC100];
	_ =	sdelay $0x4  }
0x1d9: {  	v3 =	vadd.f32 v61, v3;
	_ =	sdelay $0x1  }
0x1da: {  	[tilespmem:s25+$0x4100] =	vst v3;
	s25 =	sor.u32 $0x1C60, s5  }
0x1db: {  	v3 =	vld [tilespmem:s25+$0x4100]  }
0x1dc: {  	v62 =	vld [tilespmem:s25+$0xC100];
	_ =	sdelay $0x4  }
0x1dd: {  	v3 =	vadd.f32 v62, v3;
	_ =	sdelay $0x1  }
0x1de: {  	s5 =	sor.u32 $0x1C70, s5;
	[tilespmem:s25+$0x4100] =	vst v3  }
0x1df: {  	v3 =	vld [tilespmem:s5+$0x4100]  }
0x1e0: {  	v63 =	vld [tilespmem:s5+$0xC100];
	_ =	sdelay $0x1  }
0x1e1: {  	p0 =	sne.s32 s23, $0x780  }
.Ltmp1:
0x1e2: {  	_ = 	snop;
	(pc) =	sbr.rel @p0 .LBB2_4-.Ltmp1, $4  }
0x1e3: {  	_ = 	snop  }
0x1e4: {  	v3 =	vadd.f32 v63, v3  }
0x1e5: {  	s20 =	sadd.s32 $0x1, s20  }
0x1e6: {  	s21 =	sadd.s32 $0x400, s21;
	s23 =	sadd.s32 $0x80, s23;
	s22 =	sadd.s32 $0x400, s22;
	[tilespmem:s5+$0x4100] =	vst v3  }
0x1e7: {  	s20 =	simm.s32 $0x0;
	s5 =	rddreg [dreg:$0x4]  }
0x1e8: {  	[hbm4b:s5+s20] =	stream.linear.scatter [tilespmem:s19], [sflag:$0x6], $0x4000, $0x38;
	[tilespmem:$0x10100] =	vst v63  }
0x1e9: {  	_ =	swait.ge [sflag:s14], $0x4000  }
0x1ea: {  	[sflag:s14] =	ssyncset.done $0x0  }
0x1eb: {  	[sflag:s14] =	ssyncadd.s32 $0xFFFFC000  }
0x1ec: {  	_ =	swait.ge [sflag:s18], $0x4000  }
0x1ed: {  	[sflag:s18] =	ssyncset.done $0x0  }
0x1ee: {  	[sflag:s18] =	ssyncadd.s32 $0xFFFFC000  }
0x1ef: {  	_ =	swait.ge [sflag:s16], $0x4000  }
0x1f0: {  	[sflag:s16] =	ssyncset.done $0x0  }
0x1f1: {  	[sflag:s16] =	ssyncadd.s32 $0xFFFFC000  }
0x1f2: {  	v3 =	vld [tilespmem:$0x30];
	_ =	sdelay $0x4  }
0x1f3: {  	v4 =	vshll.u32 v3, $0x3  }
0x1f4: {  	v3 =	vand.u32 $0x7, v3;
	v4 =	vand.u32 $0xFFFFFFC0, v4  }
0x1f5: {  	v3 =	vor.u32 v3, v4  }
0x1f6: {  	v4 =	vperm.xlane v3, v0;
	_ =	sdelay $0x1  }
0x1f7: {  	v4 =	vadd.s32 v1, v4;
	_ =	sdelay $0x4  }
0x1f8: {  	[tilespmem:s19], [sflag:$0x2] =	stream.indirect_vreg.gather [hbm4b:s3+s20], $0x80, v4, vm0, $0xb8;
	[tilespmem:$0x10100] =	vst v63  }
0x1f9: {  	s24 =	simm.s32 $0x4900;
	v3 =	vperm.xlane v3, v2  }
0x1fa: {  	[tilespmem:s24], [sflag:$0x2] =	stream.indirect_vreg.gather [hbm4b:s6+s20], $0x80, v4, vm0, $0xb8;
	[tilespmem:$0x10100] =	vst v63  }
0x1fb: {  	s25 =	simm.s32 $0x5100;
	v3 =	vadd.s32 v1, v3  }
0x1fc: {  	[tilespmem:s25], [sflag:$0x2] =	stream.indirect_vreg.gather [hbm4b:s7+s20], $0x80, v4, vm0, $0xb8;
	[tilespmem:$0x10100] =	vst v63  }
0x1fd: {  	s21 =	simm.s32 $0x5900  }
0x1fe: {  	[tilespmem:s21], [sflag:$0x2] =	stream.indirect_vreg.gather [hbm4b:s9+s20], $0x80, v4, vm0, $0xb8;
	[tilespmem:$0x10100] =	vst v63  }
0x1ff: {  	s22 =	simm.s32 $0x6100  }
0x200: {  	[tilespmem:s22], [sflag:$0x2] =	stream.indirect_vreg.gather [hbm4b:s3+s20], $0x80, v3, vm0, $0xb8;
	[tilespmem:$0x10100] =	vst v63  }
0x201: {  	s23 =	simm.s32 $0x6900  }
0x202: {  	[tilespmem:s23], [sflag:$0x2] =	stream.indirect_vreg.gather [hbm4b:s6+s20], $0x80, v3, vm0, $0xb8;
	[tilespmem:$0x10100] =	vst v63  }
0x203: {  	s24 =	simm.s32 $0x7100  }
0x204: {  	[tilespmem:s24], [sflag:$0x2] =	stream.indirect_vreg.gather [hbm4b:s7+s20], $0x80, v3, vm0, $0xb8;
	[tilespmem:$0x10100] =	vst v63  }
0x205: {  	s25 =	simm.s32 $0x7900  }
0x206: {  	[tilespmem:s25], [sflag:$0x2] =	stream.indirect_vreg.gather [hbm4b:s9+s20], $0x80, v3, vm0, $0xb8;
	[tilespmem:$0x10100] =	vst v63  }
0x207: {  	v3 =	vld [tilespmem:$0xB0];
	_ =	sdelay $0x4  }
0x208: {  	v63 =	vshll.u32 v3, $0x3  }
0x209: {  	v3 =	vand.u32 $0x7, v3;
	v4 =	vand.u32 $0xFFFFFFC0, v63  }
0x20a: {  	v3 =	vor.u32 v3, v4  }
0x20b: {  	v4 =	vperm.xlane v3, v0;
	_ =	sdelay $0x1  }
0x20c: {  	v4 =	vadd.s32 v1, v4;
	_ =	sdelay $0x4  }
0x20d: {  	[tilespmem:s26], [sflag:$0x4] =	stream.indirect_vreg.gather [hbm4b:s3+s20], $0x80, v4, vm0, $0xb8;
	[tilespmem:$0x10100] =	vst v63  }
0x20e: {  	v3 =	vperm.xlane v3, v2  }
0x20f: {  	[tilespmem:s28], [sflag:$0x4] =	stream.indirect_vreg.gather [hbm4b:s6+s20], $0x80, v4, vm0, $0xb8;
	[tilespmem:$0x10100] =	vst v63  }
0x210: {  	v3 =	vadd.s32 v1, v3  }
0x211: {  	[tilespmem:s29], [sflag:$0x4] =	stream.indirect_vreg.gather [hbm4b:s7+s20], $0x80, v4, vm0, $0xb8;
	[tilespmem:$0x10100] =	vst v63  }
0x212: {  	_ = 	snop  }
0x213: {  	[tilespmem:s30], [sflag:$0x4] =	stream.indirect_vreg.gather [hbm4b:s9+s20], $0x80, v4, vm0, $0xb8;
	[tilespmem:$0x10100] =	vst v63  }
0x214: {  	_ = 	snop  }
0x215: {  	[tilespmem:s31], [sflag:$0x4] =	stream.indirect_vreg.gather [hbm4b:s3+s20], $0x80, v3, vm0, $0xb8;
	[tilespmem:$0x10100] =	vst v63  }
0x216: {  	_ = 	snop  }
0x217: {  	[tilespmem:s0], [sflag:$0x4] =	stream.indirect_vreg.gather [hbm4b:s6+s20], $0x80, v3, vm0, $0xb8;
	[tilespmem:$0x10100] =	vst v63  }
0x218: {  	_ = 	snop  }
0x219: {  	[tilespmem:s10], [sflag:$0x4] =	stream.indirect_vreg.gather [hbm4b:s7+s20], $0x80, v3, vm0, $0xb8;
	[tilespmem:$0x10100] =	vst v63  }
0x21a: {  	s21 =	simm.s32 $0xFFFFC000;
	s22 =	simm.s32 $0x0;
	s23 =	simm.s32 $0x0  }
0x21b: {  	[tilespmem:s1], [sflag:$0x4] =	stream.indirect_vreg.gather [hbm4b:s9+s20], $0x80, v3, vm0, $0xb8;
	[tilespmem:$0x10100] =	vst v63  }
.LBB2_6:
0x21c: {  	s5 =	sadd.s32 $0x4000, s21  }
0x21d: {  	s24 =	sand.u32 $0x380, s23;
	s5 =	sand.u32 $0x2000, s5  }
0x21e: {  	s24 =	sor.u32 s24, s5  }
0x21f: {  	v3 =	vld [tilespmem:s24+$0x100]  }
0x220: {  	v4 =	vld [tilespmem:s24+$0x8100]  }
0x221: {  	v5 =	vld [tilespmem:s24+$0x110]  }
0x222: {  	v6 =	vld [tilespmem:s24+$0x8110]  }
0x223: {  	v7 =	vld [tilespmem:s24+$0x120]  }
0x224: {  	v8 =	vld [tilespmem:s24+$0x8120]  }
0x225: {  	v9 =	vld [tilespmem:s24+$0x130]  }
0x226: {  	v10 =	vld [tilespmem:s24+$0x8130]  }
0x227: {  	v11 =	vld [tilespmem:s24+$0x140]  }
0x228: {  	v12 =	vld [tilespmem:s24+$0x8140]  }
0x229: {  	v13 =	vld [tilespmem:s24+$0x150]  }
0x22a: {  	v14 =	vld [tilespmem:s24+$0x8150]  }
0x22b: {  	v15 =	vld [tilespmem:s24+$0x160]  }
0x22c: {  	v16 =	vld [tilespmem:s24+$0x8160]  }
0x22d: {  	v17 =	vld [tilespmem:s24+$0x170]  }
0x22e: {  	v18 =	vld [tilespmem:s24+$0x8170]  }
0x22f: {  	v19 =	vld [tilespmem:s24+$0x500]  }
0x230: {  	v20 =	vld [tilespmem:s24+$0x8500]  }
0x231: {  	v21 =	vld [tilespmem:s24+$0x510]  }
0x232: {  	v22 =	vld [tilespmem:s24+$0x8510]  }
0x233: {  	v23 =	vld [tilespmem:s24+$0x520]  }
0x234: {  	v24 =	vld [tilespmem:s24+$0x8520]  }
0x235: {  	v25 =	vld [tilespmem:s24+$0x530]  }
0x236: {  	v26 =	vld [tilespmem:s24+$0x8530]  }
0x237: {  	v27 =	vld [tilespmem:s24+$0x540]  }
0x238: {  	v28 =	vld [tilespmem:s24+$0x8540]  }
0x239: {  	v29 =	vld [tilespmem:s24+$0x550]  }
0x23a: {  	v30 =	vld [tilespmem:s24+$0x8550]  }
0x23b: {  	v31 =	vld [tilespmem:s24+$0x560]  }
0x23c: {  	v32 =	vld [tilespmem:s24+$0x8560]  }
0x23d: {  	v33 =	vld [tilespmem:s24+$0x570]  }
0x23e: {  	v34 =	vld [tilespmem:s24+$0x8570]  }
0x23f: {  	v35 =	vld [tilespmem:s24+$0x900]  }
0x240: {  	v36 =	vld [tilespmem:s24+$0x8900]  }
0x241: {  	v37 =	vld [tilespmem:s24+$0x910]  }
0x242: {  	v38 =	vld [tilespmem:s24+$0x8910]  }
0x243: {  	v39 =	vld [tilespmem:s24+$0x920]  }
0x244: {  	v40 =	vld [tilespmem:s24+$0x8920]  }
0x245: {  	v41 =	vld [tilespmem:s24+$0x930]  }
0x246: {  	v42 =	vld [tilespmem:s24+$0x8930]  }
0x247: {  	v43 =	vld [tilespmem:s24+$0x940]  }
0x248: {  	v44 =	vld [tilespmem:s24+$0x8940]  }
0x249: {  	v45 =	vld [tilespmem:s24+$0x950]  }
0x24a: {  	v46 =	vld [tilespmem:s24+$0x8950]  }
0x24b: {  	v47 =	vld [tilespmem:s24+$0x960]  }
0x24c: {  	v48 =	vld [tilespmem:s24+$0x8960]  }
0x24d: {  	v49 =	vld [tilespmem:s24+$0x970]  }
0x24e: {  	v50 =	vld [tilespmem:s24+$0x8970]  }
0x24f: {  	v51 =	vld [tilespmem:s24+$0xD00]  }
0x250: {  	v52 =	vld [tilespmem:s24+$0x8D00]  }
0x251: {  	v53 =	vld [tilespmem:s24+$0xD10]  }
0x252: {  	v54 =	vld [tilespmem:s24+$0x8D10]  }
0x253: {  	v55 =	vld [tilespmem:s24+$0xD20]  }
0x254: {  	v56 =	vld [tilespmem:s24+$0x8D20]  }
0x255: {  	v57 =	vld [tilespmem:s24+$0xD30]  }
0x256: {  	v58 =	vld [tilespmem:s24+$0x8D30]  }
0x257: {  	v59 =	vld [tilespmem:s24+$0xD40]  }
0x258: {  	v60 =	vld [tilespmem:s24+$0x8D40]  }
0x259: {  	v61 =	vld [tilespmem:s24+$0xD50]  }
0x25a: {  	v62 =	vld [tilespmem:s24+$0x8D50]  }
0x25b: {  	v63 =	vld [tilespmem:s24+$0xD60]  }
0x25c: {  	v3 =	vadd.f32 v4, v3;
	v4 =	vld [tilespmem:s24+$0x8D60]  }
0x25d: {  	v5 =	vadd.f32 v6, v5;
	v6 =	vld [tilespmem:s24+$0xD70]  }
0x25e: {  	v14 =	vadd.f32 v14, v13;
	v13 =	vld [tilespmem:s24+$0x9120];
	[tilespmem:s24+$0x100] =	vst v3;
	v3 =	vadd.f32 v8, v7  }
0x25f: {  	v18 =	vadd.f32 v18, v17;
	v17 =	vld [tilespmem:s24+$0x9140];
	[tilespmem:s24+$0x110] =	vst v5  }
0x260: {  	v22 =	vadd.f32 v22, v21;
	v21 =	vld [tilespmem:s24+$0x9160];
	[tilespmem:s24+$0x120] =	vst v3;
	v3 =	vadd.f32 v12, v11  }
0x261: {  	v7 =	vld [tilespmem:s24+$0x8D70];
	[tilespmem:s24+$0x150] =	vst v14  }
0x262: {  	v8 =	vld [tilespmem:s24+$0x1100];
	[tilespmem:s24+$0x140] =	vst v3;
	v3 =	vadd.f32 v16, v15  }
0x263: {  	v5 =	vadd.f32 v10, v9;
	v9 =	vld [tilespmem:s24+$0x9100];
	[tilespmem:s24+$0x170] =	vst v18  }
0x264: {  	v10 =	vld [tilespmem:s24+$0x1110];
	[tilespmem:s24+$0x160] =	vst v3;
	v3 =	vadd.f32 v20, v19  }
0x265: {  	v26 =	vadd.f32 v26, v25;
	v14 =	vld [tilespmem:s24+$0x1130];
	[tilespmem:s24+$0x510] =	vst v22  }
0x266: {  	v18 =	vld [tilespmem:s24+$0x1150];
	[tilespmem:s24+$0x500] =	vst v3;
	v3 =	vadd.f32 v24, v23  }
0x267: {  	v30 =	vadd.f32 v30, v29;
	[tilespmem:s24+$0x530] =	vst v26;
	v22 =	vld [tilespmem:s24+$0x1170]  }
0x268: {  	v19 =	vld [tilespmem:s24+$0x9150];
	[tilespmem:s24+$0x520] =	vst v3;
	v3 =	vadd.f32 v28, v27  }
0x269: {  	v34 =	vadd.f32 v34, v33;
	[tilespmem:s24+$0x550] =	vst v30;
	v11 =	vld [tilespmem:s24+$0x9110]  }
0x26a: {  	v12 =	vld [tilespmem:s24+$0x1120];
	[tilespmem:s24+$0x540] =	vst v3;
	v3 =	vadd.f32 v32, v31  }
0x26b: {  	[tilespmem:s24+$0x570] =	vst v34;
	v15 =	vld [tilespmem:s24+$0x9130]  }
0x26c: {  	v16 =	vld [tilespmem:s24+$0x1140];
	[tilespmem:s24+$0x560] =	vst v3;
	v3 =	vadd.f32 v36, v35  }
0x26d: {  	[tilespmem:s24+$0x130] =	vst v5;
	v20 =	vld [tilespmem:s24+$0x1160];
	v19 =	vadd.f32 v19, v18  }
0x26e: {  	v24 =	vld [tilespmem:s24+$0x1500];
	[tilespmem:s24+$0x900] =	vst v3;
	v3 =	vadd.f32 v40, v39  }
0x26f: {  	[tilespmem:s24+$0x1150] =	vst v19;
	v36 =	vadd.f32 v38, v37;
	v37 =	vld [tilespmem:s24+$0x9170]  }
0x270: {  	v38 =	vadd.f32 v42, v41;
	v41 =	vld [tilespmem:s24+$0x1510];
	[tilespmem:s24+$0x920] =	vst v3;
	v3 =	vadd.f32 v44, v43  }
0x271: {  	v42 =	vld [tilespmem:s24+$0x9510];
	[tilespmem:s24+$0x910] =	vst v36  }
0x272: {  	v35 =	vld [tilespmem:s24+$0x1910];
	[tilespmem:s24+$0x940] =	vst v3;
	v3 =	vadd.f32 v48, v47  }
0x273: {  	v39 =	vld [tilespmem:s24+$0x9500];
	[tilespmem:s24+$0x930] =	vst v38;
	v40 =	vadd.f32 v46, v45  }
0x274: {  	v45 =	vld [tilespmem:s24+$0x9520];
	[tilespmem:s24+$0x960] =	vst v3;
	v3 =	vadd.f32 v52, v51  }
0x275: {  	v46 =	vadd.f32 v54, v53;
	v53 =	vld [tilespmem:s24+$0x1550];
	[tilespmem:s24+$0x950] =	vst v40  }
0x276: {  	v54 =	vld [tilespmem:s24+$0x9550];
	[tilespmem:s24+$0xD00] =	vst v3;
	v3 =	vadd.f32 v56, v55  }
0x277: {  	v36 =	vld [tilespmem:s24+$0x9910];
	v43 =	vadd.f32 v50, v49;
	[tilespmem:s24+$0xD10] =	vst v46  }
0x278: {  	v38 =	vld [tilespmem:s24+$0x1920];
	[tilespmem:s24+$0xD20] =	vst v3;
	v3 =	vadd.f32 v60, v59  }
0x279: {  	v44 =	vld [tilespmem:s24+$0x1520];
	v49 =	vadd.f32 v58, v57;
	[tilespmem:s24+$0x970] =	vst v43  }
0x27a: {  	v50 =	vld [tilespmem:s24+$0x1540];
	[tilespmem:s24+$0xD40] =	vst v3;
	v3 =	vadd.f32 v4, v63  }
0x27b: {  	v57 =	vld [tilespmem:s24+$0x9560];
	v58 =	vadd.f32 v11, v10;
	[tilespmem:s24+$0xD30] =	vst v49  }
0x27c: {  	v46 =	vld [tilespmem:s24+$0x9950];
	[tilespmem:s24+$0xD60] =	vst v3;
	v3 =	vadd.f32 v9, v8  }
0x27d: {  	v37 =	vadd.f32 v37, v22;
	v40 =	vadd.f32 v42, v41;
	v41 =	vld [tilespmem:s24+$0x1930];
	[tilespmem:s24+$0x1110] =	vst v58  }
0x27e: {  	v42 =	vld [tilespmem:s24+$0x9930];
	[tilespmem:s24+$0x1100] =	vst v3;
	v3 =	vadd.f32 v13, v12  }
0x27f: {  	v47 =	vld [tilespmem:s24+$0x1530];
	[tilespmem:s24+$0x1170] =	vst v37  }
0x280: {  	v48 =	vld [tilespmem:s24+$0x9530];
	[tilespmem:s24+$0x1120] =	vst v3;
	v3 =	vadd.f32 v17, v16  }
0x281: {  	v49 =	vld [tilespmem:s24+$0x9960];
	[tilespmem:s24+$0x1510] =	vst v40;
	v52 =	vadd.f32 v62, v61  }
0x282: {  	v51 =	vld [tilespmem:s24+$0x9540];
	[tilespmem:s24+$0x1140] =	vst v3;
	v3 =	vadd.f32 v21, v20  }
0x283: {  	v61 =	vadd.f32 v15, v14;
	v62 =	vld [tilespmem:s24+$0x1900];
	[tilespmem:s24+$0xD50] =	vst v52  }
0x284: {  	v56 =	vld [tilespmem:s24+$0x1560];
	[tilespmem:s24+$0x1160] =	vst v3;
	v3 =	vadd.f32 v39, v24  }
0x285: {  	v55 =	vadd.f32 v7, v6;
	[tilespmem:s24+$0x1130] =	vst v61;
	v52 =	vld [tilespmem:s24+$0x9970]  }
0x286: {  	v43 =	vadd.f32 v48, v47;
	v47 =	vld [tilespmem:s24+$0x1960];
	[tilespmem:s24+$0x1500] =	vst v3;
	v3 =	vadd.f32 v45, v44  }
0x287: {  	[tilespmem:s24+$0xD70] =	vst v55;
	v63 =	vld [tilespmem:s24+$0x9900]  }
0x288: {  	v59 =	vld [tilespmem:s24+$0x1570];
	[tilespmem:s24+$0x1520] =	vst v3;
	v3 =	vadd.f32 v51, v50  }
0x289: {  	[tilespmem:s24+$0x1530] =	vst v43;
	v4 =	vadd.f32 v54, v53;
	v39 =	vld [tilespmem:s24+$0x9920]  }
0x28a: {  	v60 =	vld [tilespmem:s24+$0x9570];
	[tilespmem:s24+$0x1540] =	vst v3;
	v3 =	vadd.f32 v57, v56  }
0x28b: {  	v54 =	vadd.f32 v42, v41;
	[tilespmem:s24+$0x1550] =	vst v4;
	v45 =	vld [tilespmem:s24+$0x1950]  }
0x28c: {  	v53 =	vld [tilespmem:s24+$0x9940];
	[tilespmem:s24+$0x1560] =	vst v3;
	v3 =	vadd.f32 v63, v62  }
0x28d: {  	[tilespmem:s24+$0x1930] =	vst v54;
	v55 =	vadd.f32 v49, v47;
	v50 =	vld [tilespmem:s24+$0x1970]  }
0x28e: {  	v44 =	vld [tilespmem:s24+$0x1940];
	[tilespmem:s24+$0x1900] =	vst v3;
	v3 =	vadd.f32 v39, v38  }
0x28f: {  	v48 =	vadd.f32 v60, v59;
	[tilespmem:s24+$0x1960] =	vst v55  }
0x290: {  	[tilespmem:s24+$0x1920] =	vst v3;
	v3 =	vadd.f32 v46, v45  }
0x291: {  	s25 =	sand.u32 $0x7, s20;
	[tilespmem:s24+$0x1570] =	vst v48;
	v51 =	vadd.f32 v36, v35  }
0x292: {  	s5 =	sshll.u32 s25, $0x7;
	[tilespmem:s24+$0x1950] =	vst v3;
	v3 =	vadd.f32 v52, v50  }
0x293: {  	s5 =	sadd.s32 s5, s22;
	[tilespmem:s24+$0x1910] =	vst v51;
	v56 =	vadd.f32 v53, v44  }
0x294: {  	s25 =	sor.u32 $0x1C00, s5;
	[tilespmem:s24+$0x1970] =	vst v3  }
0x295: {  	[tilespmem:s24+$0x1940] =	vst v56;
	v3 =	vld [tilespmem:s25+$0x100]  }
0x296: {  	v4 =	vld [tilespmem:s25+$0x8100];
	_ =	sdelay $0x4  }
0x297: {  	v3 =	vadd.f32 v4, v3;
	_ =	sdelay $0x1  }
0x298: {  	[tilespmem:s25+$0x100] =	vst v3;
	s25 =	sor.u32 $0x1C10, s5  }
0x299: {  	v3 =	vld [tilespmem:s25+$0x100]  }
0x29a: {  	v57 =	vld [tilespmem:s25+$0x8100];
	_ =	sdelay $0x4  }
0x29b: {  	v3 =	vadd.f32 v57, v3;
	_ =	sdelay $0x1  }
0x29c: {  	[tilespmem:s25+$0x100] =	vst v3;
	s25 =	sor.u32 $0x1C20, s5  }
0x29d: {  	v3 =	vld [tilespmem:s25+$0x100]  }
0x29e: {  	v58 =	vld [tilespmem:s25+$0x8100];
	_ =	sdelay $0x4  }
0x29f: {  	v3 =	vadd.f32 v58, v3;
	_ =	sdelay $0x1  }
0x2a0: {  	[tilespmem:s25+$0x100] =	vst v3;
	s25 =	sor.u32 $0x1C30, s5  }
0x2a1: {  	v3 =	vld [tilespmem:s25+$0x100]  }
0x2a2: {  	v59 =	vld [tilespmem:s25+$0x8100];
	_ =	sdelay $0x4  }
0x2a3: {  	v3 =	vadd.f32 v59, v3;
	_ =	sdelay $0x1  }
0x2a4: {  	[tilespmem:s25+$0x100] =	vst v3;
	s25 =	sor.u32 $0x1C40, s5  }
0x2a5: {  	v3 =	vld [tilespmem:s25+$0x100]  }
0x2a6: {  	v60 =	vld [tilespmem:s25+$0x8100];
	_ =	sdelay $0x4  }
0x2a7: {  	v3 =	vadd.f32 v60, v3;
	_ =	sdelay $0x1  }
0x2a8: {  	[tilespmem:s25+$0x100] =	vst v3;
	s25 =	sor.u32 $0x1C50, s5  }
0x2a9: {  	v3 =	vld [tilespmem:s25+$0x100]  }
0x2aa: {  	v61 =	vld [tilespmem:s25+$0x8100];
	_ =	sdelay $0x4  }
0x2ab: {  	v3 =	vadd.f32 v61, v3;
	_ =	sdelay $0x1  }
0x2ac: {  	[tilespmem:s25+$0x100] =	vst v3;
	s25 =	sor.u32 $0x1C60, s5  }
0x2ad: {  	v3 =	vld [tilespmem:s25+$0x100]  }
0x2ae: {  	v62 =	vld [tilespmem:s25+$0x8100];
	_ =	sdelay $0x4  }
0x2af: {  	v3 =	vadd.f32 v62, v3;
	_ =	sdelay $0x1  }
0x2b0: {  	s5 =	sor.u32 $0x1C70, s5;
	[tilespmem:s25+$0x100] =	vst v3  }
0x2b1: {  	v3 =	vld [tilespmem:s5+$0x100]  }
0x2b2: {  	v63 =	vld [tilespmem:s5+$0x8100];
	_ =	sdelay $0x1  }
0x2b3: {  	p0 =	sne.s32 s23, $0x780  }
.Ltmp2:
0x2b4: {  	_ = 	snop;
	(pc) =	sbr.rel @p0 .LBB2_6-.Ltmp2, $4  }
0x2b5: {  	_ = 	snop  }
0x2b6: {  	v3 =	vadd.f32 v63, v3  }
0x2b7: {  	s20 =	sadd.s32 $0x1, s20  }
0x2b8: {  	s21 =	sadd.s32 $0x400, s21;
	s23 =	sadd.s32 $0x80, s23;
	s22 =	sadd.s32 $0x400, s22;
	[tilespmem:s5+$0x100] =	vst v3  }
0x2b9: {  	s20 =	simm.s32 $0x0;
	s5 =	rddreg [dreg:$0x5]  }
0x2ba: {  	[hbm4b:s5+s20] =	stream.linear.scatter [tilespmem:s17], [sflag:$0x5], $0x4000, $0x38;
	[tilespmem:$0x10100] =	vst v63  }
0x2bb: {  	_ =	swait.ge [sflag:s11], $0x4000  }
0x2bc: {  	[sflag:s11] =	ssyncset.done $0x0  }
0x2bd: {  	[sflag:s11] =	ssyncadd.s32 $0xFFFFC000  }
0x2be: {  	_ =	swait.ge [sflag:s12], $0x4000  }
0x2bf: {  	s21 =	simm.s32 $0xFFFFC000;
	[sflag:s12] =	ssyncset.done $0x0  }
0x2c0: {  	s22 =	simm.s32 $0x0;
	s23 =	simm.s32 $0x0;
	[sflag:s12] =	ssyncadd.s32 $0xFFFFC000  }
.LBB2_8:
0x2c1: {  	s5 =	sadd.s32 $0x4000, s21  }
0x2c2: {  	s24 =	sand.u32 $0x380, s23;
	s5 =	sand.u32 $0x2000, s5  }
0x2c3: {  	s24 =	sor.u32 s24, s5  }
0x2c4: {  	v3 =	vld [tilespmem:s24+$0x4100]  }
0x2c5: {  	v4 =	vld [tilespmem:s24+$0xC100]  }
0x2c6: {  	v5 =	vld [tilespmem:s24+$0x4110]  }
0x2c7: {  	v6 =	vld [tilespmem:s24+$0xC110]  }
0x2c8: {  	v7 =	vld [tilespmem:s24+$0x4120]  }
0x2c9: {  	v8 =	vld [tilespmem:s24+$0xC120]  }
0x2ca: {  	v9 =	vld [tilespmem:s24+$0x4130]  }
0x2cb: {  	v10 =	vld [tilespmem:s24+$0xC130]  }
0x2cc: {  	v11 =	vld [tilespmem:s24+$0x4140]  }
0x2cd: {  	v12 =	vld [tilespmem:s24+$0xC140]  }
0x2ce: {  	v13 =	vld [tilespmem:s24+$0x4150]  }
0x2cf: {  	v14 =	vld [tilespmem:s24+$0xC150]  }
0x2d0: {  	v15 =	vld [tilespmem:s24+$0x4160]  }
0x2d1: {  	v16 =	vld [tilespmem:s24+$0xC160]  }
0x2d2: {  	v17 =	vld [tilespmem:s24+$0x4170]  }
0x2d3: {  	v18 =	vld [tilespmem:s24+$0xC170]  }
0x2d4: {  	v19 =	vld [tilespmem:s24+$0x4500]  }
0x2d5: {  	v20 =	vld [tilespmem:s24+$0xC500]  }
0x2d6: {  	v21 =	vld [tilespmem:s24+$0x4510]  }
0x2d7: {  	v22 =	vld [tilespmem:s24+$0xC510]  }
0x2d8: {  	v23 =	vld [tilespmem:s24+$0x4520]  }
0x2d9: {  	v24 =	vld [tilespmem:s24+$0xC520]  }
0x2da: {  	v25 =	vld [tilespmem:s24+$0x4530]  }
0x2db: {  	v26 =	vld [tilespmem:s24+$0xC530]  }
0x2dc: {  	v27 =	vld [tilespmem:s24+$0x4540]  }
0x2dd: {  	v28 =	vld [tilespmem:s24+$0xC540]  }
0x2de: {  	v29 =	vld [tilespmem:s24+$0x4550]  }
0x2df: {  	v30 =	vld [tilespmem:s24+$0xC550]  }
0x2e0: {  	v31 =	vld [tilespmem:s24+$0x4560]  }
0x2e1: {  	v32 =	vld [tilespmem:s24+$0xC560]  }
0x2e2: {  	v33 =	vld [tilespmem:s24+$0x4570]  }
0x2e3: {  	v34 =	vld [tilespmem:s24+$0xC570]  }
0x2e4: {  	v35 =	vld [tilespmem:s24+$0x4900]  }
0x2e5: {  	v36 =	vld [tilespmem:s24+$0xC900]  }
0x2e6: {  	v37 =	vld [tilespmem:s24+$0x4910]  }
0x2e7: {  	v38 =	vld [tilespmem:s24+$0xC910]  }
0x2e8: {  	v39 =	vld [tilespmem:s24+$0x4920]  }
0x2e9: {  	v40 =	vld [tilespmem:s24+$0xC920]  }
0x2ea: {  	v41 =	vld [tilespmem:s24+$0x4930]  }
0x2eb: {  	v42 =	vld [tilespmem:s24+$0xC930]  }
0x2ec: {  	v43 =	vld [tilespmem:s24+$0x4940]  }
0x2ed: {  	v44 =	vld [tilespmem:s24+$0xC940]  }
0x2ee: {  	v45 =	vld [tilespmem:s24+$0x4950]  }
0x2ef: {  	v46 =	vld [tilespmem:s24+$0xC950]  }
0x2f0: {  	v47 =	vld [tilespmem:s24+$0x4960]  }
0x2f1: {  	v48 =	vld [tilespmem:s24+$0xC960]  }
0x2f2: {  	v49 =	vld [tilespmem:s24+$0x4970]  }
0x2f3: {  	v50 =	vld [tilespmem:s24+$0xC970]  }
0x2f4: {  	v51 =	vld [tilespmem:s24+$0x4D00]  }
0x2f5: {  	v52 =	vld [tilespmem:s24+$0xCD00]  }
0x2f6: {  	v53 =	vld [tilespmem:s24+$0x4D10]  }
0x2f7: {  	v54 =	vld [tilespmem:s24+$0xCD10]  }
0x2f8: {  	v55 =	vld [tilespmem:s24+$0x4D20]  }
0x2f9: {  	v56 =	vld [tilespmem:s24+$0xCD20]  }
0x2fa: {  	v57 =	vld [tilespmem:s24+$0x4D30]  }
0x2fb: {  	v58 =	vld [tilespmem:s24+$0xCD30]  }
0x2fc: {  	v59 =	vld [tilespmem:s24+$0x4D40]  }
0x2fd: {  	v60 =	vld [tilespmem:s24+$0xCD40]  }
0x2fe: {  	v61 =	vld [tilespmem:s24+$0x4D50]  }
0x2ff: {  	v62 =	vld [tilespmem:s24+$0xCD50]  }
0x300: {  	v63 =	vld [tilespmem:s24+$0x4D60]  }
0x301: {  	v3 =	vadd.f32 v4, v3;
	v4 =	vld [tilespmem:s24+$0xCD60]  }
0x302: {  	v5 =	vadd.f32 v6, v5;
	v6 =	vld [tilespmem:s24+$0x4D70]  }
0x303: {  	v14 =	vadd.f32 v14, v13;
	v13 =	vld [tilespmem:s24+$0xD120];
	[tilespmem:s24+$0x4100] =	vst v3;
	v3 =	vadd.f32 v8, v7  }
0x304: {  	v18 =	vadd.f32 v18, v17;
	v17 =	vld [tilespmem:s24+$0xD140];
	[tilespmem:s24+$0x4110] =	vst v5  }
0x305: {  	v22 =	vadd.f32 v22, v21;
	v21 =	vld [tilespmem:s24+$0xD160];
	[tilespmem:s24+$0x4120] =	vst v3;
	v3 =	vadd.f32 v12, v11  }
0x306: {  	v7 =	vld [tilespmem:s24+$0xCD70];
	[tilespmem:s24+$0x4150] =	vst v14  }
0x307: {  	v8 =	vld [tilespmem:s24+$0x5100];
	[tilespmem:s24+$0x4140] =	vst v3;
	v3 =	vadd.f32 v16, v15  }
0x308: {  	v5 =	vadd.f32 v10, v9;
	v9 =	vld [tilespmem:s24+$0xD100];
	[tilespmem:s24+$0x4170] =	vst v18  }
0x309: {  	v10 =	vld [tilespmem:s24+$0x5110];
	[tilespmem:s24+$0x4160] =	vst v3;
	v3 =	vadd.f32 v20, v19  }
0x30a: {  	v26 =	vadd.f32 v26, v25;
	v14 =	vld [tilespmem:s24+$0x5130];
	[tilespmem:s24+$0x4510] =	vst v22  }
0x30b: {  	v18 =	vld [tilespmem:s24+$0x5150];
	[tilespmem:s24+$0x4500] =	vst v3;
	v3 =	vadd.f32 v24, v23  }
0x30c: {  	v30 =	vadd.f32 v30, v29;
	[tilespmem:s24+$0x4530] =	vst v26;
	v22 =	vld [tilespmem:s24+$0x5170]  }
0x30d: {  	v19 =	vld [tilespmem:s24+$0xD150];
	[tilespmem:s24+$0x4520] =	vst v3;
	v3 =	vadd.f32 v28, v27  }
0x30e: {  	v34 =	vadd.f32 v34, v33;
	[tilespmem:s24+$0x4550] =	vst v30;
	v11 =	vld [tilespmem:s24+$0xD110]  }
0x30f: {  	v12 =	vld [tilespmem:s24+$0x5120];
	[tilespmem:s24+$0x4540] =	vst v3;
	v3 =	vadd.f32 v32, v31  }
0x310: {  	[tilespmem:s24+$0x4570] =	vst v34;
	v15 =	vld [tilespmem:s24+$0xD130]  }
0x311: {  	v16 =	vld [tilespmem:s24+$0x5140];
	[tilespmem:s24+$0x4560] =	vst v3;
	v3 =	vadd.f32 v36, v35  }
0x312: {  	[tilespmem:s24+$0x4130] =	vst v5;
	v20 =	vld [tilespmem:s24+$0x5160];
	v19 =	vadd.f32 v19, v18  }
0x313: {  	v24 =	vld [tilespmem:s24+$0x5500];
	[tilespmem:s24+$0x4900] =	vst v3;
	v3 =	vadd.f32 v40, v39  }
0x314: {  	[tilespmem:s24+$0x5150] =	vst v19;
	v36 =	vadd.f32 v38, v37;
	v37 =	vld [tilespmem:s24+$0xD170]  }
0x315: {  	v38 =	vadd.f32 v42, v41;
	v41 =	vld [tilespmem:s24+$0x5510];
	[tilespmem:s24+$0x4920] =	vst v3;
	v3 =	vadd.f32 v44, v43  }
0x316: {  	v42 =	vld [tilespmem:s24+$0xD510];
	[tilespmem:s24+$0x4910] =	vst v36  }
0x317: {  	v35 =	vld [tilespmem:s24+$0x5910];
	[tilespmem:s24+$0x4940] =	vst v3;
	v3 =	vadd.f32 v48, v47  }
0x318: {  	v39 =	vld [tilespmem:s24+$0xD500];
	[tilespmem:s24+$0x4930] =	vst v38;
	v40 =	vadd.f32 v46, v45  }
0x319: {  	v45 =	vld [tilespmem:s24+$0xD520];
	[tilespmem:s24+$0x4960] =	vst v3;
	v3 =	vadd.f32 v52, v51  }
0x31a: {  	v46 =	vadd.f32 v54, v53;
	v53 =	vld [tilespmem:s24+$0x5550];
	[tilespmem:s24+$0x4950] =	vst v40  }
0x31b: {  	v54 =	vld [tilespmem:s24+$0xD550];
	[tilespmem:s24+$0x4D00] =	vst v3;
	v3 =	vadd.f32 v56, v55  }
0x31c: {  	v36 =	vld [tilespmem:s24+$0xD910];
	v43 =	vadd.f32 v50, v49;
	[tilespmem:s24+$0x4D10] =	vst v46  }
0x31d: {  	v38 =	vld [tilespmem:s24+$0x5920];
	[tilespmem:s24+$0x4D20] =	vst v3;
	v3 =	vadd.f32 v60, v59  }
0x31e: {  	v44 =	vld [tilespmem:s24+$0x5520];
	v49 =	vadd.f32 v58, v57;
	[tilespmem:s24+$0x4970] =	vst v43  }
0x31f: {  	v50 =	vld [tilespmem:s24+$0x5540];
	[tilespmem:s24+$0x4D40] =	vst v3;
	v3 =	vadd.f32 v4, v63  }
0x320: {  	v57 =	vld [tilespmem:s24+$0xD560];
	v58 =	vadd.f32 v11, v10;
	[tilespmem:s24+$0x4D30] =	vst v49  }
0x321: {  	v46 =	vld [tilespmem:s24+$0xD950];
	[tilespmem:s24+$0x4D60] =	vst v3;
	v3 =	vadd.f32 v9, v8  }
0x322: {  	v37 =	vadd.f32 v37, v22;
	v40 =	vadd.f32 v42, v41;
	v41 =	vld [tilespmem:s24+$0x5930];
	[tilespmem:s24+$0x5110] =	vst v58  }
0x323: {  	v42 =	vld [tilespmem:s24+$0xD930];
	[tilespmem:s24+$0x5100] =	vst v3;
	v3 =	vadd.f32 v13, v12  }
0x324: {  	v47 =	vld [tilespmem:s24+$0x5530];
	[tilespmem:s24+$0x5170] =	vst v37  }
0x325: {  	v48 =	vld [tilespmem:s24+$0xD530];
	[tilespmem:s24+$0x5120] =	vst v3;
	v3 =	vadd.f32 v17, v16  }
0x326: {  	v49 =	vld [tilespmem:s24+$0xD960];
	[tilespmem:s24+$0x5510] =	vst v40;
	v52 =	vadd.f32 v62, v61  }
0x327: {  	v51 =	vld [tilespmem:s24+$0xD540];
	[tilespmem:s24+$0x5140] =	vst v3;
	v3 =	vadd.f32 v21, v20  }
0x328: {  	v61 =	vadd.f32 v15, v14;
	v62 =	vld [tilespmem:s24+$0x5900];
	[tilespmem:s24+$0x4D50] =	vst v52  }
0x329: {  	v56 =	vld [tilespmem:s24+$0x5560];
	[tilespmem:s24+$0x5160] =	vst v3;
	v3 =	vadd.f32 v39, v24  }
0x32a: {  	v55 =	vadd.f32 v7, v6;
	[tilespmem:s24+$0x5130] =	vst v61;
	v52 =	vld [tilespmem:s24+$0xD970]  }
0x32b: {  	v43 =	vadd.f32 v48, v47;
	v47 =	vld [tilespmem:s24+$0x5960];
	[tilespmem:s24+$0x5500] =	vst v3;
	v3 =	vadd.f32 v45, v44  }
0x32c: {  	[tilespmem:s24+$0x4D70] =	vst v55;
	v63 =	vld [tilespmem:s24+$0xD900]  }
0x32d: {  	v59 =	vld [tilespmem:s24+$0x5570];
	[tilespmem:s24+$0x5520] =	vst v3;
	v3 =	vadd.f32 v51, v50  }
0x32e: {  	[tilespmem:s24+$0x5530] =	vst v43;
	v4 =	vadd.f32 v54, v53;
	v39 =	vld [tilespmem:s24+$0xD920]  }
0x32f: {  	v60 =	vld [tilespmem:s24+$0xD570];
	[tilespmem:s24+$0x5540] =	vst v3;
	v3 =	vadd.f32 v57, v56  }
0x330: {  	v54 =	vadd.f32 v42, v41;
	[tilespmem:s24+$0x5550] =	vst v4;
	v45 =	vld [tilespmem:s24+$0x5950]  }
0x331: {  	v53 =	vld [tilespmem:s24+$0xD940];
	[tilespmem:s24+$0x5560] =	vst v3;
	v3 =	vadd.f32 v63, v62  }
0x332: {  	[tilespmem:s24+$0x5930] =	vst v54;
	v55 =	vadd.f32 v49, v47;
	v50 =	vld [tilespmem:s24+$0x5970]  }
0x333: {  	v44 =	vld [tilespmem:s24+$0x5940];
	[tilespmem:s24+$0x5900] =	vst v3;
	v3 =	vadd.f32 v39, v38  }
0x334: {  	v48 =	vadd.f32 v60, v59;
	[tilespmem:s24+$0x5960] =	vst v55  }
0x335: {  	[tilespmem:s24+$0x5920] =	vst v3;
	v3 =	vadd.f32 v46, v45  }
0x336: {  	s25 =	sand.u32 $0x7, s20;
	[tilespmem:s24+$0x5570] =	vst v48;
	v51 =	vadd.f32 v36, v35  }
0x337: {  	s5 =	sshll.u32 s25, $0x7;
	[tilespmem:s24+$0x5950] =	vst v3;
	v3 =	vadd.f32 v52, v50  }
0x338: {  	s5 =	sadd.s32 s5, s22;
	[tilespmem:s24+$0x5910] =	vst v51;
	v56 =	vadd.f32 v53, v44  }
0x339: {  	s25 =	sor.u32 $0x1C00, s5;
	[tilespmem:s24+$0x5970] =	vst v3  }
0x33a: {  	[tilespmem:s24+$0x5940] =	vst v56;
	v3 =	vld [tilespmem:s25+$0x4100]  }
0x33b: {  	v4 =	vld [tilespmem:s25+$0xC100];
	_ =	sdelay $0x4  }
0x33c: {  	v3 =	vadd.f32 v4, v3;
	_ =	sdelay $0x1  }
0x33d: {  	[tilespmem:s25+$0x4100] =	vst v3;
	s25 =	sor.u32 $0x1C10, s5  }
0x33e: {  	v3 =	vld [tilespmem:s25+$0x4100]  }
0x33f: {  	v57 =	vld [tilespmem:s25+$0xC100];
	_ =	sdelay $0x4  }
0x340: {  	v3 =	vadd.f32 v57, v3;
	_ =	sdelay $0x1  }
0x341: {  	[tilespmem:s25+$0x4100] =	vst v3;
	s25 =	sor.u32 $0x1C20, s5  }
0x342: {  	v3 =	vld [tilespmem:s25+$0x4100]  }
0x343: {  	v58 =	vld [tilespmem:s25+$0xC100];
	_ =	sdelay $0x4  }
0x344: {  	v3 =	vadd.f32 v58, v3;
	_ =	sdelay $0x1  }
0x345: {  	[tilespmem:s25+$0x4100] =	vst v3;
	s25 =	sor.u32 $0x1C30, s5  }
0x346: {  	v3 =	vld [tilespmem:s25+$0x4100]  }
0x347: {  	v59 =	vld [tilespmem:s25+$0xC100];
	_ =	sdelay $0x4  }
0x348: {  	v3 =	vadd.f32 v59, v3;
	_ =	sdelay $0x1  }
0x349: {  	[tilespmem:s25+$0x4100] =	vst v3;
	s25 =	sor.u32 $0x1C40, s5  }
0x34a: {  	v3 =	vld [tilespmem:s25+$0x4100]  }
0x34b: {  	v60 =	vld [tilespmem:s25+$0xC100];
	_ =	sdelay $0x4  }
0x34c: {  	v3 =	vadd.f32 v60, v3;
	_ =	sdelay $0x1  }
0x34d: {  	[tilespmem:s25+$0x4100] =	vst v3;
	s25 =	sor.u32 $0x1C50, s5  }
0x34e: {  	v3 =	vld [tilespmem:s25+$0x4100]  }
0x34f: {  	v61 =	vld [tilespmem:s25+$0xC100];
	_ =	sdelay $0x4  }
0x350: {  	v3 =	vadd.f32 v61, v3;
	_ =	sdelay $0x1  }
0x351: {  	[tilespmem:s25+$0x4100] =	vst v3;
	s25 =	sor.u32 $0x1C60, s5  }
0x352: {  	v3 =	vld [tilespmem:s25+$0x4100]  }
0x353: {  	v62 =	vld [tilespmem:s25+$0xC100];
	_ =	sdelay $0x4  }
0x354: {  	v3 =	vadd.f32 v62, v3;
	_ =	sdelay $0x1  }
0x355: {  	s5 =	sor.u32 $0x1C70, s5;
	[tilespmem:s25+$0x4100] =	vst v3  }
0x356: {  	v3 =	vld [tilespmem:s5+$0x4100]  }
0x357: {  	v63 =	vld [tilespmem:s5+$0xC100];
	_ =	sdelay $0x1  }
0x358: {  	p0 =	sne.s32 s23, $0x780  }
.Ltmp3:
0x359: {  	_ = 	snop;
	(pc) =	sbr.rel @p0 .LBB2_8-.Ltmp3, $4  }
0x35a: {  	_ = 	snop  }
0x35b: {  	v3 =	vadd.f32 v63, v3  }
0x35c: {  	s20 =	sadd.s32 $0x1, s20  }
0x35d: {  	s21 =	sadd.s32 $0x400, s21;
	s23 =	sadd.s32 $0x80, s23;
	s22 =	sadd.s32 $0x400, s22;
	[tilespmem:s5+$0x4100] =	vst v3  }
0x35e: {  	s5 =	rddreg [dreg:$0x6]  }
0x35f: {  	[hbm4b:s5+s2] =	stream.linear.scatter [tilespmem:s19], [sflag:$0x6], $0x4000, $0x38;
	[tilespmem:$0x10100] =	vst v63  }
0x360: {  	_ =	swait.ge [sflag:s16], $0x4000  }
0x361: {  	[sflag:s16] =	ssyncset.done $0x0  }
0x362: {  	[sflag:s16] =	ssyncadd.s32 $0xFFFFC000  }
0x363: {  	_ =	swait.ge [sflag:s15], $0x4000  }
0x364: {  	s13 =	sadd.s32 $0x1, s13;
	s25 =	rddreg [dreg:$0x7]  }
0x365: {  	p0 =	sne.s32 s13, s25  }
.Ltmp4:
0x366: {  	_ = 	snop;
	(pc) =	sbr.rel @p0 .LBB2_1-.Ltmp4, $3  }
0x367: {  	_ =	sdelay $0x1  }
0x368: {  	[sflag:s15] =	ssyncset.done $0x0  }
0x369: {  	[sflag:s15] =	ssyncadd.s32 $0xFFFFC000  }
0x36a: {  	_ =	sfence.sel $0x180000  }
0x36b: {  	[bflag:$0x0] =	sbarrier.arrive $0xFFFF  }
0x36c: {  	_ =	strace $0x9000004A  }
0x36d: {  	s0 =	stileid.u32;
	[bflag:$0x2] =	sbarrier.arrive $0xFFFF  }
0x36e: {  	p0 =	sne.s32 s0, $0x0;
	s0 =	rddreg [dreg:$0x2]  }
0x36f: {  	s0 =	sadd.s32 @!p0 $0x100000, s0  }
0x370: {  	[sflag:s0] =	ssyncadd.tile.s32 @!p0 $0x1;
	_ =	shalt  }
.Lfunc_end2:
_tile_overlayer_lowered:
.L_overlay_start_2:
0x371: {  	(tag) =	ssettag $0x2  }
0x372: {  	s0 =	rddreg [dreg:$0x0];
	s2 =	stileid.u32  }
0x373: {  	s1 =	rddreg [dreg:$0x1];
	p0 =	sne.s32 s2, $0x0  }
0x374: {  	s3 =	rddreg [dreg:$0x2];
	[bflag:$0x3] =	sbarrier.arrive $0xFFFF;
	s2 =	simm.s32 @!p0 $0x1C07  }
0x375: {  	[timem:s3], [sflag:s2] =	dma.local @!p0 [hbm:s0], s1  }
0x376: {  	s0 =	simm.s32 @!p0 $0x7  }
0x377: {  	_ =	swait.ge @!p0 [sflag:s0], s1  }
0x378: {  	s1 =	ssub.s32 @!p0 $0x0, s1;
	[sflag:s0] =	ssyncset.done @!p0 $0x0  }
0x379: {  	[sflag:s0] =	ssyncadd.s32 @!p0 s1  }
0x37a: {  	[bflag:$0x3] =	sbarrier.arrive $0xFFFF  }
0x37b: {  	_ =	shalt  }

</sc_bundles>
